<compile_context>
chip_gen: v7x
topology: tpu7x:2x2x1
jax: 0.10.2.dev20260603
libtpu: 0.0.44.dev20260713+nightly
codegen_flags: <defaults>
</compile_context>

<pallas_src>
import functools

import jax
import jax.numpy as jnp
from jax import lax
from jax.experimental import pallas as pl
from jax.experimental.pallas import tpu as pltpu
from jax.experimental.pallas import tpu_sc as plsc

N_NODES = 10000
NODE_DIM = 128
EDGE_DIM = 16
MSG_DIM = 128
N_EDGES = 320000

NC = 2
NS = 16
NW = NC * NS
E_PER_W = N_EDGES // NW
CHUNK = 80
NCHUNK = E_PER_W // CHUNK
CP = CHUNK
NBLK = N_NODES // CP
BLK_PER_TILE = -(-NBLK // NS)


def _make_sc_agg(indirect_rows):
    mesh = plsc.VectorSubcoreMesh(core_axis_name="c", subcore_axis_name="s")

    scratch = [
        pltpu.VMEM_SHARED((N_NODES, MSG_DIM), jnp.float32),
        pltpu.VMEM((CHUNK,), jnp.int32),
        pltpu.VMEM((CHUNK,), jnp.int32),
        pltpu.VMEM((CHUNK,), jnp.int32),
        pltpu.VMEM((CHUNK,), jnp.int32),
        pltpu.VMEM((CHUNK, MSG_DIM), jnp.float32),
        pltpu.VMEM((CHUNK, MSG_DIM), jnp.float32),
        pltpu.SemaphoreType.DMA,
    ]

    @functools.partial(
        pl.kernel,
        out_type=jax.ShapeDtypeStruct((NC * N_NODES, MSG_DIM), jnp.float32),
        mesh=mesh,
        scratch_types=scratch,
    )
    def agg_kernel(table_hbm, s_hbm, r_hbm, outP,
                   acc, sidx0, sidx1, ridx0, ridx1, rows0, rows1, dsem):
        zbuf = rows0
        cid = lax.axis_index("c")
        sid = lax.axis_index("s")
        wid = cid * NS + sid

        def zero_body(i, carry):
            for k in range(MSG_DIM // 16):
                zbuf[i, pl.ds(k * 16, 16)] = jnp.zeros((16,), jnp.float32)
            return carry
        lax.fori_loop(0, CP, zero_body, 0)

        for p in range(BLK_PER_TILE):
            blk = sid + p * NS

            @pl.when(blk < NBLK)
            def _():
                for k in range(CP // 16):
                    sidx0[pl.ds(k * 16, 16)] = (
                        blk * CP + k * 16 + lax.iota(jnp.int32, 16))
                pltpu.sync_copy(zbuf, acc.at[sidx0])

        plsc.subcore_barrier()

        def do_chunk(j, sidx, ridx, rows):
            base = wid * E_PER_W + j * CHUNK
            if indirect_rows:
                pltpu.sync_copy(s_hbm.at[pl.ds(base, CHUNK)], sidx)
                pltpu.sync_copy(r_hbm.at[pl.ds(base, CHUNK)], ridx)
                pltpu.async_copy(table_hbm.at[sidx], rows, dsem).wait()
            else:
                pltpu.sync_copy(r_hbm.at[pl.ds(base, CHUNK)], ridx)
                pltpu.sync_copy(table_hbm.at[pl.ds(base, CHUNK)], rows)
            pltpu.sync_copy(rows, acc.at[ridx], add=True)

        @pl.loop(0, NCHUNK // 2)
        def edge_body(jj):
            do_chunk(jj * 2, sidx0, ridx0, rows0)
            do_chunk(jj * 2 + 1, sidx1, ridx1, rows1)

        if NCHUNK % 2:
            do_chunk(NCHUNK - 1, sidx1, ridx1, rows1)

        plsc.subcore_barrier()

        for p in range(BLK_PER_TILE):
            blk = sid + p * NS

            @pl.when(blk < NBLK)
            def _():
                for k in range(CP // 16):
                    sidx0[pl.ds(k * 16, 16)] = (
                        blk * CP + k * 16 + lax.iota(jnp.int32, 16))
                pltpu.sync_copy(acc.at[sidx0], zbuf)
                pltpu.sync_copy(
                    zbuf, outP.at[pl.ds(cid * N_NODES + blk * CP, CP)])

    return agg_kernel


def _proj_body(x_ref, w_ref, o_ref):
    o_ref[...] = jnp.dot(x_ref[...], w_ref[...],
                         preferred_element_type=jnp.float32)


def _mlp_body(x_ref, aggP_ref, aggQ_ref, Wn_ref, W1a_ref, W1b_ref,
              b1_ref, g1_ref, be1_ref, W2_ref, b2_ref, g2_ref, be2_ref,
              go_ref, bo_ref, o_ref):
    def ln(v, g, b):
        mu = jnp.mean(v, axis=-1, keepdims=True)
        var = jnp.mean((v - mu) ** 2, axis=-1, keepdims=True)
        return (v - mu) * lax.rsqrt(var + 1e-5) * g + b

    x = x_ref[...]
    agg = aggP_ref[0] + aggP_ref[1] + aggQ_ref[0] + aggQ_ref[1]
    pre1 = (jnp.dot(x, W1a_ref[...], preferred_element_type=jnp.float32)
            + jnp.dot(agg, W1b_ref[...], preferred_element_type=jnp.float32)
            + b1_ref[...])
    h = ln(jnp.maximum(pre1, 0.0), g1_ref[...], be1_ref[...])
    pre2 = jnp.dot(h, W2_ref[...], preferred_element_type=jnp.float32) + b2_ref[...]
    node_out = ln(jnp.maximum(pre2, 0.0), g2_ref[...], be2_ref[...])
    out = ln(jnp.dot(x, Wn_ref[...], preferred_element_type=jnp.float32)
             + node_out, go_ref[...], bo_ref[...])
    o_ref[...] = out


def kernel(nodes, edge_index, edge_attr, W_message, W_node,
           W1, b1, g1, be1, W2, b2, g2, be2, g_out, b_out):
    senders = edge_index[0].astype(jnp.int32)
    receivers = edge_index[1].astype(jnp.int32)
    WmX = W_message[:NODE_DIM]
    WmE = W_message[NODE_DIM:]
    W1a = W1[:NODE_DIM]
    W1b = W1[NODE_DIM:]

    RB = 1000
    grid = N_NODES // RB

    P = pl.pallas_call(
        _proj_body,
        grid=(grid,),
        in_specs=[
            pl.BlockSpec((RB, NODE_DIM), lambda i: (i, 0)),
            pl.BlockSpec((NODE_DIM, MSG_DIM), lambda i: (0, 0)),
        ],
        out_specs=pl.BlockSpec((RB, MSG_DIM), lambda i: (i, 0)),
        out_shape=jax.ShapeDtypeStruct((N_NODES, MSG_DIM), jnp.float32),
    )(nodes, WmX)

    EB = 4000
    Q = pl.pallas_call(
        _proj_body,
        grid=(N_EDGES // EB,),
        in_specs=[
            pl.BlockSpec((EB, EDGE_DIM), lambda i: (i, 0)),
            pl.BlockSpec((EDGE_DIM, MSG_DIM), lambda i: (0, 0)),
        ],
        out_specs=pl.BlockSpec((EB, MSG_DIM), lambda i: (i, 0)),
        out_shape=jax.ShapeDtypeStruct((N_EDGES, MSG_DIM), jnp.float32),
    )(edge_attr, WmE)

    aggP = _make_sc_agg(True)(P, senders, receivers)
    aggQ = _make_sc_agg(False)(Q, senders, receivers)
    aggP = aggP.reshape(NC, N_NODES, MSG_DIM)
    aggQ = aggQ.reshape(NC, N_NODES, MSG_DIM)

    vec = lambda v: v.reshape(1, NODE_DIM)
    full = lambda r, c: pl.BlockSpec((r, c), lambda i: (0, 0))
    out = pl.pallas_call(
        _mlp_body,
        grid=(grid,),
        in_specs=[
            pl.BlockSpec((RB, NODE_DIM), lambda i: (i, 0)),
            pl.BlockSpec((NC, RB, MSG_DIM), lambda i: (0, i, 0)),
            pl.BlockSpec((NC, RB, MSG_DIM), lambda i: (0, i, 0)),
            full(NODE_DIM, NODE_DIM),
            full(NODE_DIM, NODE_DIM),
            full(MSG_DIM, NODE_DIM),
            full(1, NODE_DIM), full(1, NODE_DIM), full(1, NODE_DIM),
            full(NODE_DIM, NODE_DIM),
            full(1, NODE_DIM), full(1, NODE_DIM), full(1, NODE_DIM),
            full(1, NODE_DIM), full(1, NODE_DIM),
        ],
        out_specs=pl.BlockSpec((RB, NODE_DIM), lambda i: (i, 0)),
        out_shape=jax.ShapeDtypeStruct((N_NODES, NODE_DIM), jnp.float32),
    )(nodes, aggP, aggQ, W_node, W1a, W1b,
      vec(b1), vec(g1), vec(be1), W2, vec(b2), vec(g2), vec(be2),
      vec(g_out), vec(b_out))
    return out

# --- scband reference (transcript-rebuilt; emitter-appended) ---
"""Pipeline reference for scband-linear-message-passing-layer-89481348644992 (READ-ONLY COPY).

The authoritative reference and input builder live on the scoring server;
editing this copy changes nothing except your own understanding.
"""

import jax, jax.numpy as jnp
import numpy as np

NODE_DIM = 128
EDGE_DIM = 16
MSG_DIM = 128
N_NODES = 10000
N_EDGES = 320000


def _layer_norm(x, gamma, beta, eps=1e-5):
    mu = jnp.mean(x, axis=-1, keepdims=True)
    var = jnp.mean((x - mu) ** 2, axis=-1, keepdims=True)
    return (x - mu) / jnp.sqrt(var + eps) * gamma + beta


def setup_inputs(seed: int = 0) -> dict:
    key = jax.random.key(seed)
    ks = jax.random.split(key, 12)

    def he(k, shape, fan_in):
        return jax.random.normal(k, shape, dtype=jnp.float32) * jnp.sqrt(2.0 / fan_in)

    nodes = jax.random.normal(ks[0], (N_NODES, NODE_DIM), dtype=jnp.float32)
    edge_index = jax.random.randint(ks[1], (2, N_EDGES), 0, N_NODES, dtype=jnp.int64 if jax.config.read('jax_enable_x64') else jnp.int32)
    edge_attr = jax.random.normal(ks[2], (N_EDGES, EDGE_DIM), dtype=jnp.float32)

    # weights stored as (in, out); math matches torch's x @ W.T with W (out, in)
    W_message = he(ks[3], (NODE_DIM + EDGE_DIM, MSG_DIM), NODE_DIM + EDGE_DIM)
    W_node = he(ks[4], (NODE_DIM, NODE_DIM), NODE_DIM)
    W1 = he(ks[5], (NODE_DIM + MSG_DIM, NODE_DIM), NODE_DIM + MSG_DIM)
    b1 = jnp.zeros((NODE_DIM,), dtype=jnp.float32)
    g1 = jnp.ones((NODE_DIM,), dtype=jnp.float32)
    be1 = jnp.zeros((NODE_DIM,), dtype=jnp.float32)
    W2 = he(ks[6], (NODE_DIM, NODE_DIM), NODE_DIM)
    b2 = jnp.zeros((NODE_DIM,), dtype=jnp.float32)
    g2 = jnp.ones((NODE_DIM,), dtype=jnp.float32)
    be2 = jnp.zeros((NODE_DIM,), dtype=jnp.float32)
    g_out = jnp.ones((NODE_DIM,), dtype=jnp.float32)
    b_out = jnp.zeros((NODE_DIM,), dtype=jnp.float32)

    return {
        'nodes': nodes, 'edge_index': edge_index, 'edge_attr': edge_attr,
        'W_message': W_message, 'W_node': W_node,
        'W1': W1, 'b1': b1, 'g1': g1, 'be1': be1,
        'W2': W2, 'b2': b2, 'g2': g2, 'be2': be2,
        'g_out': g_out, 'b_out': b_out,
    }


def reference(nodes, edge_index, edge_attr, W_message, W_node,
              W1, b1, g1, be1, W2, b2, g2, be2, g_out, b_out):
    senders = edge_index[0]
    receivers = edge_index[1]
    n_nodes = nodes.shape[0]

    sender_features = nodes[senders]                      # gather
    message_input = jnp.concatenate([sender_features, edge_attr], axis=-1)
    messages = message_input @ W_message                  # (E, msg_dim)

    aggregated = jnp.zeros((n_nodes, MSG_DIM), dtype=messages.dtype).at[receivers].add(messages)

    node_input = jnp.concatenate([nodes, aggregated], axis=-1)
    h = _layer_norm(jax.nn.relu(node_input @ W1 + b1), g1, be1)
    node_out = _layer_norm(jax.nn.relu(h @ W2 + b2), g2, be2)

    nodes_new = _layer_norm(nodes @ W_node + node_out, g_out, b_out)
    return nodes_new

if __name__ == "__main__":
    import jax
    _d = setup_inputs()
    print(jax.jit(kernel)(*tuple(_d.values())))

</pallas_src>

<mosaic_0001>
#map = affine_map<(d0, d1) -> (0, 0)>
#map1 = affine_map<(d0, d1) -> (0)>
module attributes {stable_mosaic.version = 14 : i64} {
  func.func @agg_kernel(%arg0: i32, %arg1: i32, %arg2: memref<10000x128xf32, #tpu.memory_space<hbm>>, %arg3: memref<320000xi32, #tpu.memory_space<hbm>>, %arg4: memref<320000xi32, #tpu.memory_space<hbm>>, %arg5: memref<20000x128xf32, #tpu.memory_space<hbm>>, %arg6: memref<10000x128xf32, #tpu.memory_space<vmem_shared>>, %arg7: memref<80xi32, #tpu.memory_space<vmem>>, %arg8: memref<80xi32, #tpu.memory_space<vmem>>, %arg9: memref<80xi32, #tpu.memory_space<vmem>>, %arg10: memref<80xi32, #tpu.memory_space<vmem>>, %arg11: memref<80x128xf32, #tpu.memory_space<vmem>>, %arg12: memref<80x128xf32, #tpu.memory_space<vmem>>, %arg13: memref<!tpu.dma_semaphore, #tpu.memory_space<semaphore_mem>>) attributes {dimension_semantics = [#tpu.dimension_semantics<core_parallel>, #tpu.dimension_semantics<subcore_parallel>], iteration_bounds = array<i64: 2, 16>, scalar_prefetch = 0 : i64, scratch_operands = 8 : i64, tpu.core_type = #tpu.core_type<sc_vector_subcore>, window_params = [{transform_indices = #map}, {transform_indices = #map1}, {transform_indices = #map1}, {transform_indices = #map}]} {
    %mul3A = arith.constant 16 : i32
    %mul3A_0 = arith.muli %arg0, %mul3A : i32
    %add3A = arith.addi %mul3A_0, %arg1 : i32
    %scan3A = arith.constant 0 : i32
    %scan3A_1 = arith.constant 0 : i32
    %scan3A_2 = arith.constant 80 : i32
    %scan3A_3 = arith.addi %scan3A_1, %scan3A_2 : i32
    %scan3A_4 = arith.constant 1 : i32
    scf.for %scan3A_129 = %scan3A_1 to %scan3A_3 step %scan3A_4  : i32 {
      %broadcast_in_dim3A = arith.constant 0.000000e+00 : f32
      %broadcast_in_dim3A_130 = vector.broadcast %broadcast_in_dim3A : f32 to vector<16xf32>
      %swap3A = arith.index_cast %scan3A_129 : i32 to index
      %swap3A_131 = arith.constant 0 : index
      %swap3A_132 = tpu.vector_load %arg11[%swap3A, %swap3A_131] {strides = array<i32>} : memref<80x128xf32, #tpu.memory_space<vmem>>, vector<1x16xf32>,
      %swap3A_133 = vector.shape_cast %swap3A_132 : vector<1x16xf32> to vector<16xf32>
      %swap3A_134 = vector.shape_cast %broadcast_in_dim3A_130 : vector<16xf32> to vector<1x16xf32>
      tpu.vector_store %arg11[%swap3A, %swap3A_131], %swap3A_134 {strides = array<i32>} : memref<80x128xf32, #tpu.memory_space<vmem>>, vector<1x16xf32>,
      %broadcast_in_dim3A_135 = arith.constant 0.000000e+00 : f32
      %broadcast_in_dim3A_136 = vector.broadcast %broadcast_in_dim3A_135 : f32 to vector<16xf32>
      %swap3A_137 = arith.index_cast %scan3A_129 : i32 to index
      %swap3A_138 = arith.constant 16 : index
      %swap3A_139 = tpu.vector_load %arg11[%swap3A_137, %swap3A_138] {strides = array<i32>} : memref<80x128xf32, #tpu.memory_space<vmem>>, vector<1x16xf32>,
      %swap3A_140 = vector.shape_cast %swap3A_139 : vector<1x16xf32> to vector<16xf32>
      %swap3A_141 = vector.shape_cast %broadcast_in_dim3A_136 : vector<16xf32> to vector<1x16xf32>
      tpu.vector_store %arg11[%swap3A_137, %swap3A_138], %swap3A_141 {strides = array<i32>} : memref<80x128xf32, #tpu.memory_space<vmem>>, vector<1x16xf32>,
      %broadcast_in_dim3A_142 = arith.constant 0.000000e+00 : f32
      %broadcast_in_dim3A_143 = vector.broadcast %broadcast_in_dim3A_142 : f32 to vector<16xf32>
      %swap3A_144 = arith.index_cast %scan3A_129 : i32 to index
      %swap3A_145 = arith.constant 32 : index
      %swap3A_146 = tpu.vector_load %arg11[%swap3A_144, %swap3A_145] {strides = array<i32>} : memref<80x128xf32, #tpu.memory_space<vmem>>, vector<1x16xf32>,
      %swap3A_147 = vector.shape_cast %swap3A_146 : vector<1x16xf32> to vector<16xf32>
      %swap3A_148 = vector.shape_cast %broadcast_in_dim3A_143 : vector<16xf32> to vector<1x16xf32>
      tpu.vector_store %arg11[%swap3A_144, %swap3A_145], %swap3A_148 {strides = array<i32>} : memref<80x128xf32, #tpu.memory_space<vmem>>, vector<1x16xf32>,
      %broadcast_in_dim3A_149 = arith.constant 0.000000e+00 : f32
      %broadcast_in_dim3A_150 = vector.broadcast %broadcast_in_dim3A_149 : f32 to vector<16xf32>
      %swap3A_151 = arith.index_cast %scan3A_129 : i32 to index
      %swap3A_152 = arith.constant 48 : index
      %swap3A_153 = tpu.vector_load %arg11[%swap3A_151, %swap3A_152] {strides = array<i32>} : memref<80x128xf32, #tpu.memory_space<vmem>>, vector<1x16xf32>,
      %swap3A_154 = vector.shape_cast %swap3A_153 : vector<1x16xf32> to vector<16xf32>
      %swap3A_155 = vector.shape_cast %broadcast_in_dim3A_150 : vector<16xf32> to vector<1x16xf32>
      tpu.vector_store %arg11[%swap3A_151, %swap3A_152], %swap3A_155 {strides = array<i32>} : memref<80x128xf32, #tpu.memory_space<vmem>>, vector<1x16xf32>,
      %broadcast_in_dim3A_156 = arith.constant 0.000000e+00 : f32
      %broadcast_in_dim3A_157 = vector.broadcast %broadcast_in_dim3A_156 : f32 to vector<16xf32>
      %swap3A_158 = arith.index_cast %scan3A_129 : i32 to index
      %swap3A_159 = arith.constant 64 : index
      %swap3A_160 = tpu.vector_load %arg11[%swap3A_158, %swap3A_159] {strides = array<i32>} : memref<80x128xf32, #tpu.memory_space<vmem>>, vector<1x16xf32>,
      %swap3A_161 = vector.shape_cast %swap3A_160 : vector<1x16xf32> to vector<16xf32>
      %swap3A_162 = vector.shape_cast %broadcast_in_dim3A_157 : vector<16xf32> to vector<1x16xf32>
      tpu.vector_store %arg11[%swap3A_158, %swap3A_159], %swap3A_162 {strides = array<i32>} : memref<80x128xf32, #tpu.memory_space<vmem>>, vector<1x16xf32>,
      %broadcast_in_dim3A_163 = arith.constant 0.000000e+00 : f32
      %broadcast_in_dim3A_164 = vector.broadcast %broadcast_in_dim3A_163 : f32 to vector<16xf32>
      %swap3A_165 = arith.index_cast %scan3A_129 : i32 to index
      %swap3A_166 = arith.constant 80 : index
      %swap3A_167 = tpu.vector_load %arg11[%swap3A_165, %swap3A_166] {strides = array<i32>} : memref<80x128xf32, #tpu.memory_space<vmem>>, vector<1x16xf32>,
      %swap3A_168 = vector.shape_cast %swap3A_167 : vector<1x16xf32> to vector<16xf32>
      %swap3A_169 = vector.shape_cast %broadcast_in_dim3A_164 : vector<16xf32> to vector<1x16xf32>
      tpu.vector_store %arg11[%swap3A_165, %swap3A_166], %swap3A_169 {strides = array<i32>} : memref<80x128xf32, #tpu.memory_space<vmem>>, vector<1x16xf32>,
      %broadcast_in_dim3A_170 = arith.constant 0.000000e+00 : f32
      %broadcast_in_dim3A_171 = vector.broadcast %broadcast_in_dim3A_170 : f32 to vector<16xf32>
      %swap3A_172 = arith.index_cast %scan3A_129 : i32 to index
      %swap3A_173 = arith.constant 96 : index
      %swap3A_174 = tpu.vector_load %arg11[%swap3A_172, %swap3A_173] {strides = array<i32>} : memref<80x128xf32, #tpu.memory_space<vmem>>, vector<1x16xf32>,
      %swap3A_175 = vector.shape_cast %swap3A_174 : vector<1x16xf32> to vector<16xf32>
      %swap3A_176 = vector.shape_cast %broadcast_in_dim3A_171 : vector<16xf32> to vector<1x16xf32>
      tpu.vector_store %arg11[%swap3A_172, %swap3A_173], %swap3A_176 {strides = array<i32>} : memref<80x128xf32, #tpu.memory_space<vmem>>, vector<1x16xf32>,
      %broadcast_in_dim3A_177 = arith.constant 0.000000e+00 : f32
      %broadcast_in_dim3A_178 = vector.broadcast %broadcast_in_dim3A_177 : f32 to vector<16xf32>
      %swap3A_179 = arith.index_cast %scan3A_129 : i32 to index
      %swap3A_180 = arith.constant 112 : index
      %swap3A_181 = tpu.vector_load %arg11[%swap3A_179, %swap3A_180] {strides = array<i32>} : memref<80x128xf32, #tpu.memory_space<vmem>>, vector<1x16xf32>,
      %swap3A_182 = vector.shape_cast %swap3A_181 : vector<1x16xf32> to vector<16xf32>
      %swap3A_183 = vector.shape_cast %broadcast_in_dim3A_178 : vector<16xf32> to vector<1x16xf32>
      tpu.vector_store %arg11[%swap3A_179, %swap3A_180], %swap3A_183 {strides = array<i32>} : memref<80x128xf32, #tpu.memory_space<vmem>>, vector<1x16xf32>,
    }
    %scan3A_5 = arith.constant 80 : i32
    %add3A_6 = arith.constant 0 : i32
    %add3A_7 = arith.addi %arg1, %add3A_6 : i32
    %lt3A = arith.constant 125 : i32
    %lt3A_8 = arith.cmpi slt, %add3A_7, %lt3A : i32
    %convert_element_type3A = arith.extui %lt3A_8 : i1 to i32
    %cond3A = arith.constant 0 : i32
    %cond3A_9 = arith.cmpi ne, %convert_element_type3A, %cond3A : i32
    scf.if %cond3A_9 {
      %mul3A_129 = arith.constant 80 : i32
      %mul3A_130 = arith.muli %add3A_7, %mul3A_129 : i32
      %add3A_131 = arith.constant 0 : i32
      %add3A_132 = arith.addi %mul3A_130, %add3A_131 : i32
      %iota3A = tpu.iota {dimensions = array<i32: 0>} : vector<16xi32>
      %add3A_133 = vector.broadcast %add3A_132 : i32 to vector<16xi32>
      %add3A_134 = arith.addi %add3A_133, %iota3A : vector<16xi32>
      %swap3A = arith.constant 0 : index
      %swap3A_135 = tpu.vector_load %arg7[%swap3A] {strides = array<i32>} : memref<80xi32, #tpu.memory_space<vmem>>, vector<16xi32>,
      %swap3A_136 = vector.shape_cast %swap3A_135 : vector<16xi32> to vector<16xi32>
      %swap3A_137 = vector.shape_cast %add3A_134 : vector<16xi32> to vector<16xi32>
      tpu.vector_store %arg7[%swap3A], %swap3A_137 {strides = array<i32>} : memref<80xi32, #tpu.memory_space<vmem>>, vector<16xi32>,
      %mul3A_138 = arith.constant 80 : i32
      %mul3A_139 = arith.muli %add3A_7, %mul3A_138 : i32
      %add3A_140 = arith.constant 16 : i32
      %add3A_141 = arith.addi %mul3A_139, %add3A_140 : i32
      %iota3A_142 = tpu.iota {dimensions = array<i32: 0>} : vector<16xi32>
      %add3A_143 = vector.broadcast %add3A_141 : i32 to vector<16xi32>
      %add3A_144 = arith.addi %add3A_143, %iota3A_142 : vector<16xi32>
      %swap3A_145 = arith.constant 16 : index
      %swap3A_146 = tpu.vector_load %arg7[%swap3A_145] {strides = array<i32>} : memref<80xi32, #tpu.memory_space<vmem>>, vector<16xi32>,
      %swap3A_147 = vector.shape_cast %swap3A_146 : vector<16xi32> to vector<16xi32>
      %swap3A_148 = vector.shape_cast %add3A_144 : vector<16xi32> to vector<16xi32>
      tpu.vector_store %arg7[%swap3A_145], %swap3A_148 {strides = array<i32>} : memref<80xi32, #tpu.memory_space<vmem>>, vector<16xi32>,
      %mul3A_149 = arith.constant 80 : i32
      %mul3A_150 = arith.muli %add3A_7, %mul3A_149 : i32
      %add3A_151 = arith.constant 32 : i32
      %add3A_152 = arith.addi %mul3A_150, %add3A_151 : i32
      %iota3A_153 = tpu.iota {dimensions = array<i32: 0>} : vector<16xi32>
      %add3A_154 = vector.broadcast %add3A_152 : i32 to vector<16xi32>
      %add3A_155 = arith.addi %add3A_154, %iota3A_153 : vector<16xi32>
      %swap3A_156 = arith.constant 32 : index
      %swap3A_157 = tpu.vector_load %arg7[%swap3A_156] {strides = array<i32>} : memref<80xi32, #tpu.memory_space<vmem>>, vector<16xi32>,
      %swap3A_158 = vector.shape_cast %swap3A_157 : vector<16xi32> to vector<16xi32>
      %swap3A_159 = vector.shape_cast %add3A_155 : vector<16xi32> to vector<16xi32>
      tpu.vector_store %arg7[%swap3A_156], %swap3A_159 {strides = array<i32>} : memref<80xi32, #tpu.memory_space<vmem>>, vector<16xi32>,
      %mul3A_160 = arith.constant 80 : i32
      %mul3A_161 = arith.muli %add3A_7, %mul3A_160 : i32
      %add3A_162 = arith.constant 48 : i32
      %add3A_163 = arith.addi %mul3A_161, %add3A_162 : i32
      %iota3A_164 = tpu.iota {dimensions = array<i32: 0>} : vector<16xi32>
      %add3A_165 = vector.broadcast %add3A_163 : i32 to vector<16xi32>
      %add3A_166 = arith.addi %add3A_165, %iota3A_164 : vector<16xi32>
      %swap3A_167 = arith.constant 48 : index
      %swap3A_168 = tpu.vector_load %arg7[%swap3A_167] {strides = array<i32>} : memref<80xi32, #tpu.memory_space<vmem>>, vector<16xi32>,
      %swap3A_169 = vector.shape_cast %swap3A_168 : vector<16xi32> to vector<16xi32>
      %swap3A_170 = vector.shape_cast %add3A_166 : vector<16xi32> to vector<16xi32>
      tpu.vector_store %arg7[%swap3A_167], %swap3A_170 {strides = array<i32>} : memref<80xi32, #tpu.memory_space<vmem>>, vector<16xi32>,
      %mul3A_171 = arith.constant 80 : i32
      %mul3A_172 = arith.muli %add3A_7, %mul3A_171 : i32
      %add3A_173 = arith.constant 64 : i32
      %add3A_174 = arith.addi %mul3A_172, %add3A_173 : i32
      %iota3A_175 = tpu.iota {dimensions = array<i32: 0>} : vector<16xi32>
      %add3A_176 = vector.broadcast %add3A_174 : i32 to vector<16xi32>
      %add3A_177 = arith.addi %add3A_176, %iota3A_175 : vector<16xi32>
      %swap3A_178 = arith.constant 64 : index
      %swap3A_179 = tpu.vector_load %arg7[%swap3A_178] {strides = array<i32>} : memref<80xi32, #tpu.memory_space<vmem>>, vector<16xi32>,
      %swap3A_180 = vector.shape_cast %swap3A_179 : vector<16xi32> to vector<16xi32>
      %swap3A_181 = vector.shape_cast %add3A_177 : vector<16xi32> to vector<16xi32>
      tpu.vector_store %arg7[%swap3A_178], %swap3A_181 {strides = array<i32>} : memref<80xi32, #tpu.memory_space<vmem>>, vector<16xi32>,
      "tpu.region"() ({
        %run_scoped3A = tpu.sem_alloc : memref<!tpu.dma_semaphore, #tpu.memory_space<semaphore_mem>>
        %dma_start3A_182 = arith.constant 0 : i32
        %dma_start3A_183 = arith.constant 0 : i32
        %dma_start3A_184 = tpu.memref_slice %arg6[%dma_start3A_182, %dma_start3A_183] : memref<10000x128xf32, #tpu.memory_space<vmem_shared>> -> memref<10000x128xf32, #tpu.memory_space<vmem_shared>>
        tpu.enqueue_indirect_dma source(%arg11 : memref<80x128xf32, #tpu.memory_space<vmem>>) target(%dma_start3A_184 : memref<10000x128xf32, #tpu.memory_space<vmem_shared>>) offsets(%arg7 : memref<80xi32, #tpu.memory_space<vmem>>) semaphore(%run_scoped3A : memref<!tpu.dma_semaphore, #tpu.memory_space<semaphore_mem>>)
        %dma_wait3A_185 = arith.constant 0 : i32
        %dma_wait3A_186 = arith.constant 0 : i32
        %dma_wait3A_187 = tpu.memref_slice %arg6[%dma_wait3A_185, %dma_wait3A_186] : memref<10000x128xf32, #tpu.memory_space<vmem_shared>> -> memref<10000x128xf32, #tpu.memory_space<vmem_shared>>
        tpu.wait_indirect_dma semaphore(%run_scoped3A : memref<!tpu.dma_semaphore, #tpu.memory_space<semaphore_mem>>) src(%arg11 : memref<80x128xf32, #tpu.memory_space<vmem>>) dst(%dma_wait3A_187 : memref<10000x128xf32, #tpu.memory_space<vmem_shared>>)
        tpu.yield
      }) : () -> ()
    } else {
    }
    %add3A_10 = arith.constant 16 : i32
    %add3A_11 = arith.addi %arg1, %add3A_10 : i32
    %lt3A_12 = arith.constant 125 : i32
    %lt3A_13 = arith.cmpi slt, %add3A_11, %lt3A_12 : i32
    %convert_element_type3A_14 = arith.extui %lt3A_13 : i1 to i32
    %cond3A_15 = arith.constant 0 : i32
    %cond3A_16 = arith.cmpi ne, %convert_element_type3A_14, %cond3A_15 : i32
    scf.if %cond3A_16 {
      %mul3A_129 = arith.constant 80 : i32
      %mul3A_130 = arith.muli %add3A_11, %mul3A_129 : i32
      %add3A_131 = arith.constant 0 : i32
      %add3A_132 = arith.addi %mul3A_130, %add3A_131 : i32
      %iota3A = tpu.iota {dimensions = array<i32: 0>} : vector<16xi32>
      %add3A_133 = vector.broadcast %add3A_132 : i32 to vector<16xi32>
      %add3A_134 = arith.addi %add3A_133, %iota3A : vector<16xi32>
      %swap3A = arith.constant 0 : index
      %swap3A_135 = tpu.vector_load %arg7[%swap3A] {strides = array<i32>} : memref<80xi32, #tpu.memory_space<vmem>>, vector<16xi32>,
      %swap3A_136 = vector.shape_cast %swap3A_135 : vector<16xi32> to vector<16xi32>
      %swap3A_137 = vector.shape_cast %add3A_134 : vector<16xi32> to vector<16xi32>
      tpu.vector_store %arg7[%swap3A], %swap3A_137 {strides = array<i32>} : memref<80xi32, #tpu.memory_space<vmem>>, vector<16xi32>,
      %mul3A_138 = arith.constant 80 : i32
      %mul3A_139 = arith.muli %add3A_11, %mul3A_138 : i32
      %add3A_140 = arith.constant 16 : i32
      %add3A_141 = arith.addi %mul3A_139, %add3A_140 : i32
      %iota3A_142 = tpu.iota {dimensions = array<i32: 0>} : vector<16xi32>
      %add3A_143 = vector.broadcast %add3A_141 : i32 to vector<16xi32>
      %add3A_144 = arith.addi %add3A_143, %iota3A_142 : vector<16xi32>
      %swap3A_145 = arith.constant 16 : index
      %swap3A_146 = tpu.vector_load %arg7[%swap3A_145] {strides = array<i32>} : memref<80xi32, #tpu.memory_space<vmem>>, vector<16xi32>,
      %swap3A_147 = vector.shape_cast %swap3A_146 : vector<16xi32> to vector<16xi32>
      %swap3A_148 = vector.shape_cast %add3A_144 : vector<16xi32> to vector<16xi32>
      tpu.vector_store %arg7[%swap3A_145], %swap3A_148 {strides = array<i32>} : memref<80xi32, #tpu.memory_space<vmem>>, vector<16xi32>,
      %mul3A_149 = arith.constant 80 : i32
      %mul3A_150 = arith.muli %add3A_11, %mul3A_149 : i32
      %add3A_151 = arith.constant 32 : i32
      %add3A_152 = arith.addi %mul3A_150, %add3A_151 : i32
      %iota3A_153 = tpu.iota {dimensions = array<i32: 0>} : vector<16xi32>
      %add3A_154 = vector.broadcast %add3A_152 : i32 to vector<16xi32>
      %add3A_155 = arith.addi %add3A_154, %iota3A_153 : vector<16xi32>
      %swap3A_156 = arith.constant 32 : index
      %swap3A_157 = tpu.vector_load %arg7[%swap3A_156] {strides = array<i32>} : memref<80xi32, #tpu.memory_space<vmem>>, vector<16xi32>,
      %swap3A_158 = vector.shape_cast %swap3A_157 : vector<16xi32> to vector<16xi32>
      %swap3A_159 = vector.shape_cast %add3A_155 : vector<16xi32> to vector<16xi32>
      tpu.vector_store %arg7[%swap3A_156], %swap3A_159 {strides = array<i32>} : memref<80xi32, #tpu.memory_space<vmem>>, vector<16xi32>,
      %mul3A_160 = arith.constant 80 : i32
      %mul3A_161 = arith.muli %add3A_11, %mul3A_160 : i32
      %add3A_162 = arith.constant 48 : i32
      %add3A_163 = arith.addi %mul3A_161, %add3A_162 : i32
      %iota3A_164 = tpu.iota {dimensions = array<i32: 0>} : vector<16xi32>
      %add3A_165 = vector.broadcast %add3A_163 : i32 to vector<16xi32>
      %add3A_166 = arith.addi %add3A_165, %iota3A_164 : vector<16xi32>
      %swap3A_167 = arith.constant 48 : index
      %swap3A_168 = tpu.vector_load %arg7[%swap3A_167] {strides = array<i32>} : memref<80xi32, #tpu.memory_space<vmem>>, vector<16xi32>,
      %swap3A_169 = vector.shape_cast %swap3A_168 : vector<16xi32> to vector<16xi32>
      %swap3A_170 = vector.shape_cast %add3A_166 : vector<16xi32> to vector<16xi32>
      tpu.vector_store %arg7[%swap3A_167], %swap3A_170 {strides = array<i32>} : memref<80xi32, #tpu.memory_space<vmem>>, vector<16xi32>,
      %mul3A_171 = arith.constant 80 : i32
      %mul3A_172 = arith.muli %add3A_11, %mul3A_171 : i32
      %add3A_173 = arith.constant 64 : i32
      %add3A_174 = arith.addi %mul3A_172, %add3A_173 : i32
      %iota3A_175 = tpu.iota {dimensions = array<i32: 0>} : vector<16xi32>
      %add3A_176 = vector.broadcast %add3A_174 : i32 to vector<16xi32>
      %add3A_177 = arith.addi %add3A_176, %iota3A_175 : vector<16xi32>
      %swap3A_178 = arith.constant 64 : index
      %swap3A_179 = tpu.vector_load %arg7[%swap3A_178] {strides = array<i32>} : memref<80xi32, #tpu.memory_space<vmem>>, vector<16xi32>,
      %swap3A_180 = vector.shape_cast %swap3A_179 : vector<16xi32> to vector<16xi32>
      %swap3A_181 = vector.shape_cast %add3A_177 : vector<16xi32> to vector<16xi32>
      tpu.vector_store %arg7[%swap3A_178], %swap3A_181 {strides = array<i32>} : memref<80xi32, #tpu.memory_space<vmem>>, vector<16xi32>,
      "tpu.region"() ({
        %run_scoped3A = tpu.sem_alloc : memref<!tpu.dma_semaphore, #tpu.memory_space<semaphore_mem>>
        %dma_start3A_182 = arith.constant 0 : i32
        %dma_start3A_183 = arith.constant 0 : i32
        %dma_start3A_184 = tpu.memref_slice %arg6[%dma_start3A_182, %dma_start3A_183] : memref<10000x128xf32, #tpu.memory_space<vmem_shared>> -> memref<10000x128xf32, #tpu.memory_space<vmem_shared>>
        tpu.enqueue_indirect_dma source(%arg11 : memref<80x128xf32, #tpu.memory_space<vmem>>) target(%dma_start3A_184 : memref<10000x128xf32, #tpu.memory_space<vmem_shared>>) offsets(%arg7 : memref<80xi32, #tpu.memory_space<vmem>>) semaphore(%run_scoped3A : memref<!tpu.dma_semaphore, #tpu.memory_space<semaphore_mem>>)
        %dma_wait3A_185 = arith.constant 0 : i32
        %dma_wait3A_186 = arith.constant 0 : i32
        %dma_wait3A_187 = tpu.memref_slice %arg6[%dma_wait3A_185, %dma_wait3A_186] : memref<10000x128xf32, #tpu.memory_space<vmem_shared>> -> memref<10000x128xf32, #tpu.memory_space<vmem_shared>>
        tpu.wait_indirect_dma semaphore(%run_scoped3A : memref<!tpu.dma_semaphore, #tpu.memory_space<semaphore_mem>>) src(%arg11 : memref<80x128xf32, #tpu.memory_space<vmem>>) dst(%dma_wait3A_187 : memref<10000x128xf32, #tpu.memory_space<vmem_shared>>)
        tpu.yield
      }) : () -> ()
    } else {
    }
    %add3A_17 = arith.constant 32 : i32
    %add3A_18 = arith.addi %arg1, %add3A_17 : i32
    %lt3A_19 = arith.constant 125 : i32
    %lt3A_20 = arith.cmpi slt, %add3A_18, %lt3A_19 : i32
    %convert_element_type3A_21 = arith.extui %lt3A_20 : i1 to i32
    %cond3A_22 = arith.constant 0 : i32
    %cond3A_23 = arith.cmpi ne, %convert_element_type3A_21, %cond3A_22 : i32
    scf.if %cond3A_23 {
      %mul3A_129 = arith.constant 80 : i32
      %mul3A_130 = arith.muli %add3A_18, %mul3A_129 : i32
      %add3A_131 = arith.constant 0 : i32
      %add3A_132 = arith.addi %mul3A_130, %add3A_131 : i32
      %iota3A = tpu.iota {dimensions = array<i32: 0>} : vector<16xi32>
      %add3A_133 = vector.broadcast %add3A_132 : i32 to vector<16xi32>
      %add3A_134 = arith.addi %add3A_133, %iota3A : vector<16xi32>
      %swap3A = arith.constant 0 : index
      %swap3A_135 = tpu.vector_load %arg7[%swap3A] {strides = array<i32>} : memref<80xi32, #tpu.memory_space<vmem>>, vector<16xi32>,
      %swap3A_136 = vector.shape_cast %swap3A_135 : vector<16xi32> to vector<16xi32>
      %swap3A_137 = vector.shape_cast %add3A_134 : vector<16xi32> to vector<16xi32>
      tpu.vector_store %arg7[%swap3A], %swap3A_137 {strides = array<i32>} : memref<80xi32, #tpu.memory_space<vmem>>, vector<16xi32>,
      %mul3A_138 = arith.constant 80 : i32
      %mul3A_139 = arith.muli %add3A_18, %mul3A_138 : i32
      %add3A_140 = arith.constant 16 : i32
      %add3A_141 = arith.addi %mul3A_139, %add3A_140 : i32
      %iota3A_142 = tpu.iota {dimensions = array<i32: 0>} : vector<16xi32>
      %add3A_143 = vector.broadcast %add3A_141 : i32 to vector<16xi32>
      %add3A_144 = arith.addi %add3A_143, %iota3A_142 : vector<16xi32>
      %swap3A_145 = arith.constant 16 : index
      %swap3A_146 = tpu.vector_load %arg7[%swap3A_145] {strides = array<i32>} : memref<80xi32, #tpu.memory_space<vmem>>, vector<16xi32>,
      %swap3A_147 = vector.shape_cast %swap3A_146 : vector<16xi32> to vector<16xi32>
      %swap3A_148 = vector.shape_cast %add3A_144 : vector<16xi32> to vector<16xi32>
      tpu.vector_store %arg7[%swap3A_145], %swap3A_148 {strides = array<i32>} : memref<80xi32, #tpu.memory_space<vmem>>, vector<16xi32>,
      %mul3A_149 = arith.constant 80 : i32
      %mul3A_150 = arith.muli %add3A_18, %mul3A_149 : i32
      %add3A_151 = arith.constant 32 : i32
      %add3A_152 = arith.addi %mul3A_150, %add3A_151 : i32
      %iota3A_153 = tpu.iota {dimensions = array<i32: 0>} : vector<16xi32>
      %add3A_154 = vector.broadcast %add3A_152 : i32 to vector<16xi32>
      %add3A_155 = arith.addi %add3A_154, %iota3A_153 : vector<16xi32>
      %swap3A_156 = arith.constant 32 : index
      %swap3A_157 = tpu.vector_load %arg7[%swap3A_156] {strides = array<i32>} : memref<80xi32, #tpu.memory_space<vmem>>, vector<16xi32>,
      %swap3A_158 = vector.shape_cast %swap3A_157 : vector<16xi32> to vector<16xi32>
      %swap3A_159 = vector.shape_cast %add3A_155 : vector<16xi32> to vector<16xi32>
      tpu.vector_store %arg7[%swap3A_156], %swap3A_159 {strides = array<i32>} : memref<80xi32, #tpu.memory_space<vmem>>, vector<16xi32>,
      %mul3A_160 = arith.constant 80 : i32
      %mul3A_161 = arith.muli %add3A_18, %mul3A_160 : i32
      %add3A_162 = arith.constant 48 : i32
      %add3A_163 = arith.addi %mul3A_161, %add3A_162 : i32
      %iota3A_164 = tpu.iota {dimensions = array<i32: 0>} : vector<16xi32>
      %add3A_165 = vector.broadcast %add3A_163 : i32 to vector<16xi32>
      %add3A_166 = arith.addi %add3A_165, %iota3A_164 : vector<16xi32>
      %swap3A_167 = arith.constant 48 : index
      %swap3A_168 = tpu.vector_load %arg7[%swap3A_167] {strides = array<i32>} : memref<80xi32, #tpu.memory_space<vmem>>, vector<16xi32>,
      %swap3A_169 = vector.shape_cast %swap3A_168 : vector<16xi32> to vector<16xi32>
      %swap3A_170 = vector.shape_cast %add3A_166 : vector<16xi32> to vector<16xi32>
      tpu.vector_store %arg7[%swap3A_167], %swap3A_170 {strides = array<i32>} : memref<80xi32, #tpu.memory_space<vmem>>, vector<16xi32>,
      %mul3A_171 = arith.constant 80 : i32
      %mul3A_172 = arith.muli %add3A_18, %mul3A_171 : i32
      %add3A_173 = arith.constant 64 : i32
      %add3A_174 = arith.addi %mul3A_172, %add3A_173 : i32
      %iota3A_175 = tpu.iota {dimensions = array<i32: 0>} : vector<16xi32>
      %add3A_176 = vector.broadcast %add3A_174 : i32 to vector<16xi32>
      %add3A_177 = arith.addi %add3A_176, %iota3A_175 : vector<16xi32>
      %swap3A_178 = arith.constant 64 : index
      %swap3A_179 = tpu.vector_load %arg7[%swap3A_178] {strides = array<i32>} : memref<80xi32, #tpu.memory_space<vmem>>, vector<16xi32>,
      %swap3A_180 = vector.shape_cast %swap3A_179 : vector<16xi32> to vector<16xi32>
      %swap3A_181 = vector.shape_cast %add3A_177 : vector<16xi32> to vector<16xi32>
      tpu.vector_store %arg7[%swap3A_178], %swap3A_181 {strides = array<i32>} : memref<80xi32, #tpu.memory_space<vmem>>, vector<16xi32>,
      "tpu.region"() ({
        %run_scoped3A = tpu.sem_alloc : memref<!tpu.dma_semaphore, #tpu.memory_space<semaphore_mem>>
        %dma_start3A_182 = arith.constant 0 : i32
        %dma_start3A_183 = arith.constant 0 : i32
        %dma_start3A_184 = tpu.memref_slice %arg6[%dma_start3A_182, %dma_start3A_183] : memref<10000x128xf32, #tpu.memory_space<vmem_shared>> -> memref<10000x128xf32, #tpu.memory_space<vmem_shared>>
        tpu.enqueue_indirect_dma source(%arg11 : memref<80x128xf32, #tpu.memory_space<vmem>>) target(%dma_start3A_184 : memref<10000x128xf32, #tpu.memory_space<vmem_shared>>) offsets(%arg7 : memref<80xi32, #tpu.memory_space<vmem>>) semaphore(%run_scoped3A : memref<!tpu.dma_semaphore, #tpu.memory_space<semaphore_mem>>)
        %dma_wait3A_185 = arith.constant 0 : i32
        %dma_wait3A_186 = arith.constant 0 : i32
        %dma_wait3A_187 = tpu.memref_slice %arg6[%dma_wait3A_185, %dma_wait3A_186] : memref<10000x128xf32, #tpu.memory_space<vmem_shared>> -> memref<10000x128xf32, #tpu.memory_space<vmem_shared>>
        tpu.wait_indirect_dma semaphore(%run_scoped3A : memref<!tpu.dma_semaphore, #tpu.memory_space<semaphore_mem>>) src(%arg11 : memref<80x128xf32, #tpu.memory_space<vmem>>) dst(%dma_wait3A_187 : memref<10000x128xf32, #tpu.memory_space<vmem_shared>>)
        tpu.yield
      }) : () -> ()
    } else {
    }
    %add3A_24 = arith.constant 48 : i32
    %add3A_25 = arith.addi %arg1, %add3A_24 : i32
    %lt3A_26 = arith.constant 125 : i32
    %lt3A_27 = arith.cmpi slt, %add3A_25, %lt3A_26 : i32
    %convert_element_type3A_28 = arith.extui %lt3A_27 : i1 to i32
    %cond3A_29 = arith.constant 0 : i32
    %cond3A_30 = arith.cmpi ne, %convert_element_type3A_28, %cond3A_29 : i32
    scf.if %cond3A_30 {
      %mul3A_129 = arith.constant 80 : i32
      %mul3A_130 = arith.muli %add3A_25, %mul3A_129 : i32
      %add3A_131 = arith.constant 0 : i32
      %add3A_132 = arith.addi %mul3A_130, %add3A_131 : i32
      %iota3A = tpu.iota {dimensions = array<i32: 0>} : vector<16xi32>
      %add3A_133 = vector.broadcast %add3A_132 : i32 to vector<16xi32>
      %add3A_134 = arith.addi %add3A_133, %iota3A : vector<16xi32>
      %swap3A = arith.constant 0 : index
      %swap3A_135 = tpu.vector_load %arg7[%swap3A] {strides = array<i32>} : memref<80xi32, #tpu.memory_space<vmem>>, vector<16xi32>,
      %swap3A_136 = vector.shape_cast %swap3A_135 : vector<16xi32> to vector<16xi32>
      %swap3A_137 = vector.shape_cast %add3A_134 : vector<16xi32> to vector<16xi32>
      tpu.vector_store %arg7[%swap3A], %swap3A_137 {strides = array<i32>} : memref<80xi32, #tpu.memory_space<vmem>>, vector<16xi32>,
      %mul3A_138 = arith.constant 80 : i32
      %mul3A_139 = arith.muli %add3A_25, %mul3A_138 : i32
      %add3A_140 = arith.constant 16 : i32
      %add3A_141 = arith.addi %mul3A_139, %add3A_140 : i32
      %iota3A_142 = tpu.iota {dimensions = array<i32: 0>} : vector<16xi32>
      %add3A_143 = vector.broadcast %add3A_141 : i32 to vector<16xi32>
      %add3A_144 = arith.addi %add3A_143, %iota3A_142 : vector<16xi32>
      %swap3A_145 = arith.constant 16 : index
      %swap3A_146 = tpu.vector_load %arg7[%swap3A_145] {strides = array<i32>} : memref<80xi32, #tpu.memory_space<vmem>>, vector<16xi32>,
      %swap3A_147 = vector.shape_cast %swap3A_146 : vector<16xi32> to vector<16xi32>
      %swap3A_148 = vector.shape_cast %add3A_144 : vector<16xi32> to vector<16xi32>
      tpu.vector_store %arg7[%swap3A_145], %swap3A_148 {strides = array<i32>} : memref<80xi32, #tpu.memory_space<vmem>>, vector<16xi32>,
      %mul3A_149 = arith.constant 80 : i32
      %mul3A_150 = arith.muli %add3A_25, %mul3A_149 : i32
      %add3A_151 = arith.constant 32 : i32
      %add3A_152 = arith.addi %mul3A_150, %add3A_151 : i32
      %iota3A_153 = tpu.iota {dimensions = array<i32: 0>} : vector<16xi32>
      %add3A_154 = vector.broadcast %add3A_152 : i32 to vector<16xi32>
      %add3A_155 = arith.addi %add3A_154, %iota3A_153 : vector<16xi32>
      %swap3A_156 = arith.constant 32 : index
      %swap3A_157 = tpu.vector_load %arg7[%swap3A_156] {strides = array<i32>} : memref<80xi32, #tpu.memory_space<vmem>>, vector<16xi32>,
      %swap3A_158 = vector.shape_cast %swap3A_157 : vector<16xi32> to vector<16xi32>
      %swap3A_159 = vector.shape_cast %add3A_155 : vector<16xi32> to vector<16xi32>
      tpu.vector_store %arg7[%swap3A_156], %swap3A_159 {strides = array<i32>} : memref<80xi32, #tpu.memory_space<vmem>>, vector<16xi32>,
      %mul3A_160 = arith.constant 80 : i32
      %mul3A_161 = arith.muli %add3A_25, %mul3A_160 : i32
      %add3A_162 = arith.constant 48 : i32
      %add3A_163 = arith.addi %mul3A_161, %add3A_162 : i32
      %iota3A_164 = tpu.iota {dimensions = array<i32: 0>} : vector<16xi32>
      %add3A_165 = vector.broadcast %add3A_163 : i32 to vector<16xi32>
      %add3A_166 = arith.addi %add3A_165, %iota3A_164 : vector<16xi32>
      %swap3A_167 = arith.constant 48 : index
      %swap3A_168 = tpu.vector_load %arg7[%swap3A_167] {strides = array<i32>} : memref<80xi32, #tpu.memory_space<vmem>>, vector<16xi32>,
      %swap3A_169 = vector.shape_cast %swap3A_168 : vector<16xi32> to vector<16xi32>
      %swap3A_170 = vector.shape_cast %add3A_166 : vector<16xi32> to vector<16xi32>
      tpu.vector_store %arg7[%swap3A_167], %swap3A_170 {strides = array<i32>} : memref<80xi32, #tpu.memory_space<vmem>>, vector<16xi32>,
      %mul3A_171 = arith.constant 80 : i32
      %mul3A_172 = arith.muli %add3A_25, %mul3A_171 : i32
      %add3A_173 = arith.constant 64 : i32
      %add3A_174 = arith.addi %mul3A_172, %add3A_173 : i32
      %iota3A_175 = tpu.iota {dimensions = array<i32: 0>} : vector<16xi32>
      %add3A_176 = vector.broadcast %add3A_174 : i32 to vector<16xi32>
      %add3A_177 = arith.addi %add3A_176, %iota3A_175 : vector<16xi32>
      %swap3A_178 = arith.constant 64 : index
      %swap3A_179 = tpu.vector_load %arg7[%swap3A_178] {strides = array<i32>} : memref<80xi32, #tpu.memory_space<vmem>>, vector<16xi32>,
      %swap3A_180 = vector.shape_cast %swap3A_179 : vector<16xi32> to vector<16xi32>
      %swap3A_181 = vector.shape_cast %add3A_177 : vector<16xi32> to vector<16xi32>
      tpu.vector_store %arg7[%swap3A_178], %swap3A_181 {strides = array<i32>} : memref<80xi32, #tpu.memory_space<vmem>>, vector<16xi32>,
      "tpu.region"() ({
        %run_scoped3A = tpu.sem_alloc : memref<!tpu.dma_semaphore, #tpu.memory_space<semaphore_mem>>
        %dma_start3A_182 = arith.constant 0 : i32
        %dma_start3A_183 = arith.constant 0 : i32
        %dma_start3A_184 = tpu.memref_slice %arg6[%dma_start3A_182, %dma_start3A_183] : memref<10000x128xf32, #tpu.memory_space<vmem_shared>> -> memref<10000x128xf32, #tpu.memory_space<vmem_shared>>
        tpu.enqueue_indirect_dma source(%arg11 : memref<80x128xf32, #tpu.memory_space<vmem>>) target(%dma_start3A_184 : memref<10000x128xf32, #tpu.memory_space<vmem_shared>>) offsets(%arg7 : memref<80xi32, #tpu.memory_space<vmem>>) semaphore(%run_scoped3A : memref<!tpu.dma_semaphore, #tpu.memory_space<semaphore_mem>>)
        %dma_wait3A_185 = arith.constant 0 : i32
        %dma_wait3A_186 = arith.constant 0 : i32
        %dma_wait3A_187 = tpu.memref_slice %arg6[%dma_wait3A_185, %dma_wait3A_186] : memref<10000x128xf32, #tpu.memory_space<vmem_shared>> -> memref<10000x128xf32, #tpu.memory_space<vmem_shared>>
        tpu.wait_indirect_dma semaphore(%run_scoped3A : memref<!tpu.dma_semaphore, #tpu.memory_space<semaphore_mem>>) src(%arg11 : memref<80x128xf32, #tpu.memory_space<vmem>>) dst(%dma_wait3A_187 : memref<10000x128xf32, #tpu.memory_space<vmem_shared>>)
        tpu.yield
      }) : () -> ()
    } else {
    }
    %add3A_31 = arith.constant 64 : i32
    %add3A_32 = arith.addi %arg1, %add3A_31 : i32
    %lt3A_33 = arith.constant 125 : i32
    %lt3A_34 = arith.cmpi slt, %add3A_32, %lt3A_33 : i32
    %convert_element_type3A_35 = arith.extui %lt3A_34 : i1 to i32
    %cond3A_36 = arith.constant 0 : i32
    %cond3A_37 = arith.cmpi ne, %convert_element_type3A_35, %cond3A_36 : i32
    scf.if %cond3A_37 {
      %mul3A_129 = arith.constant 80 : i32
      %mul3A_130 = arith.muli %add3A_32, %mul3A_129 : i32
      %add3A_131 = arith.constant 0 : i32
      %add3A_132 = arith.addi %mul3A_130, %add3A_131 : i32
      %iota3A = tpu.iota {dimensions = array<i32: 0>} : vector<16xi32>
      %add3A_133 = vector.broadcast %add3A_132 : i32 to vector<16xi32>
      %add3A_134 = arith.addi %add3A_133, %iota3A : vector<16xi32>
      %swap3A = arith.constant 0 : index
      %swap3A_135 = tpu.vector_load %arg7[%swap3A] {strides = array<i32>} : memref<80xi32, #tpu.memory_space<vmem>>, vector<16xi32>,
      %swap3A_136 = vector.shape_cast %swap3A_135 : vector<16xi32> to vector<16xi32>
      %swap3A_137 = vector.shape_cast %add3A_134 : vector<16xi32> to vector<16xi32>
      tpu.vector_store %arg7[%swap3A], %swap3A_137 {strides = array<i32>} : memref<80xi32, #tpu.memory_space<vmem>>, vector<16xi32>,
      %mul3A_138 = arith.constant 80 : i32
      %mul3A_139 = arith.muli %add3A_32, %mul3A_138 : i32
      %add3A_140 = arith.constant 16 : i32
      %add3A_141 = arith.addi %mul3A_139, %add3A_140 : i32
      %iota3A_142 = tpu.iota {dimensions = array<i32: 0>} : vector<16xi32>
      %add3A_143 = vector.broadcast %add3A_141 : i32 to vector<16xi32>
      %add3A_144 = arith.addi %add3A_143, %iota3A_142 : vector<16xi32>
      %swap3A_145 = arith.constant 16 : index
      %swap3A_146 = tpu.vector_load %arg7[%swap3A_145] {strides = array<i32>} : memref<80xi32, #tpu.memory_space<vmem>>, vector<16xi32>,
      %swap3A_147 = vector.shape_cast %swap3A_146 : vector<16xi32> to vector<16xi32>
      %swap3A_148 = vector.shape_cast %add3A_144 : vector<16xi32> to vector<16xi32>
      tpu.vector_store %arg7[%swap3A_145], %swap3A_148 {strides = array<i32>} : memref<80xi32, #tpu.memory_space<vmem>>, vector<16xi32>,
      %mul3A_149 = arith.constant 80 : i32
      %mul3A_150 = arith.muli %add3A_32, %mul3A_149 : i32
      %add3A_151 = arith.constant 32 : i32
      %add3A_152 = arith.addi %mul3A_150, %add3A_151 : i32
      %iota3A_153 = tpu.iota {dimensions = array<i32: 0>} : vector<16xi32>
      %add3A_154 = vector.broadcast %add3A_152 : i32 to vector<16xi32>
      %add3A_155 = arith.addi %add3A_154, %iota3A_153 : vector<16xi32>
      %swap3A_156 = arith.constant 32 : index
      %swap3A_157 = tpu.vector_load %arg7[%swap3A_156] {strides = array<i32>} : memref<80xi32, #tpu.memory_space<vmem>>, vector<16xi32>,
      %swap3A_158 = vector.shape_cast %swap3A_157 : vector<16xi32> to vector<16xi32>
      %swap3A_159 = vector.shape_cast %add3A_155 : vector<16xi32> to vector<16xi32>
      tpu.vector_store %arg7[%swap3A_156], %swap3A_159 {strides = array<i32>} : memref<80xi32, #tpu.memory_space<vmem>>, vector<16xi32>,
      %mul3A_160 = arith.constant 80 : i32
      %mul3A_161 = arith.muli %add3A_32, %mul3A_160 : i32
      %add3A_162 = arith.constant 48 : i32
      %add3A_163 = arith.addi %mul3A_161, %add3A_162 : i32
      %iota3A_164 = tpu.iota {dimensions = array<i32: 0>} : vector<16xi32>
      %add3A_165 = vector.broadcast %add3A_163 : i32 to vector<16xi32>
      %add3A_166 = arith.addi %add3A_165, %iota3A_164 : vector<16xi32>
      %swap3A_167 = arith.constant 48 : index
      %swap3A_168 = tpu.vector_load %arg7[%swap3A_167] {strides = array<i32>} : memref<80xi32, #tpu.memory_space<vmem>>, vector<16xi32>,
      %swap3A_169 = vector.shape_cast %swap3A_168 : vector<16xi32> to vector<16xi32>
      %swap3A_170 = vector.shape_cast %add3A_166 : vector<16xi32> to vector<16xi32>
      tpu.vector_store %arg7[%swap3A_167], %swap3A_170 {strides = array<i32>} : memref<80xi32, #tpu.memory_space<vmem>>, vector<16xi32>,
      %mul3A_171 = arith.constant 80 : i32
      %mul3A_172 = arith.muli %add3A_32, %mul3A_171 : i32
      %add3A_173 = arith.constant 64 : i32
      %add3A_174 = arith.addi %mul3A_172, %add3A_173 : i32
      %iota3A_175 = tpu.iota {dimensions = array<i32: 0>} : vector<16xi32>
      %add3A_176 = vector.broadcast %add3A_174 : i32 to vector<16xi32>
      %add3A_177 = arith.addi %add3A_176, %iota3A_175 : vector<16xi32>
      %swap3A_178 = arith.constant 64 : index
      %swap3A_179 = tpu.vector_load %arg7[%swap3A_178] {strides = array<i32>} : memref<80xi32, #tpu.memory_space<vmem>>, vector<16xi32>,
      %swap3A_180 = vector.shape_cast %swap3A_179 : vector<16xi32> to vector<16xi32>
      %swap3A_181 = vector.shape_cast %add3A_177 : vector<16xi32> to vector<16xi32>
      tpu.vector_store %arg7[%swap3A_178], %swap3A_181 {strides = array<i32>} : memref<80xi32, #tpu.memory_space<vmem>>, vector<16xi32>,
      "tpu.region"() ({
        %run_scoped3A = tpu.sem_alloc : memref<!tpu.dma_semaphore, #tpu.memory_space<semaphore_mem>>
        %dma_start3A_182 = arith.constant 0 : i32
        %dma_start3A_183 = arith.constant 0 : i32
        %dma_start3A_184 = tpu.memref_slice %arg6[%dma_start3A_182, %dma_start3A_183] : memref<10000x128xf32, #tpu.memory_space<vmem_shared>> -> memref<10000x128xf32, #tpu.memory_space<vmem_shared>>
        tpu.enqueue_indirect_dma source(%arg11 : memref<80x128xf32, #tpu.memory_space<vmem>>) target(%dma_start3A_184 : memref<10000x128xf32, #tpu.memory_space<vmem_shared>>) offsets(%arg7 : memref<80xi32, #tpu.memory_space<vmem>>) semaphore(%run_scoped3A : memref<!tpu.dma_semaphore, #tpu.memory_space<semaphore_mem>>)
        %dma_wait3A_185 = arith.constant 0 : i32
        %dma_wait3A_186 = arith.constant 0 : i32
        %dma_wait3A_187 = tpu.memref_slice %arg6[%dma_wait3A_185, %dma_wait3A_186] : memref<10000x128xf32, #tpu.memory_space<vmem_shared>> -> memref<10000x128xf32, #tpu.memory_space<vmem_shared>>
        tpu.wait_indirect_dma semaphore(%run_scoped3A : memref<!tpu.dma_semaphore, #tpu.memory_space<semaphore_mem>>) src(%arg11 : memref<80x128xf32, #tpu.memory_space<vmem>>) dst(%dma_wait3A_187 : memref<10000x128xf32, #tpu.memory_space<vmem_shared>>)
        tpu.yield
      }) : () -> ()
    } else {
    }
    %add3A_38 = arith.constant 80 : i32
    %add3A_39 = arith.addi %arg1, %add3A_38 : i32
    %lt3A_40 = arith.constant 125 : i32
    %lt3A_41 = arith.cmpi slt, %add3A_39, %lt3A_40 : i32
    %convert_element_type3A_42 = arith.extui %lt3A_41 : i1 to i32
    %cond3A_43 = arith.constant 0 : i32
    %cond3A_44 = arith.cmpi ne, %convert_element_type3A_42, %cond3A_43 : i32
    scf.if %cond3A_44 {
      %mul3A_129 = arith.constant 80 : i32
      %mul3A_130 = arith.muli %add3A_39, %mul3A_129 : i32
      %add3A_131 = arith.constant 0 : i32
      %add3A_132 = arith.addi %mul3A_130, %add3A_131 : i32
      %iota3A = tpu.iota {dimensions = array<i32: 0>} : vector<16xi32>
      %add3A_133 = vector.broadcast %add3A_132 : i32 to vector<16xi32>
      %add3A_134 = arith.addi %add3A_133, %iota3A : vector<16xi32>
      %swap3A = arith.constant 0 : index
      %swap3A_135 = tpu.vector_load %arg7[%swap3A] {strides = array<i32>} : memref<80xi32, #tpu.memory_space<vmem>>, vector<16xi32>,
      %swap3A_136 = vector.shape_cast %swap3A_135 : vector<16xi32> to vector<16xi32>
      %swap3A_137 = vector.shape_cast %add3A_134 : vector<16xi32> to vector<16xi32>
      tpu.vector_store %arg7[%swap3A], %swap3A_137 {strides = array<i32>} : memref<80xi32, #tpu.memory_space<vmem>>, vector<16xi32>,
      %mul3A_138 = arith.constant 80 : i32
      %mul3A_139 = arith.muli %add3A_39, %mul3A_138 : i32
      %add3A_140 = arith.constant 16 : i32
      %add3A_141 = arith.addi %mul3A_139, %add3A_140 : i32
      %iota3A_142 = tpu.iota {dimensions = array<i32: 0>} : vector<16xi32>
      %add3A_143 = vector.broadcast %add3A_141 : i32 to vector<16xi32>
      %add3A_144 = arith.addi %add3A_143, %iota3A_142 : vector<16xi32>
      %swap3A_145 = arith.constant 16 : index
      %swap3A_146 = tpu.vector_load %arg7[%swap3A_145] {strides = array<i32>} : memref<80xi32, #tpu.memory_space<vmem>>, vector<16xi32>,
      %swap3A_147 = vector.shape_cast %swap3A_146 : vector<16xi32> to vector<16xi32>
      %swap3A_148 = vector.shape_cast %add3A_144 : vector<16xi32> to vector<16xi32>
      tpu.vector_store %arg7[%swap3A_145], %swap3A_148 {strides = array<i32>} : memref<80xi32, #tpu.memory_space<vmem>>, vector<16xi32>,
      %mul3A_149 = arith.constant 80 : i32
      %mul3A_150 = arith.muli %add3A_39, %mul3A_149 : i32
      %add3A_151 = arith.constant 32 : i32
      %add3A_152 = arith.addi %mul3A_150, %add3A_151 : i32
      %iota3A_153 = tpu.iota {dimensions = array<i32: 0>} : vector<16xi32>
      %add3A_154 = vector.broadcast %add3A_152 : i32 to vector<16xi32>
      %add3A_155 = arith.addi %add3A_154, %iota3A_153 : vector<16xi32>
      %swap3A_156 = arith.constant 32 : index
      %swap3A_157 = tpu.vector_load %arg7[%swap3A_156] {strides = array<i32>} : memref<80xi32, #tpu.memory_space<vmem>>, vector<16xi32>,
      %swap3A_158 = vector.shape_cast %swap3A_157 : vector<16xi32> to vector<16xi32>
      %swap3A_159 = vector.shape_cast %add3A_155 : vector<16xi32> to vector<16xi32>
      tpu.vector_store %arg7[%swap3A_156], %swap3A_159 {strides = array<i32>} : memref<80xi32, #tpu.memory_space<vmem>>, vector<16xi32>,
      %mul3A_160 = arith.constant 80 : i32
      %mul3A_161 = arith.muli %add3A_39, %mul3A_160 : i32
      %add3A_162 = arith.constant 48 : i32
      %add3A_163 = arith.addi %mul3A_161, %add3A_162 : i32
      %iota3A_164 = tpu.iota {dimensions = array<i32: 0>} : vector<16xi32>
      %add3A_165 = vector.broadcast %add3A_163 : i32 to vector<16xi32>
      %add3A_166 = arith.addi %add3A_165, %iota3A_164 : vector<16xi32>
      %swap3A_167 = arith.constant 48 : index
      %swap3A_168 = tpu.vector_load %arg7[%swap3A_167] {strides = array<i32>} : memref<80xi32, #tpu.memory_space<vmem>>, vector<16xi32>,
      %swap3A_169 = vector.shape_cast %swap3A_168 : vector<16xi32> to vector<16xi32>
      %swap3A_170 = vector.shape_cast %add3A_166 : vector<16xi32> to vector<16xi32>
      tpu.vector_store %arg7[%swap3A_167], %swap3A_170 {strides = array<i32>} : memref<80xi32, #tpu.memory_space<vmem>>, vector<16xi32>,
      %mul3A_171 = arith.constant 80 : i32
      %mul3A_172 = arith.muli %add3A_39, %mul3A_171 : i32
      %add3A_173 = arith.constant 64 : i32
      %add3A_174 = arith.addi %mul3A_172, %add3A_173 : i32
      %iota3A_175 = tpu.iota {dimensions = array<i32: 0>} : vector<16xi32>
      %add3A_176 = vector.broadcast %add3A_174 : i32 to vector<16xi32>
      %add3A_177 = arith.addi %add3A_176, %iota3A_175 : vector<16xi32>
      %swap3A_178 = arith.constant 64 : index
      %swap3A_179 = tpu.vector_load %arg7[%swap3A_178] {strides = array<i32>} : memref<80xi32, #tpu.memory_space<vmem>>, vector<16xi32>,
      %swap3A_180 = vector.shape_cast %swap3A_179 : vector<16xi32> to vector<16xi32>
      %swap3A_181 = vector.shape_cast %add3A_177 : vector<16xi32> to vector<16xi32>
      tpu.vector_store %arg7[%swap3A_178], %swap3A_181 {strides = array<i32>} : memref<80xi32, #tpu.memory_space<vmem>>, vector<16xi32>,
      "tpu.region"() ({
        %run_scoped3A = tpu.sem_alloc : memref<!tpu.dma_semaphore, #tpu.memory_space<semaphore_mem>>
        %dma_start3A_182 = arith.constant 0 : i32
        %dma_start3A_183 = arith.constant 0 : i32
        %dma_start3A_184 = tpu.memref_slice %arg6[%dma_start3A_182, %dma_start3A_183] : memref<10000x128xf32, #tpu.memory_space<vmem_shared>> -> memref<10000x128xf32, #tpu.memory_space<vmem_shared>>
        tpu.enqueue_indirect_dma source(%arg11 : memref<80x128xf32, #tpu.memory_space<vmem>>) target(%dma_start3A_184 : memref<10000x128xf32, #tpu.memory_space<vmem_shared>>) offsets(%arg7 : memref<80xi32, #tpu.memory_space<vmem>>) semaphore(%run_scoped3A : memref<!tpu.dma_semaphore, #tpu.memory_space<semaphore_mem>>)
        %dma_wait3A_185 = arith.constant 0 : i32
        %dma_wait3A_186 = arith.constant 0 : i32
        %dma_wait3A_187 = tpu.memref_slice %arg6[%dma_wait3A_185, %dma_wait3A_186] : memref<10000x128xf32, #tpu.memory_space<vmem_shared>> -> memref<10000x128xf32, #tpu.memory_space<vmem_shared>>
        tpu.wait_indirect_dma semaphore(%run_scoped3A : memref<!tpu.dma_semaphore, #tpu.memory_space<semaphore_mem>>) src(%arg11 : memref<80x128xf32, #tpu.memory_space<vmem>>) dst(%dma_wait3A_187 : memref<10000x128xf32, #tpu.memory_space<vmem_shared>>)
        tpu.yield
      }) : () -> ()
    } else {
    }
    %add3A_45 = arith.constant 96 : i32
    %add3A_46 = arith.addi %arg1, %add3A_45 : i32
    %lt3A_47 = arith.constant 125 : i32
    %lt3A_48 = arith.cmpi slt, %add3A_46, %lt3A_47 : i32
    %convert_element_type3A_49 = arith.extui %lt3A_48 : i1 to i32
    %cond3A_50 = arith.constant 0 : i32
    %cond3A_51 = arith.cmpi ne, %convert_element_type3A_49, %cond3A_50 : i32
    scf.if %cond3A_51 {
      %mul3A_129 = arith.constant 80 : i32
      %mul3A_130 = arith.muli %add3A_46, %mul3A_129 : i32
      %add3A_131 = arith.constant 0 : i32
      %add3A_132 = arith.addi %mul3A_130, %add3A_131 : i32
      %iota3A = tpu.iota {dimensions = array<i32: 0>} : vector<16xi32>
      %add3A_133 = vector.broadcast %add3A_132 : i32 to vector<16xi32>
      %add3A_134 = arith.addi %add3A_133, %iota3A : vector<16xi32>
      %swap3A = arith.constant 0 : index
      %swap3A_135 = tpu.vector_load %arg7[%swap3A] {strides = array<i32>} : memref<80xi32, #tpu.memory_space<vmem>>, vector<16xi32>,
      %swap3A_136 = vector.shape_cast %swap3A_135 : vector<16xi32> to vector<16xi32>
      %swap3A_137 = vector.shape_cast %add3A_134 : vector<16xi32> to vector<16xi32>
      tpu.vector_store %arg7[%swap3A], %swap3A_137 {strides = array<i32>} : memref<80xi32, #tpu.memory_space<vmem>>, vector<16xi32>,
      %mul3A_138 = arith.constant 80 : i32
      %mul3A_139 = arith.muli %add3A_46, %mul3A_138 : i32
      %add3A_140 = arith.constant 16 : i32
      %add3A_141 = arith.addi %mul3A_139, %add3A_140 : i32
      %iota3A_142 = tpu.iota {dimensions = array<i32: 0>} : vector<16xi32>
      %add3A_143 = vector.broadcast %add3A_141 : i32 to vector<16xi32>
      %add3A_144 = arith.addi %add3A_143, %iota3A_142 : vector<16xi32>
      %swap3A_145 = arith.constant 16 : index
      %swap3A_146 = tpu.vector_load %arg7[%swap3A_145] {strides = array<i32>} : memref<80xi32, #tpu.memory_space<vmem>>, vector<16xi32>,
      %swap3A_147 = vector.shape_cast %swap3A_146 : vector<16xi32> to vector<16xi32>
      %swap3A_148 = vector.shape_cast %add3A_144 : vector<16xi32> to vector<16xi32>
      tpu.vector_store %arg7[%swap3A_145], %swap3A_148 {strides = array<i32>} : memref<80xi32, #tpu.memory_space<vmem>>, vector<16xi32>,
      %mul3A_149 = arith.constant 80 : i32
      %mul3A_150 = arith.muli %add3A_46, %mul3A_149 : i32
      %add3A_151 = arith.constant 32 : i32
      %add3A_152 = arith.addi %mul3A_150, %add3A_151 : i32
      %iota3A_153 = tpu.iota {dimensions = array<i32: 0>} : vector<16xi32>
      %add3A_154 = vector.broadcast %add3A_152 : i32 to vector<16xi32>
      %add3A_155 = arith.addi %add3A_154, %iota3A_153 : vector<16xi32>
      %swap3A_156 = arith.constant 32 : index
      %swap3A_157 = tpu.vector_load %arg7[%swap3A_156] {strides = array<i32>} : memref<80xi32, #tpu.memory_space<vmem>>, vector<16xi32>,
      %swap3A_158 = vector.shape_cast %swap3A_157 : vector<16xi32> to vector<16xi32>
      %swap3A_159 = vector.shape_cast %add3A_155 : vector<16xi32> to vector<16xi32>
      tpu.vector_store %arg7[%swap3A_156], %swap3A_159 {strides = array<i32>} : memref<80xi32, #tpu.memory_space<vmem>>, vector<16xi32>,
      %mul3A_160 = arith.constant 80 : i32
      %mul3A_161 = arith.muli %add3A_46, %mul3A_160 : i32
      %add3A_162 = arith.constant 48 : i32
      %add3A_163 = arith.addi %mul3A_161, %add3A_162 : i32
      %iota3A_164 = tpu.iota {dimensions = array<i32: 0>} : vector<16xi32>
      %add3A_165 = vector.broadcast %add3A_163 : i32 to vector<16xi32>
      %add3A_166 = arith.addi %add3A_165, %iota3A_164 : vector<16xi32>
      %swap3A_167 = arith.constant 48 : index
      %swap3A_168 = tpu.vector_load %arg7[%swap3A_167] {strides = array<i32>} : memref<80xi32, #tpu.memory_space<vmem>>, vector<16xi32>,
      %swap3A_169 = vector.shape_cast %swap3A_168 : vector<16xi32> to vector<16xi32>
      %swap3A_170 = vector.shape_cast %add3A_166 : vector<16xi32> to vector<16xi32>
      tpu.vector_store %arg7[%swap3A_167], %swap3A_170 {strides = array<i32>} : memref<80xi32, #tpu.memory_space<vmem>>, vector<16xi32>,
      %mul3A_171 = arith.constant 80 : i32
      %mul3A_172 = arith.muli %add3A_46, %mul3A_171 : i32
      %add3A_173 = arith.constant 64 : i32
      %add3A_174 = arith.addi %mul3A_172, %add3A_173 : i32
      %iota3A_175 = tpu.iota {dimensions = array<i32: 0>} : vector<16xi32>
      %add3A_176 = vector.broadcast %add3A_174 : i32 to vector<16xi32>
      %add3A_177 = arith.addi %add3A_176, %iota3A_175 : vector<16xi32>
      %swap3A_178 = arith.constant 64 : index
      %swap3A_179 = tpu.vector_load %arg7[%swap3A_178] {strides = array<i32>} : memref<80xi32, #tpu.memory_space<vmem>>, vector<16xi32>,
      %swap3A_180 = vector.shape_cast %swap3A_179 : vector<16xi32> to vector<16xi32>
      %swap3A_181 = vector.shape_cast %add3A_177 : vector<16xi32> to vector<16xi32>
      tpu.vector_store %arg7[%swap3A_178], %swap3A_181 {strides = array<i32>} : memref<80xi32, #tpu.memory_space<vmem>>, vector<16xi32>,
      "tpu.region"() ({
        %run_scoped3A = tpu.sem_alloc : memref<!tpu.dma_semaphore, #tpu.memory_space<semaphore_mem>>
        %dma_start3A_182 = arith.constant 0 : i32
        %dma_start3A_183 = arith.constant 0 : i32
        %dma_start3A_184 = tpu.memref_slice %arg6[%dma_start3A_182, %dma_start3A_183] : memref<10000x128xf32, #tpu.memory_space<vmem_shared>> -> memref<10000x128xf32, #tpu.memory_space<vmem_shared>>
        tpu.enqueue_indirect_dma source(%arg11 : memref<80x128xf32, #tpu.memory_space<vmem>>) target(%dma_start3A_184 : memref<10000x128xf32, #tpu.memory_space<vmem_shared>>) offsets(%arg7 : memref<80xi32, #tpu.memory_space<vmem>>) semaphore(%run_scoped3A : memref<!tpu.dma_semaphore, #tpu.memory_space<semaphore_mem>>)
        %dma_wait3A_185 = arith.constant 0 : i32
        %dma_wait3A_186 = arith.constant 0 : i32
        %dma_wait3A_187 = tpu.memref_slice %arg6[%dma_wait3A_185, %dma_wait3A_186] : memref<10000x128xf32, #tpu.memory_space<vmem_shared>> -> memref<10000x128xf32, #tpu.memory_space<vmem_shared>>
        tpu.wait_indirect_dma semaphore(%run_scoped3A : memref<!tpu.dma_semaphore, #tpu.memory_space<semaphore_mem>>) src(%arg11 : memref<80x128xf32, #tpu.memory_space<vmem>>) dst(%dma_wait3A_187 : memref<10000x128xf32, #tpu.memory_space<vmem_shared>>)
        tpu.yield
      }) : () -> ()
    } else {
    }
    %add3A_52 = arith.constant 112 : i32
    %add3A_53 = arith.addi %arg1, %add3A_52 : i32
    %lt3A_54 = arith.constant 125 : i32
    %lt3A_55 = arith.cmpi slt, %add3A_53, %lt3A_54 : i32
    %convert_element_type3A_56 = arith.extui %lt3A_55 : i1 to i32
    %cond3A_57 = arith.constant 0 : i32
    %cond3A_58 = arith.cmpi ne, %convert_element_type3A_56, %cond3A_57 : i32
    scf.if %cond3A_58 {
      %mul3A_129 = arith.constant 80 : i32
      %mul3A_130 = arith.muli %add3A_53, %mul3A_129 : i32
      %add3A_131 = arith.constant 0 : i32
      %add3A_132 = arith.addi %mul3A_130, %add3A_131 : i32
      %iota3A = tpu.iota {dimensions = array<i32: 0>} : vector<16xi32>
      %add3A_133 = vector.broadcast %add3A_132 : i32 to vector<16xi32>
      %add3A_134 = arith.addi %add3A_133, %iota3A : vector<16xi32>
      %swap3A = arith.constant 0 : index
      %swap3A_135 = tpu.vector_load %arg7[%swap3A] {strides = array<i32>} : memref<80xi32, #tpu.memory_space<vmem>>, vector<16xi32>,
      %swap3A_136 = vector.shape_cast %swap3A_135 : vector<16xi32> to vector<16xi32>
      %swap3A_137 = vector.shape_cast %add3A_134 : vector<16xi32> to vector<16xi32>
      tpu.vector_store %arg7[%swap3A], %swap3A_137 {strides = array<i32>} : memref<80xi32, #tpu.memory_space<vmem>>, vector<16xi32>,
      %mul3A_138 = arith.constant 80 : i32
      %mul3A_139 = arith.muli %add3A_53, %mul3A_138 : i32
      %add3A_140 = arith.constant 16 : i32
      %add3A_141 = arith.addi %mul3A_139, %add3A_140 : i32
      %iota3A_142 = tpu.iota {dimensions = array<i32: 0>} : vector<16xi32>
      %add3A_143 = vector.broadcast %add3A_141 : i32 to vector<16xi32>
      %add3A_144 = arith.addi %add3A_143, %iota3A_142 : vector<16xi32>
      %swap3A_145 = arith.constant 16 : index
      %swap3A_146 = tpu.vector_load %arg7[%swap3A_145] {strides = array<i32>} : memref<80xi32, #tpu.memory_space<vmem>>, vector<16xi32>,
      %swap3A_147 = vector.shape_cast %swap3A_146 : vector<16xi32> to vector<16xi32>
      %swap3A_148 = vector.shape_cast %add3A_144 : vector<16xi32> to vector<16xi32>
      tpu.vector_store %arg7[%swap3A_145], %swap3A_148 {strides = array<i32>} : memref<80xi32, #tpu.memory_space<vmem>>, vector<16xi32>,
      %mul3A_149 = arith.constant 80 : i32
      %mul3A_150 = arith.muli %add3A_53, %mul3A_149 : i32
      %add3A_151 = arith.constant 32 : i32
      %add3A_152 = arith.addi %mul3A_150, %add3A_151 : i32
      %iota3A_153 = tpu.iota {dimensions = array<i32: 0>} : vector<16xi32>
      %add3A_154 = vector.broadcast %add3A_152 : i32 to vector<16xi32>
      %add3A_155 = arith.addi %add3A_154, %iota3A_153 : vector<16xi32>
      %swap3A_156 = arith.constant 32 : index
      %swap3A_157 = tpu.vector_load %arg7[%swap3A_156] {strides = array<i32>} : memref<80xi32, #tpu.memory_space<vmem>>, vector<16xi32>,
      %swap3A_158 = vector.shape_cast %swap3A_157 : vector<16xi32> to vector<16xi32>
      %swap3A_159 = vector.shape_cast %add3A_155 : vector<16xi32> to vector<16xi32>
      tpu.vector_store %arg7[%swap3A_156], %swap3A_159 {strides = array<i32>} : memref<80xi32, #tpu.memory_space<vmem>>, vector<16xi32>,
      %mul3A_160 = arith.constant 80 : i32
      %mul3A_161 = arith.muli %add3A_53, %mul3A_160 : i32
      %add3A_162 = arith.constant 48 : i32
      %add3A_163 = arith.addi %mul3A_161, %add3A_162 : i32
      %iota3A_164 = tpu.iota {dimensions = array<i32: 0>} : vector<16xi32>
      %add3A_165 = vector.broadcast %add3A_163 : i32 to vector<16xi32>
      %add3A_166 = arith.addi %add3A_165, %iota3A_164 : vector<16xi32>
      %swap3A_167 = arith.constant 48 : index
      %swap3A_168 = tpu.vector_load %arg7[%swap3A_167] {strides = array<i32>} : memref<80xi32, #tpu.memory_space<vmem>>, vector<16xi32>,
      %swap3A_169 = vector.shape_cast %swap3A_168 : vector<16xi32> to vector<16xi32>
      %swap3A_170 = vector.shape_cast %add3A_166 : vector<16xi32> to vector<16xi32>
      tpu.vector_store %arg7[%swap3A_167], %swap3A_170 {strides = array<i32>} : memref<80xi32, #tpu.memory_space<vmem>>, vector<16xi32>,
      %mul3A_171 = arith.constant 80 : i32
      %mul3A_172 = arith.muli %add3A_53, %mul3A_171 : i32
      %add3A_173 = arith.constant 64 : i32
      %add3A_174 = arith.addi %mul3A_172, %add3A_173 : i32
      %iota3A_175 = tpu.iota {dimensions = array<i32: 0>} : vector<16xi32>
      %add3A_176 = vector.broadcast %add3A_174 : i32 to vector<16xi32>
      %add3A_177 = arith.addi %add3A_176, %iota3A_175 : vector<16xi32>
      %swap3A_178 = arith.constant 64 : index
      %swap3A_179 = tpu.vector_load %arg7[%swap3A_178] {strides = array<i32>} : memref<80xi32, #tpu.memory_space<vmem>>, vector<16xi32>,
      %swap3A_180 = vector.shape_cast %swap3A_179 : vector<16xi32> to vector<16xi32>
      %swap3A_181 = vector.shape_cast %add3A_177 : vector<16xi32> to vector<16xi32>
      tpu.vector_store %arg7[%swap3A_178], %swap3A_181 {strides = array<i32>} : memref<80xi32, #tpu.memory_space<vmem>>, vector<16xi32>,
      "tpu.region"() ({
        %run_scoped3A = tpu.sem_alloc : memref<!tpu.dma_semaphore, #tpu.memory_space<semaphore_mem>>
        %dma_start3A_182 = arith.constant 0 : i32
        %dma_start3A_183 = arith.constant 0 : i32
        %dma_start3A_184 = tpu.memref_slice %arg6[%dma_start3A_182, %dma_start3A_183] : memref<10000x128xf32, #tpu.memory_space<vmem_shared>> -> memref<10000x128xf32, #tpu.memory_space<vmem_shared>>
        tpu.enqueue_indirect_dma source(%arg11 : memref<80x128xf32, #tpu.memory_space<vmem>>) target(%dma_start3A_184 : memref<10000x128xf32, #tpu.memory_space<vmem_shared>>) offsets(%arg7 : memref<80xi32, #tpu.memory_space<vmem>>) semaphore(%run_scoped3A : memref<!tpu.dma_semaphore, #tpu.memory_space<semaphore_mem>>)
        %dma_wait3A_185 = arith.constant 0 : i32
        %dma_wait3A_186 = arith.constant 0 : i32
        %dma_wait3A_187 = tpu.memref_slice %arg6[%dma_wait3A_185, %dma_wait3A_186] : memref<10000x128xf32, #tpu.memory_space<vmem_shared>> -> memref<10000x128xf32, #tpu.memory_space<vmem_shared>>
        tpu.wait_indirect_dma semaphore(%run_scoped3A : memref<!tpu.dma_semaphore, #tpu.memory_space<semaphore_mem>>) src(%arg11 : memref<80x128xf32, #tpu.memory_space<vmem>>) dst(%dma_wait3A_187 : memref<10000x128xf32, #tpu.memory_space<vmem_shared>>)
        tpu.yield
      }) : () -> ()
    } else {
    }
    %barrier3A = arith.constant 0 : index
    tpu.barrier barrier_id(%barrier3A)
    %scan3A_59 = arith.constant 0 : i32
    %scan3A_60 = arith.constant 62 : i32
    %scan3A_61 = arith.addi %scan3A_59, %scan3A_60 : i32
    %scan3A_62 = arith.constant 1 : i32
    scf.for %scan3A_129 = %scan3A_59 to %scan3A_61 step %scan3A_62  : i32 {
      %mul3A_130 = arith.constant 1 : i32
      %mul3A_131 = arith.muli %scan3A_129, %mul3A_130 : i32
      %add3A_132 = arith.constant 0 : i32
      %add3A_133 = arith.addi %add3A_132, %mul3A_131 : i32
      %mul3A_134 = arith.constant 2 : i32
      %mul3A_135 = arith.muli %add3A_133, %mul3A_134 : i32
      %mul3A_136 = arith.constant 10000 : i32
      %mul3A_137 = arith.muli %add3A, %mul3A_136 : i32
      %mul3A_138 = arith.constant 80 : i32
      %mul3A_139 = arith.muli %mul3A_135, %mul3A_138 : i32
      %add3A_140 = arith.addi %mul3A_137, %mul3A_139 : i32
      "tpu.region"() ({
        %run_scoped3A = tpu.sem_alloc : memref<!tpu.dma_semaphore, #tpu.memory_space<semaphore_mem>>
        %dma_start3A_162 = tpu.memref_slice %arg3[%add3A_140] : memref<320000xi32, #tpu.memory_space<hbm>> -> memref<80xi32, #tpu.memory_space<hbm>>
        %dma_start3A_163 = tpu.memref_slice %arg3[%add3A_140] : memref<320000xi32, #tpu.memory_space<hbm>> -> memref<80xi32, #tpu.memory_space<hbm>>
        tpu.enqueue_dma source(%dma_start3A_163 : memref<80xi32, #tpu.memory_space<hbm>>) target(%arg7 : memref<80xi32, #tpu.memory_space<vmem>>) target_semaphore(%run_scoped3A : memref<!tpu.dma_semaphore, #tpu.memory_space<semaphore_mem>>)
        %dma_wait3A_164 = tpu.memref_slice %arg3[%add3A_140] : memref<320000xi32, #tpu.memory_space<hbm>> -> memref<80xi32, #tpu.memory_space<hbm>>
        %dma_wait3A_165 = tpu.memref_slice %arg3[%add3A_140] : memref<320000xi32, #tpu.memory_space<hbm>> -> memref<80xi32, #tpu.memory_space<hbm>>
        tpu.wait_dma2 semaphore(%run_scoped3A : memref<!tpu.dma_semaphore, #tpu.memory_space<semaphore_mem>>) src(%dma_wait3A_165 : memref<80xi32, #tpu.memory_space<hbm>>) dst(%arg7 : memref<80xi32, #tpu.memory_space<vmem>>)
        tpu.yield
      }) : () -> ()
      "tpu.region"() ({
        %run_scoped3A = tpu.sem_alloc : memref<!tpu.dma_semaphore, #tpu.memory_space<semaphore_mem>>
        %dma_start3A_162 = tpu.memref_slice %arg4[%add3A_140] : memref<320000xi32, #tpu.memory_space<hbm>> -> memref<80xi32, #tpu.memory_space<hbm>>
        %dma_start3A_163 = tpu.memref_slice %arg4[%add3A_140] : memref<320000xi32, #tpu.memory_space<hbm>> -> memref<80xi32, #tpu.memory_space<hbm>>
        tpu.enqueue_dma source(%dma_start3A_163 : memref<80xi32, #tpu.memory_space<hbm>>) target(%arg9 : memref<80xi32, #tpu.memory_space<vmem>>) target_semaphore(%run_scoped3A : memref<!tpu.dma_semaphore, #tpu.memory_space<semaphore_mem>>)
        %dma_wait3A_164 = tpu.memref_slice %arg4[%add3A_140] : memref<320000xi32, #tpu.memory_space<hbm>> -> memref<80xi32, #tpu.memory_space<hbm>>
        %dma_wait3A_165 = tpu.memref_slice %arg4[%add3A_140] : memref<320000xi32, #tpu.memory_space<hbm>> -> memref<80xi32, #tpu.memory_space<hbm>>
        tpu.wait_dma2 semaphore(%run_scoped3A : memref<!tpu.dma_semaphore, #tpu.memory_space<semaphore_mem>>) src(%dma_wait3A_165 : memref<80xi32, #tpu.memory_space<hbm>>) dst(%arg9 : memref<80xi32, #tpu.memory_space<vmem>>)
        tpu.yield
      }) : () -> ()
      %dma_start3A_141 = arith.constant 0 : i32
      %dma_start3A_142 = arith.constant 0 : i32
      %dma_start3A_143 = tpu.memref_slice %arg2[%dma_start3A_141, %dma_start3A_142] : memref<10000x128xf32, #tpu.memory_space<hbm>> -> memref<10000x128xf32, #tpu.memory_space<hbm>>
      tpu.enqueue_indirect_dma source(%dma_start3A_143 : memref<10000x128xf32, #tpu.memory_space<hbm>>) target(%arg11 : memref<80x128xf32, #tpu.memory_space<vmem>>) offsets(%arg7 : memref<80xi32, #tpu.memory_space<vmem>>) semaphore(%arg13 : memref<!tpu.dma_semaphore, #tpu.memory_space<semaphore_mem>>)
      %dma_wait3A_144 = arith.constant 0 : i32
      %dma_wait3A_145 = arith.constant 0 : i32
      %dma_wait3A_146 = tpu.memref_slice %arg2[%dma_wait3A_144, %dma_wait3A_145] : memref<10000x128xf32, #tpu.memory_space<hbm>> -> memref<10000x128xf32, #tpu.memory_space<hbm>>
      tpu.wait_indirect_dma semaphore(%arg13 : memref<!tpu.dma_semaphore, #tpu.memory_space<semaphore_mem>>) src(%dma_wait3A_146 : memref<10000x128xf32, #tpu.memory_space<hbm>>) dst(%arg11 : memref<80x128xf32, #tpu.memory_space<vmem>>)
      "tpu.region"() ({
        %run_scoped3A = tpu.sem_alloc : memref<!tpu.dma_semaphore, #tpu.memory_space<semaphore_mem>>
        %dma_start3A_162 = arith.constant 0 : i32
        %dma_start3A_163 = arith.constant 0 : i32
        %dma_start3A_164 = tpu.memref_slice %arg6[%dma_start3A_162, %dma_start3A_163] : memref<10000x128xf32, #tpu.memory_space<vmem_shared>> -> memref<10000x128xf32, #tpu.memory_space<vmem_shared>>
        tpu.enqueue_indirect_dma source(%arg11 : memref<80x128xf32, #tpu.memory_space<vmem>>) target(%dma_start3A_164 : memref<10000x128xf32, #tpu.memory_space<vmem_shared>>) offsets(%arg9 : memref<80xi32, #tpu.memory_space<vmem>>) semaphore(%run_scoped3A : memref<!tpu.dma_semaphore, #tpu.memory_space<semaphore_mem>>) {add = true}
        %dma_wait3A_165 = arith.constant 0 : i32
        %dma_wait3A_166 = arith.constant 0 : i32
        %dma_wait3A_167 = tpu.memref_slice %arg6[%dma_wait3A_165, %dma_wait3A_166] : memref<10000x128xf32, #tpu.memory_space<vmem_shared>> -> memref<10000x128xf32, #tpu.memory_space<vmem_shared>>
        tpu.wait_indirect_dma semaphore(%run_scoped3A : memref<!tpu.dma_semaphore, #tpu.memory_space<semaphore_mem>>) src(%arg11 : memref<80x128xf32, #tpu.memory_space<vmem>>) dst(%dma_wait3A_167 : memref<10000x128xf32, #tpu.memory_space<vmem_shared>>)
        tpu.yield
      }) : () -> ()
      %mul3A_147 = arith.constant 2 : i32
      %mul3A_148 = arith.muli %add3A_133, %mul3A_147 : i32
      %add3A_149 = arith.constant 1 : i32
      %add3A_150 = arith.addi %mul3A_148, %add3A_149 : i32
      %mul3A_151 = arith.constant 10000 : i32
      %mul3A_152 = arith.muli %add3A, %mul3A_151 : i32
      %mul3A_153 = arith.constant 80 : i32
      %mul3A_154 = arith.muli %add3A_150, %mul3A_153 : i32
      %add3A_155 = arith.addi %mul3A_152, %mul3A_154 : i32
      "tpu.region"() ({
        %run_scoped3A = tpu.sem_alloc : memref<!tpu.dma_semaphore, #tpu.memory_space<semaphore_mem>>
        %dma_start3A_162 = tpu.memref_slice %arg3[%add3A_155] : memref<320000xi32, #tpu.memory_space<hbm>> -> memref<80xi32, #tpu.memory_space<hbm>>
        %dma_start3A_163 = tpu.memref_slice %arg3[%add3A_155] : memref<320000xi32, #tpu.memory_space<hbm>> -> memref<80xi32, #tpu.memory_space<hbm>>
        tpu.enqueue_dma source(%dma_start3A_163 : memref<80xi32, #tpu.memory_space<hbm>>) target(%arg8 : memref<80xi32, #tpu.memory_space<vmem>>) target_semaphore(%run_scoped3A : memref<!tpu.dma_semaphore, #tpu.memory_space<semaphore_mem>>)
        %dma_wait3A_164 = tpu.memref_slice %arg3[%add3A_155] : memref<320000xi32, #tpu.memory_space<hbm>> -> memref<80xi32, #tpu.memory_space<hbm>>
        %dma_wait3A_165 = tpu.memref_slice %arg3[%add3A_155] : memref<320000xi32, #tpu.memory_space<hbm>> -> memref<80xi32, #tpu.memory_space<hbm>>
        tpu.wait_dma2 semaphore(%run_scoped3A : memref<!tpu.dma_semaphore, #tpu.memory_space<semaphore_mem>>) src(%dma_wait3A_165 : memref<80xi32, #tpu.memory_space<hbm>>) dst(%arg8 : memref<80xi32, #tpu.memory_space<vmem>>)
        tpu.yield
      }) : () -> ()
      "tpu.region"() ({
        %run_scoped3A = tpu.sem_alloc : memref<!tpu.dma_semaphore, #tpu.memory_space<semaphore_mem>>
        %dma_start3A_162 = tpu.memref_slice %arg4[%add3A_155] : memref<320000xi32, #tpu.memory_space<hbm>> -> memref<80xi32, #tpu.memory_space<hbm>>
        %dma_start3A_163 = tpu.memref_slice %arg4[%add3A_155] : memref<320000xi32, #tpu.memory_space<hbm>> -> memref<80xi32, #tpu.memory_space<hbm>>
        tpu.enqueue_dma source(%dma_start3A_163 : memref<80xi32, #tpu.memory_space<hbm>>) target(%arg10 : memref<80xi32, #tpu.memory_space<vmem>>) target_semaphore(%run_scoped3A : memref<!tpu.dma_semaphore, #tpu.memory_space<semaphore_mem>>)
        %dma_wait3A_164 = tpu.memref_slice %arg4[%add3A_155] : memref<320000xi32, #tpu.memory_space<hbm>> -> memref<80xi32, #tpu.memory_space<hbm>>
        %dma_wait3A_165 = tpu.memref_slice %arg4[%add3A_155] : memref<320000xi32, #tpu.memory_space<hbm>> -> memref<80xi32, #tpu.memory_space<hbm>>
        tpu.wait_dma2 semaphore(%run_scoped3A : memref<!tpu.dma_semaphore, #tpu.memory_space<semaphore_mem>>) src(%dma_wait3A_165 : memref<80xi32, #tpu.memory_space<hbm>>) dst(%arg10 : memref<80xi32, #tpu.memory_space<vmem>>)
        tpu.yield
      }) : () -> ()
      %dma_start3A_156 = arith.constant 0 : i32
      %dma_start3A_157 = arith.constant 0 : i32
      %dma_start3A_158 = tpu.memref_slice %arg2[%dma_start3A_156, %dma_start3A_157] : memref<10000x128xf32, #tpu.memory_space<hbm>> -> memref<10000x128xf32, #tpu.memory_space<hbm>>
      tpu.enqueue_indirect_dma source(%dma_start3A_158 : memref<10000x128xf32, #tpu.memory_space<hbm>>) target(%arg12 : memref<80x128xf32, #tpu.memory_space<vmem>>) offsets(%arg8 : memref<80xi32, #tpu.memory_space<vmem>>) semaphore(%arg13 : memref<!tpu.dma_semaphore, #tpu.memory_space<semaphore_mem>>)
      %dma_wait3A_159 = arith.constant 0 : i32
      %dma_wait3A_160 = arith.constant 0 : i32
      %dma_wait3A_161 = tpu.memref_slice %arg2[%dma_wait3A_159, %dma_wait3A_160] : memref<10000x128xf32, #tpu.memory_space<hbm>> -> memref<10000x128xf32, #tpu.memory_space<hbm>>
      tpu.wait_indirect_dma semaphore(%arg13 : memref<!tpu.dma_semaphore, #tpu.memory_space<semaphore_mem>>) src(%dma_wait3A_161 : memref<10000x128xf32, #tpu.memory_space<hbm>>) dst(%arg12 : memref<80x128xf32, #tpu.memory_space<vmem>>)
      "tpu.region"() ({
        %run_scoped3A = tpu.sem_alloc : memref<!tpu.dma_semaphore, #tpu.memory_space<semaphore_mem>>
        %dma_start3A_162 = arith.constant 0 : i32
        %dma_start3A_163 = arith.constant 0 : i32
        %dma_start3A_164 = tpu.memref_slice %arg6[%dma_start3A_162, %dma_start3A_163] : memref<10000x128xf32, #tpu.memory_space<vmem_shared>> -> memref<10000x128xf32, #tpu.memory_space<vmem_shared>>
        tpu.enqueue_indirect_dma source(%arg12 : memref<80x128xf32, #tpu.memory_space<vmem>>) target(%dma_start3A_164 : memref<10000x128xf32, #tpu.memory_space<vmem_shared>>) offsets(%arg10 : memref<80xi32, #tpu.memory_space<vmem>>) semaphore(%run_scoped3A : memref<!tpu.dma_semaphore, #tpu.memory_space<semaphore_mem>>) {add = true}
        %dma_wait3A_165 = arith.constant 0 : i32
        %dma_wait3A_166 = arith.constant 0 : i32
        %dma_wait3A_167 = tpu.memref_slice %arg6[%dma_wait3A_165, %dma_wait3A_166] : memref<10000x128xf32, #tpu.memory_space<vmem_shared>> -> memref<10000x128xf32, #tpu.memory_space<vmem_shared>>
        tpu.wait_indirect_dma semaphore(%run_scoped3A : memref<!tpu.dma_semaphore, #tpu.memory_space<semaphore_mem>>) src(%arg12 : memref<80x128xf32, #tpu.memory_space<vmem>>) dst(%dma_wait3A_167 : memref<10000x128xf32, #tpu.memory_space<vmem_shared>>)
        tpu.yield
      }) : () -> ()
    }
    %scan3A_63 = arith.constant 62 : i32
    %mul3A_64 = arith.constant 10000 : i32
    %mul3A_65 = arith.muli %add3A, %mul3A_64 : i32
    %add3A_66 = arith.constant 9920 : i32
    %add3A_67 = arith.addi %mul3A_65, %add3A_66 : i32
    "tpu.region"() ({
      %run_scoped3A = tpu.sem_alloc : memref<!tpu.dma_semaphore, #tpu.memory_space<semaphore_mem>>
      %dma_start3A_129 = tpu.memref_slice %arg3[%add3A_67] : memref<320000xi32, #tpu.memory_space<hbm>> -> memref<80xi32, #tpu.memory_space<hbm>>
      %dma_start3A_130 = tpu.memref_slice %arg3[%add3A_67] : memref<320000xi32, #tpu.memory_space<hbm>> -> memref<80xi32, #tpu.memory_space<hbm>>
      tpu.enqueue_dma source(%dma_start3A_130 : memref<80xi32, #tpu.memory_space<hbm>>) target(%arg8 : memref<80xi32, #tpu.memory_space<vmem>>) target_semaphore(%run_scoped3A : memref<!tpu.dma_semaphore, #tpu.memory_space<semaphore_mem>>)
      %dma_wait3A_131 = tpu.memref_slice %arg3[%add3A_67] : memref<320000xi32, #tpu.memory_space<hbm>> -> memref<80xi32, #tpu.memory_space<hbm>>
      %dma_wait3A_132 = tpu.memref_slice %arg3[%add3A_67] : memref<320000xi32, #tpu.memory_space<hbm>> -> memref<80xi32, #tpu.memory_space<hbm>>
      tpu.wait_dma2 semaphore(%run_scoped3A : memref<!tpu.dma_semaphore, #tpu.memory_space<semaphore_mem>>) src(%dma_wait3A_132 : memref<80xi32, #tpu.memory_space<hbm>>) dst(%arg8 : memref<80xi32, #tpu.memory_space<vmem>>)
      tpu.yield
    }) : () -> ()
    "tpu.region"() ({
      %run_scoped3A = tpu.sem_alloc : memref<!tpu.dma_semaphore, #tpu.memory_space<semaphore_mem>>
      %dma_start3A_129 = tpu.memref_slice %arg4[%add3A_67] : memref<320000xi32, #tpu.memory_space<hbm>> -> memref<80xi32, #tpu.memory_space<hbm>>
      %dma_start3A_130 = tpu.memref_slice %arg4[%add3A_67] : memref<320000xi32, #tpu.memory_space<hbm>> -> memref<80xi32, #tpu.memory_space<hbm>>
      tpu.enqueue_dma source(%dma_start3A_130 : memref<80xi32, #tpu.memory_space<hbm>>) target(%arg10 : memref<80xi32, #tpu.memory_space<vmem>>) target_semaphore(%run_scoped3A : memref<!tpu.dma_semaphore, #tpu.memory_space<semaphore_mem>>)
      %dma_wait3A_131 = tpu.memref_slice %arg4[%add3A_67] : memref<320000xi32, #tpu.memory_space<hbm>> -> memref<80xi32, #tpu.memory_space<hbm>>
      %dma_wait3A_132 = tpu.memref_slice %arg4[%add3A_67] : memref<320000xi32, #tpu.memory_space<hbm>> -> memref<80xi32, #tpu.memory_space<hbm>>
      tpu.wait_dma2 semaphore(%run_scoped3A : memref<!tpu.dma_semaphore, #tpu.memory_space<semaphore_mem>>) src(%dma_wait3A_132 : memref<80xi32, #tpu.memory_space<hbm>>) dst(%arg10 : memref<80xi32, #tpu.memory_space<vmem>>)
      tpu.yield
    }) : () -> ()
    %dma_start3A = arith.constant 0 : i32
    %dma_start3A_68 = arith.constant 0 : i32
    %dma_start3A_69 = tpu.memref_slice %arg2[%dma_start3A, %dma_start3A_68] : memref<10000x128xf32, #tpu.memory_space<hbm>> -> memref<10000x128xf32, #tpu.memory_space<hbm>>
    tpu.enqueue_indirect_dma source(%dma_start3A_69 : memref<10000x128xf32, #tpu.memory_space<hbm>>) target(%arg12 : memref<80x128xf32, #tpu.memory_space<vmem>>) offsets(%arg8 : memref<80xi32, #tpu.memory_space<vmem>>) semaphore(%arg13 : memref<!tpu.dma_semaphore, #tpu.memory_space<semaphore_mem>>)
    %dma_wait3A = arith.constant 0 : i32
    %dma_wait3A_70 = arith.constant 0 : i32
    %dma_wait3A_71 = tpu.memref_slice %arg2[%dma_wait3A, %dma_wait3A_70] : memref<10000x128xf32, #tpu.memory_space<hbm>> -> memref<10000x128xf32, #tpu.memory_space<hbm>>
    tpu.wait_indirect_dma semaphore(%arg13 : memref<!tpu.dma_semaphore, #tpu.memory_space<semaphore_mem>>) src(%dma_wait3A_71 : memref<10000x128xf32, #tpu.memory_space<hbm>>) dst(%arg12 : memref<80x128xf32, #tpu.memory_space<vmem>>)
    "tpu.region"() ({
      %run_scoped3A = tpu.sem_alloc : memref<!tpu.dma_semaphore, #tpu.memory_space<semaphore_mem>>
      %dma_start3A_129 = arith.constant 0 : i32
      %dma_start3A_130 = arith.constant 0 : i32
      %dma_start3A_131 = tpu.memref_slice %arg6[%dma_start3A_129, %dma_start3A_130] : memref<10000x128xf32, #tpu.memory_space<vmem_shared>> -> memref<10000x128xf32, #tpu.memory_space<vmem_shared>>
      tpu.enqueue_indirect_dma source(%arg12 : memref<80x128xf32, #tpu.memory_space<vmem>>) target(%dma_start3A_131 : memref<10000x128xf32, #tpu.memory_space<vmem_shared>>) offsets(%arg10 : memref<80xi32, #tpu.memory_space<vmem>>) semaphore(%run_scoped3A : memref<!tpu.dma_semaphore, #tpu.memory_space<semaphore_mem>>) {add = true}
      %dma_wait3A_132 = arith.constant 0 : i32
      %dma_wait3A_133 = arith.constant 0 : i32
      %dma_wait3A_134 = tpu.memref_slice %arg6[%dma_wait3A_132, %dma_wait3A_133] : memref<10000x128xf32, #tpu.memory_space<vmem_shared>> -> memref<10000x128xf32, #tpu.memory_space<vmem_shared>>
      tpu.wait_indirect_dma semaphore(%run_scoped3A : memref<!tpu.dma_semaphore, #tpu.memory_space<semaphore_mem>>) src(%arg12 : memref<80x128xf32, #tpu.memory_space<vmem>>) dst(%dma_wait3A_134 : memref<10000x128xf32, #tpu.memory_space<vmem_shared>>)
      tpu.yield
    }) : () -> ()
    %barrier3A_72 = arith.constant 0 : index
    tpu.barrier barrier_id(%barrier3A_72)
    %add3A_73 = arith.constant 0 : i32
    %add3A_74 = arith.addi %arg1, %add3A_73 : i32
    %lt3A_75 = arith.constant 125 : i32
    %lt3A_76 = arith.cmpi slt, %add3A_74, %lt3A_75 : i32
    %convert_element_type3A_77 = arith.extui %lt3A_76 : i1 to i32
    %cond3A_78 = arith.constant 0 : i32
    %cond3A_79 = arith.cmpi ne, %convert_element_type3A_77, %cond3A_78 : i32
    scf.if %cond3A_79 {
      %mul3A_129 = arith.constant 80 : i32
      %mul3A_130 = arith.muli %add3A_74, %mul3A_129 : i32
      %add3A_131 = arith.constant 0 : i32
      %add3A_132 = arith.addi %mul3A_130, %add3A_131 : i32
      %iota3A = tpu.iota {dimensions = array<i32: 0>} : vector<16xi32>
      %add3A_133 = vector.broadcast %add3A_132 : i32 to vector<16xi32>
      %add3A_134 = arith.addi %add3A_133, %iota3A : vector<16xi32>
      %swap3A = arith.constant 0 : index
      %swap3A_135 = tpu.vector_load %arg7[%swap3A] {strides = array<i32>} : memref<80xi32, #tpu.memory_space<vmem>>, vector<16xi32>,
      %swap3A_136 = vector.shape_cast %swap3A_135 : vector<16xi32> to vector<16xi32>
      %swap3A_137 = vector.shape_cast %add3A_134 : vector<16xi32> to vector<16xi32>
      tpu.vector_store %arg7[%swap3A], %swap3A_137 {strides = array<i32>} : memref<80xi32, #tpu.memory_space<vmem>>, vector<16xi32>,
      %mul3A_138 = arith.constant 80 : i32
      %mul3A_139 = arith.muli %add3A_74, %mul3A_138 : i32
      %add3A_140 = arith.constant 16 : i32
      %add3A_141 = arith.addi %mul3A_139, %add3A_140 : i32
      %iota3A_142 = tpu.iota {dimensions = array<i32: 0>} : vector<16xi32>
      %add3A_143 = vector.broadcast %add3A_141 : i32 to vector<16xi32>
      %add3A_144 = arith.addi %add3A_143, %iota3A_142 : vector<16xi32>
      %swap3A_145 = arith.constant 16 : index
      %swap3A_146 = tpu.vector_load %arg7[%swap3A_145] {strides = array<i32>} : memref<80xi32, #tpu.memory_space<vmem>>, vector<16xi32>,
      %swap3A_147 = vector.shape_cast %swap3A_146 : vector<16xi32> to vector<16xi32>
      %swap3A_148 = vector.shape_cast %add3A_144 : vector<16xi32> to vector<16xi32>
      tpu.vector_store %arg7[%swap3A_145], %swap3A_148 {strides = array<i32>} : memref<80xi32, #tpu.memory_space<vmem>>, vector<16xi32>,
      %mul3A_149 = arith.constant 80 : i32
      %mul3A_150 = arith.muli %add3A_74, %mul3A_149 : i32
      %add3A_151 = arith.constant 32 : i32
      %add3A_152 = arith.addi %mul3A_150, %add3A_151 : i32
      %iota3A_153 = tpu.iota {dimensions = array<i32: 0>} : vector<16xi32>
      %add3A_154 = vector.broadcast %add3A_152 : i32 to vector<16xi32>
      %add3A_155 = arith.addi %add3A_154, %iota3A_153 : vector<16xi32>
      %swap3A_156 = arith.constant 32 : index
      %swap3A_157 = tpu.vector_load %arg7[%swap3A_156] {strides = array<i32>} : memref<80xi32, #tpu.memory_space<vmem>>, vector<16xi32>,
      %swap3A_158 = vector.shape_cast %swap3A_157 : vector<16xi32> to vector<16xi32>
      %swap3A_159 = vector.shape_cast %add3A_155 : vector<16xi32> to vector<16xi32>
      tpu.vector_store %arg7[%swap3A_156], %swap3A_159 {strides = array<i32>} : memref<80xi32, #tpu.memory_space<vmem>>, vector<16xi32>,
      %mul3A_160 = arith.constant 80 : i32
      %mul3A_161 = arith.muli %add3A_74, %mul3A_160 : i32
      %add3A_162 = arith.constant 48 : i32
      %add3A_163 = arith.addi %mul3A_161, %add3A_162 : i32
      %iota3A_164 = tpu.iota {dimensions = array<i32: 0>} : vector<16xi32>
      %add3A_165 = vector.broadcast %add3A_163 : i32 to vector<16xi32>
      %add3A_166 = arith.addi %add3A_165, %iota3A_164 : vector<16xi32>
      %swap3A_167 = arith.constant 48 : index
      %swap3A_168 = tpu.vector_load %arg7[%swap3A_167] {strides = array<i32>} : memref<80xi32, #tpu.memory_space<vmem>>, vector<16xi32>,
      %swap3A_169 = vector.shape_cast %swap3A_168 : vector<16xi32> to vector<16xi32>
      %swap3A_170 = vector.shape_cast %add3A_166 : vector<16xi32> to vector<16xi32>
      tpu.vector_store %arg7[%swap3A_167], %swap3A_170 {strides = array<i32>} : memref<80xi32, #tpu.memory_space<vmem>>, vector<16xi32>,
      %mul3A_171 = arith.constant 80 : i32
      %mul3A_172 = arith.muli %add3A_74, %mul3A_171 : i32
      %add3A_173 = arith.constant 64 : i32
      %add3A_174 = arith.addi %mul3A_172, %add3A_173 : i32
      %iota3A_175 = tpu.iota {dimensions = array<i32: 0>} : vector<16xi32>
      %add3A_176 = vector.broadcast %add3A_174 : i32 to vector<16xi32>
      %add3A_177 = arith.addi %add3A_176, %iota3A_175 : vector<16xi32>
      %swap3A_178 = arith.constant 64 : index
      %swap3A_179 = tpu.vector_load %arg7[%swap3A_178] {strides = array<i32>} : memref<80xi32, #tpu.memory_space<vmem>>, vector<16xi32>,
      %swap3A_180 = vector.shape_cast %swap3A_179 : vector<16xi32> to vector<16xi32>
      %swap3A_181 = vector.shape_cast %add3A_177 : vector<16xi32> to vector<16xi32>
      tpu.vector_store %arg7[%swap3A_178], %swap3A_181 {strides = array<i32>} : memref<80xi32, #tpu.memory_space<vmem>>, vector<16xi32>,
      "tpu.region"() ({
        %run_scoped3A = tpu.sem_alloc : memref<!tpu.dma_semaphore, #tpu.memory_space<semaphore_mem>>
        %dma_start3A_187 = arith.constant 0 : i32
        %dma_start3A_188 = arith.constant 0 : i32
        %dma_start3A_189 = tpu.memref_slice %arg6[%dma_start3A_187, %dma_start3A_188] : memref<10000x128xf32, #tpu.memory_space<vmem_shared>> -> memref<10000x128xf32, #tpu.memory_space<vmem_shared>>
        tpu.enqueue_indirect_dma source(%dma_start3A_189 : memref<10000x128xf32, #tpu.memory_space<vmem_shared>>) target(%arg11 : memref<80x128xf32, #tpu.memory_space<vmem>>) offsets(%arg7 : memref<80xi32, #tpu.memory_space<vmem>>) semaphore(%run_scoped3A : memref<!tpu.dma_semaphore, #tpu.memory_space<semaphore_mem>>)
        %dma_wait3A_190 = arith.constant 0 : i32
        %dma_wait3A_191 = arith.constant 0 : i32
        %dma_wait3A_192 = tpu.memref_slice %arg6[%dma_wait3A_190, %dma_wait3A_191] : memref<10000x128xf32, #tpu.memory_space<vmem_shared>> -> memref<10000x128xf32, #tpu.memory_space<vmem_shared>>
        tpu.wait_indirect_dma semaphore(%run_scoped3A : memref<!tpu.dma_semaphore, #tpu.memory_space<semaphore_mem>>) src(%dma_wait3A_192 : memref<10000x128xf32, #tpu.memory_space<vmem_shared>>) dst(%arg11 : memref<80x128xf32, #tpu.memory_space<vmem>>)
        tpu.yield
      }) : () -> ()
      %mul3A_182 = arith.constant 10000 : i32
      %mul3A_183 = arith.muli %arg0, %mul3A_182 : i32
      %mul3A_184 = arith.constant 80 : i32
      %mul3A_185 = arith.muli %add3A_74, %mul3A_184 : i32
      %add3A_186 = arith.addi %mul3A_183, %mul3A_185 : i32
      "tpu.region"() ({
        %run_scoped3A = tpu.sem_alloc : memref<!tpu.dma_semaphore, #tpu.memory_space<semaphore_mem>>
        %dma_start3A_187 = arith.constant 0 : i32
        %dma_start3A_188 = tpu.memref_slice %arg5[%add3A_186, %dma_start3A_187] : memref<20000x128xf32, #tpu.memory_space<hbm>> -> memref<80x128xf32, #tpu.memory_space<hbm>>
        %dma_start3A_189 = arith.constant 0 : i32
        %dma_start3A_190 = tpu.memref_slice %arg5[%add3A_186, %dma_start3A_189] : memref<20000x128xf32, #tpu.memory_space<hbm>> -> memref<80x128xf32, #tpu.memory_space<hbm>>
        tpu.enqueue_dma source(%arg11 : memref<80x128xf32, #tpu.memory_space<vmem>>) target(%dma_start3A_190 : memref<80x128xf32, #tpu.memory_space<hbm>>) target_semaphore(%run_scoped3A : memref<!tpu.dma_semaphore, #tpu.memory_space<semaphore_mem>>)
        %dma_wait3A_191 = arith.constant 0 : i32
        %dma_wait3A_192 = tpu.memref_slice %arg5[%add3A_186, %dma_wait3A_191] : memref<20000x128xf32, #tpu.memory_space<hbm>> -> memref<80x128xf32, #tpu.memory_space<hbm>>
        %dma_wait3A_193 = arith.constant 0 : i32
        %dma_wait3A_194 = tpu.memref_slice %arg5[%add3A_186, %dma_wait3A_193] : memref<20000x128xf32, #tpu.memory_space<hbm>> -> memref<80x128xf32, #tpu.memory_space<hbm>>
        tpu.wait_dma2 semaphore(%run_scoped3A : memref<!tpu.dma_semaphore, #tpu.memory_space<semaphore_mem>>) src(%arg11 : memref<80x128xf32, #tpu.memory_space<vmem>>) dst(%dma_wait3A_194 : memref<80x128xf32, #tpu.memory_space<hbm>>)
        tpu.yield
      }) : () -> ()
    } else {
    }
    %add3A_80 = arith.constant 16 : i32
    %add3A_81 = arith.addi %arg1, %add3A_80 : i32
    %lt3A_82 = arith.constant 125 : i32
    %lt3A_83 = arith.cmpi slt, %add3A_81, %lt3A_82 : i32
    %convert_element_type3A_84 = arith.extui %lt3A_83 : i1 to i32
    %cond3A_85 = arith.constant 0 : i32
    %cond3A_86 = arith.cmpi ne, %convert_element_type3A_84, %cond3A_85 : i32
    scf.if %cond3A_86 {
      %mul3A_129 = arith.constant 80 : i32
      %mul3A_130 = arith.muli %add3A_81, %mul3A_129 : i32
      %add3A_131 = arith.constant 0 : i32
      %add3A_132 = arith.addi %mul3A_130, %add3A_131 : i32
      %iota3A = tpu.iota {dimensions = array<i32: 0>} : vector<16xi32>
      %add3A_133 = vector.broadcast %add3A_132 : i32 to vector<16xi32>
      %add3A_134 = arith.addi %add3A_133, %iota3A : vector<16xi32>
      %swap3A = arith.constant 0 : index
      %swap3A_135 = tpu.vector_load %arg7[%swap3A] {strides = array<i32>} : memref<80xi32, #tpu.memory_space<vmem>>, vector<16xi32>,
      %swap3A_136 = vector.shape_cast %swap3A_135 : vector<16xi32> to vector<16xi32>
      %swap3A_137 = vector.shape_cast %add3A_134 : vector<16xi32> to vector<16xi32>
      tpu.vector_store %arg7[%swap3A], %swap3A_137 {strides = array<i32>} : memref<80xi32, #tpu.memory_space<vmem>>, vector<16xi32>,
      %mul3A_138 = arith.constant 80 : i32
      %mul3A_139 = arith.muli %add3A_81, %mul3A_138 : i32
      %add3A_140 = arith.constant 16 : i32
      %add3A_141 = arith.addi %mul3A_139, %add3A_140 : i32
      %iota3A_142 = tpu.iota {dimensions = array<i32: 0>} : vector<16xi32>
      %add3A_143 = vector.broadcast %add3A_141 : i32 to vector<16xi32>
      %add3A_144 = arith.addi %add3A_143, %iota3A_142 : vector<16xi32>
      %swap3A_145 = arith.constant 16 : index
      %swap3A_146 = tpu.vector_load %arg7[%swap3A_145] {strides = array<i32>} : memref<80xi32, #tpu.memory_space<vmem>>, vector<16xi32>,
      %swap3A_147 = vector.shape_cast %swap3A_146 : vector<16xi32> to vector<16xi32>
      %swap3A_148 = vector.shape_cast %add3A_144 : vector<16xi32> to vector<16xi32>
      tpu.vector_store %arg7[%swap3A_145], %swap3A_148 {strides = array<i32>} : memref<80xi32, #tpu.memory_space<vmem>>, vector<16xi32>,
      %mul3A_149 = arith.constant 80 : i32
      %mul3A_150 = arith.muli %add3A_81, %mul3A_149 : i32
      %add3A_151 = arith.constant 32 : i32
      %add3A_152 = arith.addi %mul3A_150, %add3A_151 : i32
      %iota3A_153 = tpu.iota {dimensions = array<i32: 0>} : vector<16xi32>
      %add3A_154 = vector.broadcast %add3A_152 : i32 to vector<16xi32>
      %add3A_155 = arith.addi %add3A_154, %iota3A_153 : vector<16xi32>
      %swap3A_156 = arith.constant 32 : index
      %swap3A_157 = tpu.vector_load %arg7[%swap3A_156] {strides = array<i32>} : memref<80xi32, #tpu.memory_space<vmem>>, vector<16xi32>,
      %swap3A_158 = vector.shape_cast %swap3A_157 : vector<16xi32> to vector<16xi32>
      %swap3A_159 = vector.shape_cast %add3A_155 : vector<16xi32> to vector<16xi32>
      tpu.vector_store %arg7[%swap3A_156], %swap3A_159 {strides = array<i32>} : memref<80xi32, #tpu.memory_space<vmem>>, vector<16xi32>,
      %mul3A_160 = arith.constant 80 : i32
      %mul3A_161 = arith.muli %add3A_81, %mul3A_160 : i32
      %add3A_162 = arith.constant 48 : i32
      %add3A_163 = arith.addi %mul3A_161, %add3A_162 : i32
      %iota3A_164 = tpu.iota {dimensions = array<i32: 0>} : vector<16xi32>
      %add3A_165 = vector.broadcast %add3A_163 : i32 to vector<16xi32>
      %add3A_166 = arith.addi %add3A_165, %iota3A_164 : vector<16xi32>
      %swap3A_167 = arith.constant 48 : index
      %swap3A_168 = tpu.vector_load %arg7[%swap3A_167] {strides = array<i32>} : memref<80xi32, #tpu.memory_space<vmem>>, vector<16xi32>,
      %swap3A_169 = vector.shape_cast %swap3A_168 : vector<16xi32> to vector<16xi32>
      %swap3A_170 = vector.shape_cast %add3A_166 : vector<16xi32> to vector<16xi32>
      tpu.vector_store %arg7[%swap3A_167], %swap3A_170 {strides = array<i32>} : memref<80xi32, #tpu.memory_space<vmem>>, vector<16xi32>,
      %mul3A_171 = arith.constant 80 : i32
      %mul3A_172 = arith.muli %add3A_81, %mul3A_171 : i32
      %add3A_173 = arith.constant 64 : i32
      %add3A_174 = arith.addi %mul3A_172, %add3A_173 : i32
      %iota3A_175 = tpu.iota {dimensions = array<i32: 0>} : vector<16xi32>
      %add3A_176 = vector.broadcast %add3A_174 : i32 to vector<16xi32>
      %add3A_177 = arith.addi %add3A_176, %iota3A_175 : vector<16xi32>
      %swap3A_178 = arith.constant 64 : index
      %swap3A_179 = tpu.vector_load %arg7[%swap3A_178] {strides = array<i32>} : memref<80xi32, #tpu.memory_space<vmem>>, vector<16xi32>,
      %swap3A_180 = vector.shape_cast %swap3A_179 : vector<16xi32> to vector<16xi32>
      %swap3A_181 = vector.shape_cast %add3A_177 : vector<16xi32> to vector<16xi32>
      tpu.vector_store %arg7[%swap3A_178], %swap3A_181 {strides = array<i32>} : memref<80xi32, #tpu.memory_space<vmem>>, vector<16xi32>,
      "tpu.region"() ({
        %run_scoped3A = tpu.sem_alloc : memref<!tpu.dma_semaphore, #tpu.memory_space<semaphore_mem>>
        %dma_start3A_187 = arith.constant 0 : i32
        %dma_start3A_188 = arith.constant 0 : i32
        %dma_start3A_189 = tpu.memref_slice %arg6[%dma_start3A_187, %dma_start3A_188] : memref<10000x128xf32, #tpu.memory_space<vmem_shared>> -> memref<10000x128xf32, #tpu.memory_space<vmem_shared>>
        tpu.enqueue_indirect_dma source(%dma_start3A_189 : memref<10000x128xf32, #tpu.memory_space<vmem_shared>>) target(%arg11 : memref<80x128xf32, #tpu.memory_space<vmem>>) offsets(%arg7 : memref<80xi32, #tpu.memory_space<vmem>>) semaphore(%run_scoped3A : memref<!tpu.dma_semaphore, #tpu.memory_space<semaphore_mem>>)
        %dma_wait3A_190 = arith.constant 0 : i32
        %dma_wait3A_191 = arith.constant 0 : i32
        %dma_wait3A_192 = tpu.memref_slice %arg6[%dma_wait3A_190, %dma_wait3A_191] : memref<10000x128xf32, #tpu.memory_space<vmem_shared>> -> memref<10000x128xf32, #tpu.memory_space<vmem_shared>>
        tpu.wait_indirect_dma semaphore(%run_scoped3A : memref<!tpu.dma_semaphore, #tpu.memory_space<semaphore_mem>>) src(%dma_wait3A_192 : memref<10000x128xf32, #tpu.memory_space<vmem_shared>>) dst(%arg11 : memref<80x128xf32, #tpu.memory_space<vmem>>)
        tpu.yield
      }) : () -> ()
      %mul3A_182 = arith.constant 10000 : i32
      %mul3A_183 = arith.muli %arg0, %mul3A_182 : i32
      %mul3A_184 = arith.constant 80 : i32
      %mul3A_185 = arith.muli %add3A_81, %mul3A_184 : i32
      %add3A_186 = arith.addi %mul3A_183, %mul3A_185 : i32
      "tpu.region"() ({
        %run_scoped3A = tpu.sem_alloc : memref<!tpu.dma_semaphore, #tpu.memory_space<semaphore_mem>>
        %dma_start3A_187 = arith.constant 0 : i32
        %dma_start3A_188 = tpu.memref_slice %arg5[%add3A_186, %dma_start3A_187] : memref<20000x128xf32, #tpu.memory_space<hbm>> -> memref<80x128xf32, #tpu.memory_space<hbm>>
        %dma_start3A_189 = arith.constant 0 : i32
        %dma_start3A_190 = tpu.memref_slice %arg5[%add3A_186, %dma_start3A_189] : memref<20000x128xf32, #tpu.memory_space<hbm>> -> memref<80x128xf32, #tpu.memory_space<hbm>>
        tpu.enqueue_dma source(%arg11 : memref<80x128xf32, #tpu.memory_space<vmem>>) target(%dma_start3A_190 : memref<80x128xf32, #tpu.memory_space<hbm>>) target_semaphore(%run_scoped3A : memref<!tpu.dma_semaphore, #tpu.memory_space<semaphore_mem>>)
        %dma_wait3A_191 = arith.constant 0 : i32
        %dma_wait3A_192 = tpu.memref_slice %arg5[%add3A_186, %dma_wait3A_191] : memref<20000x128xf32, #tpu.memory_space<hbm>> -> memref<80x128xf32, #tpu.memory_space<hbm>>
        %dma_wait3A_193 = arith.constant 0 : i32
        %dma_wait3A_194 = tpu.memref_slice %arg5[%add3A_186, %dma_wait3A_193] : memref<20000x128xf32, #tpu.memory_space<hbm>> -> memref<80x128xf32, #tpu.memory_space<hbm>>
        tpu.wait_dma2 semaphore(%run_scoped3A : memref<!tpu.dma_semaphore, #tpu.memory_space<semaphore_mem>>) src(%arg11 : memref<80x128xf32, #tpu.memory_space<vmem>>) dst(%dma_wait3A_194 : memref<80x128xf32, #tpu.memory_space<hbm>>)
        tpu.yield
      }) : () -> ()
    } else {
    }
    %add3A_87 = arith.constant 32 : i32
    %add3A_88 = arith.addi %arg1, %add3A_87 : i32
    %lt3A_89 = arith.constant 125 : i32
    %lt3A_90 = arith.cmpi slt, %add3A_88, %lt3A_89 : i32
    %convert_element_type3A_91 = arith.extui %lt3A_90 : i1 to i32
    %cond3A_92 = arith.constant 0 : i32
    %cond3A_93 = arith.cmpi ne, %convert_element_type3A_91, %cond3A_92 : i32
    scf.if %cond3A_93 {
      %mul3A_129 = arith.constant 80 : i32
      %mul3A_130 = arith.muli %add3A_88, %mul3A_129 : i32
      %add3A_131 = arith.constant 0 : i32
      %add3A_132 = arith.addi %mul3A_130, %add3A_131 : i32
      %iota3A = tpu.iota {dimensions = array<i32: 0>} : vector<16xi32>
      %add3A_133 = vector.broadcast %add3A_132 : i32 to vector<16xi32>
      %add3A_134 = arith.addi %add3A_133, %iota3A : vector<16xi32>
      %swap3A = arith.constant 0 : index
      %swap3A_135 = tpu.vector_load %arg7[%swap3A] {strides = array<i32>} : memref<80xi32, #tpu.memory_space<vmem>>, vector<16xi32>,
      %swap3A_136 = vector.shape_cast %swap3A_135 : vector<16xi32> to vector<16xi32>
      %swap3A_137 = vector.shape_cast %add3A_134 : vector<16xi32> to vector<16xi32>
      tpu.vector_store %arg7[%swap3A], %swap3A_137 {strides = array<i32>} : memref<80xi32, #tpu.memory_space<vmem>>, vector<16xi32>,
      %mul3A_138 = arith.constant 80 : i32
      %mul3A_139 = arith.muli %add3A_88, %mul3A_138 : i32
      %add3A_140 = arith.constant 16 : i32
      %add3A_141 = arith.addi %mul3A_139, %add3A_140 : i32
      %iota3A_142 = tpu.iota {dimensions = array<i32: 0>} : vector<16xi32>
      %add3A_143 = vector.broadcast %add3A_141 : i32 to vector<16xi32>
      %add3A_144 = arith.addi %add3A_143, %iota3A_142 : vector<16xi32>
      %swap3A_145 = arith.constant 16 : index
      %swap3A_146 = tpu.vector_load %arg7[%swap3A_145] {strides = array<i32>} : memref<80xi32, #tpu.memory_space<vmem>>, vector<16xi32>,
      %swap3A_147 = vector.shape_cast %swap3A_146 : vector<16xi32> to vector<16xi32>
      %swap3A_148 = vector.shape_cast %add3A_144 : vector<16xi32> to vector<16xi32>
      tpu.vector_store %arg7[%swap3A_145], %swap3A_148 {strides = array<i32>} : memref<80xi32, #tpu.memory_space<vmem>>, vector<16xi32>,
      %mul3A_149 = arith.constant 80 : i32
      %mul3A_150 = arith.muli %add3A_88, %mul3A_149 : i32
      %add3A_151 = arith.constant 32 : i32
      %add3A_152 = arith.addi %mul3A_150, %add3A_151 : i32
      %iota3A_153 = tpu.iota {dimensions = array<i32: 0>} : vector<16xi32>
      %add3A_154 = vector.broadcast %add3A_152 : i32 to vector<16xi32>
      %add3A_155 = arith.addi %add3A_154, %iota3A_153 : vector<16xi32>
      %swap3A_156 = arith.constant 32 : index
      %swap3A_157 = tpu.vector_load %arg7[%swap3A_156] {strides = array<i32>} : memref<80xi32, #tpu.memory_space<vmem>>, vector<16xi32>,
      %swap3A_158 = vector.shape_cast %swap3A_157 : vector<16xi32> to vector<16xi32>
      %swap3A_159 = vector.shape_cast %add3A_155 : vector<16xi32> to vector<16xi32>
      tpu.vector_store %arg7[%swap3A_156], %swap3A_159 {strides = array<i32>} : memref<80xi32, #tpu.memory_space<vmem>>, vector<16xi32>,
      %mul3A_160 = arith.constant 80 : i32
      %mul3A_161 = arith.muli %add3A_88, %mul3A_160 : i32
      %add3A_162 = arith.constant 48 : i32
      %add3A_163 = arith.addi %mul3A_161, %add3A_162 : i32
      %iota3A_164 = tpu.iota {dimensions = array<i32: 0>} : vector<16xi32>
      %add3A_165 = vector.broadcast %add3A_163 : i32 to vector<16xi32>
      %add3A_166 = arith.addi %add3A_165, %iota3A_164 : vector<16xi32>
      %swap3A_167 = arith.constant 48 : index
      %swap3A_168 = tpu.vector_load %arg7[%swap3A_167] {strides = array<i32>} : memref<80xi32, #tpu.memory_space<vmem>>, vector<16xi32>,
      %swap3A_169 = vector.shape_cast %swap3A_168 : vector<16xi32> to vector<16xi32>
      %swap3A_170 = vector.shape_cast %add3A_166 : vector<16xi32> to vector<16xi32>
      tpu.vector_store %arg7[%swap3A_167], %swap3A_170 {strides = array<i32>} : memref<80xi32, #tpu.memory_space<vmem>>, vector<16xi32>,
      %mul3A_171 = arith.constant 80 : i32
      %mul3A_172 = arith.muli %add3A_88, %mul3A_171 : i32
      %add3A_173 = arith.constant 64 : i32
      %add3A_174 = arith.addi %mul3A_172, %add3A_173 : i32
      %iota3A_175 = tpu.iota {dimensions = array<i32: 0>} : vector<16xi32>
      %add3A_176 = vector.broadcast %add3A_174 : i32 to vector<16xi32>
      %add3A_177 = arith.addi %add3A_176, %iota3A_175 : vector<16xi32>
      %swap3A_178 = arith.constant 64 : index
      %swap3A_179 = tpu.vector_load %arg7[%swap3A_178] {strides = array<i32>} : memref<80xi32, #tpu.memory_space<vmem>>, vector<16xi32>,
      %swap3A_180 = vector.shape_cast %swap3A_179 : vector<16xi32> to vector<16xi32>
      %swap3A_181 = vector.shape_cast %add3A_177 : vector<16xi32> to vector<16xi32>
      tpu.vector_store %arg7[%swap3A_178], %swap3A_181 {strides = array<i32>} : memref<80xi32, #tpu.memory_space<vmem>>, vector<16xi32>,
      "tpu.region"() ({
        %run_scoped3A = tpu.sem_alloc : memref<!tpu.dma_semaphore, #tpu.memory_space<semaphore_mem>>
        %dma_start3A_187 = arith.constant 0 : i32
        %dma_start3A_188 = arith.constant 0 : i32
        %dma_start3A_189 = tpu.memref_slice %arg6[%dma_start3A_187, %dma_start3A_188] : memref<10000x128xf32, #tpu.memory_space<vmem_shared>> -> memref<10000x128xf32, #tpu.memory_space<vmem_shared>>
        tpu.enqueue_indirect_dma source(%dma_start3A_189 : memref<10000x128xf32, #tpu.memory_space<vmem_shared>>) target(%arg11 : memref<80x128xf32, #tpu.memory_space<vmem>>) offsets(%arg7 : memref<80xi32, #tpu.memory_space<vmem>>) semaphore(%run_scoped3A : memref<!tpu.dma_semaphore, #tpu.memory_space<semaphore_mem>>)
        %dma_wait3A_190 = arith.constant 0 : i32
        %dma_wait3A_191 = arith.constant 0 : i32
        %dma_wait3A_192 = tpu.memref_slice %arg6[%dma_wait3A_190, %dma_wait3A_191] : memref<10000x128xf32, #tpu.memory_space<vmem_shared>> -> memref<10000x128xf32, #tpu.memory_space<vmem_shared>>
        tpu.wait_indirect_dma semaphore(%run_scoped3A : memref<!tpu.dma_semaphore, #tpu.memory_space<semaphore_mem>>) src(%dma_wait3A_192 : memref<10000x128xf32, #tpu.memory_space<vmem_shared>>) dst(%arg11 : memref<80x128xf32, #tpu.memory_space<vmem>>)
        tpu.yield
      }) : () -> ()
      %mul3A_182 = arith.constant 10000 : i32
      %mul3A_183 = arith.muli %arg0, %mul3A_182 : i32
      %mul3A_184 = arith.constant 80 : i32
      %mul3A_185 = arith.muli %add3A_88, %mul3A_184 : i32
      %add3A_186 = arith.addi %mul3A_183, %mul3A_185 : i32
      "tpu.region"() ({
        %run_scoped3A = tpu.sem_alloc : memref<!tpu.dma_semaphore, #tpu.memory_space<semaphore_mem>>
        %dma_start3A_187 = arith.constant 0 : i32
        %dma_start3A_188 = tpu.memref_slice %arg5[%add3A_186, %dma_start3A_187] : memref<20000x128xf32, #tpu.memory_space<hbm>> -> memref<80x128xf32, #tpu.memory_space<hbm>>
        %dma_start3A_189 = arith.constant 0 : i32
        %dma_start3A_190 = tpu.memref_slice %arg5[%add3A_186, %dma_start3A_189] : memref<20000x128xf32, #tpu.memory_space<hbm>> -> memref<80x128xf32, #tpu.memory_space<hbm>>
        tpu.enqueue_dma source(%arg11 : memref<80x128xf32, #tpu.memory_space<vmem>>) target(%dma_start3A_190 : memref<80x128xf32, #tpu.memory_space<hbm>>) target_semaphore(%run_scoped3A : memref<!tpu.dma_semaphore, #tpu.memory_space<semaphore_mem>>)
        %dma_wait3A_191 = arith.constant 0 : i32
        %dma_wait3A_192 = tpu.memref_slice %arg5[%add3A_186, %dma_wait3A_191] : memref<20000x128xf32, #tpu.memory_space<hbm>> -> memref<80x128xf32, #tpu.memory_space<hbm>>
        %dma_wait3A_193 = arith.constant 0 : i32
        %dma_wait3A_194 = tpu.memref_slice %arg5[%add3A_186, %dma_wait3A_193] : memref<20000x128xf32, #tpu.memory_space<hbm>> -> memref<80x128xf32, #tpu.memory_space<hbm>>
        tpu.wait_dma2 semaphore(%run_scoped3A : memref<!tpu.dma_semaphore, #tpu.memory_space<semaphore_mem>>) src(%arg11 : memref<80x128xf32, #tpu.memory_space<vmem>>) dst(%dma_wait3A_194 : memref<80x128xf32, #tpu.memory_space<hbm>>)
        tpu.yield
      }) : () -> ()
    } else {
    }
    %add3A_94 = arith.constant 48 : i32
    %add3A_95 = arith.addi %arg1, %add3A_94 : i32
    %lt3A_96 = arith.constant 125 : i32
    %lt3A_97 = arith.cmpi slt, %add3A_95, %lt3A_96 : i32
    %convert_element_type3A_98 = arith.extui %lt3A_97 : i1 to i32
    %cond3A_99 = arith.constant 0 : i32
    %cond3A_100 = arith.cmpi ne, %convert_element_type3A_98, %cond3A_99 : i32
    scf.if %cond3A_100 {
      %mul3A_129 = arith.constant 80 : i32
      %mul3A_130 = arith.muli %add3A_95, %mul3A_129 : i32
      %add3A_131 = arith.constant 0 : i32
      %add3A_132 = arith.addi %mul3A_130, %add3A_131 : i32
      %iota3A = tpu.iota {dimensions = array<i32: 0>} : vector<16xi32>
      %add3A_133 = vector.broadcast %add3A_132 : i32 to vector<16xi32>
      %add3A_134 = arith.addi %add3A_133, %iota3A : vector<16xi32>
      %swap3A = arith.constant 0 : index
      %swap3A_135 = tpu.vector_load %arg7[%swap3A] {strides = array<i32>} : memref<80xi32, #tpu.memory_space<vmem>>, vector<16xi32>,
      %swap3A_136 = vector.shape_cast %swap3A_135 : vector<16xi32> to vector<16xi32>
      %swap3A_137 = vector.shape_cast %add3A_134 : vector<16xi32> to vector<16xi32>
      tpu.vector_store %arg7[%swap3A], %swap3A_137 {strides = array<i32>} : memref<80xi32, #tpu.memory_space<vmem>>, vector<16xi32>,
      %mul3A_138 = arith.constant 80 : i32
      %mul3A_139 = arith.muli %add3A_95, %mul3A_138 : i32
      %add3A_140 = arith.constant 16 : i32
      %add3A_141 = arith.addi %mul3A_139, %add3A_140 : i32
      %iota3A_142 = tpu.iota {dimensions = array<i32: 0>} : vector<16xi32>
      %add3A_143 = vector.broadcast %add3A_141 : i32 to vector<16xi32>
      %add3A_144 = arith.addi %add3A_143, %iota3A_142 : vector<16xi32>
      %swap3A_145 = arith.constant 16 : index
      %swap3A_146 = tpu.vector_load %arg7[%swap3A_145] {strides = array<i32>} : memref<80xi32, #tpu.memory_space<vmem>>, vector<16xi32>,
      %swap3A_147 = vector.shape_cast %swap3A_146 : vector<16xi32> to vector<16xi32>
      %swap3A_148 = vector.shape_cast %add3A_144 : vector<16xi32> to vector<16xi32>
      tpu.vector_store %arg7[%swap3A_145], %swap3A_148 {strides = array<i32>} : memref<80xi32, #tpu.memory_space<vmem>>, vector<16xi32>,
      %mul3A_149 = arith.constant 80 : i32
      %mul3A_150 = arith.muli %add3A_95, %mul3A_149 : i32
      %add3A_151 = arith.constant 32 : i32
      %add3A_152 = arith.addi %mul3A_150, %add3A_151 : i32
      %iota3A_153 = tpu.iota {dimensions = array<i32: 0>} : vector<16xi32>
      %add3A_154 = vector.broadcast %add3A_152 : i32 to vector<16xi32>
      %add3A_155 = arith.addi %add3A_154, %iota3A_153 : vector<16xi32>
      %swap3A_156 = arith.constant 32 : index
      %swap3A_157 = tpu.vector_load %arg7[%swap3A_156] {strides = array<i32>} : memref<80xi32, #tpu.memory_space<vmem>>, vector<16xi32>,
      %swap3A_158 = vector.shape_cast %swap3A_157 : vector<16xi32> to vector<16xi32>
      %swap3A_159 = vector.shape_cast %add3A_155 : vector<16xi32> to vector<16xi32>
      tpu.vector_store %arg7[%swap3A_156], %swap3A_159 {strides = array<i32>} : memref<80xi32, #tpu.memory_space<vmem>>, vector<16xi32>,
      %mul3A_160 = arith.constant 80 : i32
      %mul3A_161 = arith.muli %add3A_95, %mul3A_160 : i32
      %add3A_162 = arith.constant 48 : i32
      %add3A_163 = arith.addi %mul3A_161, %add3A_162 : i32
      %iota3A_164 = tpu.iota {dimensions = array<i32: 0>} : vector<16xi32>
      %add3A_165 = vector.broadcast %add3A_163 : i32 to vector<16xi32>
      %add3A_166 = arith.addi %add3A_165, %iota3A_164 : vector<16xi32>
      %swap3A_167 = arith.constant 48 : index
      %swap3A_168 = tpu.vector_load %arg7[%swap3A_167] {strides = array<i32>} : memref<80xi32, #tpu.memory_space<vmem>>, vector<16xi32>,
      %swap3A_169 = vector.shape_cast %swap3A_168 : vector<16xi32> to vector<16xi32>
      %swap3A_170 = vector.shape_cast %add3A_166 : vector<16xi32> to vector<16xi32>
      tpu.vector_store %arg7[%swap3A_167], %swap3A_170 {strides = array<i32>} : memref<80xi32, #tpu.memory_space<vmem>>, vector<16xi32>,
      %mul3A_171 = arith.constant 80 : i32
      %mul3A_172 = arith.muli %add3A_95, %mul3A_171 : i32
      %add3A_173 = arith.constant 64 : i32
      %add3A_174 = arith.addi %mul3A_172, %add3A_173 : i32
      %iota3A_175 = tpu.iota {dimensions = array<i32: 0>} : vector<16xi32>
      %add3A_176 = vector.broadcast %add3A_174 : i32 to vector<16xi32>
      %add3A_177 = arith.addi %add3A_176, %iota3A_175 : vector<16xi32>
      %swap3A_178 = arith.constant 64 : index
      %swap3A_179 = tpu.vector_load %arg7[%swap3A_178] {strides = array<i32>} : memref<80xi32, #tpu.memory_space<vmem>>, vector<16xi32>,
      %swap3A_180 = vector.shape_cast %swap3A_179 : vector<16xi32> to vector<16xi32>
      %swap3A_181 = vector.shape_cast %add3A_177 : vector<16xi32> to vector<16xi32>
      tpu.vector_store %arg7[%swap3A_178], %swap3A_181 {strides = array<i32>} : memref<80xi32, #tpu.memory_space<vmem>>, vector<16xi32>,
      "tpu.region"() ({
        %run_scoped3A = tpu.sem_alloc : memref<!tpu.dma_semaphore, #tpu.memory_space<semaphore_mem>>
        %dma_start3A_187 = arith.constant 0 : i32
        %dma_start3A_188 = arith.constant 0 : i32
        %dma_start3A_189 = tpu.memref_slice %arg6[%dma_start3A_187, %dma_start3A_188] : memref<10000x128xf32, #tpu.memory_space<vmem_shared>> -> memref<10000x128xf32, #tpu.memory_space<vmem_shared>>
        tpu.enqueue_indirect_dma source(%dma_start3A_189 : memref<10000x128xf32, #tpu.memory_space<vmem_shared>>) target(%arg11 : memref<80x128xf32, #tpu.memory_space<vmem>>) offsets(%arg7 : memref<80xi32, #tpu.memory_space<vmem>>) semaphore(%run_scoped3A : memref<!tpu.dma_semaphore, #tpu.memory_space<semaphore_mem>>)
        %dma_wait3A_190 = arith.constant 0 : i32
        %dma_wait3A_191 = arith.constant 0 : i32
        %dma_wait3A_192 = tpu.memref_slice %arg6[%dma_wait3A_190, %dma_wait3A_191] : memref<10000x128xf32, #tpu.memory_space<vmem_shared>> -> memref<10000x128xf32, #tpu.memory_space<vmem_shared>>
        tpu.wait_indirect_dma semaphore(%run_scoped3A : memref<!tpu.dma_semaphore, #tpu.memory_space<semaphore_mem>>) src(%dma_wait3A_192 : memref<10000x128xf32, #tpu.memory_space<vmem_shared>>) dst(%arg11 : memref<80x128xf32, #tpu.memory_space<vmem>>)
        tpu.yield
      }) : () -> ()
      %mul3A_182 = arith.constant 10000 : i32
      %mul3A_183 = arith.muli %arg0, %mul3A_182 : i32
      %mul3A_184 = arith.constant 80 : i32
      %mul3A_185 = arith.muli %add3A_95, %mul3A_184 : i32
      %add3A_186 = arith.addi %mul3A_183, %mul3A_185 : i32
      "tpu.region"() ({
        %run_scoped3A = tpu.sem_alloc : memref<!tpu.dma_semaphore, #tpu.memory_space<semaphore_mem>>
        %dma_start3A_187 = arith.constant 0 : i32
        %dma_start3A_188 = tpu.memref_slice %arg5[%add3A_186, %dma_start3A_187] : memref<20000x128xf32, #tpu.memory_space<hbm>> -> memref<80x128xf32, #tpu.memory_space<hbm>>
        %dma_start3A_189 = arith.constant 0 : i32
        %dma_start3A_190 = tpu.memref_slice %arg5[%add3A_186, %dma_start3A_189] : memref<20000x128xf32, #tpu.memory_space<hbm>> -> memref<80x128xf32, #tpu.memory_space<hbm>>
        tpu.enqueue_dma source(%arg11 : memref<80x128xf32, #tpu.memory_space<vmem>>) target(%dma_start3A_190 : memref<80x128xf32, #tpu.memory_space<hbm>>) target_semaphore(%run_scoped3A : memref<!tpu.dma_semaphore, #tpu.memory_space<semaphore_mem>>)
        %dma_wait3A_191 = arith.constant 0 : i32
        %dma_wait3A_192 = tpu.memref_slice %arg5[%add3A_186, %dma_wait3A_191] : memref<20000x128xf32, #tpu.memory_space<hbm>> -> memref<80x128xf32, #tpu.memory_space<hbm>>
        %dma_wait3A_193 = arith.constant 0 : i32
        %dma_wait3A_194 = tpu.memref_slice %arg5[%add3A_186, %dma_wait3A_193] : memref<20000x128xf32, #tpu.memory_space<hbm>> -> memref<80x128xf32, #tpu.memory_space<hbm>>
        tpu.wait_dma2 semaphore(%run_scoped3A : memref<!tpu.dma_semaphore, #tpu.memory_space<semaphore_mem>>) src(%arg11 : memref<80x128xf32, #tpu.memory_space<vmem>>) dst(%dma_wait3A_194 : memref<80x128xf32, #tpu.memory_space<hbm>>)
        tpu.yield
      }) : () -> ()
    } else {
    }
    %add3A_101 = arith.constant 64 : i32
    %add3A_102 = arith.addi %arg1, %add3A_101 : i32
    %lt3A_103 = arith.constant 125 : i32
    %lt3A_104 = arith.cmpi slt, %add3A_102, %lt3A_103 : i32
    %convert_element_type3A_105 = arith.extui %lt3A_104 : i1 to i32
    %cond3A_106 = arith.constant 0 : i32
    %cond3A_107 = arith.cmpi ne, %convert_element_type3A_105, %cond3A_106 : i32
    scf.if %cond3A_107 {
      %mul3A_129 = arith.constant 80 : i32
      %mul3A_130 = arith.muli %add3A_102, %mul3A_129 : i32
      %add3A_131 = arith.constant 0 : i32
      %add3A_132 = arith.addi %mul3A_130, %add3A_131 : i32
      %iota3A = tpu.iota {dimensions = array<i32: 0>} : vector<16xi32>
      %add3A_133 = vector.broadcast %add3A_132 : i32 to vector<16xi32>
      %add3A_134 = arith.addi %add3A_133, %iota3A : vector<16xi32>
      %swap3A = arith.constant 0 : index
      %swap3A_135 = tpu.vector_load %arg7[%swap3A] {strides = array<i32>} : memref<80xi32, #tpu.memory_space<vmem>>, vector<16xi32>,
      %swap3A_136 = vector.shape_cast %swap3A_135 : vector<16xi32> to vector<16xi32>
      %swap3A_137 = vector.shape_cast %add3A_134 : vector<16xi32> to vector<16xi32>
      tpu.vector_store %arg7[%swap3A], %swap3A_137 {strides = array<i32>} : memref<80xi32, #tpu.memory_space<vmem>>, vector<16xi32>,
      %mul3A_138 = arith.constant 80 : i32
      %mul3A_139 = arith.muli %add3A_102, %mul3A_138 : i32
      %add3A_140 = arith.constant 16 : i32
      %add3A_141 = arith.addi %mul3A_139, %add3A_140 : i32
      %iota3A_142 = tpu.iota {dimensions = array<i32: 0>} : vector<16xi32>
      %add3A_143 = vector.broadcast %add3A_141 : i32 to vector<16xi32>
      %add3A_144 = arith.addi %add3A_143, %iota3A_142 : vector<16xi32>
      %swap3A_145 = arith.constant 16 : index
      %swap3A_146 = tpu.vector_load %arg7[%swap3A_145] {strides = array<i32>} : memref<80xi32, #tpu.memory_space<vmem>>, vector<16xi32>,
      %swap3A_147 = vector.shape_cast %swap3A_146 : vector<16xi32> to vector<16xi32>
      %swap3A_148 = vector.shape_cast %add3A_144 : vector<16xi32> to vector<16xi32>
      tpu.vector_store %arg7[%swap3A_145], %swap3A_148 {strides = array<i32>} : memref<80xi32, #tpu.memory_space<vmem>>, vector<16xi32>,
      %mul3A_149 = arith.constant 80 : i32
      %mul3A_150 = arith.muli %add3A_102, %mul3A_149 : i32
      %add3A_151 = arith.constant 32 : i32
      %add3A_152 = arith.addi %mul3A_150, %add3A_151 : i32
      %iota3A_153 = tpu.iota {dimensions = array<i32: 0>} : vector<16xi32>
      %add3A_154 = vector.broadcast %add3A_152 : i32 to vector<16xi32>
      %add3A_155 = arith.addi %add3A_154, %iota3A_153 : vector<16xi32>
      %swap3A_156 = arith.constant 32 : index
      %swap3A_157 = tpu.vector_load %arg7[%swap3A_156] {strides = array<i32>} : memref<80xi32, #tpu.memory_space<vmem>>, vector<16xi32>,
      %swap3A_158 = vector.shape_cast %swap3A_157 : vector<16xi32> to vector<16xi32>
      %swap3A_159 = vector.shape_cast %add3A_155 : vector<16xi32> to vector<16xi32>
      tpu.vector_store %arg7[%swap3A_156], %swap3A_159 {strides = array<i32>} : memref<80xi32, #tpu.memory_space<vmem>>, vector<16xi32>,
      %mul3A_160 = arith.constant 80 : i32
      %mul3A_161 = arith.muli %add3A_102, %mul3A_160 : i32
      %add3A_162 = arith.constant 48 : i32
      %add3A_163 = arith.addi %mul3A_161, %add3A_162 : i32
      %iota3A_164 = tpu.iota {dimensions = array<i32: 0>} : vector<16xi32>
      %add3A_165 = vector.broadcast %add3A_163 : i32 to vector<16xi32>
      %add3A_166 = arith.addi %add3A_165, %iota3A_164 : vector<16xi32>
      %swap3A_167 = arith.constant 48 : index
      %swap3A_168 = tpu.vector_load %arg7[%swap3A_167] {strides = array<i32>} : memref<80xi32, #tpu.memory_space<vmem>>, vector<16xi32>,
      %swap3A_169 = vector.shape_cast %swap3A_168 : vector<16xi32> to vector<16xi32>
      %swap3A_170 = vector.shape_cast %add3A_166 : vector<16xi32> to vector<16xi32>
      tpu.vector_store %arg7[%swap3A_167], %swap3A_170 {strides = array<i32>} : memref<80xi32, #tpu.memory_space<vmem>>, vector<16xi32>,
      %mul3A_171 = arith.constant 80 : i32
      %mul3A_172 = arith.muli %add3A_102, %mul3A_171 : i32
      %add3A_173 = arith.constant 64 : i32
      %add3A_174 = arith.addi %mul3A_172, %add3A_173 : i32
      %iota3A_175 = tpu.iota {dimensions = array<i32: 0>} : vector<16xi32>
      %add3A_176 = vector.broadcast %add3A_174 : i32 to vector<16xi32>
      %add3A_177 = arith.addi %add3A_176, %iota3A_175 : vector<16xi32>
      %swap3A_178 = arith.constant 64 : index
      %swap3A_179 = tpu.vector_load %arg7[%swap3A_178] {strides = array<i32>} : memref<80xi32, #tpu.memory_space<vmem>>, vector<16xi32>,
      %swap3A_180 = vector.shape_cast %swap3A_179 : vector<16xi32> to vector<16xi32>
      %swap3A_181 = vector.shape_cast %add3A_177 : vector<16xi32> to vector<16xi32>
      tpu.vector_store %arg7[%swap3A_178], %swap3A_181 {strides = array<i32>} : memref<80xi32, #tpu.memory_space<vmem>>, vector<16xi32>,
      "tpu.region"() ({
        %run_scoped3A = tpu.sem_alloc : memref<!tpu.dma_semaphore, #tpu.memory_space<semaphore_mem>>
        %dma_start3A_187 = arith.constant 0 : i32
        %dma_start3A_188 = arith.constant 0 : i32
        %dma_start3A_189 = tpu.memref_slice %arg6[%dma_start3A_187, %dma_start3A_188] : memref<10000x128xf32, #tpu.memory_space<vmem_shared>> -> memref<10000x128xf32, #tpu.memory_space<vmem_shared>>
        tpu.enqueue_indirect_dma source(%dma_start3A_189 : memref<10000x128xf32, #tpu.memory_space<vmem_shared>>) target(%arg11 : memref<80x128xf32, #tpu.memory_space<vmem>>) offsets(%arg7 : memref<80xi32, #tpu.memory_space<vmem>>) semaphore(%run_scoped3A : memref<!tpu.dma_semaphore, #tpu.memory_space<semaphore_mem>>)
        %dma_wait3A_190 = arith.constant 0 : i32
        %dma_wait3A_191 = arith.constant 0 : i32
        %dma_wait3A_192 = tpu.memref_slice %arg6[%dma_wait3A_190, %dma_wait3A_191] : memref<10000x128xf32, #tpu.memory_space<vmem_shared>> -> memref<10000x128xf32, #tpu.memory_space<vmem_shared>>
        tpu.wait_indirect_dma semaphore(%run_scoped3A : memref<!tpu.dma_semaphore, #tpu.memory_space<semaphore_mem>>) src(%dma_wait3A_192 : memref<10000x128xf32, #tpu.memory_space<vmem_shared>>) dst(%arg11 : memref<80x128xf32, #tpu.memory_space<vmem>>)
        tpu.yield
      }) : () -> ()
      %mul3A_182 = arith.constant 10000 : i32
      %mul3A_183 = arith.muli %arg0, %mul3A_182 : i32
      %mul3A_184 = arith.constant 80 : i32
      %mul3A_185 = arith.muli %add3A_102, %mul3A_184 : i32
      %add3A_186 = arith.addi %mul3A_183, %mul3A_185 : i32
      "tpu.region"() ({
        %run_scoped3A = tpu.sem_alloc : memref<!tpu.dma_semaphore, #tpu.memory_space<semaphore_mem>>
        %dma_start3A_187 = arith.constant 0 : i32
        %dma_start3A_188 = tpu.memref_slice %arg5[%add3A_186, %dma_start3A_187] : memref<20000x128xf32, #tpu.memory_space<hbm>> -> memref<80x128xf32, #tpu.memory_space<hbm>>
        %dma_start3A_189 = arith.constant 0 : i32
        %dma_start3A_190 = tpu.memref_slice %arg5[%add3A_186, %dma_start3A_189] : memref<20000x128xf32, #tpu.memory_space<hbm>> -> memref<80x128xf32, #tpu.memory_space<hbm>>
        tpu.enqueue_dma source(%arg11 : memref<80x128xf32, #tpu.memory_space<vmem>>) target(%dma_start3A_190 : memref<80x128xf32, #tpu.memory_space<hbm>>) target_semaphore(%run_scoped3A : memref<!tpu.dma_semaphore, #tpu.memory_space<semaphore_mem>>)
        %dma_wait3A_191 = arith.constant 0 : i32
        %dma_wait3A_192 = tpu.memref_slice %arg5[%add3A_186, %dma_wait3A_191] : memref<20000x128xf32, #tpu.memory_space<hbm>> -> memref<80x128xf32, #tpu.memory_space<hbm>>
        %dma_wait3A_193 = arith.constant 0 : i32
        %dma_wait3A_194 = tpu.memref_slice %arg5[%add3A_186, %dma_wait3A_193] : memref<20000x128xf32, #tpu.memory_space<hbm>> -> memref<80x128xf32, #tpu.memory_space<hbm>>
        tpu.wait_dma2 semaphore(%run_scoped3A : memref<!tpu.dma_semaphore, #tpu.memory_space<semaphore_mem>>) src(%arg11 : memref<80x128xf32, #tpu.memory_space<vmem>>) dst(%dma_wait3A_194 : memref<80x128xf32, #tpu.memory_space<hbm>>)
        tpu.yield
      }) : () -> ()
    } else {
    }
    %add3A_108 = arith.constant 80 : i32
    %add3A_109 = arith.addi %arg1, %add3A_108 : i32
    %lt3A_110 = arith.constant 125 : i32
    %lt3A_111 = arith.cmpi slt, %add3A_109, %lt3A_110 : i32
    %convert_element_type3A_112 = arith.extui %lt3A_111 : i1 to i32
    %cond3A_113 = arith.constant 0 : i32
    %cond3A_114 = arith.cmpi ne, %convert_element_type3A_112, %cond3A_113 : i32
    scf.if %cond3A_114 {
      %mul3A_129 = arith.constant 80 : i32
      %mul3A_130 = arith.muli %add3A_109, %mul3A_129 : i32
      %add3A_131 = arith.constant 0 : i32
      %add3A_132 = arith.addi %mul3A_130, %add3A_131 : i32
      %iota3A = tpu.iota {dimensions = array<i32: 0>} : vector<16xi32>
      %add3A_133 = vector.broadcast %add3A_132 : i32 to vector<16xi32>
      %add3A_134 = arith.addi %add3A_133, %iota3A : vector<16xi32>
      %swap3A = arith.constant 0 : index
      %swap3A_135 = tpu.vector_load %arg7[%swap3A] {strides = array<i32>} : memref<80xi32, #tpu.memory_space<vmem>>, vector<16xi32>,
      %swap3A_136 = vector.shape_cast %swap3A_135 : vector<16xi32> to vector<16xi32>
      %swap3A_137 = vector.shape_cast %add3A_134 : vector<16xi32> to vector<16xi32>
      tpu.vector_store %arg7[%swap3A], %swap3A_137 {strides = array<i32>} : memref<80xi32, #tpu.memory_space<vmem>>, vector<16xi32>,
      %mul3A_138 = arith.constant 80 : i32
      %mul3A_139 = arith.muli %add3A_109, %mul3A_138 : i32
      %add3A_140 = arith.constant 16 : i32
      %add3A_141 = arith.addi %mul3A_139, %add3A_140 : i32
      %iota3A_142 = tpu.iota {dimensions = array<i32: 0>} : vector<16xi32>
      %add3A_143 = vector.broadcast %add3A_141 : i32 to vector<16xi32>
      %add3A_144 = arith.addi %add3A_143, %iota3A_142 : vector<16xi32>
      %swap3A_145 = arith.constant 16 : index
      %swap3A_146 = tpu.vector_load %arg7[%swap3A_145] {strides = array<i32>} : memref<80xi32, #tpu.memory_space<vmem>>, vector<16xi32>,
      %swap3A_147 = vector.shape_cast %swap3A_146 : vector<16xi32> to vector<16xi32>
      %swap3A_148 = vector.shape_cast %add3A_144 : vector<16xi32> to vector<16xi32>
      tpu.vector_store %arg7[%swap3A_145], %swap3A_148 {strides = array<i32>} : memref<80xi32, #tpu.memory_space<vmem>>, vector<16xi32>,
      %mul3A_149 = arith.constant 80 : i32
      %mul3A_150 = arith.muli %add3A_109, %mul3A_149 : i32
      %add3A_151 = arith.constant 32 : i32
      %add3A_152 = arith.addi %mul3A_150, %add3A_151 : i32
      %iota3A_153 = tpu.iota {dimensions = array<i32: 0>} : vector<16xi32>
      %add3A_154 = vector.broadcast %add3A_152 : i32 to vector<16xi32>
      %add3A_155 = arith.addi %add3A_154, %iota3A_153 : vector<16xi32>
      %swap3A_156 = arith.constant 32 : index
      %swap3A_157 = tpu.vector_load %arg7[%swap3A_156] {strides = array<i32>} : memref<80xi32, #tpu.memory_space<vmem>>, vector<16xi32>,
      %swap3A_158 = vector.shape_cast %swap3A_157 : vector<16xi32> to vector<16xi32>
      %swap3A_159 = vector.shape_cast %add3A_155 : vector<16xi32> to vector<16xi32>
      tpu.vector_store %arg7[%swap3A_156], %swap3A_159 {strides = array<i32>} : memref<80xi32, #tpu.memory_space<vmem>>, vector<16xi32>,
      %mul3A_160 = arith.constant 80 : i32
      %mul3A_161 = arith.muli %add3A_109, %mul3A_160 : i32
      %add3A_162 = arith.constant 48 : i32
      %add3A_163 = arith.addi %mul3A_161, %add3A_162 : i32
      %iota3A_164 = tpu.iota {dimensions = array<i32: 0>} : vector<16xi32>
      %add3A_165 = vector.broadcast %add3A_163 : i32 to vector<16xi32>
      %add3A_166 = arith.addi %add3A_165, %iota3A_164 : vector<16xi32>
      %swap3A_167 = arith.constant 48 : index
      %swap3A_168 = tpu.vector_load %arg7[%swap3A_167] {strides = array<i32>} : memref<80xi32, #tpu.memory_space<vmem>>, vector<16xi32>,
      %swap3A_169 = vector.shape_cast %swap3A_168 : vector<16xi32> to vector<16xi32>
      %swap3A_170 = vector.shape_cast %add3A_166 : vector<16xi32> to vector<16xi32>
      tpu.vector_store %arg7[%swap3A_167], %swap3A_170 {strides = array<i32>} : memref<80xi32, #tpu.memory_space<vmem>>, vector<16xi32>,
      %mul3A_171 = arith.constant 80 : i32
      %mul3A_172 = arith.muli %add3A_109, %mul3A_171 : i32
      %add3A_173 = arith.constant 64 : i32
      %add3A_174 = arith.addi %mul3A_172, %add3A_173 : i32
      %iota3A_175 = tpu.iota {dimensions = array<i32: 0>} : vector<16xi32>
      %add3A_176 = vector.broadcast %add3A_174 : i32 to vector<16xi32>
      %add3A_177 = arith.addi %add3A_176, %iota3A_175 : vector<16xi32>
      %swap3A_178 = arith.constant 64 : index
      %swap3A_179 = tpu.vector_load %arg7[%swap3A_178] {strides = array<i32>} : memref<80xi32, #tpu.memory_space<vmem>>, vector<16xi32>,
      %swap3A_180 = vector.shape_cast %swap3A_179 : vector<16xi32> to vector<16xi32>
      %swap3A_181 = vector.shape_cast %add3A_177 : vector<16xi32> to vector<16xi32>
      tpu.vector_store %arg7[%swap3A_178], %swap3A_181 {strides = array<i32>} : memref<80xi32, #tpu.memory_space<vmem>>, vector<16xi32>,
      "tpu.region"() ({
        %run_scoped3A = tpu.sem_alloc : memref<!tpu.dma_semaphore, #tpu.memory_space<semaphore_mem>>
        %dma_start3A_187 = arith.constant 0 : i32
        %dma_start3A_188 = arith.constant 0 : i32
        %dma_start3A_189 = tpu.memref_slice %arg6[%dma_start3A_187, %dma_start3A_188] : memref<10000x128xf32, #tpu.memory_space<vmem_shared>> -> memref<10000x128xf32, #tpu.memory_space<vmem_shared>>
        tpu.enqueue_indirect_dma source(%dma_start3A_189 : memref<10000x128xf32, #tpu.memory_space<vmem_shared>>) target(%arg11 : memref<80x128xf32, #tpu.memory_space<vmem>>) offsets(%arg7 : memref<80xi32, #tpu.memory_space<vmem>>) semaphore(%run_scoped3A : memref<!tpu.dma_semaphore, #tpu.memory_space<semaphore_mem>>)
        %dma_wait3A_190 = arith.constant 0 : i32
        %dma_wait3A_191 = arith.constant 0 : i32
        %dma_wait3A_192 = tpu.memref_slice %arg6[%dma_wait3A_190, %dma_wait3A_191] : memref<10000x128xf32, #tpu.memory_space<vmem_shared>> -> memref<10000x128xf32, #tpu.memory_space<vmem_shared>>
        tpu.wait_indirect_dma semaphore(%run_scoped3A : memref<!tpu.dma_semaphore, #tpu.memory_space<semaphore_mem>>) src(%dma_wait3A_192 : memref<10000x128xf32, #tpu.memory_space<vmem_shared>>) dst(%arg11 : memref<80x128xf32, #tpu.memory_space<vmem>>)
        tpu.yield
      }) : () -> ()
      %mul3A_182 = arith.constant 10000 : i32
      %mul3A_183 = arith.muli %arg0, %mul3A_182 : i32
      %mul3A_184 = arith.constant 80 : i32
      %mul3A_185 = arith.muli %add3A_109, %mul3A_184 : i32
      %add3A_186 = arith.addi %mul3A_183, %mul3A_185 : i32
      "tpu.region"() ({
        %run_scoped3A = tpu.sem_alloc : memref<!tpu.dma_semaphore, #tpu.memory_space<semaphore_mem>>
        %dma_start3A_187 = arith.constant 0 : i32
        %dma_start3A_188 = tpu.memref_slice %arg5[%add3A_186, %dma_start3A_187] : memref<20000x128xf32, #tpu.memory_space<hbm>> -> memref<80x128xf32, #tpu.memory_space<hbm>>
        %dma_start3A_189 = arith.constant 0 : i32
        %dma_start3A_190 = tpu.memref_slice %arg5[%add3A_186, %dma_start3A_189] : memref<20000x128xf32, #tpu.memory_space<hbm>> -> memref<80x128xf32, #tpu.memory_space<hbm>>
        tpu.enqueue_dma source(%arg11 : memref<80x128xf32, #tpu.memory_space<vmem>>) target(%dma_start3A_190 : memref<80x128xf32, #tpu.memory_space<hbm>>) target_semaphore(%run_scoped3A : memref<!tpu.dma_semaphore, #tpu.memory_space<semaphore_mem>>)
        %dma_wait3A_191 = arith.constant 0 : i32
        %dma_wait3A_192 = tpu.memref_slice %arg5[%add3A_186, %dma_wait3A_191] : memref<20000x128xf32, #tpu.memory_space<hbm>> -> memref<80x128xf32, #tpu.memory_space<hbm>>
        %dma_wait3A_193 = arith.constant 0 : i32
        %dma_wait3A_194 = tpu.memref_slice %arg5[%add3A_186, %dma_wait3A_193] : memref<20000x128xf32, #tpu.memory_space<hbm>> -> memref<80x128xf32, #tpu.memory_space<hbm>>
        tpu.wait_dma2 semaphore(%run_scoped3A : memref<!tpu.dma_semaphore, #tpu.memory_space<semaphore_mem>>) src(%arg11 : memref<80x128xf32, #tpu.memory_space<vmem>>) dst(%dma_wait3A_194 : memref<80x128xf32, #tpu.memory_space<hbm>>)
        tpu.yield
      }) : () -> ()
    } else {
    }
    %add3A_115 = arith.constant 96 : i32
    %add3A_116 = arith.addi %arg1, %add3A_115 : i32
    %lt3A_117 = arith.constant 125 : i32
    %lt3A_118 = arith.cmpi slt, %add3A_116, %lt3A_117 : i32
    %convert_element_type3A_119 = arith.extui %lt3A_118 : i1 to i32
    %cond3A_120 = arith.constant 0 : i32
    %cond3A_121 = arith.cmpi ne, %convert_element_type3A_119, %cond3A_120 : i32
    scf.if %cond3A_121 {
      %mul3A_129 = arith.constant 80 : i32
      %mul3A_130 = arith.muli %add3A_116, %mul3A_129 : i32
      %add3A_131 = arith.constant 0 : i32
      %add3A_132 = arith.addi %mul3A_130, %add3A_131 : i32
      %iota3A = tpu.iota {dimensions = array<i32: 0>} : vector<16xi32>
      %add3A_133 = vector.broadcast %add3A_132 : i32 to vector<16xi32>
      %add3A_134 = arith.addi %add3A_133, %iota3A : vector<16xi32>
      %swap3A = arith.constant 0 : index
      %swap3A_135 = tpu.vector_load %arg7[%swap3A] {strides = array<i32>} : memref<80xi32, #tpu.memory_space<vmem>>, vector<16xi32>,
      %swap3A_136 = vector.shape_cast %swap3A_135 : vector<16xi32> to vector<16xi32>
      %swap3A_137 = vector.shape_cast %add3A_134 : vector<16xi32> to vector<16xi32>
      tpu.vector_store %arg7[%swap3A], %swap3A_137 {strides = array<i32>} : memref<80xi32, #tpu.memory_space<vmem>>, vector<16xi32>,
      %mul3A_138 = arith.constant 80 : i32
      %mul3A_139 = arith.muli %add3A_116, %mul3A_138 : i32
      %add3A_140 = arith.constant 16 : i32
      %add3A_141 = arith.addi %mul3A_139, %add3A_140 : i32
      %iota3A_142 = tpu.iota {dimensions = array<i32: 0>} : vector<16xi32>
      %add3A_143 = vector.broadcast %add3A_141 : i32 to vector<16xi32>
      %add3A_144 = arith.addi %add3A_143, %iota3A_142 : vector<16xi32>
      %swap3A_145 = arith.constant 16 : index
      %swap3A_146 = tpu.vector_load %arg7[%swap3A_145] {strides = array<i32>} : memref<80xi32, #tpu.memory_space<vmem>>, vector<16xi32>,
      %swap3A_147 = vector.shape_cast %swap3A_146 : vector<16xi32> to vector<16xi32>
      %swap3A_148 = vector.shape_cast %add3A_144 : vector<16xi32> to vector<16xi32>
      tpu.vector_store %arg7[%swap3A_145], %swap3A_148 {strides = array<i32>} : memref<80xi32, #tpu.memory_space<vmem>>, vector<16xi32>,
      %mul3A_149 = arith.constant 80 : i32
      %mul3A_150 = arith.muli %add3A_116, %mul3A_149 : i32
      %add3A_151 = arith.constant 32 : i32
      %add3A_152 = arith.addi %mul3A_150, %add3A_151 : i32
      %iota3A_153 = tpu.iota {dimensions = array<i32: 0>} : vector<16xi32>
      %add3A_154 = vector.broadcast %add3A_152 : i32 to vector<16xi32>
      %add3A_155 = arith.addi %add3A_154, %iota3A_153 : vector<16xi32>
      %swap3A_156 = arith.constant 32 : index
      %swap3A_157 = tpu.vector_load %arg7[%swap3A_156] {strides = array<i32>} : memref<80xi32, #tpu.memory_space<vmem>>, vector<16xi32>,
      %swap3A_158 = vector.shape_cast %swap3A_157 : vector<16xi32> to vector<16xi32>
      %swap3A_159 = vector.shape_cast %add3A_155 : vector<16xi32> to vector<16xi32>
      tpu.vector_store %arg7[%swap3A_156], %swap3A_159 {strides = array<i32>} : memref<80xi32, #tpu.memory_space<vmem>>, vector<16xi32>,
      %mul3A_160 = arith.constant 80 : i32
      %mul3A_161 = arith.muli %add3A_116, %mul3A_160 : i32
      %add3A_162 = arith.constant 48 : i32
      %add3A_163 = arith.addi %mul3A_161, %add3A_162 : i32
      %iota3A_164 = tpu.iota {dimensions = array<i32: 0>} : vector<16xi32>
      %add3A_165 = vector.broadcast %add3A_163 : i32 to vector<16xi32>
      %add3A_166 = arith.addi %add3A_165, %iota3A_164 : vector<16xi32>
      %swap3A_167 = arith.constant 48 : index
      %swap3A_168 = tpu.vector_load %arg7[%swap3A_167] {strides = array<i32>} : memref<80xi32, #tpu.memory_space<vmem>>, vector<16xi32>,
      %swap3A_169 = vector.shape_cast %swap3A_168 : vector<16xi32> to vector<16xi32>
      %swap3A_170 = vector.shape_cast %add3A_166 : vector<16xi32> to vector<16xi32>
      tpu.vector_store %arg7[%swap3A_167], %swap3A_170 {strides = array<i32>} : memref<80xi32, #tpu.memory_space<vmem>>, vector<16xi32>,
      %mul3A_171 = arith.constant 80 : i32
      %mul3A_172 = arith.muli %add3A_116, %mul3A_171 : i32
      %add3A_173 = arith.constant 64 : i32
      %add3A_174 = arith.addi %mul3A_172, %add3A_173 : i32
      %iota3A_175 = tpu.iota {dimensions = array<i32: 0>} : vector<16xi32>
      %add3A_176 = vector.broadcast %add3A_174 : i32 to vector<16xi32>
      %add3A_177 = arith.addi %add3A_176, %iota3A_175 : vector<16xi32>
      %swap3A_178 = arith.constant 64 : index
      %swap3A_179 = tpu.vector_load %arg7[%swap3A_178] {strides = array<i32>} : memref<80xi32, #tpu.memory_space<vmem>>, vector<16xi32>,
      %swap3A_180 = vector.shape_cast %swap3A_179 : vector<16xi32> to vector<16xi32>
      %swap3A_181 = vector.shape_cast %add3A_177 : vector<16xi32> to vector<16xi32>
      tpu.vector_store %arg7[%swap3A_178], %swap3A_181 {strides = array<i32>} : memref<80xi32, #tpu.memory_space<vmem>>, vector<16xi32>,
      "tpu.region"() ({
        %run_scoped3A = tpu.sem_alloc : memref<!tpu.dma_semaphore, #tpu.memory_space<semaphore_mem>>
        %dma_start3A_187 = arith.constant 0 : i32
        %dma_start3A_188 = arith.constant 0 : i32
        %dma_start3A_189 = tpu.memref_slice %arg6[%dma_start3A_187, %dma_start3A_188] : memref<10000x128xf32, #tpu.memory_space<vmem_shared>> -> memref<10000x128xf32, #tpu.memory_space<vmem_shared>>
        tpu.enqueue_indirect_dma source(%dma_start3A_189 : memref<10000x128xf32, #tpu.memory_space<vmem_shared>>) target(%arg11 : memref<80x128xf32, #tpu.memory_space<vmem>>) offsets(%arg7 : memref<80xi32, #tpu.memory_space<vmem>>) semaphore(%run_scoped3A : memref<!tpu.dma_semaphore, #tpu.memory_space<semaphore_mem>>)
        %dma_wait3A_190 = arith.constant 0 : i32
        %dma_wait3A_191 = arith.constant 0 : i32
        %dma_wait3A_192 = tpu.memref_slice %arg6[%dma_wait3A_190, %dma_wait3A_191] : memref<10000x128xf32, #tpu.memory_space<vmem_shared>> -> memref<10000x128xf32, #tpu.memory_space<vmem_shared>>
        tpu.wait_indirect_dma semaphore(%run_scoped3A : memref<!tpu.dma_semaphore, #tpu.memory_space<semaphore_mem>>) src(%dma_wait3A_192 : memref<10000x128xf32, #tpu.memory_space<vmem_shared>>) dst(%arg11 : memref<80x128xf32, #tpu.memory_space<vmem>>)
        tpu.yield
      }) : () -> ()
      %mul3A_182 = arith.constant 10000 : i32
      %mul3A_183 = arith.muli %arg0, %mul3A_182 : i32
      %mul3A_184 = arith.constant 80 : i32
      %mul3A_185 = arith.muli %add3A_116, %mul3A_184 : i32
      %add3A_186 = arith.addi %mul3A_183, %mul3A_185 : i32
      "tpu.region"() ({
        %run_scoped3A = tpu.sem_alloc : memref<!tpu.dma_semaphore, #tpu.memory_space<semaphore_mem>>
        %dma_start3A_187 = arith.constant 0 : i32
        %dma_start3A_188 = tpu.memref_slice %arg5[%add3A_186, %dma_start3A_187] : memref<20000x128xf32, #tpu.memory_space<hbm>> -> memref<80x128xf32, #tpu.memory_space<hbm>>
        %dma_start3A_189 = arith.constant 0 : i32
        %dma_start3A_190 = tpu.memref_slice %arg5[%add3A_186, %dma_start3A_189] : memref<20000x128xf32, #tpu.memory_space<hbm>> -> memref<80x128xf32, #tpu.memory_space<hbm>>
        tpu.enqueue_dma source(%arg11 : memref<80x128xf32, #tpu.memory_space<vmem>>) target(%dma_start3A_190 : memref<80x128xf32, #tpu.memory_space<hbm>>) target_semaphore(%run_scoped3A : memref<!tpu.dma_semaphore, #tpu.memory_space<semaphore_mem>>)
        %dma_wait3A_191 = arith.constant 0 : i32
        %dma_wait3A_192 = tpu.memref_slice %arg5[%add3A_186, %dma_wait3A_191] : memref<20000x128xf32, #tpu.memory_space<hbm>> -> memref<80x128xf32, #tpu.memory_space<hbm>>
        %dma_wait3A_193 = arith.constant 0 : i32
        %dma_wait3A_194 = tpu.memref_slice %arg5[%add3A_186, %dma_wait3A_193] : memref<20000x128xf32, #tpu.memory_space<hbm>> -> memref<80x128xf32, #tpu.memory_space<hbm>>
        tpu.wait_dma2 semaphore(%run_scoped3A : memref<!tpu.dma_semaphore, #tpu.memory_space<semaphore_mem>>) src(%arg11 : memref<80x128xf32, #tpu.memory_space<vmem>>) dst(%dma_wait3A_194 : memref<80x128xf32, #tpu.memory_space<hbm>>)
        tpu.yield
      }) : () -> ()
    } else {
    }
    %add3A_122 = arith.constant 112 : i32
    %add3A_123 = arith.addi %arg1, %add3A_122 : i32
    %lt3A_124 = arith.constant 125 : i32
    %lt3A_125 = arith.cmpi slt, %add3A_123, %lt3A_124 : i32
    %convert_element_type3A_126 = arith.extui %lt3A_125 : i1 to i32
    %cond3A_127 = arith.constant 0 : i32
    %cond3A_128 = arith.cmpi ne, %convert_element_type3A_126, %cond3A_127 : i32
    scf.if %cond3A_128 {
      %mul3A_129 = arith.constant 80 : i32
      %mul3A_130 = arith.muli %add3A_123, %mul3A_129 : i32
      %add3A_131 = arith.constant 0 : i32
      %add3A_132 = arith.addi %mul3A_130, %add3A_131 : i32
      %iota3A = tpu.iota {dimensions = array<i32: 0>} : vector<16xi32>
      %add3A_133 = vector.broadcast %add3A_132 : i32 to vector<16xi32>
      %add3A_134 = arith.addi %add3A_133, %iota3A : vector<16xi32>
      %swap3A = arith.constant 0 : index
      %swap3A_135 = tpu.vector_load %arg7[%swap3A] {strides = array<i32>} : memref<80xi32, #tpu.memory_space<vmem>>, vector<16xi32>,
      %swap3A_136 = vector.shape_cast %swap3A_135 : vector<16xi32> to vector<16xi32>
      %swap3A_137 = vector.shape_cast %add3A_134 : vector<16xi32> to vector<16xi32>
      tpu.vector_store %arg7[%swap3A], %swap3A_137 {strides = array<i32>} : memref<80xi32, #tpu.memory_space<vmem>>, vector<16xi32>,
      %mul3A_138 = arith.constant 80 : i32
      %mul3A_139 = arith.muli %add3A_123, %mul3A_138 : i32
      %add3A_140 = arith.constant 16 : i32
      %add3A_141 = arith.addi %mul3A_139, %add3A_140 : i32
      %iota3A_142 = tpu.iota {dimensions = array<i32: 0>} : vector<16xi32>
      %add3A_143 = vector.broadcast %add3A_141 : i32 to vector<16xi32>
      %add3A_144 = arith.addi %add3A_143, %iota3A_142 : vector<16xi32>
      %swap3A_145 = arith.constant 16 : index
      %swap3A_146 = tpu.vector_load %arg7[%swap3A_145] {strides = array<i32>} : memref<80xi32, #tpu.memory_space<vmem>>, vector<16xi32>,
      %swap3A_147 = vector.shape_cast %swap3A_146 : vector<16xi32> to vector<16xi32>
      %swap3A_148 = vector.shape_cast %add3A_144 : vector<16xi32> to vector<16xi32>
      tpu.vector_store %arg7[%swap3A_145], %swap3A_148 {strides = array<i32>} : memref<80xi32, #tpu.memory_space<vmem>>, vector<16xi32>,
      %mul3A_149 = arith.constant 80 : i32
      %mul3A_150 = arith.muli %add3A_123, %mul3A_149 : i32
      %add3A_151 = arith.constant 32 : i32
      %add3A_152 = arith.addi %mul3A_150, %add3A_151 : i32
      %iota3A_153 = tpu.iota {dimensions = array<i32: 0>} : vector<16xi32>
      %add3A_154 = vector.broadcast %add3A_152 : i32 to vector<16xi32>
      %add3A_155 = arith.addi %add3A_154, %iota3A_153 : vector<16xi32>
      %swap3A_156 = arith.constant 32 : index
      %swap3A_157 = tpu.vector_load %arg7[%swap3A_156] {strides = array<i32>} : memref<80xi32, #tpu.memory_space<vmem>>, vector<16xi32>,
      %swap3A_158 = vector.shape_cast %swap3A_157 : vector<16xi32> to vector<16xi32>
      %swap3A_159 = vector.shape_cast %add3A_155 : vector<16xi32> to vector<16xi32>
      tpu.vector_store %arg7[%swap3A_156], %swap3A_159 {strides = array<i32>} : memref<80xi32, #tpu.memory_space<vmem>>, vector<16xi32>,
      %mul3A_160 = arith.constant 80 : i32
      %mul3A_161 = arith.muli %add3A_123, %mul3A_160 : i32
      %add3A_162 = arith.constant 48 : i32
      %add3A_163 = arith.addi %mul3A_161, %add3A_162 : i32
      %iota3A_164 = tpu.iota {dimensions = array<i32: 0>} : vector<16xi32>
      %add3A_165 = vector.broadcast %add3A_163 : i32 to vector<16xi32>
      %add3A_166 = arith.addi %add3A_165, %iota3A_164 : vector<16xi32>
      %swap3A_167 = arith.constant 48 : index
      %swap3A_168 = tpu.vector_load %arg7[%swap3A_167] {strides = array<i32>} : memref<80xi32, #tpu.memory_space<vmem>>, vector<16xi32>,
      %swap3A_169 = vector.shape_cast %swap3A_168 : vector<16xi32> to vector<16xi32>
      %swap3A_170 = vector.shape_cast %add3A_166 : vector<16xi32> to vector<16xi32>
      tpu.vector_store %arg7[%swap3A_167], %swap3A_170 {strides = array<i32>} : memref<80xi32, #tpu.memory_space<vmem>>, vector<16xi32>,
      %mul3A_171 = arith.constant 80 : i32
      %mul3A_172 = arith.muli %add3A_123, %mul3A_171 : i32
      %add3A_173 = arith.constant 64 : i32
      %add3A_174 = arith.addi %mul3A_172, %add3A_173 : i32
      %iota3A_175 = tpu.iota {dimensions = array<i32: 0>} : vector<16xi32>
      %add3A_176 = vector.broadcast %add3A_174 : i32 to vector<16xi32>
      %add3A_177 = arith.addi %add3A_176, %iota3A_175 : vector<16xi32>
      %swap3A_178 = arith.constant 64 : index
      %swap3A_179 = tpu.vector_load %arg7[%swap3A_178] {strides = array<i32>} : memref<80xi32, #tpu.memory_space<vmem>>, vector<16xi32>,
      %swap3A_180 = vector.shape_cast %swap3A_179 : vector<16xi32> to vector<16xi32>
      %swap3A_181 = vector.shape_cast %add3A_177 : vector<16xi32> to vector<16xi32>
      tpu.vector_store %arg7[%swap3A_178], %swap3A_181 {strides = array<i32>} : memref<80xi32, #tpu.memory_space<vmem>>, vector<16xi32>,
      "tpu.region"() ({
        %run_scoped3A = tpu.sem_alloc : memref<!tpu.dma_semaphore, #tpu.memory_space<semaphore_mem>>
        %dma_start3A_187 = arith.constant 0 : i32
        %dma_start3A_188 = arith.constant 0 : i32
        %dma_start3A_189 = tpu.memref_slice %arg6[%dma_start3A_187, %dma_start3A_188] : memref<10000x128xf32, #tpu.memory_space<vmem_shared>> -> memref<10000x128xf32, #tpu.memory_space<vmem_shared>>
        tpu.enqueue_indirect_dma source(%dma_start3A_189 : memref<10000x128xf32, #tpu.memory_space<vmem_shared>>) target(%arg11 : memref<80x128xf32, #tpu.memory_space<vmem>>) offsets(%arg7 : memref<80xi32, #tpu.memory_space<vmem>>) semaphore(%run_scoped3A : memref<!tpu.dma_semaphore, #tpu.memory_space<semaphore_mem>>)
        %dma_wait3A_190 = arith.constant 0 : i32
        %dma_wait3A_191 = arith.constant 0 : i32
        %dma_wait3A_192 = tpu.memref_slice %arg6[%dma_wait3A_190, %dma_wait3A_191] : memref<10000x128xf32, #tpu.memory_space<vmem_shared>> -> memref<10000x128xf32, #tpu.memory_space<vmem_shared>>
        tpu.wait_indirect_dma semaphore(%run_scoped3A : memref<!tpu.dma_semaphore, #tpu.memory_space<semaphore_mem>>) src(%dma_wait3A_192 : memref<10000x128xf32, #tpu.memory_space<vmem_shared>>) dst(%arg11 : memref<80x128xf32, #tpu.memory_space<vmem>>)
        tpu.yield
      }) : () -> ()
      %mul3A_182 = arith.constant 10000 : i32
      %mul3A_183 = arith.muli %arg0, %mul3A_182 : i32
      %mul3A_184 = arith.constant 80 : i32
      %mul3A_185 = arith.muli %add3A_123, %mul3A_184 : i32
      %add3A_186 = arith.addi %mul3A_183, %mul3A_185 : i32
      "tpu.region"() ({
        %run_scoped3A = tpu.sem_alloc : memref<!tpu.dma_semaphore, #tpu.memory_space<semaphore_mem>>
        %dma_start3A_187 = arith.constant 0 : i32
        %dma_start3A_188 = tpu.memref_slice %arg5[%add3A_186, %dma_start3A_187] : memref<20000x128xf32, #tpu.memory_space<hbm>> -> memref<80x128xf32, #tpu.memory_space<hbm>>
        %dma_start3A_189 = arith.constant 0 : i32
        %dma_start3A_190 = tpu.memref_slice %arg5[%add3A_186, %dma_start3A_189] : memref<20000x128xf32, #tpu.memory_space<hbm>> -> memref<80x128xf32, #tpu.memory_space<hbm>>
        tpu.enqueue_dma source(%arg11 : memref<80x128xf32, #tpu.memory_space<vmem>>) target(%dma_start3A_190 : memref<80x128xf32, #tpu.memory_space<hbm>>) target_semaphore(%run_scoped3A : memref<!tpu.dma_semaphore, #tpu.memory_space<semaphore_mem>>)
        %dma_wait3A_191 = arith.constant 0 : i32
        %dma_wait3A_192 = tpu.memref_slice %arg5[%add3A_186, %dma_wait3A_191] : memref<20000x128xf32, #tpu.memory_space<hbm>> -> memref<80x128xf32, #tpu.memory_space<hbm>>
        %dma_wait3A_193 = arith.constant 0 : i32
        %dma_wait3A_194 = tpu.memref_slice %arg5[%add3A_186, %dma_wait3A_193] : memref<20000x128xf32, #tpu.memory_space<hbm>> -> memref<80x128xf32, #tpu.memory_space<hbm>>
        tpu.wait_dma2 semaphore(%run_scoped3A : memref<!tpu.dma_semaphore, #tpu.memory_space<semaphore_mem>>) src(%arg11 : memref<80x128xf32, #tpu.memory_space<vmem>>) dst(%dma_wait3A_194 : memref<80x128xf32, #tpu.memory_space<hbm>>)
        tpu.yield
      }) : () -> ()
    } else {
    }
    return
  }
}

#map = affine_map<(d0, d1) -> (0, 0)>
#map1 = affine_map<(d0, d1) -> (0)>
module attributes {stable_mosaic.version = 14 : i64} {
  func.func @agg_kernel(%arg0: i32, %arg1: i32, %arg2: memref<320000x128xf32, #tpu.memory_space<hbm>>, %arg3: memref<320000xi32, #tpu.memory_space<hbm>>, %arg4: memref<320000xi32, #tpu.memory_space<hbm>>, %arg5: memref<20000x128xf32, #tpu.memory_space<hbm>>, %arg6: memref<10000x128xf32, #tpu.memory_space<vmem_shared>>, %arg7: memref<80xi32, #tpu.memory_space<vmem>>, %arg8: memref<80xi32, #tpu.memory_space<vmem>>, %arg9: memref<80xi32, #tpu.memory_space<vmem>>, %arg10: memref<80xi32, #tpu.memory_space<vmem>>, %arg11: memref<80x128xf32, #tpu.memory_space<vmem>>, %arg12: memref<80x128xf32, #tpu.memory_space<vmem>>, %arg13: memref<!tpu.dma_semaphore, #tpu.memory_space<semaphore_mem>>) attributes {dimension_semantics = [#tpu.dimension_semantics<core_parallel>, #tpu.dimension_semantics<subcore_parallel>], iteration_bounds = array<i64: 2, 16>, scalar_prefetch = 0 : i64, scratch_operands = 8 : i64, tpu.core_type = #tpu.core_type<sc_vector_subcore>, window_params = [{transform_indices = #map}, {transform_indices = #map1}, {transform_indices = #map1}, {transform_indices = #map}]} {
    %mul3A = arith.constant 16 : i32
    %mul3A_0 = arith.muli %arg0, %mul3A : i32
    %add3A = arith.addi %mul3A_0, %arg1 : i32
    %scan3A = arith.constant 0 : i32
    %scan3A_1 = arith.constant 0 : i32
    %scan3A_2 = arith.constant 80 : i32
    %scan3A_3 = arith.addi %scan3A_1, %scan3A_2 : i32
    %scan3A_4 = arith.constant 1 : i32
    scf.for %scan3A_125 = %scan3A_1 to %scan3A_3 step %scan3A_4  : i32 {
      %broadcast_in_dim3A = arith.constant 0.000000e+00 : f32
      %broadcast_in_dim3A_126 = vector.broadcast %broadcast_in_dim3A : f32 to vector<16xf32>
      %swap3A = arith.index_cast %scan3A_125 : i32 to index
      %swap3A_127 = arith.constant 0 : index
      %swap3A_128 = tpu.vector_load %arg11[%swap3A, %swap3A_127] {strides = array<i32>} : memref<80x128xf32, #tpu.memory_space<vmem>>, vector<1x16xf32>,
      %swap3A_129 = vector.shape_cast %swap3A_128 : vector<1x16xf32> to vector<16xf32>
      %swap3A_130 = vector.shape_cast %broadcast_in_dim3A_126 : vector<16xf32> to vector<1x16xf32>
      tpu.vector_store %arg11[%swap3A, %swap3A_127], %swap3A_130 {strides = array<i32>} : memref<80x128xf32, #tpu.memory_space<vmem>>, vector<1x16xf32>,
      %broadcast_in_dim3A_131 = arith.constant 0.000000e+00 : f32
      %broadcast_in_dim3A_132 = vector.broadcast %broadcast_in_dim3A_131 : f32 to vector<16xf32>
      %swap3A_133 = arith.index_cast %scan3A_125 : i32 to index
      %swap3A_134 = arith.constant 16 : index
      %swap3A_135 = tpu.vector_load %arg11[%swap3A_133, %swap3A_134] {strides = array<i32>} : memref<80x128xf32, #tpu.memory_space<vmem>>, vector<1x16xf32>,
      %swap3A_136 = vector.shape_cast %swap3A_135 : vector<1x16xf32> to vector<16xf32>
      %swap3A_137 = vector.shape_cast %broadcast_in_dim3A_132 : vector<16xf32> to vector<1x16xf32>
      tpu.vector_store %arg11[%swap3A_133, %swap3A_134], %swap3A_137 {strides = array<i32>} : memref<80x128xf32, #tpu.memory_space<vmem>>, vector<1x16xf32>,
      %broadcast_in_dim3A_138 = arith.constant 0.000000e+00 : f32
      %broadcast_in_dim3A_139 = vector.broadcast %broadcast_in_dim3A_138 : f32 to vector<16xf32>
      %swap3A_140 = arith.index_cast %scan3A_125 : i32 to index
      %swap3A_141 = arith.constant 32 : index
      %swap3A_142 = tpu.vector_load %arg11[%swap3A_140, %swap3A_141] {strides = array<i32>} : memref<80x128xf32, #tpu.memory_space<vmem>>, vector<1x16xf32>,
      %swap3A_143 = vector.shape_cast %swap3A_142 : vector<1x16xf32> to vector<16xf32>
      %swap3A_144 = vector.shape_cast %broadcast_in_dim3A_139 : vector<16xf32> to vector<1x16xf32>
      tpu.vector_store %arg11[%swap3A_140, %swap3A_141], %swap3A_144 {strides = array<i32>} : memref<80x128xf32, #tpu.memory_space<vmem>>, vector<1x16xf32>,
      %broadcast_in_dim3A_145 = arith.constant 0.000000e+00 : f32
      %broadcast_in_dim3A_146 = vector.broadcast %broadcast_in_dim3A_145 : f32 to vector<16xf32>
      %swap3A_147 = arith.index_cast %scan3A_125 : i32 to index
      %swap3A_148 = arith.constant 48 : index
      %swap3A_149 = tpu.vector_load %arg11[%swap3A_147, %swap3A_148] {strides = array<i32>} : memref<80x128xf32, #tpu.memory_space<vmem>>, vector<1x16xf32>,
      %swap3A_150 = vector.shape_cast %swap3A_149 : vector<1x16xf32> to vector<16xf32>
      %swap3A_151 = vector.shape_cast %broadcast_in_dim3A_146 : vector<16xf32> to vector<1x16xf32>
      tpu.vector_store %arg11[%swap3A_147, %swap3A_148], %swap3A_151 {strides = array<i32>} : memref<80x128xf32, #tpu.memory_space<vmem>>, vector<1x16xf32>,
      %broadcast_in_dim3A_152 = arith.constant 0.000000e+00 : f32
      %broadcast_in_dim3A_153 = vector.broadcast %broadcast_in_dim3A_152 : f32 to vector<16xf32>
      %swap3A_154 = arith.index_cast %scan3A_125 : i32 to index
      %swap3A_155 = arith.constant 64 : index
      %swap3A_156 = tpu.vector_load %arg11[%swap3A_154, %swap3A_155] {strides = array<i32>} : memref<80x128xf32, #tpu.memory_space<vmem>>, vector<1x16xf32>,
      %swap3A_157 = vector.shape_cast %swap3A_156 : vector<1x16xf32> to vector<16xf32>
      %swap3A_158 = vector.shape_cast %broadcast_in_dim3A_153 : vector<16xf32> to vector<1x16xf32>
      tpu.vector_store %arg11[%swap3A_154, %swap3A_155], %swap3A_158 {strides = array<i32>} : memref<80x128xf32, #tpu.memory_space<vmem>>, vector<1x16xf32>,
      %broadcast_in_dim3A_159 = arith.constant 0.000000e+00 : f32
      %broadcast_in_dim3A_160 = vector.broadcast %broadcast_in_dim3A_159 : f32 to vector<16xf32>
      %swap3A_161 = arith.index_cast %scan3A_125 : i32 to index
      %swap3A_162 = arith.constant 80 : index
      %swap3A_163 = tpu.vector_load %arg11[%swap3A_161, %swap3A_162] {strides = array<i32>} : memref<80x128xf32, #tpu.memory_space<vmem>>, vector<1x16xf32>,
      %swap3A_164 = vector.shape_cast %swap3A_163 : vector<1x16xf32> to vector<16xf32>
      %swap3A_165 = vector.shape_cast %broadcast_in_dim3A_160 : vector<16xf32> to vector<1x16xf32>
      tpu.vector_store %arg11[%swap3A_161, %swap3A_162], %swap3A_165 {strides = array<i32>} : memref<80x128xf32, #tpu.memory_space<vmem>>, vector<1x16xf32>,
      %broadcast_in_dim3A_166 = arith.constant 0.000000e+00 : f32
      %broadcast_in_dim3A_167 = vector.broadcast %broadcast_in_dim3A_166 : f32 to vector<16xf32>
      %swap3A_168 = arith.index_cast %scan3A_125 : i32 to index
      %swap3A_169 = arith.constant 96 : index
      %swap3A_170 = tpu.vector_load %arg11[%swap3A_168, %swap3A_169] {strides = array<i32>} : memref<80x128xf32, #tpu.memory_space<vmem>>, vector<1x16xf32>,
      %swap3A_171 = vector.shape_cast %swap3A_170 : vector<1x16xf32> to vector<16xf32>
      %swap3A_172 = vector.shape_cast %broadcast_in_dim3A_167 : vector<16xf32> to vector<1x16xf32>
      tpu.vector_store %arg11[%swap3A_168, %swap3A_169], %swap3A_172 {strides = array<i32>} : memref<80x128xf32, #tpu.memory_space<vmem>>, vector<1x16xf32>,
      %broadcast_in_dim3A_173 = arith.constant 0.000000e+00 : f32
      %broadcast_in_dim3A_174 = vector.broadcast %broadcast_in_dim3A_173 : f32 to vector<16xf32>
      %swap3A_175 = arith.index_cast %scan3A_125 : i32 to index
      %swap3A_176 = arith.constant 112 : index
      %swap3A_177 = tpu.vector_load %arg11[%swap3A_175, %swap3A_176] {strides = array<i32>} : memref<80x128xf32, #tpu.memory_space<vmem>>, vector<1x16xf32>,
      %swap3A_178 = vector.shape_cast %swap3A_177 : vector<1x16xf32> to vector<16xf32>
      %swap3A_179 = vector.shape_cast %broadcast_in_dim3A_174 : vector<16xf32> to vector<1x16xf32>
      tpu.vector_store %arg11[%swap3A_175, %swap3A_176], %swap3A_179 {strides = array<i32>} : memref<80x128xf32, #tpu.memory_space<vmem>>, vector<1x16xf32>,
    }
    %scan3A_5 = arith.constant 80 : i32
    %add3A_6 = arith.constant 0 : i32
    %add3A_7 = arith.addi %arg1, %add3A_6 : i32
    %lt3A = arith.constant 125 : i32
    %lt3A_8 = arith.cmpi slt, %add3A_7, %lt3A : i32
    %convert_element_type3A = arith.extui %lt3A_8 : i1 to i32
    %cond3A = arith.constant 0 : i32
    %cond3A_9 = arith.cmpi ne, %convert_element_type3A, %cond3A : i32
    scf.if %cond3A_9 {
      %mul3A_125 = arith.constant 80 : i32
      %mul3A_126 = arith.muli %add3A_7, %mul3A_125 : i32
      %add3A_127 = arith.constant 0 : i32
      %add3A_128 = arith.addi %mul3A_126, %add3A_127 : i32
      %iota3A = tpu.iota {dimensions = array<i32: 0>} : vector<16xi32>
      %add3A_129 = vector.broadcast %add3A_128 : i32 to vector<16xi32>
      %add3A_130 = arith.addi %add3A_129, %iota3A : vector<16xi32>
      %swap3A = arith.constant 0 : index
      %swap3A_131 = tpu.vector_load %arg7[%swap3A] {strides = array<i32>} : memref<80xi32, #tpu.memory_space<vmem>>, vector<16xi32>,
      %swap3A_132 = vector.shape_cast %swap3A_131 : vector<16xi32> to vector<16xi32>
      %swap3A_133 = vector.shape_cast %add3A_130 : vector<16xi32> to vector<16xi32>
      tpu.vector_store %arg7[%swap3A], %swap3A_133 {strides = array<i32>} : memref<80xi32, #tpu.memory_space<vmem>>, vector<16xi32>,
      %mul3A_134 = arith.constant 80 : i32
      %mul3A_135 = arith.muli %add3A_7, %mul3A_134 : i32
      %add3A_136 = arith.constant 16 : i32
      %add3A_137 = arith.addi %mul3A_135, %add3A_136 : i32
      %iota3A_138 = tpu.iota {dimensions = array<i32: 0>} : vector<16xi32>
      %add3A_139 = vector.broadcast %add3A_137 : i32 to vector<16xi32>
      %add3A_140 = arith.addi %add3A_139, %iota3A_138 : vector<16xi32>
      %swap3A_141 = arith.constant 16 : index
      %swap3A_142 = tpu.vector_load %arg7[%swap3A_141] {strides = array<i32>} : memref<80xi32, #tpu.memory_space<vmem>>, vector<16xi32>,
      %swap3A_143 = vector.shape_cast %swap3A_142 : vector<16xi32> to vector<16xi32>
      %swap3A_144 = vector.shape_cast %add3A_140 : vector<16xi32> to vector<16xi32>
      tpu.vector_store %arg7[%swap3A_141], %swap3A_144 {strides = array<i32>} : memref<80xi32, #tpu.memory_space<vmem>>, vector<16xi32>,
      %mul3A_145 = arith.constant 80 : i32
      %mul3A_146 = arith.muli %add3A_7, %mul3A_145 : i32
      %add3A_147 = arith.constant 32 : i32
      %add3A_148 = arith.addi %mul3A_146, %add3A_147 : i32
      %iota3A_149 = tpu.iota {dimensions = array<i32: 0>} : vector<16xi32>
      %add3A_150 = vector.broadcast %add3A_148 : i32 to vector<16xi32>
      %add3A_151 = arith.addi %add3A_150, %iota3A_149 : vector<16xi32>
      %swap3A_152 = arith.constant 32 : index
      %swap3A_153 = tpu.vector_load %arg7[%swap3A_152] {strides = array<i32>} : memref<80xi32, #tpu.memory_space<vmem>>, vector<16xi32>,
      %swap3A_154 = vector.shape_cast %swap3A_153 : vector<16xi32> to vector<16xi32>
      %swap3A_155 = vector.shape_cast %add3A_151 : vector<16xi32> to vector<16xi32>
      tpu.vector_store %arg7[%swap3A_152], %swap3A_155 {strides = array<i32>} : memref<80xi32, #tpu.memory_space<vmem>>, vector<16xi32>,
      %mul3A_156 = arith.constant 80 : i32
      %mul3A_157 = arith.muli %add3A_7, %mul3A_156 : i32
      %add3A_158 = arith.constant 48 : i32
      %add3A_159 = arith.addi %mul3A_157, %add3A_158 : i32
      %iota3A_160 = tpu.iota {dimensions = array<i32: 0>} : vector<16xi32>
      %add3A_161 = vector.broadcast %add3A_159 : i32 to vector<16xi32>
      %add3A_162 = arith.addi %add3A_161, %iota3A_160 : vector<16xi32>
      %swap3A_163 = arith.constant 48 : index
      %swap3A_164 = tpu.vector_load %arg7[%swap3A_163] {strides = array<i32>} : memref<80xi32, #tpu.memory_space<vmem>>, vector<16xi32>,
      %swap3A_165 = vector.shape_cast %swap3A_164 : vector<16xi32> to vector<16xi32>
      %swap3A_166 = vector.shape_cast %add3A_162 : vector<16xi32> to vector<16xi32>
      tpu.vector_store %arg7[%swap3A_163], %swap3A_166 {strides = array<i32>} : memref<80xi32, #tpu.memory_space<vmem>>, vector<16xi32>,
      %mul3A_167 = arith.constant 80 : i32
      %mul3A_168 = arith.muli %add3A_7, %mul3A_167 : i32
      %add3A_169 = arith.constant 64 : i32
      %add3A_170 = arith.addi %mul3A_168, %add3A_169 : i32
      %iota3A_171 = tpu.iota {dimensions = array<i32: 0>} : vector<16xi32>
      %add3A_172 = vector.broadcast %add3A_170 : i32 to vector<16xi32>
      %add3A_173 = arith.addi %add3A_172, %iota3A_171 : vector<16xi32>
      %swap3A_174 = arith.constant 64 : index
      %swap3A_175 = tpu.vector_load %arg7[%swap3A_174] {strides = array<i32>} : memref<80xi32, #tpu.memory_space<vmem>>, vector<16xi32>,
      %swap3A_176 = vector.shape_cast %swap3A_175 : vector<16xi32> to vector<16xi32>
      %swap3A_177 = vector.shape_cast %add3A_173 : vector<16xi32> to vector<16xi32>
      tpu.vector_store %arg7[%swap3A_174], %swap3A_177 {strides = array<i32>} : memref<80xi32, #tpu.memory_space<vmem>>, vector<16xi32>,
      "tpu.region"() ({
        %run_scoped3A = tpu.sem_alloc : memref<!tpu.dma_semaphore, #tpu.memory_space<semaphore_mem>>
        %dma_start3A = arith.constant 0 : i32
        %dma_start3A_178 = arith.constant 0 : i32
        %dma_start3A_179 = tpu.memref_slice %arg6[%dma_start3A, %dma_start3A_178] : memref<10000x128xf32, #tpu.memory_space<vmem_shared>> -> memref<10000x128xf32, #tpu.memory_space<vmem_shared>>
        tpu.enqueue_indirect_dma source(%arg11 : memref<80x128xf32, #tpu.memory_space<vmem>>) target(%dma_start3A_179 : memref<10000x128xf32, #tpu.memory_space<vmem_shared>>) offsets(%arg7 : memref<80xi32, #tpu.memory_space<vmem>>) semaphore(%run_scoped3A : memref<!tpu.dma_semaphore, #tpu.memory_space<semaphore_mem>>)
        %dma_wait3A = arith.constant 0 : i32
        %dma_wait3A_180 = arith.constant 0 : i32
        %dma_wait3A_181 = tpu.memref_slice %arg6[%dma_wait3A, %dma_wait3A_180] : memref<10000x128xf32, #tpu.memory_space<vmem_shared>> -> memref<10000x128xf32, #tpu.memory_space<vmem_shared>>
        tpu.wait_indirect_dma semaphore(%run_scoped3A : memref<!tpu.dma_semaphore, #tpu.memory_space<semaphore_mem>>) src(%arg11 : memref<80x128xf32, #tpu.memory_space<vmem>>) dst(%dma_wait3A_181 : memref<10000x128xf32, #tpu.memory_space<vmem_shared>>)
        tpu.yield
      }) : () -> ()
    } else {
    }
    %add3A_10 = arith.constant 16 : i32
    %add3A_11 = arith.addi %arg1, %add3A_10 : i32
    %lt3A_12 = arith.constant 125 : i32
    %lt3A_13 = arith.cmpi slt, %add3A_11, %lt3A_12 : i32
    %convert_element_type3A_14 = arith.extui %lt3A_13 : i1 to i32
    %cond3A_15 = arith.constant 0 : i32
    %cond3A_16 = arith.cmpi ne, %convert_element_type3A_14, %cond3A_15 : i32
    scf.if %cond3A_16 {
      %mul3A_125 = arith.constant 80 : i32
      %mul3A_126 = arith.muli %add3A_11, %mul3A_125 : i32
      %add3A_127 = arith.constant 0 : i32
      %add3A_128 = arith.addi %mul3A_126, %add3A_127 : i32
      %iota3A = tpu.iota {dimensions = array<i32: 0>} : vector<16xi32>
      %add3A_129 = vector.broadcast %add3A_128 : i32 to vector<16xi32>
      %add3A_130 = arith.addi %add3A_129, %iota3A : vector<16xi32>
      %swap3A = arith.constant 0 : index
      %swap3A_131 = tpu.vector_load %arg7[%swap3A] {strides = array<i32>} : memref<80xi32, #tpu.memory_space<vmem>>, vector<16xi32>,
      %swap3A_132 = vector.shape_cast %swap3A_131 : vector<16xi32> to vector<16xi32>
      %swap3A_133 = vector.shape_cast %add3A_130 : vector<16xi32> to vector<16xi32>
      tpu.vector_store %arg7[%swap3A], %swap3A_133 {strides = array<i32>} : memref<80xi32, #tpu.memory_space<vmem>>, vector<16xi32>,
      %mul3A_134 = arith.constant 80 : i32
      %mul3A_135 = arith.muli %add3A_11, %mul3A_134 : i32
      %add3A_136 = arith.constant 16 : i32
      %add3A_137 = arith.addi %mul3A_135, %add3A_136 : i32
      %iota3A_138 = tpu.iota {dimensions = array<i32: 0>} : vector<16xi32>
      %add3A_139 = vector.broadcast %add3A_137 : i32 to vector<16xi32>
      %add3A_140 = arith.addi %add3A_139, %iota3A_138 : vector<16xi32>
      %swap3A_141 = arith.constant 16 : index
      %swap3A_142 = tpu.vector_load %arg7[%swap3A_141] {strides = array<i32>} : memref<80xi32, #tpu.memory_space<vmem>>, vector<16xi32>,
      %swap3A_143 = vector.shape_cast %swap3A_142 : vector<16xi32> to vector<16xi32>
      %swap3A_144 = vector.shape_cast %add3A_140 : vector<16xi32> to vector<16xi32>
      tpu.vector_store %arg7[%swap3A_141], %swap3A_144 {strides = array<i32>} : memref<80xi32, #tpu.memory_space<vmem>>, vector<16xi32>,
      %mul3A_145 = arith.constant 80 : i32
      %mul3A_146 = arith.muli %add3A_11, %mul3A_145 : i32
      %add3A_147 = arith.constant 32 : i32
      %add3A_148 = arith.addi %mul3A_146, %add3A_147 : i32
      %iota3A_149 = tpu.iota {dimensions = array<i32: 0>} : vector<16xi32>
      %add3A_150 = vector.broadcast %add3A_148 : i32 to vector<16xi32>
      %add3A_151 = arith.addi %add3A_150, %iota3A_149 : vector<16xi32>
      %swap3A_152 = arith.constant 32 : index
      %swap3A_153 = tpu.vector_load %arg7[%swap3A_152] {strides = array<i32>} : memref<80xi32, #tpu.memory_space<vmem>>, vector<16xi32>,
      %swap3A_154 = vector.shape_cast %swap3A_153 : vector<16xi32> to vector<16xi32>
      %swap3A_155 = vector.shape_cast %add3A_151 : vector<16xi32> to vector<16xi32>
      tpu.vector_store %arg7[%swap3A_152], %swap3A_155 {strides = array<i32>} : memref<80xi32, #tpu.memory_space<vmem>>, vector<16xi32>,
      %mul3A_156 = arith.constant 80 : i32
      %mul3A_157 = arith.muli %add3A_11, %mul3A_156 : i32
      %add3A_158 = arith.constant 48 : i32
      %add3A_159 = arith.addi %mul3A_157, %add3A_158 : i32
      %iota3A_160 = tpu.iota {dimensions = array<i32: 0>} : vector<16xi32>
      %add3A_161 = vector.broadcast %add3A_159 : i32 to vector<16xi32>
      %add3A_162 = arith.addi %add3A_161, %iota3A_160 : vector<16xi32>
      %swap3A_163 = arith.constant 48 : index
      %swap3A_164 = tpu.vector_load %arg7[%swap3A_163] {strides = array<i32>} : memref<80xi32, #tpu.memory_space<vmem>>, vector<16xi32>,
      %swap3A_165 = vector.shape_cast %swap3A_164 : vector<16xi32> to vector<16xi32>
      %swap3A_166 = vector.shape_cast %add3A_162 : vector<16xi32> to vector<16xi32>
      tpu.vector_store %arg7[%swap3A_163], %swap3A_166 {strides = array<i32>} : memref<80xi32, #tpu.memory_space<vmem>>, vector<16xi32>,
      %mul3A_167 = arith.constant 80 : i32
      %mul3A_168 = arith.muli %add3A_11, %mul3A_167 : i32
      %add3A_169 = arith.constant 64 : i32
      %add3A_170 = arith.addi %mul3A_168, %add3A_169 : i32
      %iota3A_171 = tpu.iota {dimensions = array<i32: 0>} : vector<16xi32>
      %add3A_172 = vector.broadcast %add3A_170 : i32 to vector<16xi32>
      %add3A_173 = arith.addi %add3A_172, %iota3A_171 : vector<16xi32>
      %swap3A_174 = arith.constant 64 : index
      %swap3A_175 = tpu.vector_load %arg7[%swap3A_174] {strides = array<i32>} : memref<80xi32, #tpu.memory_space<vmem>>, vector<16xi32>,
      %swap3A_176 = vector.shape_cast %swap3A_175 : vector<16xi32> to vector<16xi32>
      %swap3A_177 = vector.shape_cast %add3A_173 : vector<16xi32> to vector<16xi32>
      tpu.vector_store %arg7[%swap3A_174], %swap3A_177 {strides = array<i32>} : memref<80xi32, #tpu.memory_space<vmem>>, vector<16xi32>,
      "tpu.region"() ({
        %run_scoped3A = tpu.sem_alloc : memref<!tpu.dma_semaphore, #tpu.memory_space<semaphore_mem>>
        %dma_start3A = arith.constant 0 : i32
        %dma_start3A_178 = arith.constant 0 : i32
        %dma_start3A_179 = tpu.memref_slice %arg6[%dma_start3A, %dma_start3A_178] : memref<10000x128xf32, #tpu.memory_space<vmem_shared>> -> memref<10000x128xf32, #tpu.memory_space<vmem_shared>>
        tpu.enqueue_indirect_dma source(%arg11 : memref<80x128xf32, #tpu.memory_space<vmem>>) target(%dma_start3A_179 : memref<10000x128xf32, #tpu.memory_space<vmem_shared>>) offsets(%arg7 : memref<80xi32, #tpu.memory_space<vmem>>) semaphore(%run_scoped3A : memref<!tpu.dma_semaphore, #tpu.memory_space<semaphore_mem>>)
        %dma_wait3A = arith.constant 0 : i32
        %dma_wait3A_180 = arith.constant 0 : i32
        %dma_wait3A_181 = tpu.memref_slice %arg6[%dma_wait3A, %dma_wait3A_180] : memref<10000x128xf32, #tpu.memory_space<vmem_shared>> -> memref<10000x128xf32, #tpu.memory_space<vmem_shared>>
        tpu.wait_indirect_dma semaphore(%run_scoped3A : memref<!tpu.dma_semaphore, #tpu.memory_space<semaphore_mem>>) src(%arg11 : memref<80x128xf32, #tpu.memory_space<vmem>>) dst(%dma_wait3A_181 : memref<10000x128xf32, #tpu.memory_space<vmem_shared>>)
        tpu.yield
      }) : () -> ()
    } else {
    }
    %add3A_17 = arith.constant 32 : i32
    %add3A_18 = arith.addi %arg1, %add3A_17 : i32
    %lt3A_19 = arith.constant 125 : i32
    %lt3A_20 = arith.cmpi slt, %add3A_18, %lt3A_19 : i32
    %convert_element_type3A_21 = arith.extui %lt3A_20 : i1 to i32
    %cond3A_22 = arith.constant 0 : i32
    %cond3A_23 = arith.cmpi ne, %convert_element_type3A_21, %cond3A_22 : i32
    scf.if %cond3A_23 {
      %mul3A_125 = arith.constant 80 : i32
      %mul3A_126 = arith.muli %add3A_18, %mul3A_125 : i32
      %add3A_127 = arith.constant 0 : i32
      %add3A_128 = arith.addi %mul3A_126, %add3A_127 : i32
      %iota3A = tpu.iota {dimensions = array<i32: 0>} : vector<16xi32>
      %add3A_129 = vector.broadcast %add3A_128 : i32 to vector<16xi32>
      %add3A_130 = arith.addi %add3A_129, %iota3A : vector<16xi32>
      %swap3A = arith.constant 0 : index
      %swap3A_131 = tpu.vector_load %arg7[%swap3A] {strides = array<i32>} : memref<80xi32, #tpu.memory_space<vmem>>, vector<16xi32>,
      %swap3A_132 = vector.shape_cast %swap3A_131 : vector<16xi32> to vector<16xi32>
      %swap3A_133 = vector.shape_cast %add3A_130 : vector<16xi32> to vector<16xi32>
      tpu.vector_store %arg7[%swap3A], %swap3A_133 {strides = array<i32>} : memref<80xi32, #tpu.memory_space<vmem>>, vector<16xi32>,
      %mul3A_134 = arith.constant 80 : i32
      %mul3A_135 = arith.muli %add3A_18, %mul3A_134 : i32
      %add3A_136 = arith.constant 16 : i32
      %add3A_137 = arith.addi %mul3A_135, %add3A_136 : i32
      %iota3A_138 = tpu.iota {dimensions = array<i32: 0>} : vector<16xi32>
      %add3A_139 = vector.broadcast %add3A_137 : i32 to vector<16xi32>
      %add3A_140 = arith.addi %add3A_139, %iota3A_138 : vector<16xi32>
      %swap3A_141 = arith.constant 16 : index
      %swap3A_142 = tpu.vector_load %arg7[%swap3A_141] {strides = array<i32>} : memref<80xi32, #tpu.memory_space<vmem>>, vector<16xi32>,
      %swap3A_143 = vector.shape_cast %swap3A_142 : vector<16xi32> to vector<16xi32>
      %swap3A_144 = vector.shape_cast %add3A_140 : vector<16xi32> to vector<16xi32>
      tpu.vector_store %arg7[%swap3A_141], %swap3A_144 {strides = array<i32>} : memref<80xi32, #tpu.memory_space<vmem>>, vector<16xi32>,
      %mul3A_145 = arith.constant 80 : i32
      %mul3A_146 = arith.muli %add3A_18, %mul3A_145 : i32
      %add3A_147 = arith.constant 32 : i32
      %add3A_148 = arith.addi %mul3A_146, %add3A_147 : i32
      %iota3A_149 = tpu.iota {dimensions = array<i32: 0>} : vector<16xi32>
      %add3A_150 = vector.broadcast %add3A_148 : i32 to vector<16xi32>
      %add3A_151 = arith.addi %add3A_150, %iota3A_149 : vector<16xi32>
      %swap3A_152 = arith.constant 32 : index
      %swap3A_153 = tpu.vector_load %arg7[%swap3A_152] {strides = array<i32>} : memref<80xi32, #tpu.memory_space<vmem>>, vector<16xi32>,
      %swap3A_154 = vector.shape_cast %swap3A_153 : vector<16xi32> to vector<16xi32>
      %swap3A_155 = vector.shape_cast %add3A_151 : vector<16xi32> to vector<16xi32>
      tpu.vector_store %arg7[%swap3A_152], %swap3A_155 {strides = array<i32>} : memref<80xi32, #tpu.memory_space<vmem>>, vector<16xi32>,
      %mul3A_156 = arith.constant 80 : i32
      %mul3A_157 = arith.muli %add3A_18, %mul3A_156 : i32
      %add3A_158 = arith.constant 48 : i32
      %add3A_159 = arith.addi %mul3A_157, %add3A_158 : i32
      %iota3A_160 = tpu.iota {dimensions = array<i32: 0>} : vector<16xi32>
      %add3A_161 = vector.broadcast %add3A_159 : i32 to vector<16xi32>
      %add3A_162 = arith.addi %add3A_161, %iota3A_160 : vector<16xi32>
      %swap3A_163 = arith.constant 48 : index
      %swap3A_164 = tpu.vector_load %arg7[%swap3A_163] {strides = array<i32>} : memref<80xi32, #tpu.memory_space<vmem>>, vector<16xi32>,
      %swap3A_165 = vector.shape_cast %swap3A_164 : vector<16xi32> to vector<16xi32>
      %swap3A_166 = vector.shape_cast %add3A_162 : vector<16xi32> to vector<16xi32>
      tpu.vector_store %arg7[%swap3A_163], %swap3A_166 {strides = array<i32>} : memref<80xi32, #tpu.memory_space<vmem>>, vector<16xi32>,
      %mul3A_167 = arith.constant 80 : i32
      %mul3A_168 = arith.muli %add3A_18, %mul3A_167 : i32
      %add3A_169 = arith.constant 64 : i32
      %add3A_170 = arith.addi %mul3A_168, %add3A_169 : i32
      %iota3A_171 = tpu.iota {dimensions = array<i32: 0>} : vector<16xi32>
      %add3A_172 = vector.broadcast %add3A_170 : i32 to vector<16xi32>
      %add3A_173 = arith.addi %add3A_172, %iota3A_171 : vector<16xi32>
      %swap3A_174 = arith.constant 64 : index
      %swap3A_175 = tpu.vector_load %arg7[%swap3A_174] {strides = array<i32>} : memref<80xi32, #tpu.memory_space<vmem>>, vector<16xi32>,
      %swap3A_176 = vector.shape_cast %swap3A_175 : vector<16xi32> to vector<16xi32>
      %swap3A_177 = vector.shape_cast %add3A_173 : vector<16xi32> to vector<16xi32>
      tpu.vector_store %arg7[%swap3A_174], %swap3A_177 {strides = array<i32>} : memref<80xi32, #tpu.memory_space<vmem>>, vector<16xi32>,
      "tpu.region"() ({
        %run_scoped3A = tpu.sem_alloc : memref<!tpu.dma_semaphore, #tpu.memory_space<semaphore_mem>>
        %dma_start3A = arith.constant 0 : i32
        %dma_start3A_178 = arith.constant 0 : i32
        %dma_start3A_179 = tpu.memref_slice %arg6[%dma_start3A, %dma_start3A_178] : memref<10000x128xf32, #tpu.memory_space<vmem_shared>> -> memref<10000x128xf32, #tpu.memory_space<vmem_shared>>
        tpu.enqueue_indirect_dma source(%arg11 : memref<80x128xf32, #tpu.memory_space<vmem>>) target(%dma_start3A_179 : memref<10000x128xf32, #tpu.memory_space<vmem_shared>>) offsets(%arg7 : memref<80xi32, #tpu.memory_space<vmem>>) semaphore(%run_scoped3A : memref<!tpu.dma_semaphore, #tpu.memory_space<semaphore_mem>>)
        %dma_wait3A = arith.constant 0 : i32
        %dma_wait3A_180 = arith.constant 0 : i32
        %dma_wait3A_181 = tpu.memref_slice %arg6[%dma_wait3A, %dma_wait3A_180] : memref<10000x128xf32, #tpu.memory_space<vmem_shared>> -> memref<10000x128xf32, #tpu.memory_space<vmem_shared>>
        tpu.wait_indirect_dma semaphore(%run_scoped3A : memref<!tpu.dma_semaphore, #tpu.memory_space<semaphore_mem>>) src(%arg11 : memref<80x128xf32, #tpu.memory_space<vmem>>) dst(%dma_wait3A_181 : memref<10000x128xf32, #tpu.memory_space<vmem_shared>>)
        tpu.yield
      }) : () -> ()
    } else {
    }
    %add3A_24 = arith.constant 48 : i32
    %add3A_25 = arith.addi %arg1, %add3A_24 : i32
    %lt3A_26 = arith.constant 125 : i32
    %lt3A_27 = arith.cmpi slt, %add3A_25, %lt3A_26 : i32
    %convert_element_type3A_28 = arith.extui %lt3A_27 : i1 to i32
    %cond3A_29 = arith.constant 0 : i32
    %cond3A_30 = arith.cmpi ne, %convert_element_type3A_28, %cond3A_29 : i32
    scf.if %cond3A_30 {
      %mul3A_125 = arith.constant 80 : i32
      %mul3A_126 = arith.muli %add3A_25, %mul3A_125 : i32
      %add3A_127 = arith.constant 0 : i32
      %add3A_128 = arith.addi %mul3A_126, %add3A_127 : i32
      %iota3A = tpu.iota {dimensions = array<i32: 0>} : vector<16xi32>
      %add3A_129 = vector.broadcast %add3A_128 : i32 to vector<16xi32>
      %add3A_130 = arith.addi %add3A_129, %iota3A : vector<16xi32>
      %swap3A = arith.constant 0 : index
      %swap3A_131 = tpu.vector_load %arg7[%swap3A] {strides = array<i32>} : memref<80xi32, #tpu.memory_space<vmem>>, vector<16xi32>,
      %swap3A_132 = vector.shape_cast %swap3A_131 : vector<16xi32> to vector<16xi32>
      %swap3A_133 = vector.shape_cast %add3A_130 : vector<16xi32> to vector<16xi32>
      tpu.vector_store %arg7[%swap3A], %swap3A_133 {strides = array<i32>} : memref<80xi32, #tpu.memory_space<vmem>>, vector<16xi32>,
      %mul3A_134 = arith.constant 80 : i32
      %mul3A_135 = arith.muli %add3A_25, %mul3A_134 : i32
      %add3A_136 = arith.constant 16 : i32
      %add3A_137 = arith.addi %mul3A_135, %add3A_136 : i32
      %iota3A_138 = tpu.iota {dimensions = array<i32: 0>} : vector<16xi32>
      %add3A_139 = vector.broadcast %add3A_137 : i32 to vector<16xi32>
      %add3A_140 = arith.addi %add3A_139, %iota3A_138 : vector<16xi32>
      %swap3A_141 = arith.constant 16 : index
      %swap3A_142 = tpu.vector_load %arg7[%swap3A_141] {strides = array<i32>} : memref<80xi32, #tpu.memory_space<vmem>>, vector<16xi32>,
      %swap3A_143 = vector.shape_cast %swap3A_142 : vector<16xi32> to vector<16xi32>
      %swap3A_144 = vector.shape_cast %add3A_140 : vector<16xi32> to vector<16xi32>
      tpu.vector_store %arg7[%swap3A_141], %swap3A_144 {strides = array<i32>} : memref<80xi32, #tpu.memory_space<vmem>>, vector<16xi32>,
      %mul3A_145 = arith.constant 80 : i32
      %mul3A_146 = arith.muli %add3A_25, %mul3A_145 : i32
      %add3A_147 = arith.constant 32 : i32
      %add3A_148 = arith.addi %mul3A_146, %add3A_147 : i32
      %iota3A_149 = tpu.iota {dimensions = array<i32: 0>} : vector<16xi32>
      %add3A_150 = vector.broadcast %add3A_148 : i32 to vector<16xi32>
      %add3A_151 = arith.addi %add3A_150, %iota3A_149 : vector<16xi32>
      %swap3A_152 = arith.constant 32 : index
      %swap3A_153 = tpu.vector_load %arg7[%swap3A_152] {strides = array<i32>} : memref<80xi32, #tpu.memory_space<vmem>>, vector<16xi32>,
      %swap3A_154 = vector.shape_cast %swap3A_153 : vector<16xi32> to vector<16xi32>
      %swap3A_155 = vector.shape_cast %add3A_151 : vector<16xi32> to vector<16xi32>
      tpu.vector_store %arg7[%swap3A_152], %swap3A_155 {strides = array<i32>} : memref<80xi32, #tpu.memory_space<vmem>>, vector<16xi32>,
      %mul3A_156 = arith.constant 80 : i32
      %mul3A_157 = arith.muli %add3A_25, %mul3A_156 : i32
      %add3A_158 = arith.constant 48 : i32
      %add3A_159 = arith.addi %mul3A_157, %add3A_158 : i32
      %iota3A_160 = tpu.iota {dimensions = array<i32: 0>} : vector<16xi32>
      %add3A_161 = vector.broadcast %add3A_159 : i32 to vector<16xi32>
      %add3A_162 = arith.addi %add3A_161, %iota3A_160 : vector<16xi32>
      %swap3A_163 = arith.constant 48 : index
      %swap3A_164 = tpu.vector_load %arg7[%swap3A_163] {strides = array<i32>} : memref<80xi32, #tpu.memory_space<vmem>>, vector<16xi32>,
      %swap3A_165 = vector.shape_cast %swap3A_164 : vector<16xi32> to vector<16xi32>
      %swap3A_166 = vector.shape_cast %add3A_162 : vector<16xi32> to vector<16xi32>
      tpu.vector_store %arg7[%swap3A_163], %swap3A_166 {strides = array<i32>} : memref<80xi32, #tpu.memory_space<vmem>>, vector<16xi32>,
      %mul3A_167 = arith.constant 80 : i32
      %mul3A_168 = arith.muli %add3A_25, %mul3A_167 : i32
      %add3A_169 = arith.constant 64 : i32
      %add3A_170 = arith.addi %mul3A_168, %add3A_169 : i32
      %iota3A_171 = tpu.iota {dimensions = array<i32: 0>} : vector<16xi32>
      %add3A_172 = vector.broadcast %add3A_170 : i32 to vector<16xi32>
      %add3A_173 = arith.addi %add3A_172, %iota3A_171 : vector<16xi32>
      %swap3A_174 = arith.constant 64 : index
      %swap3A_175 = tpu.vector_load %arg7[%swap3A_174] {strides = array<i32>} : memref<80xi32, #tpu.memory_space<vmem>>, vector<16xi32>,
      %swap3A_176 = vector.shape_cast %swap3A_175 : vector<16xi32> to vector<16xi32>
      %swap3A_177 = vector.shape_cast %add3A_173 : vector<16xi32> to vector<16xi32>
      tpu.vector_store %arg7[%swap3A_174], %swap3A_177 {strides = array<i32>} : memref<80xi32, #tpu.memory_space<vmem>>, vector<16xi32>,
      "tpu.region"() ({
        %run_scoped3A = tpu.sem_alloc : memref<!tpu.dma_semaphore, #tpu.memory_space<semaphore_mem>>
        %dma_start3A = arith.constant 0 : i32
        %dma_start3A_178 = arith.constant 0 : i32
        %dma_start3A_179 = tpu.memref_slice %arg6[%dma_start3A, %dma_start3A_178] : memref<10000x128xf32, #tpu.memory_space<vmem_shared>> -> memref<10000x128xf32, #tpu.memory_space<vmem_shared>>
        tpu.enqueue_indirect_dma source(%arg11 : memref<80x128xf32, #tpu.memory_space<vmem>>) target(%dma_start3A_179 : memref<10000x128xf32, #tpu.memory_space<vmem_shared>>) offsets(%arg7 : memref<80xi32, #tpu.memory_space<vmem>>) semaphore(%run_scoped3A : memref<!tpu.dma_semaphore, #tpu.memory_space<semaphore_mem>>)
        %dma_wait3A = arith.constant 0 : i32
        %dma_wait3A_180 = arith.constant 0 : i32
        %dma_wait3A_181 = tpu.memref_slice %arg6[%dma_wait3A, %dma_wait3A_180] : memref<10000x128xf32, #tpu.memory_space<vmem_shared>> -> memref<10000x128xf32, #tpu.memory_space<vmem_shared>>
        tpu.wait_indirect_dma semaphore(%run_scoped3A : memref<!tpu.dma_semaphore, #tpu.memory_space<semaphore_mem>>) src(%arg11 : memref<80x128xf32, #tpu.memory_space<vmem>>) dst(%dma_wait3A_181 : memref<10000x128xf32, #tpu.memory_space<vmem_shared>>)
        tpu.yield
      }) : () -> ()
    } else {
    }
    %add3A_31 = arith.constant 64 : i32
    %add3A_32 = arith.addi %arg1, %add3A_31 : i32
    %lt3A_33 = arith.constant 125 : i32
    %lt3A_34 = arith.cmpi slt, %add3A_32, %lt3A_33 : i32
    %convert_element_type3A_35 = arith.extui %lt3A_34 : i1 to i32
    %cond3A_36 = arith.constant 0 : i32
    %cond3A_37 = arith.cmpi ne, %convert_element_type3A_35, %cond3A_36 : i32
    scf.if %cond3A_37 {
      %mul3A_125 = arith.constant 80 : i32
      %mul3A_126 = arith.muli %add3A_32, %mul3A_125 : i32
      %add3A_127 = arith.constant 0 : i32
      %add3A_128 = arith.addi %mul3A_126, %add3A_127 : i32
      %iota3A = tpu.iota {dimensions = array<i32: 0>} : vector<16xi32>
      %add3A_129 = vector.broadcast %add3A_128 : i32 to vector<16xi32>
      %add3A_130 = arith.addi %add3A_129, %iota3A : vector<16xi32>
      %swap3A = arith.constant 0 : index
      %swap3A_131 = tpu.vector_load %arg7[%swap3A] {strides = array<i32>} : memref<80xi32, #tpu.memory_space<vmem>>, vector<16xi32>,
      %swap3A_132 = vector.shape_cast %swap3A_131 : vector<16xi32> to vector<16xi32>
      %swap3A_133 = vector.shape_cast %add3A_130 : vector<16xi32> to vector<16xi32>
      tpu.vector_store %arg7[%swap3A], %swap3A_133 {strides = array<i32>} : memref<80xi32, #tpu.memory_space<vmem>>, vector<16xi32>,
      %mul3A_134 = arith.constant 80 : i32
      %mul3A_135 = arith.muli %add3A_32, %mul3A_134 : i32
      %add3A_136 = arith.constant 16 : i32
      %add3A_137 = arith.addi %mul3A_135, %add3A_136 : i32
      %iota3A_138 = tpu.iota {dimensions = array<i32: 0>} : vector<16xi32>
      %add3A_139 = vector.broadcast %add3A_137 : i32 to vector<16xi32>
      %add3A_140 = arith.addi %add3A_139, %iota3A_138 : vector<16xi32>
      %swap3A_141 = arith.constant 16 : index
      %swap3A_142 = tpu.vector_load %arg7[%swap3A_141] {strides = array<i32>} : memref<80xi32, #tpu.memory_space<vmem>>, vector<16xi32>,
      %swap3A_143 = vector.shape_cast %swap3A_142 : vector<16xi32> to vector<16xi32>
      %swap3A_144 = vector.shape_cast %add3A_140 : vector<16xi32> to vector<16xi32>
      tpu.vector_store %arg7[%swap3A_141], %swap3A_144 {strides = array<i32>} : memref<80xi32, #tpu.memory_space<vmem>>, vector<16xi32>,
      %mul3A_145 = arith.constant 80 : i32
      %mul3A_146 = arith.muli %add3A_32, %mul3A_145 : i32
      %add3A_147 = arith.constant 32 : i32
      %add3A_148 = arith.addi %mul3A_146, %add3A_147 : i32
      %iota3A_149 = tpu.iota {dimensions = array<i32: 0>} : vector<16xi32>
      %add3A_150 = vector.broadcast %add3A_148 : i32 to vector<16xi32>
      %add3A_151 = arith.addi %add3A_150, %iota3A_149 : vector<16xi32>
      %swap3A_152 = arith.constant 32 : index
      %swap3A_153 = tpu.vector_load %arg7[%swap3A_152] {strides = array<i32>} : memref<80xi32, #tpu.memory_space<vmem>>, vector<16xi32>,
      %swap3A_154 = vector.shape_cast %swap3A_153 : vector<16xi32> to vector<16xi32>
      %swap3A_155 = vector.shape_cast %add3A_151 : vector<16xi32> to vector<16xi32>
      tpu.vector_store %arg7[%swap3A_152], %swap3A_155 {strides = array<i32>} : memref<80xi32, #tpu.memory_space<vmem>>, vector<16xi32>,
      %mul3A_156 = arith.constant 80 : i32
      %mul3A_157 = arith.muli %add3A_32, %mul3A_156 : i32
      %add3A_158 = arith.constant 48 : i32
      %add3A_159 = arith.addi %mul3A_157, %add3A_158 : i32
      %iota3A_160 = tpu.iota {dimensions = array<i32: 0>} : vector<16xi32>
      %add3A_161 = vector.broadcast %add3A_159 : i32 to vector<16xi32>
      %add3A_162 = arith.addi %add3A_161, %iota3A_160 : vector<16xi32>
      %swap3A_163 = arith.constant 48 : index
      %swap3A_164 = tpu.vector_load %arg7[%swap3A_163] {strides = array<i32>} : memref<80xi32, #tpu.memory_space<vmem>>, vector<16xi32>,
      %swap3A_165 = vector.shape_cast %swap3A_164 : vector<16xi32> to vector<16xi32>
      %swap3A_166 = vector.shape_cast %add3A_162 : vector<16xi32> to vector<16xi32>
      tpu.vector_store %arg7[%swap3A_163], %swap3A_166 {strides = array<i32>} : memref<80xi32, #tpu.memory_space<vmem>>, vector<16xi32>,
      %mul3A_167 = arith.constant 80 : i32
      %mul3A_168 = arith.muli %add3A_32, %mul3A_167 : i32
      %add3A_169 = arith.constant 64 : i32
      %add3A_170 = arith.addi %mul3A_168, %add3A_169 : i32
      %iota3A_171 = tpu.iota {dimensions = array<i32: 0>} : vector<16xi32>
      %add3A_172 = vector.broadcast %add3A_170 : i32 to vector<16xi32>
      %add3A_173 = arith.addi %add3A_172, %iota3A_171 : vector<16xi32>
      %swap3A_174 = arith.constant 64 : index
      %swap3A_175 = tpu.vector_load %arg7[%swap3A_174] {strides = array<i32>} : memref<80xi32, #tpu.memory_space<vmem>>, vector<16xi32>,
      %swap3A_176 = vector.shape_cast %swap3A_175 : vector<16xi32> to vector<16xi32>
      %swap3A_177 = vector.shape_cast %add3A_173 : vector<16xi32> to vector<16xi32>
      tpu.vector_store %arg7[%swap3A_174], %swap3A_177 {strides = array<i32>} : memref<80xi32, #tpu.memory_space<vmem>>, vector<16xi32>,
      "tpu.region"() ({
        %run_scoped3A = tpu.sem_alloc : memref<!tpu.dma_semaphore, #tpu.memory_space<semaphore_mem>>
        %dma_start3A = arith.constant 0 : i32
        %dma_start3A_178 = arith.constant 0 : i32
        %dma_start3A_179 = tpu.memref_slice %arg6[%dma_start3A, %dma_start3A_178] : memref<10000x128xf32, #tpu.memory_space<vmem_shared>> -> memref<10000x128xf32, #tpu.memory_space<vmem_shared>>
        tpu.enqueue_indirect_dma source(%arg11 : memref<80x128xf32, #tpu.memory_space<vmem>>) target(%dma_start3A_179 : memref<10000x128xf32, #tpu.memory_space<vmem_shared>>) offsets(%arg7 : memref<80xi32, #tpu.memory_space<vmem>>) semaphore(%run_scoped3A : memref<!tpu.dma_semaphore, #tpu.memory_space<semaphore_mem>>)
        %dma_wait3A = arith.constant 0 : i32
        %dma_wait3A_180 = arith.constant 0 : i32
        %dma_wait3A_181 = tpu.memref_slice %arg6[%dma_wait3A, %dma_wait3A_180] : memref<10000x128xf32, #tpu.memory_space<vmem_shared>> -> memref<10000x128xf32, #tpu.memory_space<vmem_shared>>
        tpu.wait_indirect_dma semaphore(%run_scoped3A : memref<!tpu.dma_semaphore, #tpu.memory_space<semaphore_mem>>) src(%arg11 : memref<80x128xf32, #tpu.memory_space<vmem>>) dst(%dma_wait3A_181 : memref<10000x128xf32, #tpu.memory_space<vmem_shared>>)
        tpu.yield
      }) : () -> ()
    } else {
    }
    %add3A_38 = arith.constant 80 : i32
    %add3A_39 = arith.addi %arg1, %add3A_38 : i32
    %lt3A_40 = arith.constant 125 : i32
    %lt3A_41 = arith.cmpi slt, %add3A_39, %lt3A_40 : i32
    %convert_element_type3A_42 = arith.extui %lt3A_41 : i1 to i32
    %cond3A_43 = arith.constant 0 : i32
    %cond3A_44 = arith.cmpi ne, %convert_element_type3A_42, %cond3A_43 : i32
    scf.if %cond3A_44 {
      %mul3A_125 = arith.constant 80 : i32
      %mul3A_126 = arith.muli %add3A_39, %mul3A_125 : i32
      %add3A_127 = arith.constant 0 : i32
      %add3A_128 = arith.addi %mul3A_126, %add3A_127 : i32
      %iota3A = tpu.iota {dimensions = array<i32: 0>} : vector<16xi32>
      %add3A_129 = vector.broadcast %add3A_128 : i32 to vector<16xi32>
      %add3A_130 = arith.addi %add3A_129, %iota3A : vector<16xi32>
      %swap3A = arith.constant 0 : index
      %swap3A_131 = tpu.vector_load %arg7[%swap3A] {strides = array<i32>} : memref<80xi32, #tpu.memory_space<vmem>>, vector<16xi32>,
      %swap3A_132 = vector.shape_cast %swap3A_131 : vector<16xi32> to vector<16xi32>
      %swap3A_133 = vector.shape_cast %add3A_130 : vector<16xi32> to vector<16xi32>
      tpu.vector_store %arg7[%swap3A], %swap3A_133 {strides = array<i32>} : memref<80xi32, #tpu.memory_space<vmem>>, vector<16xi32>,
      %mul3A_134 = arith.constant 80 : i32
      %mul3A_135 = arith.muli %add3A_39, %mul3A_134 : i32
      %add3A_136 = arith.constant 16 : i32
      %add3A_137 = arith.addi %mul3A_135, %add3A_136 : i32
      %iota3A_138 = tpu.iota {dimensions = array<i32: 0>} : vector<16xi32>
      %add3A_139 = vector.broadcast %add3A_137 : i32 to vector<16xi32>
      %add3A_140 = arith.addi %add3A_139, %iota3A_138 : vector<16xi32>
      %swap3A_141 = arith.constant 16 : index
      %swap3A_142 = tpu.vector_load %arg7[%swap3A_141] {strides = array<i32>} : memref<80xi32, #tpu.memory_space<vmem>>, vector<16xi32>,
      %swap3A_143 = vector.shape_cast %swap3A_142 : vector<16xi32> to vector<16xi32>
      %swap3A_144 = vector.shape_cast %add3A_140 : vector<16xi32> to vector<16xi32>
      tpu.vector_store %arg7[%swap3A_141], %swap3A_144 {strides = array<i32>} : memref<80xi32, #tpu.memory_space<vmem>>, vector<16xi32>,
      %mul3A_145 = arith.constant 80 : i32
      %mul3A_146 = arith.muli %add3A_39, %mul3A_145 : i32
      %add3A_147 = arith.constant 32 : i32
      %add3A_148 = arith.addi %mul3A_146, %add3A_147 : i32
      %iota3A_149 = tpu.iota {dimensions = array<i32: 0>} : vector<16xi32>
      %add3A_150 = vector.broadcast %add3A_148 : i32 to vector<16xi32>
      %add3A_151 = arith.addi %add3A_150, %iota3A_149 : vector<16xi32>
      %swap3A_152 = arith.constant 32 : index
      %swap3A_153 = tpu.vector_load %arg7[%swap3A_152] {strides = array<i32>} : memref<80xi32, #tpu.memory_space<vmem>>, vector<16xi32>,
      %swap3A_154 = vector.shape_cast %swap3A_153 : vector<16xi32> to vector<16xi32>
      %swap3A_155 = vector.shape_cast %add3A_151 : vector<16xi32> to vector<16xi32>
      tpu.vector_store %arg7[%swap3A_152], %swap3A_155 {strides = array<i32>} : memref<80xi32, #tpu.memory_space<vmem>>, vector<16xi32>,
      %mul3A_156 = arith.constant 80 : i32
      %mul3A_157 = arith.muli %add3A_39, %mul3A_156 : i32
      %add3A_158 = arith.constant 48 : i32
      %add3A_159 = arith.addi %mul3A_157, %add3A_158 : i32
      %iota3A_160 = tpu.iota {dimensions = array<i32: 0>} : vector<16xi32>
      %add3A_161 = vector.broadcast %add3A_159 : i32 to vector<16xi32>
      %add3A_162 = arith.addi %add3A_161, %iota3A_160 : vector<16xi32>
      %swap3A_163 = arith.constant 48 : index
      %swap3A_164 = tpu.vector_load %arg7[%swap3A_163] {strides = array<i32>} : memref<80xi32, #tpu.memory_space<vmem>>, vector<16xi32>,
      %swap3A_165 = vector.shape_cast %swap3A_164 : vector<16xi32> to vector<16xi32>
      %swap3A_166 = vector.shape_cast %add3A_162 : vector<16xi32> to vector<16xi32>
      tpu.vector_store %arg7[%swap3A_163], %swap3A_166 {strides = array<i32>} : memref<80xi32, #tpu.memory_space<vmem>>, vector<16xi32>,
      %mul3A_167 = arith.constant 80 : i32
      %mul3A_168 = arith.muli %add3A_39, %mul3A_167 : i32
      %add3A_169 = arith.constant 64 : i32
      %add3A_170 = arith.addi %mul3A_168, %add3A_169 : i32
      %iota3A_171 = tpu.iota {dimensions = array<i32: 0>} : vector<16xi32>
      %add3A_172 = vector.broadcast %add3A_170 : i32 to vector<16xi32>
      %add3A_173 = arith.addi %add3A_172, %iota3A_171 : vector<16xi32>
      %swap3A_174 = arith.constant 64 : index
      %swap3A_175 = tpu.vector_load %arg7[%swap3A_174] {strides = array<i32>} : memref<80xi32, #tpu.memory_space<vmem>>, vector<16xi32>,
      %swap3A_176 = vector.shape_cast %swap3A_175 : vector<16xi32> to vector<16xi32>
      %swap3A_177 = vector.shape_cast %add3A_173 : vector<16xi32> to vector<16xi32>
      tpu.vector_store %arg7[%swap3A_174], %swap3A_177 {strides = array<i32>} : memref<80xi32, #tpu.memory_space<vmem>>, vector<16xi32>,
      "tpu.region"() ({
        %run_scoped3A = tpu.sem_alloc : memref<!tpu.dma_semaphore, #tpu.memory_space<semaphore_mem>>
        %dma_start3A = arith.constant 0 : i32
        %dma_start3A_178 = arith.constant 0 : i32
        %dma_start3A_179 = tpu.memref_slice %arg6[%dma_start3A, %dma_start3A_178] : memref<10000x128xf32, #tpu.memory_space<vmem_shared>> -> memref<10000x128xf32, #tpu.memory_space<vmem_shared>>
        tpu.enqueue_indirect_dma source(%arg11 : memref<80x128xf32, #tpu.memory_space<vmem>>) target(%dma_start3A_179 : memref<10000x128xf32, #tpu.memory_space<vmem_shared>>) offsets(%arg7 : memref<80xi32, #tpu.memory_space<vmem>>) semaphore(%run_scoped3A : memref<!tpu.dma_semaphore, #tpu.memory_space<semaphore_mem>>)
        %dma_wait3A = arith.constant 0 : i32
        %dma_wait3A_180 = arith.constant 0 : i32
        %dma_wait3A_181 = tpu.memref_slice %arg6[%dma_wait3A, %dma_wait3A_180] : memref<10000x128xf32, #tpu.memory_space<vmem_shared>> -> memref<10000x128xf32, #tpu.memory_space<vmem_shared>>
        tpu.wait_indirect_dma semaphore(%run_scoped3A : memref<!tpu.dma_semaphore, #tpu.memory_space<semaphore_mem>>) src(%arg11 : memref<80x128xf32, #tpu.memory_space<vmem>>) dst(%dma_wait3A_181 : memref<10000x128xf32, #tpu.memory_space<vmem_shared>>)
        tpu.yield
      }) : () -> ()
    } else {
    }
    %add3A_45 = arith.constant 96 : i32
    %add3A_46 = arith.addi %arg1, %add3A_45 : i32
    %lt3A_47 = arith.constant 125 : i32
    %lt3A_48 = arith.cmpi slt, %add3A_46, %lt3A_47 : i32
    %convert_element_type3A_49 = arith.extui %lt3A_48 : i1 to i32
    %cond3A_50 = arith.constant 0 : i32
    %cond3A_51 = arith.cmpi ne, %convert_element_type3A_49, %cond3A_50 : i32
    scf.if %cond3A_51 {
      %mul3A_125 = arith.constant 80 : i32
      %mul3A_126 = arith.muli %add3A_46, %mul3A_125 : i32
      %add3A_127 = arith.constant 0 : i32
      %add3A_128 = arith.addi %mul3A_126, %add3A_127 : i32
      %iota3A = tpu.iota {dimensions = array<i32: 0>} : vector<16xi32>
      %add3A_129 = vector.broadcast %add3A_128 : i32 to vector<16xi32>
      %add3A_130 = arith.addi %add3A_129, %iota3A : vector<16xi32>
      %swap3A = arith.constant 0 : index
      %swap3A_131 = tpu.vector_load %arg7[%swap3A] {strides = array<i32>} : memref<80xi32, #tpu.memory_space<vmem>>, vector<16xi32>,
      %swap3A_132 = vector.shape_cast %swap3A_131 : vector<16xi32> to vector<16xi32>
      %swap3A_133 = vector.shape_cast %add3A_130 : vector<16xi32> to vector<16xi32>
      tpu.vector_store %arg7[%swap3A], %swap3A_133 {strides = array<i32>} : memref<80xi32, #tpu.memory_space<vmem>>, vector<16xi32>,
      %mul3A_134 = arith.constant 80 : i32
      %mul3A_135 = arith.muli %add3A_46, %mul3A_134 : i32
      %add3A_136 = arith.constant 16 : i32
      %add3A_137 = arith.addi %mul3A_135, %add3A_136 : i32
      %iota3A_138 = tpu.iota {dimensions = array<i32: 0>} : vector<16xi32>
      %add3A_139 = vector.broadcast %add3A_137 : i32 to vector<16xi32>
      %add3A_140 = arith.addi %add3A_139, %iota3A_138 : vector<16xi32>
      %swap3A_141 = arith.constant 16 : index
      %swap3A_142 = tpu.vector_load %arg7[%swap3A_141] {strides = array<i32>} : memref<80xi32, #tpu.memory_space<vmem>>, vector<16xi32>,
      %swap3A_143 = vector.shape_cast %swap3A_142 : vector<16xi32> to vector<16xi32>
      %swap3A_144 = vector.shape_cast %add3A_140 : vector<16xi32> to vector<16xi32>
      tpu.vector_store %arg7[%swap3A_141], %swap3A_144 {strides = array<i32>} : memref<80xi32, #tpu.memory_space<vmem>>, vector<16xi32>,
      %mul3A_145 = arith.constant 80 : i32
      %mul3A_146 = arith.muli %add3A_46, %mul3A_145 : i32
      %add3A_147 = arith.constant 32 : i32
      %add3A_148 = arith.addi %mul3A_146, %add3A_147 : i32
      %iota3A_149 = tpu.iota {dimensions = array<i32: 0>} : vector<16xi32>
      %add3A_150 = vector.broadcast %add3A_148 : i32 to vector<16xi32>
      %add3A_151 = arith.addi %add3A_150, %iota3A_149 : vector<16xi32>
      %swap3A_152 = arith.constant 32 : index
      %swap3A_153 = tpu.vector_load %arg7[%swap3A_152] {strides = array<i32>} : memref<80xi32, #tpu.memory_space<vmem>>, vector<16xi32>,
      %swap3A_154 = vector.shape_cast %swap3A_153 : vector<16xi32> to vector<16xi32>
      %swap3A_155 = vector.shape_cast %add3A_151 : vector<16xi32> to vector<16xi32>
      tpu.vector_store %arg7[%swap3A_152], %swap3A_155 {strides = array<i32>} : memref<80xi32, #tpu.memory_space<vmem>>, vector<16xi32>,
      %mul3A_156 = arith.constant 80 : i32
      %mul3A_157 = arith.muli %add3A_46, %mul3A_156 : i32
      %add3A_158 = arith.constant 48 : i32
      %add3A_159 = arith.addi %mul3A_157, %add3A_158 : i32
      %iota3A_160 = tpu.iota {dimensions = array<i32: 0>} : vector<16xi32>
      %add3A_161 = vector.broadcast %add3A_159 : i32 to vector<16xi32>
      %add3A_162 = arith.addi %add3A_161, %iota3A_160 : vector<16xi32>
      %swap3A_163 = arith.constant 48 : index
      %swap3A_164 = tpu.vector_load %arg7[%swap3A_163] {strides = array<i32>} : memref<80xi32, #tpu.memory_space<vmem>>, vector<16xi32>,
      %swap3A_165 = vector.shape_cast %swap3A_164 : vector<16xi32> to vector<16xi32>
      %swap3A_166 = vector.shape_cast %add3A_162 : vector<16xi32> to vector<16xi32>
      tpu.vector_store %arg7[%swap3A_163], %swap3A_166 {strides = array<i32>} : memref<80xi32, #tpu.memory_space<vmem>>, vector<16xi32>,
      %mul3A_167 = arith.constant 80 : i32
      %mul3A_168 = arith.muli %add3A_46, %mul3A_167 : i32
      %add3A_169 = arith.constant 64 : i32
      %add3A_170 = arith.addi %mul3A_168, %add3A_169 : i32
      %iota3A_171 = tpu.iota {dimensions = array<i32: 0>} : vector<16xi32>
      %add3A_172 = vector.broadcast %add3A_170 : i32 to vector<16xi32>
      %add3A_173 = arith.addi %add3A_172, %iota3A_171 : vector<16xi32>
      %swap3A_174 = arith.constant 64 : index
      %swap3A_175 = tpu.vector_load %arg7[%swap3A_174] {strides = array<i32>} : memref<80xi32, #tpu.memory_space<vmem>>, vector<16xi32>,
      %swap3A_176 = vector.shape_cast %swap3A_175 : vector<16xi32> to vector<16xi32>
      %swap3A_177 = vector.shape_cast %add3A_173 : vector<16xi32> to vector<16xi32>
      tpu.vector_store %arg7[%swap3A_174], %swap3A_177 {strides = array<i32>} : memref<80xi32, #tpu.memory_space<vmem>>, vector<16xi32>,
      "tpu.region"() ({
        %run_scoped3A = tpu.sem_alloc : memref<!tpu.dma_semaphore, #tpu.memory_space<semaphore_mem>>
        %dma_start3A = arith.constant 0 : i32
        %dma_start3A_178 = arith.constant 0 : i32
        %dma_start3A_179 = tpu.memref_slice %arg6[%dma_start3A, %dma_start3A_178] : memref<10000x128xf32, #tpu.memory_space<vmem_shared>> -> memref<10000x128xf32, #tpu.memory_space<vmem_shared>>
        tpu.enqueue_indirect_dma source(%arg11 : memref<80x128xf32, #tpu.memory_space<vmem>>) target(%dma_start3A_179 : memref<10000x128xf32, #tpu.memory_space<vmem_shared>>) offsets(%arg7 : memref<80xi32, #tpu.memory_space<vmem>>) semaphore(%run_scoped3A : memref<!tpu.dma_semaphore, #tpu.memory_space<semaphore_mem>>)
        %dma_wait3A = arith.constant 0 : i32
        %dma_wait3A_180 = arith.constant 0 : i32
        %dma_wait3A_181 = tpu.memref_slice %arg6[%dma_wait3A, %dma_wait3A_180] : memref<10000x128xf32, #tpu.memory_space<vmem_shared>> -> memref<10000x128xf32, #tpu.memory_space<vmem_shared>>
        tpu.wait_indirect_dma semaphore(%run_scoped3A : memref<!tpu.dma_semaphore, #tpu.memory_space<semaphore_mem>>) src(%arg11 : memref<80x128xf32, #tpu.memory_space<vmem>>) dst(%dma_wait3A_181 : memref<10000x128xf32, #tpu.memory_space<vmem_shared>>)
        tpu.yield
      }) : () -> ()
    } else {
    }
    %add3A_52 = arith.constant 112 : i32
    %add3A_53 = arith.addi %arg1, %add3A_52 : i32
    %lt3A_54 = arith.constant 125 : i32
    %lt3A_55 = arith.cmpi slt, %add3A_53, %lt3A_54 : i32
    %convert_element_type3A_56 = arith.extui %lt3A_55 : i1 to i32
    %cond3A_57 = arith.constant 0 : i32
    %cond3A_58 = arith.cmpi ne, %convert_element_type3A_56, %cond3A_57 : i32
    scf.if %cond3A_58 {
      %mul3A_125 = arith.constant 80 : i32
      %mul3A_126 = arith.muli %add3A_53, %mul3A_125 : i32
      %add3A_127 = arith.constant 0 : i32
      %add3A_128 = arith.addi %mul3A_126, %add3A_127 : i32
      %iota3A = tpu.iota {dimensions = array<i32: 0>} : vector<16xi32>
      %add3A_129 = vector.broadcast %add3A_128 : i32 to vector<16xi32>
      %add3A_130 = arith.addi %add3A_129, %iota3A : vector<16xi32>
      %swap3A = arith.constant 0 : index
      %swap3A_131 = tpu.vector_load %arg7[%swap3A] {strides = array<i32>} : memref<80xi32, #tpu.memory_space<vmem>>, vector<16xi32>,
      %swap3A_132 = vector.shape_cast %swap3A_131 : vector<16xi32> to vector<16xi32>
      %swap3A_133 = vector.shape_cast %add3A_130 : vector<16xi32> to vector<16xi32>
      tpu.vector_store %arg7[%swap3A], %swap3A_133 {strides = array<i32>} : memref<80xi32, #tpu.memory_space<vmem>>, vector<16xi32>,
      %mul3A_134 = arith.constant 80 : i32
      %mul3A_135 = arith.muli %add3A_53, %mul3A_134 : i32
      %add3A_136 = arith.constant 16 : i32
      %add3A_137 = arith.addi %mul3A_135, %add3A_136 : i32
      %iota3A_138 = tpu.iota {dimensions = array<i32: 0>} : vector<16xi32>
      %add3A_139 = vector.broadcast %add3A_137 : i32 to vector<16xi32>
      %add3A_140 = arith.addi %add3A_139, %iota3A_138 : vector<16xi32>
      %swap3A_141 = arith.constant 16 : index
      %swap3A_142 = tpu.vector_load %arg7[%swap3A_141] {strides = array<i32>} : memref<80xi32, #tpu.memory_space<vmem>>, vector<16xi32>,
      %swap3A_143 = vector.shape_cast %swap3A_142 : vector<16xi32> to vector<16xi32>
      %swap3A_144 = vector.shape_cast %add3A_140 : vector<16xi32> to vector<16xi32>
      tpu.vector_store %arg7[%swap3A_141], %swap3A_144 {strides = array<i32>} : memref<80xi32, #tpu.memory_space<vmem>>, vector<16xi32>,
      %mul3A_145 = arith.constant 80 : i32
      %mul3A_146 = arith.muli %add3A_53, %mul3A_145 : i32
      %add3A_147 = arith.constant 32 : i32
      %add3A_148 = arith.addi %mul3A_146, %add3A_147 : i32
      %iota3A_149 = tpu.iota {dimensions = array<i32: 0>} : vector<16xi32>
      %add3A_150 = vector.broadcast %add3A_148 : i32 to vector<16xi32>
      %add3A_151 = arith.addi %add3A_150, %iota3A_149 : vector<16xi32>
      %swap3A_152 = arith.constant 32 : index
      %swap3A_153 = tpu.vector_load %arg7[%swap3A_152] {strides = array<i32>} : memref<80xi32, #tpu.memory_space<vmem>>, vector<16xi32>,
      %swap3A_154 = vector.shape_cast %swap3A_153 : vector<16xi32> to vector<16xi32>
      %swap3A_155 = vector.shape_cast %add3A_151 : vector<16xi32> to vector<16xi32>
      tpu.vector_store %arg7[%swap3A_152], %swap3A_155 {strides = array<i32>} : memref<80xi32, #tpu.memory_space<vmem>>, vector<16xi32>,
      %mul3A_156 = arith.constant 80 : i32
      %mul3A_157 = arith.muli %add3A_53, %mul3A_156 : i32
      %add3A_158 = arith.constant 48 : i32
      %add3A_159 = arith.addi %mul3A_157, %add3A_158 : i32
      %iota3A_160 = tpu.iota {dimensions = array<i32: 0>} : vector<16xi32>
      %add3A_161 = vector.broadcast %add3A_159 : i32 to vector<16xi32>
      %add3A_162 = arith.addi %add3A_161, %iota3A_160 : vector<16xi32>
      %swap3A_163 = arith.constant 48 : index
      %swap3A_164 = tpu.vector_load %arg7[%swap3A_163] {strides = array<i32>} : memref<80xi32, #tpu.memory_space<vmem>>, vector<16xi32>,
      %swap3A_165 = vector.shape_cast %swap3A_164 : vector<16xi32> to vector<16xi32>
      %swap3A_166 = vector.shape_cast %add3A_162 : vector<16xi32> to vector<16xi32>
      tpu.vector_store %arg7[%swap3A_163], %swap3A_166 {strides = array<i32>} : memref<80xi32, #tpu.memory_space<vmem>>, vector<16xi32>,
      %mul3A_167 = arith.constant 80 : i32
      %mul3A_168 = arith.muli %add3A_53, %mul3A_167 : i32
      %add3A_169 = arith.constant 64 : i32
      %add3A_170 = arith.addi %mul3A_168, %add3A_169 : i32
      %iota3A_171 = tpu.iota {dimensions = array<i32: 0>} : vector<16xi32>
      %add3A_172 = vector.broadcast %add3A_170 : i32 to vector<16xi32>
      %add3A_173 = arith.addi %add3A_172, %iota3A_171 : vector<16xi32>
      %swap3A_174 = arith.constant 64 : index
      %swap3A_175 = tpu.vector_load %arg7[%swap3A_174] {strides = array<i32>} : memref<80xi32, #tpu.memory_space<vmem>>, vector<16xi32>,
      %swap3A_176 = vector.shape_cast %swap3A_175 : vector<16xi32> to vector<16xi32>
      %swap3A_177 = vector.shape_cast %add3A_173 : vector<16xi32> to vector<16xi32>
      tpu.vector_store %arg7[%swap3A_174], %swap3A_177 {strides = array<i32>} : memref<80xi32, #tpu.memory_space<vmem>>, vector<16xi32>,
      "tpu.region"() ({
        %run_scoped3A = tpu.sem_alloc : memref<!tpu.dma_semaphore, #tpu.memory_space<semaphore_mem>>
        %dma_start3A = arith.constant 0 : i32
        %dma_start3A_178 = arith.constant 0 : i32
        %dma_start3A_179 = tpu.memref_slice %arg6[%dma_start3A, %dma_start3A_178] : memref<10000x128xf32, #tpu.memory_space<vmem_shared>> -> memref<10000x128xf32, #tpu.memory_space<vmem_shared>>
        tpu.enqueue_indirect_dma source(%arg11 : memref<80x128xf32, #tpu.memory_space<vmem>>) target(%dma_start3A_179 : memref<10000x128xf32, #tpu.memory_space<vmem_shared>>) offsets(%arg7 : memref<80xi32, #tpu.memory_space<vmem>>) semaphore(%run_scoped3A : memref<!tpu.dma_semaphore, #tpu.memory_space<semaphore_mem>>)
        %dma_wait3A = arith.constant 0 : i32
        %dma_wait3A_180 = arith.constant 0 : i32
        %dma_wait3A_181 = tpu.memref_slice %arg6[%dma_wait3A, %dma_wait3A_180] : memref<10000x128xf32, #tpu.memory_space<vmem_shared>> -> memref<10000x128xf32, #tpu.memory_space<vmem_shared>>
        tpu.wait_indirect_dma semaphore(%run_scoped3A : memref<!tpu.dma_semaphore, #tpu.memory_space<semaphore_mem>>) src(%arg11 : memref<80x128xf32, #tpu.memory_space<vmem>>) dst(%dma_wait3A_181 : memref<10000x128xf32, #tpu.memory_space<vmem_shared>>)
        tpu.yield
      }) : () -> ()
    } else {
    }
    %barrier3A = arith.constant 0 : index
    tpu.barrier barrier_id(%barrier3A)
    %scan3A_59 = arith.constant 0 : i32
    %scan3A_60 = arith.constant 62 : i32
    %scan3A_61 = arith.addi %scan3A_59, %scan3A_60 : i32
    %scan3A_62 = arith.constant 1 : i32
    scf.for %scan3A_125 = %scan3A_59 to %scan3A_61 step %scan3A_62  : i32 {
      %mul3A_126 = arith.constant 1 : i32
      %mul3A_127 = arith.muli %scan3A_125, %mul3A_126 : i32
      %add3A_128 = arith.constant 0 : i32
      %add3A_129 = arith.addi %add3A_128, %mul3A_127 : i32
      %mul3A_130 = arith.constant 2 : i32
      %mul3A_131 = arith.muli %add3A_129, %mul3A_130 : i32
      %mul3A_132 = arith.constant 10000 : i32
      %mul3A_133 = arith.muli %add3A, %mul3A_132 : i32
      %mul3A_134 = arith.constant 80 : i32
      %mul3A_135 = arith.muli %mul3A_131, %mul3A_134 : i32
      %add3A_136 = arith.addi %mul3A_133, %mul3A_135 : i32
      "tpu.region"() ({
        %run_scoped3A = tpu.sem_alloc : memref<!tpu.dma_semaphore, #tpu.memory_space<semaphore_mem>>
        %dma_start3A = tpu.memref_slice %arg4[%add3A_136] : memref<320000xi32, #tpu.memory_space<hbm>> -> memref<80xi32, #tpu.memory_space<hbm>>
        %dma_start3A_146 = tpu.memref_slice %arg4[%add3A_136] : memref<320000xi32, #tpu.memory_space<hbm>> -> memref<80xi32, #tpu.memory_space<hbm>>
        tpu.enqueue_dma source(%dma_start3A_146 : memref<80xi32, #tpu.memory_space<hbm>>) target(%arg9 : memref<80xi32, #tpu.memory_space<vmem>>) target_semaphore(%run_scoped3A : memref<!tpu.dma_semaphore, #tpu.memory_space<semaphore_mem>>)
        %dma_wait3A = tpu.memref_slice %arg4[%add3A_136] : memref<320000xi32, #tpu.memory_space<hbm>> -> memref<80xi32, #tpu.memory_space<hbm>>
        %dma_wait3A_147 = tpu.memref_slice %arg4[%add3A_136] : memref<320000xi32, #tpu.memory_space<hbm>> -> memref<80xi32, #tpu.memory_space<hbm>>
        tpu.wait_dma2 semaphore(%run_scoped3A : memref<!tpu.dma_semaphore, #tpu.memory_space<semaphore_mem>>) src(%dma_wait3A_147 : memref<80xi32, #tpu.memory_space<hbm>>) dst(%arg9 : memref<80xi32, #tpu.memory_space<vmem>>)
        tpu.yield
      }) : () -> ()
      "tpu.region"() ({
        %run_scoped3A = tpu.sem_alloc : memref<!tpu.dma_semaphore, #tpu.memory_space<semaphore_mem>>
        %dma_start3A = arith.constant 0 : i32
        %dma_start3A_146 = tpu.memref_slice %arg2[%add3A_136, %dma_start3A] : memref<320000x128xf32, #tpu.memory_space<hbm>> -> memref<80x128xf32, #tpu.memory_space<hbm>>
        %dma_start3A_147 = arith.constant 0 : i32
        %dma_start3A_148 = tpu.memref_slice %arg2[%add3A_136, %dma_start3A_147] : memref<320000x128xf32, #tpu.memory_space<hbm>> -> memref<80x128xf32, #tpu.memory_space<hbm>>
        tpu.enqueue_dma source(%dma_start3A_148 : memref<80x128xf32, #tpu.memory_space<hbm>>) target(%arg11 : memref<80x128xf32, #tpu.memory_space<vmem>>) target_semaphore(%run_scoped3A : memref<!tpu.dma_semaphore, #tpu.memory_space<semaphore_mem>>)
        %dma_wait3A = arith.constant 0 : i32
        %dma_wait3A_149 = tpu.memref_slice %arg2[%add3A_136, %dma_wait3A] : memref<320000x128xf32, #tpu.memory_space<hbm>> -> memref<80x128xf32, #tpu.memory_space<hbm>>
        %dma_wait3A_150 = arith.constant 0 : i32
        %dma_wait3A_151 = tpu.memref_slice %arg2[%add3A_136, %dma_wait3A_150] : memref<320000x128xf32, #tpu.memory_space<hbm>> -> memref<80x128xf32, #tpu.memory_space<hbm>>
        tpu.wait_dma2 semaphore(%run_scoped3A : memref<!tpu.dma_semaphore, #tpu.memory_space<semaphore_mem>>) src(%dma_wait3A_151 : memref<80x128xf32, #tpu.memory_space<hbm>>) dst(%arg11 : memref<80x128xf32, #tpu.memory_space<vmem>>)
        tpu.yield
      }) : () -> ()
      "tpu.region"() ({
        %run_scoped3A = tpu.sem_alloc : memref<!tpu.dma_semaphore, #tpu.memory_space<semaphore_mem>>
        %dma_start3A = arith.constant 0 : i32
        %dma_start3A_146 = arith.constant 0 : i32
        %dma_start3A_147 = tpu.memref_slice %arg6[%dma_start3A, %dma_start3A_146] : memref<10000x128xf32, #tpu.memory_space<vmem_shared>> -> memref<10000x128xf32, #tpu.memory_space<vmem_shared>>
        tpu.enqueue_indirect_dma source(%arg11 : memref<80x128xf32, #tpu.memory_space<vmem>>) target(%dma_start3A_147 : memref<10000x128xf32, #tpu.memory_space<vmem_shared>>) offsets(%arg9 : memref<80xi32, #tpu.memory_space<vmem>>) semaphore(%run_scoped3A : memref<!tpu.dma_semaphore, #tpu.memory_space<semaphore_mem>>) {add = true}
        %dma_wait3A = arith.constant 0 : i32
        %dma_wait3A_148 = arith.constant 0 : i32
        %dma_wait3A_149 = tpu.memref_slice %arg6[%dma_wait3A, %dma_wait3A_148] : memref<10000x128xf32, #tpu.memory_space<vmem_shared>> -> memref<10000x128xf32, #tpu.memory_space<vmem_shared>>
        tpu.wait_indirect_dma semaphore(%run_scoped3A : memref<!tpu.dma_semaphore, #tpu.memory_space<semaphore_mem>>) src(%arg11 : memref<80x128xf32, #tpu.memory_space<vmem>>) dst(%dma_wait3A_149 : memref<10000x128xf32, #tpu.memory_space<vmem_shared>>)
        tpu.yield
      }) : () -> ()
      %mul3A_137 = arith.constant 2 : i32
      %mul3A_138 = arith.muli %add3A_129, %mul3A_137 : i32
      %add3A_139 = arith.constant 1 : i32
      %add3A_140 = arith.addi %mul3A_138, %add3A_139 : i32
      %mul3A_141 = arith.constant 10000 : i32
      %mul3A_142 = arith.muli %add3A, %mul3A_141 : i32
      %mul3A_143 = arith.constant 80 : i32
      %mul3A_144 = arith.muli %add3A_140, %mul3A_143 : i32
      %add3A_145 = arith.addi %mul3A_142, %mul3A_144 : i32
      "tpu.region"() ({
        %run_scoped3A = tpu.sem_alloc : memref<!tpu.dma_semaphore, #tpu.memory_space<semaphore_mem>>
        %dma_start3A = tpu.memref_slice %arg4[%add3A_145] : memref<320000xi32, #tpu.memory_space<hbm>> -> memref<80xi32, #tpu.memory_space<hbm>>
        %dma_start3A_146 = tpu.memref_slice %arg4[%add3A_145] : memref<320000xi32, #tpu.memory_space<hbm>> -> memref<80xi32, #tpu.memory_space<hbm>>
        tpu.enqueue_dma source(%dma_start3A_146 : memref<80xi32, #tpu.memory_space<hbm>>) target(%arg10 : memref<80xi32, #tpu.memory_space<vmem>>) target_semaphore(%run_scoped3A : memref<!tpu.dma_semaphore, #tpu.memory_space<semaphore_mem>>)
        %dma_wait3A = tpu.memref_slice %arg4[%add3A_145] : memref<320000xi32, #tpu.memory_space<hbm>> -> memref<80xi32, #tpu.memory_space<hbm>>
        %dma_wait3A_147 = tpu.memref_slice %arg4[%add3A_145] : memref<320000xi32, #tpu.memory_space<hbm>> -> memref<80xi32, #tpu.memory_space<hbm>>
        tpu.wait_dma2 semaphore(%run_scoped3A : memref<!tpu.dma_semaphore, #tpu.memory_space<semaphore_mem>>) src(%dma_wait3A_147 : memref<80xi32, #tpu.memory_space<hbm>>) dst(%arg10 : memref<80xi32, #tpu.memory_space<vmem>>)
        tpu.yield
      }) : () -> ()
      "tpu.region"() ({
        %run_scoped3A = tpu.sem_alloc : memref<!tpu.dma_semaphore, #tpu.memory_space<semaphore_mem>>
        %dma_start3A = arith.constant 0 : i32
        %dma_start3A_146 = tpu.memref_slice %arg2[%add3A_145, %dma_start3A] : memref<320000x128xf32, #tpu.memory_space<hbm>> -> memref<80x128xf32, #tpu.memory_space<hbm>>
        %dma_start3A_147 = arith.constant 0 : i32
        %dma_start3A_148 = tpu.memref_slice %arg2[%add3A_145, %dma_start3A_147] : memref<320000x128xf32, #tpu.memory_space<hbm>> -> memref<80x128xf32, #tpu.memory_space<hbm>>
        tpu.enqueue_dma source(%dma_start3A_148 : memref<80x128xf32, #tpu.memory_space<hbm>>) target(%arg12 : memref<80x128xf32, #tpu.memory_space<vmem>>) target_semaphore(%run_scoped3A : memref<!tpu.dma_semaphore, #tpu.memory_space<semaphore_mem>>)
        %dma_wait3A = arith.constant 0 : i32
        %dma_wait3A_149 = tpu.memref_slice %arg2[%add3A_145, %dma_wait3A] : memref<320000x128xf32, #tpu.memory_space<hbm>> -> memref<80x128xf32, #tpu.memory_space<hbm>>
        %dma_wait3A_150 = arith.constant 0 : i32
        %dma_wait3A_151 = tpu.memref_slice %arg2[%add3A_145, %dma_wait3A_150] : memref<320000x128xf32, #tpu.memory_space<hbm>> -> memref<80x128xf32, #tpu.memory_space<hbm>>
        tpu.wait_dma2 semaphore(%run_scoped3A : memref<!tpu.dma_semaphore, #tpu.memory_space<semaphore_mem>>) src(%dma_wait3A_151 : memref<80x128xf32, #tpu.memory_space<hbm>>) dst(%arg12 : memref<80x128xf32, #tpu.memory_space<vmem>>)
        tpu.yield
      }) : () -> ()
      "tpu.region"() ({
        %run_scoped3A = tpu.sem_alloc : memref<!tpu.dma_semaphore, #tpu.memory_space<semaphore_mem>>
        %dma_start3A = arith.constant 0 : i32
        %dma_start3A_146 = arith.constant 0 : i32
        %dma_start3A_147 = tpu.memref_slice %arg6[%dma_start3A, %dma_start3A_146] : memref<10000x128xf32, #tpu.memory_space<vmem_shared>> -> memref<10000x128xf32, #tpu.memory_space<vmem_shared>>
        tpu.enqueue_indirect_dma source(%arg12 : memref<80x128xf32, #tpu.memory_space<vmem>>) target(%dma_start3A_147 : memref<10000x128xf32, #tpu.memory_space<vmem_shared>>) offsets(%arg10 : memref<80xi32, #tpu.memory_space<vmem>>) semaphore(%run_scoped3A : memref<!tpu.dma_semaphore, #tpu.memory_space<semaphore_mem>>) {add = true}
        %dma_wait3A = arith.constant 0 : i32
        %dma_wait3A_148 = arith.constant 0 : i32
        %dma_wait3A_149 = tpu.memref_slice %arg6[%dma_wait3A, %dma_wait3A_148] : memref<10000x128xf32, #tpu.memory_space<vmem_shared>> -> memref<10000x128xf32, #tpu.memory_space<vmem_shared>>
        tpu.wait_indirect_dma semaphore(%run_scoped3A : memref<!tpu.dma_semaphore, #tpu.memory_space<semaphore_mem>>) src(%arg12 : memref<80x128xf32, #tpu.memory_space<vmem>>) dst(%dma_wait3A_149 : memref<10000x128xf32, #tpu.memory_space<vmem_shared>>)
        tpu.yield
      }) : () -> ()
    }
    %scan3A_63 = arith.constant 62 : i32
    %mul3A_64 = arith.constant 10000 : i32
    %mul3A_65 = arith.muli %add3A, %mul3A_64 : i32
    %add3A_66 = arith.constant 9920 : i32
    %add3A_67 = arith.addi %mul3A_65, %add3A_66 : i32
    "tpu.region"() ({
      %run_scoped3A = tpu.sem_alloc : memref<!tpu.dma_semaphore, #tpu.memory_space<semaphore_mem>>
      %dma_start3A = tpu.memref_slice %arg4[%add3A_67] : memref<320000xi32, #tpu.memory_space<hbm>> -> memref<80xi32, #tpu.memory_space<hbm>>
      %dma_start3A_125 = tpu.memref_slice %arg4[%add3A_67] : memref<320000xi32, #tpu.memory_space<hbm>> -> memref<80xi32, #tpu.memory_space<hbm>>
      tpu.enqueue_dma source(%dma_start3A_125 : memref<80xi32, #tpu.memory_space<hbm>>) target(%arg10 : memref<80xi32, #tpu.memory_space<vmem>>) target_semaphore(%run_scoped3A : memref<!tpu.dma_semaphore, #tpu.memory_space<semaphore_mem>>)
      %dma_wait3A = tpu.memref_slice %arg4[%add3A_67] : memref<320000xi32, #tpu.memory_space<hbm>> -> memref<80xi32, #tpu.memory_space<hbm>>
      %dma_wait3A_126 = tpu.memref_slice %arg4[%add3A_67] : memref<320000xi32, #tpu.memory_space<hbm>> -> memref<80xi32, #tpu.memory_space<hbm>>
      tpu.wait_dma2 semaphore(%run_scoped3A : memref<!tpu.dma_semaphore, #tpu.memory_space<semaphore_mem>>) src(%dma_wait3A_126 : memref<80xi32, #tpu.memory_space<hbm>>) dst(%arg10 : memref<80xi32, #tpu.memory_space<vmem>>)
      tpu.yield
    }) : () -> ()
    "tpu.region"() ({
      %run_scoped3A = tpu.sem_alloc : memref<!tpu.dma_semaphore, #tpu.memory_space<semaphore_mem>>
      %dma_start3A = arith.constant 0 : i32
      %dma_start3A_125 = tpu.memref_slice %arg2[%add3A_67, %dma_start3A] : memref<320000x128xf32, #tpu.memory_space<hbm>> -> memref<80x128xf32, #tpu.memory_space<hbm>>
      %dma_start3A_126 = arith.constant 0 : i32
      %dma_start3A_127 = tpu.memref_slice %arg2[%add3A_67, %dma_start3A_126] : memref<320000x128xf32, #tpu.memory_space<hbm>> -> memref<80x128xf32, #tpu.memory_space<hbm>>
      tpu.enqueue_dma source(%dma_start3A_127 : memref<80x128xf32, #tpu.memory_space<hbm>>) target(%arg12 : memref<80x128xf32, #tpu.memory_space<vmem>>) target_semaphore(%run_scoped3A : memref<!tpu.dma_semaphore, #tpu.memory_space<semaphore_mem>>)
      %dma_wait3A = arith.constant 0 : i32
      %dma_wait3A_128 = tpu.memref_slice %arg2[%add3A_67, %dma_wait3A] : memref<320000x128xf32, #tpu.memory_space<hbm>> -> memref<80x128xf32, #tpu.memory_space<hbm>>
      %dma_wait3A_129 = arith.constant 0 : i32
      %dma_wait3A_130 = tpu.memref_slice %arg2[%add3A_67, %dma_wait3A_129] : memref<320000x128xf32, #tpu.memory_space<hbm>> -> memref<80x128xf32, #tpu.memory_space<hbm>>
      tpu.wait_dma2 semaphore(%run_scoped3A : memref<!tpu.dma_semaphore, #tpu.memory_space<semaphore_mem>>) src(%dma_wait3A_130 : memref<80x128xf32, #tpu.memory_space<hbm>>) dst(%arg12 : memref<80x128xf32, #tpu.memory_space<vmem>>)
      tpu.yield
    }) : () -> ()
    "tpu.region"() ({
      %run_scoped3A = tpu.sem_alloc : memref<!tpu.dma_semaphore, #tpu.memory_space<semaphore_mem>>
      %dma_start3A = arith.constant 0 : i32
      %dma_start3A_125 = arith.constant 0 : i32
      %dma_start3A_126 = tpu.memref_slice %arg6[%dma_start3A, %dma_start3A_125] : memref<10000x128xf32, #tpu.memory_space<vmem_shared>> -> memref<10000x128xf32, #tpu.memory_space<vmem_shared>>
      tpu.enqueue_indirect_dma source(%arg12 : memref<80x128xf32, #tpu.memory_space<vmem>>) target(%dma_start3A_126 : memref<10000x128xf32, #tpu.memory_space<vmem_shared>>) offsets(%arg10 : memref<80xi32, #tpu.memory_space<vmem>>) semaphore(%run_scoped3A : memref<!tpu.dma_semaphore, #tpu.memory_space<semaphore_mem>>) {add = true}
      %dma_wait3A = arith.constant 0 : i32
      %dma_wait3A_127 = arith.constant 0 : i32
      %dma_wait3A_128 = tpu.memref_slice %arg6[%dma_wait3A, %dma_wait3A_127] : memref<10000x128xf32, #tpu.memory_space<vmem_shared>> -> memref<10000x128xf32, #tpu.memory_space<vmem_shared>>
      tpu.wait_indirect_dma semaphore(%run_scoped3A : memref<!tpu.dma_semaphore, #tpu.memory_space<semaphore_mem>>) src(%arg12 : memref<80x128xf32, #tpu.memory_space<vmem>>) dst(%dma_wait3A_128 : memref<10000x128xf32, #tpu.memory_space<vmem_shared>>)
      tpu.yield
    }) : () -> ()
    %barrier3A_68 = arith.constant 0 : index
    tpu.barrier barrier_id(%barrier3A_68)
    %add3A_69 = arith.constant 0 : i32
    %add3A_70 = arith.addi %arg1, %add3A_69 : i32
    %lt3A_71 = arith.constant 125 : i32
    %lt3A_72 = arith.cmpi slt, %add3A_70, %lt3A_71 : i32
    %convert_element_type3A_73 = arith.extui %lt3A_72 : i1 to i32
    %cond3A_74 = arith.constant 0 : i32
    %cond3A_75 = arith.cmpi ne, %convert_element_type3A_73, %cond3A_74 : i32
    scf.if %cond3A_75 {
      %mul3A_125 = arith.constant 80 : i32
      %mul3A_126 = arith.muli %add3A_70, %mul3A_125 : i32
      %add3A_127 = arith.constant 0 : i32
      %add3A_128 = arith.addi %mul3A_126, %add3A_127 : i32
      %iota3A = tpu.iota {dimensions = array<i32: 0>} : vector<16xi32>
      %add3A_129 = vector.broadcast %add3A_128 : i32 to vector<16xi32>
      %add3A_130 = arith.addi %add3A_129, %iota3A : vector<16xi32>
      %swap3A = arith.constant 0 : index
      %swap3A_131 = tpu.vector_load %arg7[%swap3A] {strides = array<i32>} : memref<80xi32, #tpu.memory_space<vmem>>, vector<16xi32>,
      %swap3A_132 = vector.shape_cast %swap3A_131 : vector<16xi32> to vector<16xi32>
      %swap3A_133 = vector.shape_cast %add3A_130 : vector<16xi32> to vector<16xi32>
      tpu.vector_store %arg7[%swap3A], %swap3A_133 {strides = array<i32>} : memref<80xi32, #tpu.memory_space<vmem>>, vector<16xi32>,
      %mul3A_134 = arith.constant 80 : i32
      %mul3A_135 = arith.muli %add3A_70, %mul3A_134 : i32
      %add3A_136 = arith.constant 16 : i32
      %add3A_137 = arith.addi %mul3A_135, %add3A_136 : i32
      %iota3A_138 = tpu.iota {dimensions = array<i32: 0>} : vector<16xi32>
      %add3A_139 = vector.broadcast %add3A_137 : i32 to vector<16xi32>
      %add3A_140 = arith.addi %add3A_139, %iota3A_138 : vector<16xi32>
      %swap3A_141 = arith.constant 16 : index
      %swap3A_142 = tpu.vector_load %arg7[%swap3A_141] {strides = array<i32>} : memref<80xi32, #tpu.memory_space<vmem>>, vector<16xi32>,
      %swap3A_143 = vector.shape_cast %swap3A_142 : vector<16xi32> to vector<16xi32>
      %swap3A_144 = vector.shape_cast %add3A_140 : vector<16xi32> to vector<16xi32>
      tpu.vector_store %arg7[%swap3A_141], %swap3A_144 {strides = array<i32>} : memref<80xi32, #tpu.memory_space<vmem>>, vector<16xi32>,
      %mul3A_145 = arith.constant 80 : i32
      %mul3A_146 = arith.muli %add3A_70, %mul3A_145 : i32
      %add3A_147 = arith.constant 32 : i32
      %add3A_148 = arith.addi %mul3A_146, %add3A_147 : i32
      %iota3A_149 = tpu.iota {dimensions = array<i32: 0>} : vector<16xi32>
      %add3A_150 = vector.broadcast %add3A_148 : i32 to vector<16xi32>
      %add3A_151 = arith.addi %add3A_150, %iota3A_149 : vector<16xi32>
      %swap3A_152 = arith.constant 32 : index
      %swap3A_153 = tpu.vector_load %arg7[%swap3A_152] {strides = array<i32>} : memref<80xi32, #tpu.memory_space<vmem>>, vector<16xi32>,
      %swap3A_154 = vector.shape_cast %swap3A_153 : vector<16xi32> to vector<16xi32>
      %swap3A_155 = vector.shape_cast %add3A_151 : vector<16xi32> to vector<16xi32>
      tpu.vector_store %arg7[%swap3A_152], %swap3A_155 {strides = array<i32>} : memref<80xi32, #tpu.memory_space<vmem>>, vector<16xi32>,
      %mul3A_156 = arith.constant 80 : i32
      %mul3A_157 = arith.muli %add3A_70, %mul3A_156 : i32
      %add3A_158 = arith.constant 48 : i32
      %add3A_159 = arith.addi %mul3A_157, %add3A_158 : i32
      %iota3A_160 = tpu.iota {dimensions = array<i32: 0>} : vector<16xi32>
      %add3A_161 = vector.broadcast %add3A_159 : i32 to vector<16xi32>
      %add3A_162 = arith.addi %add3A_161, %iota3A_160 : vector<16xi32>
      %swap3A_163 = arith.constant 48 : index
      %swap3A_164 = tpu.vector_load %arg7[%swap3A_163] {strides = array<i32>} : memref<80xi32, #tpu.memory_space<vmem>>, vector<16xi32>,
      %swap3A_165 = vector.shape_cast %swap3A_164 : vector<16xi32> to vector<16xi32>
      %swap3A_166 = vector.shape_cast %add3A_162 : vector<16xi32> to vector<16xi32>
      tpu.vector_store %arg7[%swap3A_163], %swap3A_166 {strides = array<i32>} : memref<80xi32, #tpu.memory_space<vmem>>, vector<16xi32>,
      %mul3A_167 = arith.constant 80 : i32
      %mul3A_168 = arith.muli %add3A_70, %mul3A_167 : i32
      %add3A_169 = arith.constant 64 : i32
      %add3A_170 = arith.addi %mul3A_168, %add3A_169 : i32
      %iota3A_171 = tpu.iota {dimensions = array<i32: 0>} : vector<16xi32>
      %add3A_172 = vector.broadcast %add3A_170 : i32 to vector<16xi32>
      %add3A_173 = arith.addi %add3A_172, %iota3A_171 : vector<16xi32>
      %swap3A_174 = arith.constant 64 : index
      %swap3A_175 = tpu.vector_load %arg7[%swap3A_174] {strides = array<i32>} : memref<80xi32, #tpu.memory_space<vmem>>, vector<16xi32>,
      %swap3A_176 = vector.shape_cast %swap3A_175 : vector<16xi32> to vector<16xi32>
      %swap3A_177 = vector.shape_cast %add3A_173 : vector<16xi32> to vector<16xi32>
      tpu.vector_store %arg7[%swap3A_174], %swap3A_177 {strides = array<i32>} : memref<80xi32, #tpu.memory_space<vmem>>, vector<16xi32>,
      "tpu.region"() ({
        %run_scoped3A = tpu.sem_alloc : memref<!tpu.dma_semaphore, #tpu.memory_space<semaphore_mem>>
        %dma_start3A = arith.constant 0 : i32
        %dma_start3A_183 = arith.constant 0 : i32
        %dma_start3A_184 = tpu.memref_slice %arg6[%dma_start3A, %dma_start3A_183] : memref<10000x128xf32, #tpu.memory_space<vmem_shared>> -> memref<10000x128xf32, #tpu.memory_space<vmem_shared>>
        tpu.enqueue_indirect_dma source(%dma_start3A_184 : memref<10000x128xf32, #tpu.memory_space<vmem_shared>>) target(%arg11 : memref<80x128xf32, #tpu.memory_space<vmem>>) offsets(%arg7 : memref<80xi32, #tpu.memory_space<vmem>>) semaphore(%run_scoped3A : memref<!tpu.dma_semaphore, #tpu.memory_space<semaphore_mem>>)
        %dma_wait3A = arith.constant 0 : i32
        %dma_wait3A_185 = arith.constant 0 : i32
        %dma_wait3A_186 = tpu.memref_slice %arg6[%dma_wait3A, %dma_wait3A_185] : memref<10000x128xf32, #tpu.memory_space<vmem_shared>> -> memref<10000x128xf32, #tpu.memory_space<vmem_shared>>
        tpu.wait_indirect_dma semaphore(%run_scoped3A : memref<!tpu.dma_semaphore, #tpu.memory_space<semaphore_mem>>) src(%dma_wait3A_186 : memref<10000x128xf32, #tpu.memory_space<vmem_shared>>) dst(%arg11 : memref<80x128xf32, #tpu.memory_space<vmem>>)
        tpu.yield
      }) : () -> ()
      %mul3A_178 = arith.constant 10000 : i32
      %mul3A_179 = arith.muli %arg0, %mul3A_178 : i32
      %mul3A_180 = arith.constant 80 : i32
      %mul3A_181 = arith.muli %add3A_70, %mul3A_180 : i32
      %add3A_182 = arith.addi %mul3A_179, %mul3A_181 : i32
      "tpu.region"() ({
        %run_scoped3A = tpu.sem_alloc : memref<!tpu.dma_semaphore, #tpu.memory_space<semaphore_mem>>
        %dma_start3A = arith.constant 0 : i32
        %dma_start3A_183 = tpu.memref_slice %arg5[%add3A_182, %dma_start3A] : memref<20000x128xf32, #tpu.memory_space<hbm>> -> memref<80x128xf32, #tpu.memory_space<hbm>>
        %dma_start3A_184 = arith.constant 0 : i32
        %dma_start3A_185 = tpu.memref_slice %arg5[%add3A_182, %dma_start3A_184] : memref<20000x128xf32, #tpu.memory_space<hbm>> -> memref<80x128xf32, #tpu.memory_space<hbm>>
        tpu.enqueue_dma source(%arg11 : memref<80x128xf32, #tpu.memory_space<vmem>>) target(%dma_start3A_185 : memref<80x128xf32, #tpu.memory_space<hbm>>) target_semaphore(%run_scoped3A : memref<!tpu.dma_semaphore, #tpu.memory_space<semaphore_mem>>)
        %dma_wait3A = arith.constant 0 : i32
        %dma_wait3A_186 = tpu.memref_slice %arg5[%add3A_182, %dma_wait3A] : memref<20000x128xf32, #tpu.memory_space<hbm>> -> memref<80x128xf32, #tpu.memory_space<hbm>>
        %dma_wait3A_187 = arith.constant 0 : i32
        %dma_wait3A_188 = tpu.memref_slice %arg5[%add3A_182, %dma_wait3A_187] : memref<20000x128xf32, #tpu.memory_space<hbm>> -> memref<80x128xf32, #tpu.memory_space<hbm>>
        tpu.wait_dma2 semaphore(%run_scoped3A : memref<!tpu.dma_semaphore, #tpu.memory_space<semaphore_mem>>) src(%arg11 : memref<80x128xf32, #tpu.memory_space<vmem>>) dst(%dma_wait3A_188 : memref<80x128xf32, #tpu.memory_space<hbm>>)
        tpu.yield
      }) : () -> ()
    } else {
    }
    %add3A_76 = arith.constant 16 : i32
    %add3A_77 = arith.addi %arg1, %add3A_76 : i32
    %lt3A_78 = arith.constant 125 : i32
    %lt3A_79 = arith.cmpi slt, %add3A_77, %lt3A_78 : i32
    %convert_element_type3A_80 = arith.extui %lt3A_79 : i1 to i32
    %cond3A_81 = arith.constant 0 : i32
    %cond3A_82 = arith.cmpi ne, %convert_element_type3A_80, %cond3A_81 : i32
    scf.if %cond3A_82 {
      %mul3A_125 = arith.constant 80 : i32
      %mul3A_126 = arith.muli %add3A_77, %mul3A_125 : i32
      %add3A_127 = arith.constant 0 : i32
      %add3A_128 = arith.addi %mul3A_126, %add3A_127 : i32
      %iota3A = tpu.iota {dimensions = array<i32: 0>} : vector<16xi32>
      %add3A_129 = vector.broadcast %add3A_128 : i32 to vector<16xi32>
      %add3A_130 = arith.addi %add3A_129, %iota3A : vector<16xi32>
      %swap3A = arith.constant 0 : index
      %swap3A_131 = tpu.vector_load %arg7[%swap3A] {strides = array<i32>} : memref<80xi32, #tpu.memory_space<vmem>>, vector<16xi32>,
      %swap3A_132 = vector.shape_cast %swap3A_131 : vector<16xi32> to vector<16xi32>
      %swap3A_133 = vector.shape_cast %add3A_130 : vector<16xi32> to vector<16xi32>
      tpu.vector_store %arg7[%swap3A], %swap3A_133 {strides = array<i32>} : memref<80xi32, #tpu.memory_space<vmem>>, vector<16xi32>,
      %mul3A_134 = arith.constant 80 : i32
      %mul3A_135 = arith.muli %add3A_77, %mul3A_134 : i32
      %add3A_136 = arith.constant 16 : i32
      %add3A_137 = arith.addi %mul3A_135, %add3A_136 : i32
      %iota3A_138 = tpu.iota {dimensions = array<i32: 0>} : vector<16xi32>
      %add3A_139 = vector.broadcast %add3A_137 : i32 to vector<16xi32>
      %add3A_140 = arith.addi %add3A_139, %iota3A_138 : vector<16xi32>
      %swap3A_141 = arith.constant 16 : index
      %swap3A_142 = tpu.vector_load %arg7[%swap3A_141] {strides = array<i32>} : memref<80xi32, #tpu.memory_space<vmem>>, vector<16xi32>,
      %swap3A_143 = vector.shape_cast %swap3A_142 : vector<16xi32> to vector<16xi32>
      %swap3A_144 = vector.shape_cast %add3A_140 : vector<16xi32> to vector<16xi32>
      tpu.vector_store %arg7[%swap3A_141], %swap3A_144 {strides = array<i32>} : memref<80xi32, #tpu.memory_space<vmem>>, vector<16xi32>,
      %mul3A_145 = arith.constant 80 : i32
      %mul3A_146 = arith.muli %add3A_77, %mul3A_145 : i32
      %add3A_147 = arith.constant 32 : i32
      %add3A_148 = arith.addi %mul3A_146, %add3A_147 : i32
      %iota3A_149 = tpu.iota {dimensions = array<i32: 0>} : vector<16xi32>
      %add3A_150 = vector.broadcast %add3A_148 : i32 to vector<16xi32>
      %add3A_151 = arith.addi %add3A_150, %iota3A_149 : vector<16xi32>
      %swap3A_152 = arith.constant 32 : index
      %swap3A_153 = tpu.vector_load %arg7[%swap3A_152] {strides = array<i32>} : memref<80xi32, #tpu.memory_space<vmem>>, vector<16xi32>,
      %swap3A_154 = vector.shape_cast %swap3A_153 : vector<16xi32> to vector<16xi32>
      %swap3A_155 = vector.shape_cast %add3A_151 : vector<16xi32> to vector<16xi32>
      tpu.vector_store %arg7[%swap3A_152], %swap3A_155 {strides = array<i32>} : memref<80xi32, #tpu.memory_space<vmem>>, vector<16xi32>,
      %mul3A_156 = arith.constant 80 : i32
      %mul3A_157 = arith.muli %add3A_77, %mul3A_156 : i32
      %add3A_158 = arith.constant 48 : i32
      %add3A_159 = arith.addi %mul3A_157, %add3A_158 : i32
      %iota3A_160 = tpu.iota {dimensions = array<i32: 0>} : vector<16xi32>
      %add3A_161 = vector.broadcast %add3A_159 : i32 to vector<16xi32>
      %add3A_162 = arith.addi %add3A_161, %iota3A_160 : vector<16xi32>
      %swap3A_163 = arith.constant 48 : index
      %swap3A_164 = tpu.vector_load %arg7[%swap3A_163] {strides = array<i32>} : memref<80xi32, #tpu.memory_space<vmem>>, vector<16xi32>,
      %swap3A_165 = vector.shape_cast %swap3A_164 : vector<16xi32> to vector<16xi32>
      %swap3A_166 = vector.shape_cast %add3A_162 : vector<16xi32> to vector<16xi32>
      tpu.vector_store %arg7[%swap3A_163], %swap3A_166 {strides = array<i32>} : memref<80xi32, #tpu.memory_space<vmem>>, vector<16xi32>,
      %mul3A_167 = arith.constant 80 : i32
      %mul3A_168 = arith.muli %add3A_77, %mul3A_167 : i32
      %add3A_169 = arith.constant 64 : i32
      %add3A_170 = arith.addi %mul3A_168, %add3A_169 : i32
      %iota3A_171 = tpu.iota {dimensions = array<i32: 0>} : vector<16xi32>
      %add3A_172 = vector.broadcast %add3A_170 : i32 to vector<16xi32>
      %add3A_173 = arith.addi %add3A_172, %iota3A_171 : vector<16xi32>
      %swap3A_174 = arith.constant 64 : index
      %swap3A_175 = tpu.vector_load %arg7[%swap3A_174] {strides = array<i32>} : memref<80xi32, #tpu.memory_space<vmem>>, vector<16xi32>,
      %swap3A_176 = vector.shape_cast %swap3A_175 : vector<16xi32> to vector<16xi32>
      %swap3A_177 = vector.shape_cast %add3A_173 : vector<16xi32> to vector<16xi32>
      tpu.vector_store %arg7[%swap3A_174], %swap3A_177 {strides = array<i32>} : memref<80xi32, #tpu.memory_space<vmem>>, vector<16xi32>,
      "tpu.region"() ({
        %run_scoped3A = tpu.sem_alloc : memref<!tpu.dma_semaphore, #tpu.memory_space<semaphore_mem>>
        %dma_start3A = arith.constant 0 : i32
        %dma_start3A_183 = arith.constant 0 : i32
        %dma_start3A_184 = tpu.memref_slice %arg6[%dma_start3A, %dma_start3A_183] : memref<10000x128xf32, #tpu.memory_space<vmem_shared>> -> memref<10000x128xf32, #tpu.memory_space<vmem_shared>>
        tpu.enqueue_indirect_dma source(%dma_start3A_184 : memref<10000x128xf32, #tpu.memory_space<vmem_shared>>) target(%arg11 : memref<80x128xf32, #tpu.memory_space<vmem>>) offsets(%arg7 : memref<80xi32, #tpu.memory_space<vmem>>) semaphore(%run_scoped3A : memref<!tpu.dma_semaphore, #tpu.memory_space<semaphore_mem>>)
        %dma_wait3A = arith.constant 0 : i32
        %dma_wait3A_185 = arith.constant 0 : i32
        %dma_wait3A_186 = tpu.memref_slice %arg6[%dma_wait3A, %dma_wait3A_185] : memref<10000x128xf32, #tpu.memory_space<vmem_shared>> -> memref<10000x128xf32, #tpu.memory_space<vmem_shared>>
        tpu.wait_indirect_dma semaphore(%run_scoped3A : memref<!tpu.dma_semaphore, #tpu.memory_space<semaphore_mem>>) src(%dma_wait3A_186 : memref<10000x128xf32, #tpu.memory_space<vmem_shared>>) dst(%arg11 : memref<80x128xf32, #tpu.memory_space<vmem>>)
        tpu.yield
      }) : () -> ()
      %mul3A_178 = arith.constant 10000 : i32
      %mul3A_179 = arith.muli %arg0, %mul3A_178 : i32
      %mul3A_180 = arith.constant 80 : i32
      %mul3A_181 = arith.muli %add3A_77, %mul3A_180 : i32
      %add3A_182 = arith.addi %mul3A_179, %mul3A_181 : i32
      "tpu.region"() ({
        %run_scoped3A = tpu.sem_alloc : memref<!tpu.dma_semaphore, #tpu.memory_space<semaphore_mem>>
        %dma_start3A = arith.constant 0 : i32
        %dma_start3A_183 = tpu.memref_slice %arg5[%add3A_182, %dma_start3A] : memref<20000x128xf32, #tpu.memory_space<hbm>> -> memref<80x128xf32, #tpu.memory_space<hbm>>
        %dma_start3A_184 = arith.constant 0 : i32
        %dma_start3A_185 = tpu.memref_slice %arg5[%add3A_182, %dma_start3A_184] : memref<20000x128xf32, #tpu.memory_space<hbm>> -> memref<80x128xf32, #tpu.memory_space<hbm>>
        tpu.enqueue_dma source(%arg11 : memref<80x128xf32, #tpu.memory_space<vmem>>) target(%dma_start3A_185 : memref<80x128xf32, #tpu.memory_space<hbm>>) target_semaphore(%run_scoped3A : memref<!tpu.dma_semaphore, #tpu.memory_space<semaphore_mem>>)
        %dma_wait3A = arith.constant 0 : i32
        %dma_wait3A_186 = tpu.memref_slice %arg5[%add3A_182, %dma_wait3A] : memref<20000x128xf32, #tpu.memory_space<hbm>> -> memref<80x128xf32, #tpu.memory_space<hbm>>
        %dma_wait3A_187 = arith.constant 0 : i32
        %dma_wait3A_188 = tpu.memref_slice %arg5[%add3A_182, %dma_wait3A_187] : memref<20000x128xf32, #tpu.memory_space<hbm>> -> memref<80x128xf32, #tpu.memory_space<hbm>>
        tpu.wait_dma2 semaphore(%run_scoped3A : memref<!tpu.dma_semaphore, #tpu.memory_space<semaphore_mem>>) src(%arg11 : memref<80x128xf32, #tpu.memory_space<vmem>>) dst(%dma_wait3A_188 : memref<80x128xf32, #tpu.memory_space<hbm>>)
        tpu.yield
      }) : () -> ()
    } else {
    }
    %add3A_83 = arith.constant 32 : i32
    %add3A_84 = arith.addi %arg1, %add3A_83 : i32
    %lt3A_85 = arith.constant 125 : i32
    %lt3A_86 = arith.cmpi slt, %add3A_84, %lt3A_85 : i32
    %convert_element_type3A_87 = arith.extui %lt3A_86 : i1 to i32
    %cond3A_88 = arith.constant 0 : i32
    %cond3A_89 = arith.cmpi ne, %convert_element_type3A_87, %cond3A_88 : i32
    scf.if %cond3A_89 {
      %mul3A_125 = arith.constant 80 : i32
      %mul3A_126 = arith.muli %add3A_84, %mul3A_125 : i32
      %add3A_127 = arith.constant 0 : i32
      %add3A_128 = arith.addi %mul3A_126, %add3A_127 : i32
      %iota3A = tpu.iota {dimensions = array<i32: 0>} : vector<16xi32>
      %add3A_129 = vector.broadcast %add3A_128 : i32 to vector<16xi32>
      %add3A_130 = arith.addi %add3A_129, %iota3A : vector<16xi32>
      %swap3A = arith.constant 0 : index
      %swap3A_131 = tpu.vector_load %arg7[%swap3A] {strides = array<i32>} : memref<80xi32, #tpu.memory_space<vmem>>, vector<16xi32>,
      %swap3A_132 = vector.shape_cast %swap3A_131 : vector<16xi32> to vector<16xi32>
      %swap3A_133 = vector.shape_cast %add3A_130 : vector<16xi32> to vector<16xi32>
      tpu.vector_store %arg7[%swap3A], %swap3A_133 {strides = array<i32>} : memref<80xi32, #tpu.memory_space<vmem>>, vector<16xi32>,
      %mul3A_134 = arith.constant 80 : i32
      %mul3A_135 = arith.muli %add3A_84, %mul3A_134 : i32
      %add3A_136 = arith.constant 16 : i32
      %add3A_137 = arith.addi %mul3A_135, %add3A_136 : i32
      %iota3A_138 = tpu.iota {dimensions = array<i32: 0>} : vector<16xi32>
      %add3A_139 = vector.broadcast %add3A_137 : i32 to vector<16xi32>
      %add3A_140 = arith.addi %add3A_139, %iota3A_138 : vector<16xi32>
      %swap3A_141 = arith.constant 16 : index
      %swap3A_142 = tpu.vector_load %arg7[%swap3A_141] {strides = array<i32>} : memref<80xi32, #tpu.memory_space<vmem>>, vector<16xi32>,
      %swap3A_143 = vector.shape_cast %swap3A_142 : vector<16xi32> to vector<16xi32>
      %swap3A_144 = vector.shape_cast %add3A_140 : vector<16xi32> to vector<16xi32>
      tpu.vector_store %arg7[%swap3A_141], %swap3A_144 {strides = array<i32>} : memref<80xi32, #tpu.memory_space<vmem>>, vector<16xi32>,
      %mul3A_145 = arith.constant 80 : i32
      %mul3A_146 = arith.muli %add3A_84, %mul3A_145 : i32
      %add3A_147 = arith.constant 32 : i32
      %add3A_148 = arith.addi %mul3A_146, %add3A_147 : i32
      %iota3A_149 = tpu.iota {dimensions = array<i32: 0>} : vector<16xi32>
      %add3A_150 = vector.broadcast %add3A_148 : i32 to vector<16xi32>
      %add3A_151 = arith.addi %add3A_150, %iota3A_149 : vector<16xi32>
      %swap3A_152 = arith.constant 32 : index
      %swap3A_153 = tpu.vector_load %arg7[%swap3A_152] {strides = array<i32>} : memref<80xi32, #tpu.memory_space<vmem>>, vector<16xi32>,
      %swap3A_154 = vector.shape_cast %swap3A_153 : vector<16xi32> to vector<16xi32>
      %swap3A_155 = vector.shape_cast %add3A_151 : vector<16xi32> to vector<16xi32>
      tpu.vector_store %arg7[%swap3A_152], %swap3A_155 {strides = array<i32>} : memref<80xi32, #tpu.memory_space<vmem>>, vector<16xi32>,
      %mul3A_156 = arith.constant 80 : i32
      %mul3A_157 = arith.muli %add3A_84, %mul3A_156 : i32
      %add3A_158 = arith.constant 48 : i32
      %add3A_159 = arith.addi %mul3A_157, %add3A_158 : i32
      %iota3A_160 = tpu.iota {dimensions = array<i32: 0>} : vector<16xi32>
      %add3A_161 = vector.broadcast %add3A_159 : i32 to vector<16xi32>
      %add3A_162 = arith.addi %add3A_161, %iota3A_160 : vector<16xi32>
      %swap3A_163 = arith.constant 48 : index
      %swap3A_164 = tpu.vector_load %arg7[%swap3A_163] {strides = array<i32>} : memref<80xi32, #tpu.memory_space<vmem>>, vector<16xi32>,
      %swap3A_165 = vector.shape_cast %swap3A_164 : vector<16xi32> to vector<16xi32>
      %swap3A_166 = vector.shape_cast %add3A_162 : vector<16xi32> to vector<16xi32>
      tpu.vector_store %arg7[%swap3A_163], %swap3A_166 {strides = array<i32>} : memref<80xi32, #tpu.memory_space<vmem>>, vector<16xi32>,
      %mul3A_167 = arith.constant 80 : i32
      %mul3A_168 = arith.muli %add3A_84, %mul3A_167 : i32
      %add3A_169 = arith.constant 64 : i32
      %add3A_170 = arith.addi %mul3A_168, %add3A_169 : i32
      %iota3A_171 = tpu.iota {dimensions = array<i32: 0>} : vector<16xi32>
      %add3A_172 = vector.broadcast %add3A_170 : i32 to vector<16xi32>
      %add3A_173 = arith.addi %add3A_172, %iota3A_171 : vector<16xi32>
      %swap3A_174 = arith.constant 64 : index
      %swap3A_175 = tpu.vector_load %arg7[%swap3A_174] {strides = array<i32>} : memref<80xi32, #tpu.memory_space<vmem>>, vector<16xi32>,
      %swap3A_176 = vector.shape_cast %swap3A_175 : vector<16xi32> to vector<16xi32>
      %swap3A_177 = vector.shape_cast %add3A_173 : vector<16xi32> to vector<16xi32>
      tpu.vector_store %arg7[%swap3A_174], %swap3A_177 {strides = array<i32>} : memref<80xi32, #tpu.memory_space<vmem>>, vector<16xi32>,
      "tpu.region"() ({
        %run_scoped3A = tpu.sem_alloc : memref<!tpu.dma_semaphore, #tpu.memory_space<semaphore_mem>>
        %dma_start3A = arith.constant 0 : i32
        %dma_start3A_183 = arith.constant 0 : i32
        %dma_start3A_184 = tpu.memref_slice %arg6[%dma_start3A, %dma_start3A_183] : memref<10000x128xf32, #tpu.memory_space<vmem_shared>> -> memref<10000x128xf32, #tpu.memory_space<vmem_shared>>
        tpu.enqueue_indirect_dma source(%dma_start3A_184 : memref<10000x128xf32, #tpu.memory_space<vmem_shared>>) target(%arg11 : memref<80x128xf32, #tpu.memory_space<vmem>>) offsets(%arg7 : memref<80xi32, #tpu.memory_space<vmem>>) semaphore(%run_scoped3A : memref<!tpu.dma_semaphore, #tpu.memory_space<semaphore_mem>>)
        %dma_wait3A = arith.constant 0 : i32
        %dma_wait3A_185 = arith.constant 0 : i32
        %dma_wait3A_186 = tpu.memref_slice %arg6[%dma_wait3A, %dma_wait3A_185] : memref<10000x128xf32, #tpu.memory_space<vmem_shared>> -> memref<10000x128xf32, #tpu.memory_space<vmem_shared>>
        tpu.wait_indirect_dma semaphore(%run_scoped3A : memref<!tpu.dma_semaphore, #tpu.memory_space<semaphore_mem>>) src(%dma_wait3A_186 : memref<10000x128xf32, #tpu.memory_space<vmem_shared>>) dst(%arg11 : memref<80x128xf32, #tpu.memory_space<vmem>>)
        tpu.yield
      }) : () -> ()
      %mul3A_178 = arith.constant 10000 : i32
      %mul3A_179 = arith.muli %arg0, %mul3A_178 : i32
      %mul3A_180 = arith.constant 80 : i32
      %mul3A_181 = arith.muli %add3A_84, %mul3A_180 : i32
      %add3A_182 = arith.addi %mul3A_179, %mul3A_181 : i32
      "tpu.region"() ({
        %run_scoped3A = tpu.sem_alloc : memref<!tpu.dma_semaphore, #tpu.memory_space<semaphore_mem>>
        %dma_start3A = arith.constant 0 : i32
        %dma_start3A_183 = tpu.memref_slice %arg5[%add3A_182, %dma_start3A] : memref<20000x128xf32, #tpu.memory_space<hbm>> -> memref<80x128xf32, #tpu.memory_space<hbm>>
        %dma_start3A_184 = arith.constant 0 : i32
        %dma_start3A_185 = tpu.memref_slice %arg5[%add3A_182, %dma_start3A_184] : memref<20000x128xf32, #tpu.memory_space<hbm>> -> memref<80x128xf32, #tpu.memory_space<hbm>>
        tpu.enqueue_dma source(%arg11 : memref<80x128xf32, #tpu.memory_space<vmem>>) target(%dma_start3A_185 : memref<80x128xf32, #tpu.memory_space<hbm>>) target_semaphore(%run_scoped3A : memref<!tpu.dma_semaphore, #tpu.memory_space<semaphore_mem>>)
        %dma_wait3A = arith.constant 0 : i32
        %dma_wait3A_186 = tpu.memref_slice %arg5[%add3A_182, %dma_wait3A] : memref<20000x128xf32, #tpu.memory_space<hbm>> -> memref<80x128xf32, #tpu.memory_space<hbm>>
        %dma_wait3A_187 = arith.constant 0 : i32
        %dma_wait3A_188 = tpu.memref_slice %arg5[%add3A_182, %dma_wait3A_187] : memref<20000x128xf32, #tpu.memory_space<hbm>> -> memref<80x128xf32, #tpu.memory_space<hbm>>
        tpu.wait_dma2 semaphore(%run_scoped3A : memref<!tpu.dma_semaphore, #tpu.memory_space<semaphore_mem>>) src(%arg11 : memref<80x128xf32, #tpu.memory_space<vmem>>) dst(%dma_wait3A_188 : memref<80x128xf32, #tpu.memory_space<hbm>>)
        tpu.yield
      }) : () -> ()
    } else {
    }
    %add3A_90 = arith.constant 48 : i32
    %add3A_91 = arith.addi %arg1, %add3A_90 : i32
    %lt3A_92 = arith.constant 125 : i32
    %lt3A_93 = arith.cmpi slt, %add3A_91, %lt3A_92 : i32
    %convert_element_type3A_94 = arith.extui %lt3A_93 : i1 to i32
    %cond3A_95 = arith.constant 0 : i32
    %cond3A_96 = arith.cmpi ne, %convert_element_type3A_94, %cond3A_95 : i32
    scf.if %cond3A_96 {
      %mul3A_125 = arith.constant 80 : i32
      %mul3A_126 = arith.muli %add3A_91, %mul3A_125 : i32
      %add3A_127 = arith.constant 0 : i32
      %add3A_128 = arith.addi %mul3A_126, %add3A_127 : i32
      %iota3A = tpu.iota {dimensions = array<i32: 0>} : vector<16xi32>
      %add3A_129 = vector.broadcast %add3A_128 : i32 to vector<16xi32>
      %add3A_130 = arith.addi %add3A_129, %iota3A : vector<16xi32>
      %swap3A = arith.constant 0 : index
      %swap3A_131 = tpu.vector_load %arg7[%swap3A] {strides = array<i32>} : memref<80xi32, #tpu.memory_space<vmem>>, vector<16xi32>,
      %swap3A_132 = vector.shape_cast %swap3A_131 : vector<16xi32> to vector<16xi32>
      %swap3A_133 = vector.shape_cast %add3A_130 : vector<16xi32> to vector<16xi32>
      tpu.vector_store %arg7[%swap3A], %swap3A_133 {strides = array<i32>} : memref<80xi32, #tpu.memory_space<vmem>>, vector<16xi32>,
      %mul3A_134 = arith.constant 80 : i32
      %mul3A_135 = arith.muli %add3A_91, %mul3A_134 : i32
      %add3A_136 = arith.constant 16 : i32
      %add3A_137 = arith.addi %mul3A_135, %add3A_136 : i32
      %iota3A_138 = tpu.iota {dimensions = array<i32: 0>} : vector<16xi32>
      %add3A_139 = vector.broadcast %add3A_137 : i32 to vector<16xi32>
      %add3A_140 = arith.addi %add3A_139, %iota3A_138 : vector<16xi32>
      %swap3A_141 = arith.constant 16 : index
      %swap3A_142 = tpu.vector_load %arg7[%swap3A_141] {strides = array<i32>} : memref<80xi32, #tpu.memory_space<vmem>>, vector<16xi32>,
      %swap3A_143 = vector.shape_cast %swap3A_142 : vector<16xi32> to vector<16xi32>
      %swap3A_144 = vector.shape_cast %add3A_140 : vector<16xi32> to vector<16xi32>
      tpu.vector_store %arg7[%swap3A_141], %swap3A_144 {strides = array<i32>} : memref<80xi32, #tpu.memory_space<vmem>>, vector<16xi32>,
      %mul3A_145 = arith.constant 80 : i32
      %mul3A_146 = arith.muli %add3A_91, %mul3A_145 : i32
      %add3A_147 = arith.constant 32 : i32
      %add3A_148 = arith.addi %mul3A_146, %add3A_147 : i32
      %iota3A_149 = tpu.iota {dimensions = array<i32: 0>} : vector<16xi32>
      %add3A_150 = vector.broadcast %add3A_148 : i32 to vector<16xi32>
      %add3A_151 = arith.addi %add3A_150, %iota3A_149 : vector<16xi32>
      %swap3A_152 = arith.constant 32 : index
      %swap3A_153 = tpu.vector_load %arg7[%swap3A_152] {strides = array<i32>} : memref<80xi32, #tpu.memory_space<vmem>>, vector<16xi32>,
      %swap3A_154 = vector.shape_cast %swap3A_153 : vector<16xi32> to vector<16xi32>
      %swap3A_155 = vector.shape_cast %add3A_151 : vector<16xi32> to vector<16xi32>
      tpu.vector_store %arg7[%swap3A_152], %swap3A_155 {strides = array<i32>} : memref<80xi32, #tpu.memory_space<vmem>>, vector<16xi32>,
      %mul3A_156 = arith.constant 80 : i32
      %mul3A_157 = arith.muli %add3A_91, %mul3A_156 : i32
      %add3A_158 = arith.constant 48 : i32
      %add3A_159 = arith.addi %mul3A_157, %add3A_158 : i32
      %iota3A_160 = tpu.iota {dimensions = array<i32: 0>} : vector<16xi32>
      %add3A_161 = vector.broadcast %add3A_159 : i32 to vector<16xi32>
      %add3A_162 = arith.addi %add3A_161, %iota3A_160 : vector<16xi32>
      %swap3A_163 = arith.constant 48 : index
      %swap3A_164 = tpu.vector_load %arg7[%swap3A_163] {strides = array<i32>} : memref<80xi32, #tpu.memory_space<vmem>>, vector<16xi32>,
      %swap3A_165 = vector.shape_cast %swap3A_164 : vector<16xi32> to vector<16xi32>
      %swap3A_166 = vector.shape_cast %add3A_162 : vector<16xi32> to vector<16xi32>
      tpu.vector_store %arg7[%swap3A_163], %swap3A_166 {strides = array<i32>} : memref<80xi32, #tpu.memory_space<vmem>>, vector<16xi32>,
      %mul3A_167 = arith.constant 80 : i32
      %mul3A_168 = arith.muli %add3A_91, %mul3A_167 : i32
      %add3A_169 = arith.constant 64 : i32
      %add3A_170 = arith.addi %mul3A_168, %add3A_169 : i32
      %iota3A_171 = tpu.iota {dimensions = array<i32: 0>} : vector<16xi32>
      %add3A_172 = vector.broadcast %add3A_170 : i32 to vector<16xi32>
      %add3A_173 = arith.addi %add3A_172, %iota3A_171 : vector<16xi32>
      %swap3A_174 = arith.constant 64 : index
      %swap3A_175 = tpu.vector_load %arg7[%swap3A_174] {strides = array<i32>} : memref<80xi32, #tpu.memory_space<vmem>>, vector<16xi32>,
      %swap3A_176 = vector.shape_cast %swap3A_175 : vector<16xi32> to vector<16xi32>
      %swap3A_177 = vector.shape_cast %add3A_173 : vector<16xi32> to vector<16xi32>
      tpu.vector_store %arg7[%swap3A_174], %swap3A_177 {strides = array<i32>} : memref<80xi32, #tpu.memory_space<vmem>>, vector<16xi32>,
      "tpu.region"() ({
        %run_scoped3A = tpu.sem_alloc : memref<!tpu.dma_semaphore, #tpu.memory_space<semaphore_mem>>
        %dma_start3A = arith.constant 0 : i32
        %dma_start3A_183 = arith.constant 0 : i32
        %dma_start3A_184 = tpu.memref_slice %arg6[%dma_start3A, %dma_start3A_183] : memref<10000x128xf32, #tpu.memory_space<vmem_shared>> -> memref<10000x128xf32, #tpu.memory_space<vmem_shared>>
        tpu.enqueue_indirect_dma source(%dma_start3A_184 : memref<10000x128xf32, #tpu.memory_space<vmem_shared>>) target(%arg11 : memref<80x128xf32, #tpu.memory_space<vmem>>) offsets(%arg7 : memref<80xi32, #tpu.memory_space<vmem>>) semaphore(%run_scoped3A : memref<!tpu.dma_semaphore, #tpu.memory_space<semaphore_mem>>)
        %dma_wait3A = arith.constant 0 : i32
        %dma_wait3A_185 = arith.constant 0 : i32
        %dma_wait3A_186 = tpu.memref_slice %arg6[%dma_wait3A, %dma_wait3A_185] : memref<10000x128xf32, #tpu.memory_space<vmem_shared>> -> memref<10000x128xf32, #tpu.memory_space<vmem_shared>>
        tpu.wait_indirect_dma semaphore(%run_scoped3A : memref<!tpu.dma_semaphore, #tpu.memory_space<semaphore_mem>>) src(%dma_wait3A_186 : memref<10000x128xf32, #tpu.memory_space<vmem_shared>>) dst(%arg11 : memref<80x128xf32, #tpu.memory_space<vmem>>)
        tpu.yield
      }) : () -> ()
      %mul3A_178 = arith.constant 10000 : i32
      %mul3A_179 = arith.muli %arg0, %mul3A_178 : i32
      %mul3A_180 = arith.constant 80 : i32
      %mul3A_181 = arith.muli %add3A_91, %mul3A_180 : i32
      %add3A_182 = arith.addi %mul3A_179, %mul3A_181 : i32
      "tpu.region"() ({
        %run_scoped3A = tpu.sem_alloc : memref<!tpu.dma_semaphore, #tpu.memory_space<semaphore_mem>>
        %dma_start3A = arith.constant 0 : i32
        %dma_start3A_183 = tpu.memref_slice %arg5[%add3A_182, %dma_start3A] : memref<20000x128xf32, #tpu.memory_space<hbm>> -> memref<80x128xf32, #tpu.memory_space<hbm>>
        %dma_start3A_184 = arith.constant 0 : i32
        %dma_start3A_185 = tpu.memref_slice %arg5[%add3A_182, %dma_start3A_184] : memref<20000x128xf32, #tpu.memory_space<hbm>> -> memref<80x128xf32, #tpu.memory_space<hbm>>
        tpu.enqueue_dma source(%arg11 : memref<80x128xf32, #tpu.memory_space<vmem>>) target(%dma_start3A_185 : memref<80x128xf32, #tpu.memory_space<hbm>>) target_semaphore(%run_scoped3A : memref<!tpu.dma_semaphore, #tpu.memory_space<semaphore_mem>>)
        %dma_wait3A = arith.constant 0 : i32
        %dma_wait3A_186 = tpu.memref_slice %arg5[%add3A_182, %dma_wait3A] : memref<20000x128xf32, #tpu.memory_space<hbm>> -> memref<80x128xf32, #tpu.memory_space<hbm>>
        %dma_wait3A_187 = arith.constant 0 : i32
        %dma_wait3A_188 = tpu.memref_slice %arg5[%add3A_182, %dma_wait3A_187] : memref<20000x128xf32, #tpu.memory_space<hbm>> -> memref<80x128xf32, #tpu.memory_space<hbm>>
        tpu.wait_dma2 semaphore(%run_scoped3A : memref<!tpu.dma_semaphore, #tpu.memory_space<semaphore_mem>>) src(%arg11 : memref<80x128xf32, #tpu.memory_space<vmem>>) dst(%dma_wait3A_188 : memref<80x128xf32, #tpu.memory_space<hbm>>)
        tpu.yield
      }) : () -> ()
    } else {
    }
    %add3A_97 = arith.constant 64 : i32
    %add3A_98 = arith.addi %arg1, %add3A_97 : i32
    %lt3A_99 = arith.constant 125 : i32
    %lt3A_100 = arith.cmpi slt, %add3A_98, %lt3A_99 : i32
    %convert_element_type3A_101 = arith.extui %lt3A_100 : i1 to i32
    %cond3A_102 = arith.constant 0 : i32
    %cond3A_103 = arith.cmpi ne, %convert_element_type3A_101, %cond3A_102 : i32
    scf.if %cond3A_103 {
      %mul3A_125 = arith.constant 80 : i32
      %mul3A_126 = arith.muli %add3A_98, %mul3A_125 : i32
      %add3A_127 = arith.constant 0 : i32
      %add3A_128 = arith.addi %mul3A_126, %add3A_127 : i32
      %iota3A = tpu.iota {dimensions = array<i32: 0>} : vector<16xi32>
      %add3A_129 = vector.broadcast %add3A_128 : i32 to vector<16xi32>
      %add3A_130 = arith.addi %add3A_129, %iota3A : vector<16xi32>
      %swap3A = arith.constant 0 : index
      %swap3A_131 = tpu.vector_load %arg7[%swap3A] {strides = array<i32>} : memref<80xi32, #tpu.memory_space<vmem>>, vector<16xi32>,
      %swap3A_132 = vector.shape_cast %swap3A_131 : vector<16xi32> to vector<16xi32>
      %swap3A_133 = vector.shape_cast %add3A_130 : vector<16xi32> to vector<16xi32>
      tpu.vector_store %arg7[%swap3A], %swap3A_133 {strides = array<i32>} : memref<80xi32, #tpu.memory_space<vmem>>, vector<16xi32>,
      %mul3A_134 = arith.constant 80 : i32
      %mul3A_135 = arith.muli %add3A_98, %mul3A_134 : i32
      %add3A_136 = arith.constant 16 : i32
      %add3A_137 = arith.addi %mul3A_135, %add3A_136 : i32
      %iota3A_138 = tpu.iota {dimensions = array<i32: 0>} : vector<16xi32>
      %add3A_139 = vector.broadcast %add3A_137 : i32 to vector<16xi32>
      %add3A_140 = arith.addi %add3A_139, %iota3A_138 : vector<16xi32>
      %swap3A_141 = arith.constant 16 : index
      %swap3A_142 = tpu.vector_load %arg7[%swap3A_141] {strides = array<i32>} : memref<80xi32, #tpu.memory_space<vmem>>, vector<16xi32>,
      %swap3A_143 = vector.shape_cast %swap3A_142 : vector<16xi32> to vector<16xi32>
      %swap3A_144 = vector.shape_cast %add3A_140 : vector<16xi32> to vector<16xi32>
      tpu.vector_store %arg7[%swap3A_141], %swap3A_144 {strides = array<i32>} : memref<80xi32, #tpu.memory_space<vmem>>, vector<16xi32>,
      %mul3A_145 = arith.constant 80 : i32
      %mul3A_146 = arith.muli %add3A_98, %mul3A_145 : i32
      %add3A_147 = arith.constant 32 : i32
      %add3A_148 = arith.addi %mul3A_146, %add3A_147 : i32
      %iota3A_149 = tpu.iota {dimensions = array<i32: 0>} : vector<16xi32>
      %add3A_150 = vector.broadcast %add3A_148 : i32 to vector<16xi32>
      %add3A_151 = arith.addi %add3A_150, %iota3A_149 : vector<16xi32>
      %swap3A_152 = arith.constant 32 : index
      %swap3A_153 = tpu.vector_load %arg7[%swap3A_152] {strides = array<i32>} : memref<80xi32, #tpu.memory_space<vmem>>, vector<16xi32>,
      %swap3A_154 = vector.shape_cast %swap3A_153 : vector<16xi32> to vector<16xi32>
      %swap3A_155 = vector.shape_cast %add3A_151 : vector<16xi32> to vector<16xi32>
      tpu.vector_store %arg7[%swap3A_152], %swap3A_155 {strides = array<i32>} : memref<80xi32, #tpu.memory_space<vmem>>, vector<16xi32>,
      %mul3A_156 = arith.constant 80 : i32
      %mul3A_157 = arith.muli %add3A_98, %mul3A_156 : i32
      %add3A_158 = arith.constant 48 : i32
      %add3A_159 = arith.addi %mul3A_157, %add3A_158 : i32
      %iota3A_160 = tpu.iota {dimensions = array<i32: 0>} : vector<16xi32>
      %add3A_161 = vector.broadcast %add3A_159 : i32 to vector<16xi32>
      %add3A_162 = arith.addi %add3A_161, %iota3A_160 : vector<16xi32>
      %swap3A_163 = arith.constant 48 : index
      %swap3A_164 = tpu.vector_load %arg7[%swap3A_163] {strides = array<i32>} : memref<80xi32, #tpu.memory_space<vmem>>, vector<16xi32>,
      %swap3A_165 = vector.shape_cast %swap3A_164 : vector<16xi32> to vector<16xi32>
      %swap3A_166 = vector.shape_cast %add3A_162 : vector<16xi32> to vector<16xi32>
      tpu.vector_store %arg7[%swap3A_163], %swap3A_166 {strides = array<i32>} : memref<80xi32, #tpu.memory_space<vmem>>, vector<16xi32>,
      %mul3A_167 = arith.constant 80 : i32
      %mul3A_168 = arith.muli %add3A_98, %mul3A_167 : i32
      %add3A_169 = arith.constant 64 : i32
      %add3A_170 = arith.addi %mul3A_168, %add3A_169 : i32
      %iota3A_171 = tpu.iota {dimensions = array<i32: 0>} : vector<16xi32>
      %add3A_172 = vector.broadcast %add3A_170 : i32 to vector<16xi32>
      %add3A_173 = arith.addi %add3A_172, %iota3A_171 : vector<16xi32>
      %swap3A_174 = arith.constant 64 : index
      %swap3A_175 = tpu.vector_load %arg7[%swap3A_174] {strides = array<i32>} : memref<80xi32, #tpu.memory_space<vmem>>, vector<16xi32>,
      %swap3A_176 = vector.shape_cast %swap3A_175 : vector<16xi32> to vector<16xi32>
      %swap3A_177 = vector.shape_cast %add3A_173 : vector<16xi32> to vector<16xi32>
      tpu.vector_store %arg7[%swap3A_174], %swap3A_177 {strides = array<i32>} : memref<80xi32, #tpu.memory_space<vmem>>, vector<16xi32>,
      "tpu.region"() ({
        %run_scoped3A = tpu.sem_alloc : memref<!tpu.dma_semaphore, #tpu.memory_space<semaphore_mem>>
        %dma_start3A = arith.constant 0 : i32
        %dma_start3A_183 = arith.constant 0 : i32
        %dma_start3A_184 = tpu.memref_slice %arg6[%dma_start3A, %dma_start3A_183] : memref<10000x128xf32, #tpu.memory_space<vmem_shared>> -> memref<10000x128xf32, #tpu.memory_space<vmem_shared>>
        tpu.enqueue_indirect_dma source(%dma_start3A_184 : memref<10000x128xf32, #tpu.memory_space<vmem_shared>>) target(%arg11 : memref<80x128xf32, #tpu.memory_space<vmem>>) offsets(%arg7 : memref<80xi32, #tpu.memory_space<vmem>>) semaphore(%run_scoped3A : memref<!tpu.dma_semaphore, #tpu.memory_space<semaphore_mem>>)
        %dma_wait3A = arith.constant 0 : i32
        %dma_wait3A_185 = arith.constant 0 : i32
        %dma_wait3A_186 = tpu.memref_slice %arg6[%dma_wait3A, %dma_wait3A_185] : memref<10000x128xf32, #tpu.memory_space<vmem_shared>> -> memref<10000x128xf32, #tpu.memory_space<vmem_shared>>
        tpu.wait_indirect_dma semaphore(%run_scoped3A : memref<!tpu.dma_semaphore, #tpu.memory_space<semaphore_mem>>) src(%dma_wait3A_186 : memref<10000x128xf32, #tpu.memory_space<vmem_shared>>) dst(%arg11 : memref<80x128xf32, #tpu.memory_space<vmem>>)
        tpu.yield
      }) : () -> ()
      %mul3A_178 = arith.constant 10000 : i32
      %mul3A_179 = arith.muli %arg0, %mul3A_178 : i32
      %mul3A_180 = arith.constant 80 : i32
      %mul3A_181 = arith.muli %add3A_98, %mul3A_180 : i32
      %add3A_182 = arith.addi %mul3A_179, %mul3A_181 : i32
      "tpu.region"() ({
        %run_scoped3A = tpu.sem_alloc : memref<!tpu.dma_semaphore, #tpu.memory_space<semaphore_mem>>
        %dma_start3A = arith.constant 0 : i32
        %dma_start3A_183 = tpu.memref_slice %arg5[%add3A_182, %dma_start3A] : memref<20000x128xf32, #tpu.memory_space<hbm>> -> memref<80x128xf32, #tpu.memory_space<hbm>>
        %dma_start3A_184 = arith.constant 0 : i32
        %dma_start3A_185 = tpu.memref_slice %arg5[%add3A_182, %dma_start3A_184] : memref<20000x128xf32, #tpu.memory_space<hbm>> -> memref<80x128xf32, #tpu.memory_space<hbm>>
        tpu.enqueue_dma source(%arg11 : memref<80x128xf32, #tpu.memory_space<vmem>>) target(%dma_start3A_185 : memref<80x128xf32, #tpu.memory_space<hbm>>) target_semaphore(%run_scoped3A : memref<!tpu.dma_semaphore, #tpu.memory_space<semaphore_mem>>)
        %dma_wait3A = arith.constant 0 : i32
        %dma_wait3A_186 = tpu.memref_slice %arg5[%add3A_182, %dma_wait3A] : memref<20000x128xf32, #tpu.memory_space<hbm>> -> memref<80x128xf32, #tpu.memory_space<hbm>>
        %dma_wait3A_187 = arith.constant 0 : i32
        %dma_wait3A_188 = tpu.memref_slice %arg5[%add3A_182, %dma_wait3A_187] : memref<20000x128xf32, #tpu.memory_space<hbm>> -> memref<80x128xf32, #tpu.memory_space<hbm>>
        tpu.wait_dma2 semaphore(%run_scoped3A : memref<!tpu.dma_semaphore, #tpu.memory_space<semaphore_mem>>) src(%arg11 : memref<80x128xf32, #tpu.memory_space<vmem>>) dst(%dma_wait3A_188 : memref<80x128xf32, #tpu.memory_space<hbm>>)
        tpu.yield
      }) : () -> ()
    } else {
    }
    %add3A_104 = arith.constant 80 : i32
    %add3A_105 = arith.addi %arg1, %add3A_104 : i32
    %lt3A_106 = arith.constant 125 : i32
    %lt3A_107 = arith.cmpi slt, %add3A_105, %lt3A_106 : i32
    %convert_element_type3A_108 = arith.extui %lt3A_107 : i1 to i32
    %cond3A_109 = arith.constant 0 : i32
    %cond3A_110 = arith.cmpi ne, %convert_element_type3A_108, %cond3A_109 : i32
    scf.if %cond3A_110 {
      %mul3A_125 = arith.constant 80 : i32
      %mul3A_126 = arith.muli %add3A_105, %mul3A_125 : i32
      %add3A_127 = arith.constant 0 : i32
      %add3A_128 = arith.addi %mul3A_126, %add3A_127 : i32
      %iota3A = tpu.iota {dimensions = array<i32: 0>} : vector<16xi32>
      %add3A_129 = vector.broadcast %add3A_128 : i32 to vector<16xi32>
      %add3A_130 = arith.addi %add3A_129, %iota3A : vector<16xi32>
      %swap3A = arith.constant 0 : index
      %swap3A_131 = tpu.vector_load %arg7[%swap3A] {strides = array<i32>} : memref<80xi32, #tpu.memory_space<vmem>>, vector<16xi32>,
      %swap3A_132 = vector.shape_cast %swap3A_131 : vector<16xi32> to vector<16xi32>
      %swap3A_133 = vector.shape_cast %add3A_130 : vector<16xi32> to vector<16xi32>
      tpu.vector_store %arg7[%swap3A], %swap3A_133 {strides = array<i32>} : memref<80xi32, #tpu.memory_space<vmem>>, vector<16xi32>,
      %mul3A_134 = arith.constant 80 : i32
      %mul3A_135 = arith.muli %add3A_105, %mul3A_134 : i32
      %add3A_136 = arith.constant 16 : i32
      %add3A_137 = arith.addi %mul3A_135, %add3A_136 : i32
      %iota3A_138 = tpu.iota {dimensions = array<i32: 0>} : vector<16xi32>
      %add3A_139 = vector.broadcast %add3A_137 : i32 to vector<16xi32>
      %add3A_140 = arith.addi %add3A_139, %iota3A_138 : vector<16xi32>
      %swap3A_141 = arith.constant 16 : index
      %swap3A_142 = tpu.vector_load %arg7[%swap3A_141] {strides = array<i32>} : memref<80xi32, #tpu.memory_space<vmem>>, vector<16xi32>,
      %swap3A_143 = vector.shape_cast %swap3A_142 : vector<16xi32> to vector<16xi32>
      %swap3A_144 = vector.shape_cast %add3A_140 : vector<16xi32> to vector<16xi32>
      tpu.vector_store %arg7[%swap3A_141], %swap3A_144 {strides = array<i32>} : memref<80xi32, #tpu.memory_space<vmem>>, vector<16xi32>,
      %mul3A_145 = arith.constant 80 : i32
      %mul3A_146 = arith.muli %add3A_105, %mul3A_145 : i32
      %add3A_147 = arith.constant 32 : i32
      %add3A_148 = arith.addi %mul3A_146, %add3A_147 : i32
      %iota3A_149 = tpu.iota {dimensions = array<i32: 0>} : vector<16xi32>
      %add3A_150 = vector.broadcast %add3A_148 : i32 to vector<16xi32>
      %add3A_151 = arith.addi %add3A_150, %iota3A_149 : vector<16xi32>
      %swap3A_152 = arith.constant 32 : index
      %swap3A_153 = tpu.vector_load %arg7[%swap3A_152] {strides = array<i32>} : memref<80xi32, #tpu.memory_space<vmem>>, vector<16xi32>,
      %swap3A_154 = vector.shape_cast %swap3A_153 : vector<16xi32> to vector<16xi32>
      %swap3A_155 = vector.shape_cast %add3A_151 : vector<16xi32> to vector<16xi32>
      tpu.vector_store %arg7[%swap3A_152], %swap3A_155 {strides = array<i32>} : memref<80xi32, #tpu.memory_space<vmem>>, vector<16xi32>,
      %mul3A_156 = arith.constant 80 : i32
      %mul3A_157 = arith.muli %add3A_105, %mul3A_156 : i32
      %add3A_158 = arith.constant 48 : i32
      %add3A_159 = arith.addi %mul3A_157, %add3A_158 : i32
      %iota3A_160 = tpu.iota {dimensions = array<i32: 0>} : vector<16xi32>
      %add3A_161 = vector.broadcast %add3A_159 : i32 to vector<16xi32>
      %add3A_162 = arith.addi %add3A_161, %iota3A_160 : vector<16xi32>
      %swap3A_163 = arith.constant 48 : index
      %swap3A_164 = tpu.vector_load %arg7[%swap3A_163] {strides = array<i32>} : memref<80xi32, #tpu.memory_space<vmem>>, vector<16xi32>,
      %swap3A_165 = vector.shape_cast %swap3A_164 : vector<16xi32> to vector<16xi32>
      %swap3A_166 = vector.shape_cast %add3A_162 : vector<16xi32> to vector<16xi32>
      tpu.vector_store %arg7[%swap3A_163], %swap3A_166 {strides = array<i32>} : memref<80xi32, #tpu.memory_space<vmem>>, vector<16xi32>,
      %mul3A_167 = arith.constant 80 : i32
      %mul3A_168 = arith.muli %add3A_105, %mul3A_167 : i32
      %add3A_169 = arith.constant 64 : i32
      %add3A_170 = arith.addi %mul3A_168, %add3A_169 : i32
      %iota3A_171 = tpu.iota {dimensions = array<i32: 0>} : vector<16xi32>
      %add3A_172 = vector.broadcast %add3A_170 : i32 to vector<16xi32>
      %add3A_173 = arith.addi %add3A_172, %iota3A_171 : vector<16xi32>
      %swap3A_174 = arith.constant 64 : index
      %swap3A_175 = tpu.vector_load %arg7[%swap3A_174] {strides = array<i32>} : memref<80xi32, #tpu.memory_space<vmem>>, vector<16xi32>,
      %swap3A_176 = vector.shape_cast %swap3A_175 : vector<16xi32> to vector<16xi32>
      %swap3A_177 = vector.shape_cast %add3A_173 : vector<16xi32> to vector<16xi32>
      tpu.vector_store %arg7[%swap3A_174], %swap3A_177 {strides = array<i32>} : memref<80xi32, #tpu.memory_space<vmem>>, vector<16xi32>,
      "tpu.region"() ({
        %run_scoped3A = tpu.sem_alloc : memref<!tpu.dma_semaphore, #tpu.memory_space<semaphore_mem>>
        %dma_start3A = arith.constant 0 : i32
        %dma_start3A_183 = arith.constant 0 : i32
        %dma_start3A_184 = tpu.memref_slice %arg6[%dma_start3A, %dma_start3A_183] : memref<10000x128xf32, #tpu.memory_space<vmem_shared>> -> memref<10000x128xf32, #tpu.memory_space<vmem_shared>>
        tpu.enqueue_indirect_dma source(%dma_start3A_184 : memref<10000x128xf32, #tpu.memory_space<vmem_shared>>) target(%arg11 : memref<80x128xf32, #tpu.memory_space<vmem>>) offsets(%arg7 : memref<80xi32, #tpu.memory_space<vmem>>) semaphore(%run_scoped3A : memref<!tpu.dma_semaphore, #tpu.memory_space<semaphore_mem>>)
        %dma_wait3A = arith.constant 0 : i32
        %dma_wait3A_185 = arith.constant 0 : i32
        %dma_wait3A_186 = tpu.memref_slice %arg6[%dma_wait3A, %dma_wait3A_185] : memref<10000x128xf32, #tpu.memory_space<vmem_shared>> -> memref<10000x128xf32, #tpu.memory_space<vmem_shared>>
        tpu.wait_indirect_dma semaphore(%run_scoped3A : memref<!tpu.dma_semaphore, #tpu.memory_space<semaphore_mem>>) src(%dma_wait3A_186 : memref<10000x128xf32, #tpu.memory_space<vmem_shared>>) dst(%arg11 : memref<80x128xf32, #tpu.memory_space<vmem>>)
        tpu.yield
      }) : () -> ()
      %mul3A_178 = arith.constant 10000 : i32
      %mul3A_179 = arith.muli %arg0, %mul3A_178 : i32
      %mul3A_180 = arith.constant 80 : i32
      %mul3A_181 = arith.muli %add3A_105, %mul3A_180 : i32
      %add3A_182 = arith.addi %mul3A_179, %mul3A_181 : i32
      "tpu.region"() ({
        %run_scoped3A = tpu.sem_alloc : memref<!tpu.dma_semaphore, #tpu.memory_space<semaphore_mem>>
        %dma_start3A = arith.constant 0 : i32
        %dma_start3A_183 = tpu.memref_slice %arg5[%add3A_182, %dma_start3A] : memref<20000x128xf32, #tpu.memory_space<hbm>> -> memref<80x128xf32, #tpu.memory_space<hbm>>
        %dma_start3A_184 = arith.constant 0 : i32
        %dma_start3A_185 = tpu.memref_slice %arg5[%add3A_182, %dma_start3A_184] : memref<20000x128xf32, #tpu.memory_space<hbm>> -> memref<80x128xf32, #tpu.memory_space<hbm>>
        tpu.enqueue_dma source(%arg11 : memref<80x128xf32, #tpu.memory_space<vmem>>) target(%dma_start3A_185 : memref<80x128xf32, #tpu.memory_space<hbm>>) target_semaphore(%run_scoped3A : memref<!tpu.dma_semaphore, #tpu.memory_space<semaphore_mem>>)
        %dma_wait3A = arith.constant 0 : i32
        %dma_wait3A_186 = tpu.memref_slice %arg5[%add3A_182, %dma_wait3A] : memref<20000x128xf32, #tpu.memory_space<hbm>> -> memref<80x128xf32, #tpu.memory_space<hbm>>
        %dma_wait3A_187 = arith.constant 0 : i32
        %dma_wait3A_188 = tpu.memref_slice %arg5[%add3A_182, %dma_wait3A_187] : memref<20000x128xf32, #tpu.memory_space<hbm>> -> memref<80x128xf32, #tpu.memory_space<hbm>>
        tpu.wait_dma2 semaphore(%run_scoped3A : memref<!tpu.dma_semaphore, #tpu.memory_space<semaphore_mem>>) src(%arg11 : memref<80x128xf32, #tpu.memory_space<vmem>>) dst(%dma_wait3A_188 : memref<80x128xf32, #tpu.memory_space<hbm>>)
        tpu.yield
      }) : () -> ()
    } else {
    }
    %add3A_111 = arith.constant 96 : i32
    %add3A_112 = arith.addi %arg1, %add3A_111 : i32
    %lt3A_113 = arith.constant 125 : i32
    %lt3A_114 = arith.cmpi slt, %add3A_112, %lt3A_113 : i32
    %convert_element_type3A_115 = arith.extui %lt3A_114 : i1 to i32
    %cond3A_116 = arith.constant 0 : i32
    %cond3A_117 = arith.cmpi ne, %convert_element_type3A_115, %cond3A_116 : i32
    scf.if %cond3A_117 {
      %mul3A_125 = arith.constant 80 : i32
      %mul3A_126 = arith.muli %add3A_112, %mul3A_125 : i32
      %add3A_127 = arith.constant 0 : i32
      %add3A_128 = arith.addi %mul3A_126, %add3A_127 : i32
      %iota3A = tpu.iota {dimensions = array<i32: 0>} : vector<16xi32>
      %add3A_129 = vector.broadcast %add3A_128 : i32 to vector<16xi32>
      %add3A_130 = arith.addi %add3A_129, %iota3A : vector<16xi32>
      %swap3A = arith.constant 0 : index
      %swap3A_131 = tpu.vector_load %arg7[%swap3A] {strides = array<i32>} : memref<80xi32, #tpu.memory_space<vmem>>, vector<16xi32>,
      %swap3A_132 = vector.shape_cast %swap3A_131 : vector<16xi32> to vector<16xi32>
      %swap3A_133 = vector.shape_cast %add3A_130 : vector<16xi32> to vector<16xi32>
      tpu.vector_store %arg7[%swap3A], %swap3A_133 {strides = array<i32>} : memref<80xi32, #tpu.memory_space<vmem>>, vector<16xi32>,
      %mul3A_134 = arith.constant 80 : i32
      %mul3A_135 = arith.muli %add3A_112, %mul3A_134 : i32
      %add3A_136 = arith.constant 16 : i32
      %add3A_137 = arith.addi %mul3A_135, %add3A_136 : i32
      %iota3A_138 = tpu.iota {dimensions = array<i32: 0>} : vector<16xi32>
      %add3A_139 = vector.broadcast %add3A_137 : i32 to vector<16xi32>
      %add3A_140 = arith.addi %add3A_139, %iota3A_138 : vector<16xi32>
      %swap3A_141 = arith.constant 16 : index
      %swap3A_142 = tpu.vector_load %arg7[%swap3A_141] {strides = array<i32>} : memref<80xi32, #tpu.memory_space<vmem>>, vector<16xi32>,
      %swap3A_143 = vector.shape_cast %swap3A_142 : vector<16xi32> to vector<16xi32>
      %swap3A_144 = vector.shape_cast %add3A_140 : vector<16xi32> to vector<16xi32>
      tpu.vector_store %arg7[%swap3A_141], %swap3A_144 {strides = array<i32>} : memref<80xi32, #tpu.memory_space<vmem>>, vector<16xi32>,
      %mul3A_145 = arith.constant 80 : i32
      %mul3A_146 = arith.muli %add3A_112, %mul3A_145 : i32
      %add3A_147 = arith.constant 32 : i32
      %add3A_148 = arith.addi %mul3A_146, %add3A_147 : i32
      %iota3A_149 = tpu.iota {dimensions = array<i32: 0>} : vector<16xi32>
      %add3A_150 = vector.broadcast %add3A_148 : i32 to vector<16xi32>
      %add3A_151 = arith.addi %add3A_150, %iota3A_149 : vector<16xi32>
      %swap3A_152 = arith.constant 32 : index
      %swap3A_153 = tpu.vector_load %arg7[%swap3A_152] {strides = array<i32>} : memref<80xi32, #tpu.memory_space<vmem>>, vector<16xi32>,
      %swap3A_154 = vector.shape_cast %swap3A_153 : vector<16xi32> to vector<16xi32>
      %swap3A_155 = vector.shape_cast %add3A_151 : vector<16xi32> to vector<16xi32>
      tpu.vector_store %arg7[%swap3A_152], %swap3A_155 {strides = array<i32>} : memref<80xi32, #tpu.memory_space<vmem>>, vector<16xi32>,
      %mul3A_156 = arith.constant 80 : i32
      %mul3A_157 = arith.muli %add3A_112, %mul3A_156 : i32
      %add3A_158 = arith.constant 48 : i32
      %add3A_159 = arith.addi %mul3A_157, %add3A_158 : i32
      %iota3A_160 = tpu.iota {dimensions = array<i32: 0>} : vector<16xi32>
      %add3A_161 = vector.broadcast %add3A_159 : i32 to vector<16xi32>
      %add3A_162 = arith.addi %add3A_161, %iota3A_160 : vector<16xi32>
      %swap3A_163 = arith.constant 48 : index
      %swap3A_164 = tpu.vector_load %arg7[%swap3A_163] {strides = array<i32>} : memref<80xi32, #tpu.memory_space<vmem>>, vector<16xi32>,
      %swap3A_165 = vector.shape_cast %swap3A_164 : vector<16xi32> to vector<16xi32>
      %swap3A_166 = vector.shape_cast %add3A_162 : vector<16xi32> to vector<16xi32>
      tpu.vector_store %arg7[%swap3A_163], %swap3A_166 {strides = array<i32>} : memref<80xi32, #tpu.memory_space<vmem>>, vector<16xi32>,
      %mul3A_167 = arith.constant 80 : i32
      %mul3A_168 = arith.muli %add3A_112, %mul3A_167 : i32
      %add3A_169 = arith.constant 64 : i32
      %add3A_170 = arith.addi %mul3A_168, %add3A_169 : i32
      %iota3A_171 = tpu.iota {dimensions = array<i32: 0>} : vector<16xi32>
      %add3A_172 = vector.broadcast %add3A_170 : i32 to vector<16xi32>
      %add3A_173 = arith.addi %add3A_172, %iota3A_171 : vector<16xi32>
      %swap3A_174 = arith.constant 64 : index
      %swap3A_175 = tpu.vector_load %arg7[%swap3A_174] {strides = array<i32>} : memref<80xi32, #tpu.memory_space<vmem>>, vector<16xi32>,
      %swap3A_176 = vector.shape_cast %swap3A_175 : vector<16xi32> to vector<16xi32>
      %swap3A_177 = vector.shape_cast %add3A_173 : vector<16xi32> to vector<16xi32>
      tpu.vector_store %arg7[%swap3A_174], %swap3A_177 {strides = array<i32>} : memref<80xi32, #tpu.memory_space<vmem>>, vector<16xi32>,
      "tpu.region"() ({
        %run_scoped3A = tpu.sem_alloc : memref<!tpu.dma_semaphore, #tpu.memory_space<semaphore_mem>>
        %dma_start3A = arith.constant 0 : i32
        %dma_start3A_183 = arith.constant 0 : i32
        %dma_start3A_184 = tpu.memref_slice %arg6[%dma_start3A, %dma_start3A_183] : memref<10000x128xf32, #tpu.memory_space<vmem_shared>> -> memref<10000x128xf32, #tpu.memory_space<vmem_shared>>
        tpu.enqueue_indirect_dma source(%dma_start3A_184 : memref<10000x128xf32, #tpu.memory_space<vmem_shared>>) target(%arg11 : memref<80x128xf32, #tpu.memory_space<vmem>>) offsets(%arg7 : memref<80xi32, #tpu.memory_space<vmem>>) semaphore(%run_scoped3A : memref<!tpu.dma_semaphore, #tpu.memory_space<semaphore_mem>>)
        %dma_wait3A = arith.constant 0 : i32
        %dma_wait3A_185 = arith.constant 0 : i32
        %dma_wait3A_186 = tpu.memref_slice %arg6[%dma_wait3A, %dma_wait3A_185] : memref<10000x128xf32, #tpu.memory_space<vmem_shared>> -> memref<10000x128xf32, #tpu.memory_space<vmem_shared>>
        tpu.wait_indirect_dma semaphore(%run_scoped3A : memref<!tpu.dma_semaphore, #tpu.memory_space<semaphore_mem>>) src(%dma_wait3A_186 : memref<10000x128xf32, #tpu.memory_space<vmem_shared>>) dst(%arg11 : memref<80x128xf32, #tpu.memory_space<vmem>>)
        tpu.yield
      }) : () -> ()
      %mul3A_178 = arith.constant 10000 : i32
      %mul3A_179 = arith.muli %arg0, %mul3A_178 : i32
      %mul3A_180 = arith.constant 80 : i32
      %mul3A_181 = arith.muli %add3A_112, %mul3A_180 : i32
      %add3A_182 = arith.addi %mul3A_179, %mul3A_181 : i32
      "tpu.region"() ({
        %run_scoped3A = tpu.sem_alloc : memref<!tpu.dma_semaphore, #tpu.memory_space<semaphore_mem>>
        %dma_start3A = arith.constant 0 : i32
        %dma_start3A_183 = tpu.memref_slice %arg5[%add3A_182, %dma_start3A] : memref<20000x128xf32, #tpu.memory_space<hbm>> -> memref<80x128xf32, #tpu.memory_space<hbm>>
        %dma_start3A_184 = arith.constant 0 : i32
        %dma_start3A_185 = tpu.memref_slice %arg5[%add3A_182, %dma_start3A_184] : memref<20000x128xf32, #tpu.memory_space<hbm>> -> memref<80x128xf32, #tpu.memory_space<hbm>>
        tpu.enqueue_dma source(%arg11 : memref<80x128xf32, #tpu.memory_space<vmem>>) target(%dma_start3A_185 : memref<80x128xf32, #tpu.memory_space<hbm>>) target_semaphore(%run_scoped3A : memref<!tpu.dma_semaphore, #tpu.memory_space<semaphore_mem>>)
        %dma_wait3A = arith.constant 0 : i32
        %dma_wait3A_186 = tpu.memref_slice %arg5[%add3A_182, %dma_wait3A] : memref<20000x128xf32, #tpu.memory_space<hbm>> -> memref<80x128xf32, #tpu.memory_space<hbm>>
        %dma_wait3A_187 = arith.constant 0 : i32
        %dma_wait3A_188 = tpu.memref_slice %arg5[%add3A_182, %dma_wait3A_187] : memref<20000x128xf32, #tpu.memory_space<hbm>> -> memref<80x128xf32, #tpu.memory_space<hbm>>
        tpu.wait_dma2 semaphore(%run_scoped3A : memref<!tpu.dma_semaphore, #tpu.memory_space<semaphore_mem>>) src(%arg11 : memref<80x128xf32, #tpu.memory_space<vmem>>) dst(%dma_wait3A_188 : memref<80x128xf32, #tpu.memory_space<hbm>>)
        tpu.yield
      }) : () -> ()
    } else {
    }
    %add3A_118 = arith.constant 112 : i32
    %add3A_119 = arith.addi %arg1, %add3A_118 : i32
    %lt3A_120 = arith.constant 125 : i32
    %lt3A_121 = arith.cmpi slt, %add3A_119, %lt3A_120 : i32
    %convert_element_type3A_122 = arith.extui %lt3A_121 : i1 to i32
    %cond3A_123 = arith.constant 0 : i32
    %cond3A_124 = arith.cmpi ne, %convert_element_type3A_122, %cond3A_123 : i32
    scf.if %cond3A_124 {
      %mul3A_125 = arith.constant 80 : i32
      %mul3A_126 = arith.muli %add3A_119, %mul3A_125 : i32
      %add3A_127 = arith.constant 0 : i32
      %add3A_128 = arith.addi %mul3A_126, %add3A_127 : i32
      %iota3A = tpu.iota {dimensions = array<i32: 0>} : vector<16xi32>
      %add3A_129 = vector.broadcast %add3A_128 : i32 to vector<16xi32>
      %add3A_130 = arith.addi %add3A_129, %iota3A : vector<16xi32>
      %swap3A = arith.constant 0 : index
      %swap3A_131 = tpu.vector_load %arg7[%swap3A] {strides = array<i32>} : memref<80xi32, #tpu.memory_space<vmem>>, vector<16xi32>,
      %swap3A_132 = vector.shape_cast %swap3A_131 : vector<16xi32> to vector<16xi32>
      %swap3A_133 = vector.shape_cast %add3A_130 : vector<16xi32> to vector<16xi32>
      tpu.vector_store %arg7[%swap3A], %swap3A_133 {strides = array<i32>} : memref<80xi32, #tpu.memory_space<vmem>>, vector<16xi32>,
      %mul3A_134 = arith.constant 80 : i32
      %mul3A_135 = arith.muli %add3A_119, %mul3A_134 : i32
      %add3A_136 = arith.constant 16 : i32
      %add3A_137 = arith.addi %mul3A_135, %add3A_136 : i32
      %iota3A_138 = tpu.iota {dimensions = array<i32: 0>} : vector<16xi32>
      %add3A_139 = vector.broadcast %add3A_137 : i32 to vector<16xi32>
      %add3A_140 = arith.addi %add3A_139, %iota3A_138 : vector<16xi32>
      %swap3A_141 = arith.constant 16 : index
      %swap3A_142 = tpu.vector_load %arg7[%swap3A_141] {strides = array<i32>} : memref<80xi32, #tpu.memory_space<vmem>>, vector<16xi32>,
      %swap3A_143 = vector.shape_cast %swap3A_142 : vector<16xi32> to vector<16xi32>
      %swap3A_144 = vector.shape_cast %add3A_140 : vector<16xi32> to vector<16xi32>
      tpu.vector_store %arg7[%swap3A_141], %swap3A_144 {strides = array<i32>} : memref<80xi32, #tpu.memory_space<vmem>>, vector<16xi32>,
      %mul3A_145 = arith.constant 80 : i32
      %mul3A_146 = arith.muli %add3A_119, %mul3A_145 : i32
      %add3A_147 = arith.constant 32 : i32
      %add3A_148 = arith.addi %mul3A_146, %add3A_147 : i32
      %iota3A_149 = tpu.iota {dimensions = array<i32: 0>} : vector<16xi32>
      %add3A_150 = vector.broadcast %add3A_148 : i32 to vector<16xi32>
      %add3A_151 = arith.addi %add3A_150, %iota3A_149 : vector<16xi32>
      %swap3A_152 = arith.constant 32 : index
      %swap3A_153 = tpu.vector_load %arg7[%swap3A_152] {strides = array<i32>} : memref<80xi32, #tpu.memory_space<vmem>>, vector<16xi32>,
      %swap3A_154 = vector.shape_cast %swap3A_153 : vector<16xi32> to vector<16xi32>
      %swap3A_155 = vector.shape_cast %add3A_151 : vector<16xi32> to vector<16xi32>
      tpu.vector_store %arg7[%swap3A_152], %swap3A_155 {strides = array<i32>} : memref<80xi32, #tpu.memory_space<vmem>>, vector<16xi32>,
      %mul3A_156 = arith.constant 80 : i32
      %mul3A_157 = arith.muli %add3A_119, %mul3A_156 : i32
      %add3A_158 = arith.constant 48 : i32
      %add3A_159 = arith.addi %mul3A_157, %add3A_158 : i32
      %iota3A_160 = tpu.iota {dimensions = array<i32: 0>} : vector<16xi32>
      %add3A_161 = vector.broadcast %add3A_159 : i32 to vector<16xi32>
      %add3A_162 = arith.addi %add3A_161, %iota3A_160 : vector<16xi32>
      %swap3A_163 = arith.constant 48 : index
      %swap3A_164 = tpu.vector_load %arg7[%swap3A_163] {strides = array<i32>} : memref<80xi32, #tpu.memory_space<vmem>>, vector<16xi32>,
      %swap3A_165 = vector.shape_cast %swap3A_164 : vector<16xi32> to vector<16xi32>
      %swap3A_166 = vector.shape_cast %add3A_162 : vector<16xi32> to vector<16xi32>
      tpu.vector_store %arg7[%swap3A_163], %swap3A_166 {strides = array<i32>} : memref<80xi32, #tpu.memory_space<vmem>>, vector<16xi32>,
      %mul3A_167 = arith.constant 80 : i32
      %mul3A_168 = arith.muli %add3A_119, %mul3A_167 : i32
      %add3A_169 = arith.constant 64 : i32
      %add3A_170 = arith.addi %mul3A_168, %add3A_169 : i32
      %iota3A_171 = tpu.iota {dimensions = array<i32: 0>} : vector<16xi32>
      %add3A_172 = vector.broadcast %add3A_170 : i32 to vector<16xi32>
      %add3A_173 = arith.addi %add3A_172, %iota3A_171 : vector<16xi32>
      %swap3A_174 = arith.constant 64 : index
      %swap3A_175 = tpu.vector_load %arg7[%swap3A_174] {strides = array<i32>} : memref<80xi32, #tpu.memory_space<vmem>>, vector<16xi32>,
      %swap3A_176 = vector.shape_cast %swap3A_175 : vector<16xi32> to vector<16xi32>
      %swap3A_177 = vector.shape_cast %add3A_173 : vector<16xi32> to vector<16xi32>
      tpu.vector_store %arg7[%swap3A_174], %swap3A_177 {strides = array<i32>} : memref<80xi32, #tpu.memory_space<vmem>>, vector<16xi32>,
      "tpu.region"() ({
        %run_scoped3A = tpu.sem_alloc : memref<!tpu.dma_semaphore, #tpu.memory_space<semaphore_mem>>
        %dma_start3A = arith.constant 0 : i32
        %dma_start3A_183 = arith.constant 0 : i32
        %dma_start3A_184 = tpu.memref_slice %arg6[%dma_start3A, %dma_start3A_183] : memref<10000x128xf32, #tpu.memory_space<vmem_shared>> -> memref<10000x128xf32, #tpu.memory_space<vmem_shared>>
        tpu.enqueue_indirect_dma source(%dma_start3A_184 : memref<10000x128xf32, #tpu.memory_space<vmem_shared>>) target(%arg11 : memref<80x128xf32, #tpu.memory_space<vmem>>) offsets(%arg7 : memref<80xi32, #tpu.memory_space<vmem>>) semaphore(%run_scoped3A : memref<!tpu.dma_semaphore, #tpu.memory_space<semaphore_mem>>)
        %dma_wait3A = arith.constant 0 : i32
        %dma_wait3A_185 = arith.constant 0 : i32
        %dma_wait3A_186 = tpu.memref_slice %arg6[%dma_wait3A, %dma_wait3A_185] : memref<10000x128xf32, #tpu.memory_space<vmem_shared>> -> memref<10000x128xf32, #tpu.memory_space<vmem_shared>>
        tpu.wait_indirect_dma semaphore(%run_scoped3A : memref<!tpu.dma_semaphore, #tpu.memory_space<semaphore_mem>>) src(%dma_wait3A_186 : memref<10000x128xf32, #tpu.memory_space<vmem_shared>>) dst(%arg11 : memref<80x128xf32, #tpu.memory_space<vmem>>)
        tpu.yield
      }) : () -> ()
      %mul3A_178 = arith.constant 10000 : i32
      %mul3A_179 = arith.muli %arg0, %mul3A_178 : i32
      %mul3A_180 = arith.constant 80 : i32
      %mul3A_181 = arith.muli %add3A_119, %mul3A_180 : i32
      %add3A_182 = arith.addi %mul3A_179, %mul3A_181 : i32
      "tpu.region"() ({
        %run_scoped3A = tpu.sem_alloc : memref<!tpu.dma_semaphore, #tpu.memory_space<semaphore_mem>>
        %dma_start3A = arith.constant 0 : i32
        %dma_start3A_183 = tpu.memref_slice %arg5[%add3A_182, %dma_start3A] : memref<20000x128xf32, #tpu.memory_space<hbm>> -> memref<80x128xf32, #tpu.memory_space<hbm>>
        %dma_start3A_184 = arith.constant 0 : i32
        %dma_start3A_185 = tpu.memref_slice %arg5[%add3A_182, %dma_start3A_184] : memref<20000x128xf32, #tpu.memory_space<hbm>> -> memref<80x128xf32, #tpu.memory_space<hbm>>
        tpu.enqueue_dma source(%arg11 : memref<80x128xf32, #tpu.memory_space<vmem>>) target(%dma_start3A_185 : memref<80x128xf32, #tpu.memory_space<hbm>>) target_semaphore(%run_scoped3A : memref<!tpu.dma_semaphore, #tpu.memory_space<semaphore_mem>>)
        %dma_wait3A = arith.constant 0 : i32
        %dma_wait3A_186 = tpu.memref_slice %arg5[%add3A_182, %dma_wait3A] : memref<20000x128xf32, #tpu.memory_space<hbm>> -> memref<80x128xf32, #tpu.memory_space<hbm>>
        %dma_wait3A_187 = arith.constant 0 : i32
        %dma_wait3A_188 = tpu.memref_slice %arg5[%add3A_182, %dma_wait3A_187] : memref<20000x128xf32, #tpu.memory_space<hbm>> -> memref<80x128xf32, #tpu.memory_space<hbm>>
        tpu.wait_dma2 semaphore(%run_scoped3A : memref<!tpu.dma_semaphore, #tpu.memory_space<semaphore_mem>>) src(%arg11 : memref<80x128xf32, #tpu.memory_space<vmem>>) dst(%dma_wait3A_188 : memref<80x128xf32, #tpu.memory_space<hbm>>)
        tpu.yield
      }) : () -> ()
    } else {
    }
    return
  }
}

module attributes {stable_mosaic.version = 14 : i64} {
  func.func @_proj_body(%arg0: i32, %arg1: memref<4000x16xf32, #tpu.memory_space<vmem>>, %arg2: memref<16x128xf32, #tpu.memory_space<vmem>>, %arg3: memref<4000x128xf32, #tpu.memory_space<vmem>>) attributes {dimension_semantics = [#tpu.dimension_semantics<arbitrary>], iteration_bounds = array<i64: 80>, scalar_prefetch = 0 : i64, scratch_operands = 0 : i64, tpu.core_type = #tpu.core_type<tc>, window_params = [{transform_indices = @transform_0, window_bounds = array<i64: 4000, 16>}, {pipeline_mode = #tpu.pipeline_mode<synchronous>, transform_indices = @transform_1, window_bounds = array<i64: 16, 128>}, {transform_indices = @transform_2, window_bounds = array<i64: 4000, 128>}]} {
    %get3A = arith.constant 0 : index
    %get3A_0 = arith.constant 0 : index
    %get3A_1 = vector.load %arg1[%get3A, %get3A_0] : memref<4000x16xf32, #tpu.memory_space<vmem>>, vector<4000x16xf32>
    %get3A_2 = arith.constant 0 : index
    %get3A_3 = arith.constant 0 : index
    %get3A_4 = vector.load %arg2[%get3A_2, %get3A_3] : memref<16x128xf32, #tpu.memory_space<vmem>>, vector<16x128xf32>
    %dot_general3A = arith.constant dense<0.000000e+00> : vector<4000x128xf32>
    %dot_general3A_5 = tpu.matmul %get3A_1, %get3A_4, %dot_general3A {dimension_numbers = #tpu.dot_dimension_numbers<[1], [0], [0], [1], [0, 0, 1, 1], [], []>, transpose_lhs_hint = false} : vector<4000x16xf32>, vector<16x128xf32>, vector<4000x128xf32> -> vector<4000x128xf32>
    %swap3A = arith.constant 0 : index
    %swap3A_6 = arith.constant 0 : index
    %swap3A_7 = vector.load %arg3[%swap3A, %swap3A_6] : memref<4000x128xf32, #tpu.memory_space<vmem>>, vector<4000x128xf32>
    tpu.vector_store %arg3[%swap3A, %swap3A_6], %dot_general3A_5 {strides = array<i32>} : memref<4000x128xf32, #tpu.memory_space<vmem>>, vector<4000x128xf32>,
    return
  }
  func.func @transform_0(%arg0: i32) -> (i32, i32) {
    %c0_i32 = arith.constant 0 : i32
    %c0_i32_0 = arith.constant 0 : i32
    return %arg0, %c0_i32 : i32, i32
  }
  func.func @transform_1(%arg0: i32) -> (i32, i32) {
    %c0_i32 = arith.constant 0 : i32
    %c0_i32_0 = arith.constant 0 : i32
    %c0_i32_1 = arith.constant 0 : i32
    return %c0_i32, %c0_i32_0 : i32, i32
  }
  func.func @transform_2(%arg0: i32) -> (i32, i32) {
    %c0_i32 = arith.constant 0 : i32
    %c0_i32_0 = arith.constant 0 : i32
    return %arg0, %c0_i32 : i32, i32
  }
}

module attributes {stable_mosaic.version = 14 : i64} {
  func.func @_proj_body(%arg0: i32, %arg1: memref<1000x128xf32, #tpu.memory_space<vmem>>, %arg2: memref<128x128xf32, #tpu.memory_space<vmem>>, %arg3: memref<1000x128xf32, #tpu.memory_space<vmem>>) attributes {dimension_semantics = [#tpu.dimension_semantics<arbitrary>], iteration_bounds = array<i64: 10>, scalar_prefetch = 0 : i64, scratch_operands = 0 : i64, tpu.core_type = #tpu.core_type<tc>, window_params = [{transform_indices = @transform_0, window_bounds = array<i64: 1000, 128>}, {pipeline_mode = #tpu.pipeline_mode<synchronous>, transform_indices = @transform_1, window_bounds = array<i64: 128, 128>}, {transform_indices = @transform_2, window_bounds = array<i64: 1000, 128>}]} {
    %get3A = arith.constant 0 : index
    %get3A_0 = arith.constant 0 : index
    %get3A_1 = vector.load %arg1[%get3A, %get3A_0] : memref<1000x128xf32, #tpu.memory_space<vmem>>, vector<1000x128xf32>
    %get3A_2 = arith.constant 0 : index
    %get3A_3 = arith.constant 0 : index
    %get3A_4 = vector.load %arg2[%get3A_2, %get3A_3] : memref<128x128xf32, #tpu.memory_space<vmem>>, vector<128x128xf32>
    %dot_general3A = arith.constant dense<0.000000e+00> : vector<1000x128xf32>
    %dot_general3A_5 = tpu.matmul %get3A_1, %get3A_4, %dot_general3A {dimension_numbers = #tpu.dot_dimension_numbers<[1], [0], [0], [1], [0, 0, 1, 1], [], []>, transpose_lhs_hint = false} : vector<1000x128xf32>, vector<128x128xf32>, vector<1000x128xf32> -> vector<1000x128xf32>
    %swap3A = arith.constant 0 : index
    %swap3A_6 = arith.constant 0 : index
    %swap3A_7 = vector.load %arg3[%swap3A, %swap3A_6] : memref<1000x128xf32, #tpu.memory_space<vmem>>, vector<1000x128xf32>
    tpu.vector_store %arg3[%swap3A, %swap3A_6], %dot_general3A_5 {strides = array<i32>} : memref<1000x128xf32, #tpu.memory_space<vmem>>, vector<1000x128xf32>,
    return
  }
  func.func @transform_0(%arg0: i32) -> (i32, i32) {
    %c0_i32 = arith.constant 0 : i32
    %c0_i32_0 = arith.constant 0 : i32
    return %arg0, %c0_i32 : i32, i32
  }
  func.func @transform_1(%arg0: i32) -> (i32, i32) {
    %c0_i32 = arith.constant 0 : i32
    %c0_i32_0 = arith.constant 0 : i32
    %c0_i32_1 = arith.constant 0 : i32
    return %c0_i32, %c0_i32_0 : i32, i32
  }
  func.func @transform_2(%arg0: i32) -> (i32, i32) {
    %c0_i32 = arith.constant 0 : i32
    %c0_i32_0 = arith.constant 0 : i32
    return %arg0, %c0_i32 : i32, i32
  }
}

module attributes {stable_mosaic.version = 14 : i64} {
  func.func @_mlp_body(%arg0: i32, %arg1: memref<1000x128xf32, #tpu.memory_space<vmem>>, %arg2: memref<2x1000x128xf32, #tpu.memory_space<vmem>>, %arg3: memref<2x1000x128xf32, #tpu.memory_space<vmem>>, %arg4: memref<128x128xf32, #tpu.memory_space<vmem>>, %arg5: memref<128x128xf32, #tpu.memory_space<vmem>>, %arg6: memref<128x128xf32, #tpu.memory_space<vmem>>, %arg7: memref<1x128xf32, #tpu.memory_space<vmem>>, %arg8: memref<1x128xf32, #tpu.memory_space<vmem>>, %arg9: memref<1x128xf32, #tpu.memory_space<vmem>>, %arg10: memref<128x128xf32, #tpu.memory_space<vmem>>, %arg11: memref<1x128xf32, #tpu.memory_space<vmem>>, %arg12: memref<1x128xf32, #tpu.memory_space<vmem>>, %arg13: memref<1x128xf32, #tpu.memory_space<vmem>>, %arg14: memref<1x128xf32, #tpu.memory_space<vmem>>, %arg15: memref<1x128xf32, #tpu.memory_space<vmem>>, %arg16: memref<1000x128xf32, #tpu.memory_space<vmem>>) attributes {dimension_semantics = [#tpu.dimension_semantics<arbitrary>], iteration_bounds = array<i64: 10>, scalar_prefetch = 0 : i64, scratch_operands = 0 : i64, tpu.core_type = #tpu.core_type<tc>, window_params = [{transform_indices = @transform_0, window_bounds = array<i64: 1000, 128>}, {transform_indices = @transform_1, window_bounds = array<i64: 2, 1000, 128>}, {transform_indices = @transform_2, window_bounds = array<i64: 2, 1000, 128>}, {pipeline_mode = #tpu.pipeline_mode<synchronous>, transform_indices = @transform_3, window_bounds = array<i64: 128, 128>}, {pipeline_mode = #tpu.pipeline_mode<synchronous>, transform_indices = @transform_4, window_bounds = array<i64: 128, 128>}, {pipeline_mode = #tpu.pipeline_mode<synchronous>, transform_indices = @transform_5, window_bounds = array<i64: 128, 128>}, {pipeline_mode = #tpu.pipeline_mode<synchronous>, transform_indices = @transform_6, window_bounds = array<i64: 1, 128>}, {pipeline_mode = #tpu.pipeline_mode<synchronous>, transform_indices = @transform_7, window_bounds = array<i64: 1, 128>}, {pipeline_mode = #tpu.pipeline_mode<synchronous>, transform_indices = @transform_8, window_bounds = array<i64: 1, 128>}, {pipeline_mode = #tpu.pipeline_mode<synchronous>, transform_indices = @transform_9, window_bounds = array<i64: 128, 128>}, {pipeline_mode = #tpu.pipeline_mode<synchronous>, transform_indices = @transform_10, window_bounds = array<i64: 1, 128>}, {pipeline_mode = #tpu.pipeline_mode<synchronous>, transform_indices = @transform_11, window_bounds = array<i64: 1, 128>}, {pipeline_mode = #tpu.pipeline_mode<synchronous>, transform_indices = @transform_12, window_bounds = array<i64: 1, 128>}, {pipeline_mode = #tpu.pipeline_mode<synchronous>, transform_indices = @transform_13, window_bounds = array<i64: 1, 128>}, {pipeline_mode = #tpu.pipeline_mode<synchronous>, transform_indices = @transform_14, window_bounds = array<i64: 1, 128>}, {transform_indices = @transform_15, window_bounds = array<i64: 1000, 128>}]} {
    %get3A = arith.constant 0 : index
    %get3A_0 = arith.constant 0 : index
    %get3A_1 = vector.load %arg1[%get3A, %get3A_0] : memref<1000x128xf32, #tpu.memory_space<vmem>>, vector<1000x128xf32>
    %get3A_2 = arith.constant 0 : index
    %get3A_3 = arith.constant 0 : index
    %get3A_4 = arith.constant 0 : index
    %get3A_5 = vector.load %arg2[%get3A_2, %get3A_3, %get3A_4] : memref<2x1000x128xf32, #tpu.memory_space<vmem>>, vector<1x1000x128xf32>
    %get3A_6 = vector.shape_cast %get3A_5 : vector<1x1000x128xf32> to vector<1000x128xf32>
    %get3A_7 = arith.constant 1 : index
    %get3A_8 = arith.constant 0 : index
    %get3A_9 = arith.constant 0 : index
    %get3A_10 = vector.load %arg2[%get3A_7, %get3A_8, %get3A_9] : memref<2x1000x128xf32, #tpu.memory_space<vmem>>, vector<1x1000x128xf32>
    %get3A_11 = vector.shape_cast %get3A_10 : vector<1x1000x128xf32> to vector<1000x128xf32>
    %add3A = arith.addf %get3A_6, %get3A_11 : vector<1000x128xf32>
    %get3A_12 = arith.constant 0 : index
    %get3A_13 = arith.constant 0 : index
    %get3A_14 = arith.constant 0 : index
    %get3A_15 = vector.load %arg3[%get3A_12, %get3A_13, %get3A_14] : memref<2x1000x128xf32, #tpu.memory_space<vmem>>, vector<1x1000x128xf32>
    %get3A_16 = vector.shape_cast %get3A_15 : vector<1x1000x128xf32> to vector<1000x128xf32>
    %add3A_17 = arith.addf %add3A, %get3A_16 : vector<1000x128xf32>
    %get3A_18 = arith.constant 1 : index
    %get3A_19 = arith.constant 0 : index
    %get3A_20 = arith.constant 0 : index
    %get3A_21 = vector.load %arg3[%get3A_18, %get3A_19, %get3A_20] : memref<2x1000x128xf32, #tpu.memory_space<vmem>>, vector<1x1000x128xf32>
    %get3A_22 = vector.shape_cast %get3A_21 : vector<1x1000x128xf32> to vector<1000x128xf32>
    %add3A_23 = arith.addf %add3A_17, %get3A_22 : vector<1000x128xf32>
    %get3A_24 = arith.constant 0 : index
    %get3A_25 = arith.constant 0 : index
    %get3A_26 = vector.load %arg5[%get3A_24, %get3A_25] : memref<128x128xf32, #tpu.memory_space<vmem>>, vector<128x128xf32>
    %dot_general3A = arith.constant dense<0.000000e+00> : vector<1000x128xf32>
    %dot_general3A_27 = tpu.matmul %get3A_1, %get3A_26, %dot_general3A {dimension_numbers = #tpu.dot_dimension_numbers<[1], [0], [0], [1], [0, 0, 1, 1], [], []>, transpose_lhs_hint = false} : vector<1000x128xf32>, vector<128x128xf32>, vector<1000x128xf32> -> vector<1000x128xf32>
    %get3A_28 = arith.constant 0 : index
    %get3A_29 = arith.constant 0 : index
    %get3A_30 = vector.load %arg6[%get3A_28, %get3A_29] : memref<128x128xf32, #tpu.memory_space<vmem>>, vector<128x128xf32>
    %dot_general3A_31 = arith.constant dense<0.000000e+00> : vector<1000x128xf32>
    %dot_general3A_32 = tpu.matmul %add3A_23, %get3A_30, %dot_general3A_31 {dimension_numbers = #tpu.dot_dimension_numbers<[1], [0], [0], [1], [0, 0, 1, 1], [], []>, transpose_lhs_hint = false} : vector<1000x128xf32>, vector<128x128xf32>, vector<1000x128xf32> -> vector<1000x128xf32>
    %add3A_33 = arith.addf %dot_general3A_27, %dot_general3A_32 : vector<1000x128xf32>
    %get3A_34 = arith.constant 0 : index
    %get3A_35 = arith.constant 0 : index
    %get3A_36 = vector.load %arg7[%get3A_34, %get3A_35] : memref<1x128xf32, #tpu.memory_space<vmem>>, vector<1x128xf32>
    %add3A_37 = vector.broadcast %get3A_36 : vector<1x128xf32> to vector<1000x128xf32>
    %add3A_38 = arith.addf %add3A_33, %add3A_37 : vector<1000x128xf32>
    %max3A = arith.constant 0.000000e+00 : f32
    %max3A_39 = vector.broadcast %max3A : f32 to vector<1000x128xf32>
    %max3A_40 = arith.maximumf %add3A_38, %max3A_39 : vector<1000x128xf32>
    %get3A_41 = arith.constant 0 : index
    %get3A_42 = arith.constant 0 : index
    %get3A_43 = vector.load %arg8[%get3A_41, %get3A_42] : memref<1x128xf32, #tpu.memory_space<vmem>>, vector<1x128xf32>
    %get3A_44 = arith.constant 0 : index
    %get3A_45 = arith.constant 0 : index
    %get3A_46 = vector.load %arg9[%get3A_44, %get3A_45] : memref<1x128xf32, #tpu.memory_space<vmem>>, vector<1x128xf32>
    %reduce_sum3A = arith.constant dense<0.000000e+00> : vector<1000xf32>
    %reduce_sum3A_47 = vector.multi_reduction <add>, %max3A_40, %reduce_sum3A [1] : vector<1000x128xf32> to vector<1000xf32>
    %broadcast_in_dim3A = vector.shape_cast %reduce_sum3A_47 : vector<1000xf32> to vector<1000x1xf32>
    %div3A = arith.constant 1.280000e+02 : f32
    %div3A_48 = vector.broadcast %div3A : f32 to vector<1000x1xf32>
    %div3A_49 = arith.divf %broadcast_in_dim3A, %div3A_48 : vector<1000x1xf32>
    %sub3A = vector.broadcast %div3A_49 : vector<1000x1xf32> to vector<1000x128xf32>
    %sub3A_50 = arith.subf %max3A_40, %sub3A : vector<1000x128xf32>
    %integer_pow3A = arith.mulf %sub3A_50, %sub3A_50 : vector<1000x128xf32>
    %reduce_sum3A_51 = arith.constant dense<0.000000e+00> : vector<1000xf32>
    %reduce_sum3A_52 = vector.multi_reduction <add>, %integer_pow3A, %reduce_sum3A_51 [1] : vector<1000x128xf32> to vector<1000xf32>
    %broadcast_in_dim3A_53 = vector.shape_cast %reduce_sum3A_52 : vector<1000xf32> to vector<1000x1xf32>
    %div3A_54 = arith.constant 1.280000e+02 : f32
    %div3A_55 = vector.broadcast %div3A_54 : f32 to vector<1000x1xf32>
    %div3A_56 = arith.divf %broadcast_in_dim3A_53, %div3A_55 : vector<1000x1xf32>
    %sub3A_57 = vector.broadcast %div3A_49 : vector<1000x1xf32> to vector<1000x128xf32>
    %sub3A_58 = arith.subf %max3A_40, %sub3A_57 : vector<1000x128xf32>
    %add3A_59 = arith.constant 9.99999974E-6 : f32
    %add3A_60 = vector.broadcast %add3A_59 : f32 to vector<1000x1xf32>
    %add3A_61 = arith.addf %div3A_56, %add3A_60 : vector<1000x1xf32>
    %rsqrt3A = math.rsqrt %add3A_61 : vector<1000x1xf32>
    %mul3A = vector.broadcast %rsqrt3A : vector<1000x1xf32> to vector<1000x128xf32>
    %mul3A_62 = arith.mulf %sub3A_58, %mul3A : vector<1000x128xf32>
    %mul3A_63 = vector.broadcast %get3A_43 : vector<1x128xf32> to vector<1000x128xf32>
    %mul3A_64 = arith.mulf %mul3A_62, %mul3A_63 : vector<1000x128xf32>
    %add3A_65 = vector.broadcast %get3A_46 : vector<1x128xf32> to vector<1000x128xf32>
    %add3A_66 = arith.addf %mul3A_64, %add3A_65 : vector<1000x128xf32>
    %get3A_67 = arith.constant 0 : index
    %get3A_68 = arith.constant 0 : index
    %get3A_69 = vector.load %arg10[%get3A_67, %get3A_68] : memref<128x128xf32, #tpu.memory_space<vmem>>, vector<128x128xf32>
    %dot_general3A_70 = arith.constant dense<0.000000e+00> : vector<1000x128xf32>
    %dot_general3A_71 = tpu.matmul %add3A_66, %get3A_69, %dot_general3A_70 {dimension_numbers = #tpu.dot_dimension_numbers<[1], [0], [0], [1], [0, 0, 1, 1], [], []>, transpose_lhs_hint = false} : vector<1000x128xf32>, vector<128x128xf32>, vector<1000x128xf32> -> vector<1000x128xf32>
    %get3A_72 = arith.constant 0 : index
    %get3A_73 = arith.constant 0 : index
    %get3A_74 = vector.load %arg11[%get3A_72, %get3A_73] : memref<1x128xf32, #tpu.memory_space<vmem>>, vector<1x128xf32>
    %add3A_75 = vector.broadcast %get3A_74 : vector<1x128xf32> to vector<1000x128xf32>
    %add3A_76 = arith.addf %dot_general3A_71, %add3A_75 : vector<1000x128xf32>
    %max3A_77 = arith.constant 0.000000e+00 : f32
    %max3A_78 = vector.broadcast %max3A_77 : f32 to vector<1000x128xf32>
    %max3A_79 = arith.maximumf %add3A_76, %max3A_78 : vector<1000x128xf32>
    %get3A_80 = arith.constant 0 : index
    %get3A_81 = arith.constant 0 : index
    %get3A_82 = vector.load %arg12[%get3A_80, %get3A_81] : memref<1x128xf32, #tpu.memory_space<vmem>>, vector<1x128xf32>
    %get3A_83 = arith.constant 0 : index
    %get3A_84 = arith.constant 0 : index
    %get3A_85 = vector.load %arg13[%get3A_83, %get3A_84] : memref<1x128xf32, #tpu.memory_space<vmem>>, vector<1x128xf32>
    %reduce_sum3A_86 = arith.constant dense<0.000000e+00> : vector<1000xf32>
    %reduce_sum3A_87 = vector.multi_reduction <add>, %max3A_79, %reduce_sum3A_86 [1] : vector<1000x128xf32> to vector<1000xf32>
    %broadcast_in_dim3A_88 = vector.shape_cast %reduce_sum3A_87 : vector<1000xf32> to vector<1000x1xf32>
    %div3A_89 = arith.constant 1.280000e+02 : f32
    %div3A_90 = vector.broadcast %div3A_89 : f32 to vector<1000x1xf32>
    %div3A_91 = arith.divf %broadcast_in_dim3A_88, %div3A_90 : vector<1000x1xf32>
    %sub3A_92 = vector.broadcast %div3A_91 : vector<1000x1xf32> to vector<1000x128xf32>
    %sub3A_93 = arith.subf %max3A_79, %sub3A_92 : vector<1000x128xf32>
    %integer_pow3A_94 = arith.mulf %sub3A_93, %sub3A_93 : vector<1000x128xf32>
    %reduce_sum3A_95 = arith.constant dense<0.000000e+00> : vector<1000xf32>
    %reduce_sum3A_96 = vector.multi_reduction <add>, %integer_pow3A_94, %reduce_sum3A_95 [1] : vector<1000x128xf32> to vector<1000xf32>
    %broadcast_in_dim3A_97 = vector.shape_cast %reduce_sum3A_96 : vector<1000xf32> to vector<1000x1xf32>
    %div3A_98 = arith.constant 1.280000e+02 : f32
    %div3A_99 = vector.broadcast %div3A_98 : f32 to vector<1000x1xf32>
    %div3A_100 = arith.divf %broadcast_in_dim3A_97, %div3A_99 : vector<1000x1xf32>
    %sub3A_101 = vector.broadcast %div3A_91 : vector<1000x1xf32> to vector<1000x128xf32>
    %sub3A_102 = arith.subf %max3A_79, %sub3A_101 : vector<1000x128xf32>
    %add3A_103 = arith.constant 9.99999974E-6 : f32
    %add3A_104 = vector.broadcast %add3A_103 : f32 to vector<1000x1xf32>
    %add3A_105 = arith.addf %div3A_100, %add3A_104 : vector<1000x1xf32>
    %rsqrt3A_106 = math.rsqrt %add3A_105 : vector<1000x1xf32>
    %mul3A_107 = vector.broadcast %rsqrt3A_106 : vector<1000x1xf32> to vector<1000x128xf32>
    %mul3A_108 = arith.mulf %sub3A_102, %mul3A_107 : vector<1000x128xf32>
    %mul3A_109 = vector.broadcast %get3A_82 : vector<1x128xf32> to vector<1000x128xf32>
    %mul3A_110 = arith.mulf %mul3A_108, %mul3A_109 : vector<1000x128xf32>
    %add3A_111 = vector.broadcast %get3A_85 : vector<1x128xf32> to vector<1000x128xf32>
    %add3A_112 = arith.addf %mul3A_110, %add3A_111 : vector<1000x128xf32>
    %get3A_113 = arith.constant 0 : index
    %get3A_114 = arith.constant 0 : index
    %get3A_115 = vector.load %arg4[%get3A_113, %get3A_114] : memref<128x128xf32, #tpu.memory_space<vmem>>, vector<128x128xf32>
    %dot_general3A_116 = arith.constant dense<0.000000e+00> : vector<1000x128xf32>
    %dot_general3A_117 = tpu.matmul %get3A_1, %get3A_115, %dot_general3A_116 {dimension_numbers = #tpu.dot_dimension_numbers<[1], [0], [0], [1], [0, 0, 1, 1], [], []>, transpose_lhs_hint = false} : vector<1000x128xf32>, vector<128x128xf32>, vector<1000x128xf32> -> vector<1000x128xf32>
    %add3A_118 = arith.addf %dot_general3A_117, %add3A_112 : vector<1000x128xf32>
    %get3A_119 = arith.constant 0 : index
    %get3A_120 = arith.constant 0 : index
    %get3A_121 = vector.load %arg14[%get3A_119, %get3A_120] : memref<1x128xf32, #tpu.memory_space<vmem>>, vector<1x128xf32>
    %get3A_122 = arith.constant 0 : index
    %get3A_123 = arith.constant 0 : index
    %get3A_124 = vector.load %arg15[%get3A_122, %get3A_123] : memref<1x128xf32, #tpu.memory_space<vmem>>, vector<1x128xf32>
    %reduce_sum3A_125 = arith.constant dense<0.000000e+00> : vector<1000xf32>
    %reduce_sum3A_126 = vector.multi_reduction <add>, %add3A_118, %reduce_sum3A_125 [1] : vector<1000x128xf32> to vector<1000xf32>
    %broadcast_in_dim3A_127 = vector.shape_cast %reduce_sum3A_126 : vector<1000xf32> to vector<1000x1xf32>
    %div3A_128 = arith.constant 1.280000e+02 : f32
    %div3A_129 = vector.broadcast %div3A_128 : f32 to vector<1000x1xf32>
    %div3A_130 = arith.divf %broadcast_in_dim3A_127, %div3A_129 : vector<1000x1xf32>
    %sub3A_131 = vector.broadcast %div3A_130 : vector<1000x1xf32> to vector<1000x128xf32>
    %sub3A_132 = arith.subf %add3A_118, %sub3A_131 : vector<1000x128xf32>
    %integer_pow3A_133 = arith.mulf %sub3A_132, %sub3A_132 : vector<1000x128xf32>
    %reduce_sum3A_134 = arith.constant dense<0.000000e+00> : vector<1000xf32>
    %reduce_sum3A_135 = vector.multi_reduction <add>, %integer_pow3A_133, %reduce_sum3A_134 [1] : vector<1000x128xf32> to vector<1000xf32>
    %broadcast_in_dim3A_136 = vector.shape_cast %reduce_sum3A_135 : vector<1000xf32> to vector<1000x1xf32>
    %div3A_137 = arith.constant 1.280000e+02 : f32
    %div3A_138 = vector.broadcast %div3A_137 : f32 to vector<1000x1xf32>
    %div3A_139 = arith.divf %broadcast_in_dim3A_136, %div3A_138 : vector<1000x1xf32>
    %sub3A_140 = vector.broadcast %div3A_130 : vector<1000x1xf32> to vector<1000x128xf32>
    %sub3A_141 = arith.subf %add3A_118, %sub3A_140 : vector<1000x128xf32>
    %add3A_142 = arith.constant 9.99999974E-6 : f32
    %add3A_143 = vector.broadcast %add3A_142 : f32 to vector<1000x1xf32>
    %add3A_144 = arith.addf %div3A_139, %add3A_143 : vector<1000x1xf32>
    %rsqrt3A_145 = math.rsqrt %add3A_144 : vector<1000x1xf32>
    %mul3A_146 = vector.broadcast %rsqrt3A_145 : vector<1000x1xf32> to vector<1000x128xf32>
    %mul3A_147 = arith.mulf %sub3A_141, %mul3A_146 : vector<1000x128xf32>
    %mul3A_148 = vector.broadcast %get3A_121 : vector<1x128xf32> to vector<1000x128xf32>
    %mul3A_149 = arith.mulf %mul3A_147, %mul3A_148 : vector<1000x128xf32>
    %add3A_150 = vector.broadcast %get3A_124 : vector<1x128xf32> to vector<1000x128xf32>
    %add3A_151 = arith.addf %mul3A_149, %add3A_150 : vector<1000x128xf32>
    %swap3A = arith.constant 0 : index
    %swap3A_152 = arith.constant 0 : index
    %swap3A_153 = vector.load %arg16[%swap3A, %swap3A_152] : memref<1000x128xf32, #tpu.memory_space<vmem>>, vector<1000x128xf32>
    tpu.vector_store %arg16[%swap3A, %swap3A_152], %add3A_151 {strides = array<i32>} : memref<1000x128xf32, #tpu.memory_space<vmem>>, vector<1000x128xf32>,
    return
  }
  func.func @transform_0(%arg0: i32) -> (i32, i32) {
    %c0_i32 = arith.constant 0 : i32
    %c0_i32_0 = arith.constant 0 : i32
    return %arg0, %c0_i32 : i32, i32
  }
  func.func @transform_1(%arg0: i32) -> (i32, i32, i32) {
    %c0_i32 = arith.constant 0 : i32
    %c0_i32_0 = arith.constant 0 : i32
    %c0_i32_1 = arith.constant 0 : i32
    return %c0_i32, %arg0, %c0_i32_0 : i32, i32, i32
  }
  func.func @transform_2(%arg0: i32) -> (i32, i32, i32) {
    %c0_i32 = arith.constant 0 : i32
    %c0_i32_0 = arith.constant 0 : i32
    %c0_i32_1 = arith.constant 0 : i32
    return %c0_i32, %arg0, %c0_i32_0 : i32, i32, i32
  }
  func.func @transform_3(%arg0: i32) -> (i32, i32) {
    %c0_i32 = arith.constant 0 : i32
    %c0_i32_0 = arith.constant 0 : i32
    %c0_i32_1 = arith.constant 0 : i32
    return %c0_i32, %c0_i32_0 : i32, i32
  }
  func.func @transform_4(%arg0: i32) -> (i32, i32) {
    %c0_i32 = arith.constant 0 : i32
    %c0_i32_0 = arith.constant 0 : i32
    %c0_i32_1 = arith.constant 0 : i32
    return %c0_i32, %c0_i32_0 : i32, i32
  }
  func.func @transform_5(%arg0: i32) -> (i32, i32) {
    %c0_i32 = arith.constant 0 : i32
    %c0_i32_0 = arith.constant 0 : i32
    %c0_i32_1 = arith.constant 0 : i32
    return %c0_i32, %c0_i32_0 : i32, i32
  }
  func.func @transform_6(%arg0: i32) -> (i32, i32) {
    %c0_i32 = arith.constant 0 : i32
    %c0_i32_0 = arith.constant 0 : i32
    %c0_i32_1 = arith.constant 0 : i32
    return %c0_i32, %c0_i32_0 : i32, i32
  }
  func.func @transform_7(%arg0: i32) -> (i32, i32) {
    %c0_i32 = arith.constant 0 : i32
    %c0_i32_0 = arith.constant 0 : i32
    %c0_i32_1 = arith.constant 0 : i32
    return %c0_i32, %c0_i32_0 : i32, i32
  }
  func.func @transform_8(%arg0: i32) -> (i32, i32) {
    %c0_i32 = arith.constant 0 : i32
    %c0_i32_0 = arith.constant 0 : i32
    %c0_i32_1 = arith.constant 0 : i32
    return %c0_i32, %c0_i32_0 : i32, i32
  }
  func.func @transform_9(%arg0: i32) -> (i32, i32) {
    %c0_i32 = arith.constant 0 : i32
    %c0_i32_0 = arith.constant 0 : i32
    %c0_i32_1 = arith.constant 0 : i32
    return %c0_i32, %c0_i32_0 : i32, i32
  }
  func.func @transform_10(%arg0: i32) -> (i32, i32) {
    %c0_i32 = arith.constant 0 : i32
    %c0_i32_0 = arith.constant 0 : i32
    %c0_i32_1 = arith.constant 0 : i32
    return %c0_i32, %c0_i32_0 : i32, i32
  }
  func.func @transform_11(%arg0: i32) -> (i32, i32) {
    %c0_i32 = arith.constant 0 : i32
    %c0_i32_0 = arith.constant 0 : i32
    %c0_i32_1 = arith.constant 0 : i32
    return %c0_i32, %c0_i32_0 : i32, i32
  }
  func.func @transform_12(%arg0: i32) -> (i32, i32) {
    %c0_i32 = arith.constant 0 : i32
    %c0_i32_0 = arith.constant 0 : i32
    %c0_i32_1 = arith.constant 0 : i32
    return %c0_i32, %c0_i32_0 : i32, i32
  }
  func.func @transform_13(%arg0: i32) -> (i32, i32) {
    %c0_i32 = arith.constant 0 : i32
    %c0_i32_0 = arith.constant 0 : i32
    %c0_i32_1 = arith.constant 0 : i32
    return %c0_i32, %c0_i32_0 : i32, i32
  }
  func.func @transform_14(%arg0: i32) -> (i32, i32) {
    %c0_i32 = arith.constant 0 : i32
    %c0_i32_0 = arith.constant 0 : i32
    %c0_i32_1 = arith.constant 0 : i32
    return %c0_i32, %c0_i32_0 : i32, i32
  }
  func.func @transform_15(%arg0: i32) -> (i32, i32) {
    %c0_i32 = arith.constant 0 : i32
    %c0_i32_0 = arith.constant 0 : i32
    return %arg0, %c0_i32 : i32, i32
  }
}

</mosaic_0001>

<sc_bundles>
// kernel: kernel.10.cloned.1.call-start
scs
__scs_entry_jumppad:
0x0: {  	(pc) =	sbr.rel $0x88, $3  }
0x1: {  	(tag) =	ssettag $0x0;
	lr =	simm.s32 $0x1  }
0x2: {  	[smem:$0x3F92] =	sst lr;
	_ =	strace $0xD0000000  }
0x3: {  	_ = 	snop  }
0x4: {  	_ = 	snop  }
0x5: {  	_ = 	snop  }
0x6: {  	_ = 	snop  }
0x7: {  	_ = 	snop  }
__scs_overlays_trampoline_lowered:
0x8: {  	[smem:$0x3FA1] =	sst s0  }
0x9: {  	[smem:$0x3FA2] =	sst s1  }
0xa: {  	[smem:$0x3FA3] =	sst s2  }
0xb: {  	[smem:$0x3FA4] =	sst s3  }
0xc: {  	[smem:$0x3FA5] =	sst s4  }
0xd: {  	[smem:$0x3FA6] =	sst s5  }
0xe: {  	[smem:$0x3FA7] =	sst s6  }
0xf: {  	[smem:$0x3FA8] =	sst s7  }
0x10: {  	[smem:$0x3FA9] =	sst s8  }
0x11: {  	[smem:$0x3FAA] =	sst s9;
	s0 =	simm.s32 @!p0 $0x0  }
0x12: {  	s1 =	sld [smem:$0x3F90];
	s0 =	simm.s32 @p0 $0x1  }
0x13: {  	[smem:$0x3FAB] =	sst s0;
	s0 =	simm.s32 @!p1 $0x0  }
0x14: {  	s2 =	sld [smem:$0x3F8F];
	s0 =	simm.s32 @p1 $0x1  }
0x15: {  	[smem:$0x3FAC] =	sst s0;
	s0 =	simm.s32 @!p2 $0x0  }
0x16: {  	s3 =	sld [smem:$0x3FDB];
	s0 =	simm.s32 @p2 $0x1  }
0x17: {  	s4 =	simm.s32 $0x1BF5;
	[smem:$0x3FAE] =	sst s0  }
0x18: {  	s0 =	sld [smem:$0x3F91];
	_ =	swait.ge [sflag:s4], $0x0  }
0x19: {  	s7 =	sld [smem:$0x3F92]  }
0x1a: {  	s8 =	sadd.s32 $0xFFFFE003, lr  }
0x1b: {  	s9 =	sadd.s32 $0xFFFFFEF7, lr;
	s5 =	simm.s32 $0xFFFFFFFF;
	p2 =	slt.u32 s8, $0xFFFFF086  }
0x1c: {  	p1 =	slt.u32 s9, $0xF7A;
	s5 =	simm.s32 @!p2 $0x0  }
0x1d: {  	s5 =	simm.s32 @p1 $0x1;
	p0 =	seq.s32 s7, s2  }
0x1e: {  	s7 =	smul.u32 @!p0 $0xF7A, s2;
	p2 =	seq.s32 @!p0 s5, $0x0  }
0x1f: {  	s9 =	smul.u32 $0xF7A, s1;
	s8 =	simm.s32 @!p0 $0x1BF5;
	p2 =	por !p2, p0  }
0x20: {  	[sflag:s8] =	ssyncset.s32 @!p0 $0xFFFFF086;
	s6 =	sadd.s32 @!p0 s3, s7;
	s7 =	simm.s32 @!p0 $0x108  }
0x21: {  	s3 =	sadd.s32 s3, s9;
	s6 =	sadd.s32 @!p0 $0x88, s6;
	s7 =	simm.s32 @p2 $0x1082  }
0x22: {  	[simem:s7], [sflag:s8] =	dma.local @!p0 [hbm:s6], $0xF7A  }
0x23: {  	s9 =	sor.u32 $0xD0000000, s2;
	s6 =	simm.s32 $0x108;
	_ =	swait.ge @!p0 [sflag:s8], $0x0  }
0x24: {  	s3 =	sadd.s32 $0x88, s3;
	s6 =	simm.s32 @!p1 $0x1082;
	[sflag:s4] =	ssyncset.s32 $0xFFFFF086  }
0x25: {  	[simem:s6], [sflag:s4] =	dma.local [hbm:s3], $0xF7A  }
0x26: {  	[smem:$0x3F92] =	sst s1;
	(tag) =	ssettag s2;
	_ =	strace s9  }
0x27: {  	s1 =	sld [smem:$0x3FA2]  }
0x28: {  	s2 =	sld [smem:$0x3FA3]  }
0x29: {  	s4 =	sld [smem:$0x3FA5]  }
0x2a: {  	p0 =	seq.s32 s5, $0x0;
	s5 =	sld [smem:$0x3FA6]  }
0x2b: {  	s6 =	sld [smem:$0x3FA7]  }
0x2c: {  	s7 =	sld [smem:$0x3FA8]  }
0x2d: {  	s3 =	simm.s32 $0x108;
	s8 =	sld [smem:$0x3FA9]  }
0x2e: {  	s3 =	simm.s32 @!p0 $0x1082;
	s9 =	sld [smem:$0x3FAA]  }
0x2f: {  	lr =	sadd.s32 s0, s3;
	s0 =	sld [smem:$0x3FA1]  }
0x30: {  	s3 =	sld [smem:$0x3FA4]  }
0x31: {  	[smem:$0x3FAD] =	sst s10  }
0x32: {  	s10 =	sld [smem:$0x3FAB];
	_ =	sdelay $0x3  }
0x33: {  	p0 =	seq.s32 s10, $0x1;
	s10 =	sld [smem:$0x3FAD];
	_ =	sdelay $0x3  }
0x34: {  	[smem:$0x3FAD] =	sst s10  }
0x35: {  	s10 =	sld [smem:$0x3FAC];
	_ =	sdelay $0x3  }
0x36: {  	p1 =	seq.s32 s10, $0x1;
	s10 =	sld [smem:$0x3FAD];
	_ =	sdelay $0x3  }
0x37: {  	[smem:$0x3FAD] =	sst s10  }
0x38: {  	s10 =	sld [smem:$0x3FAE]  }
0x39: {  	_ = 	snop;
	(pc) =	sbr.ind lr, $3  }
0x3a: {  	_ = 	snop  }
0x3b: {  	_ = 	snop  }
0x3c: {  	p2 =	seq.s32 s10, $0x1;
	s10 =	sld [smem:$0x3FAD]  }
0x3d: {  	_ =	shalt  }
0x3e: {  	_ =	shalt  }
0x3f: {  	_ =	shalt  }
0x40: {  	_ =	shalt  }
0x41: {  	_ =	shalt  }
0x42: {  	_ =	shalt  }
0x43: {  	_ =	shalt  }
0x44: {  	_ =	shalt  }
0x45: {  	_ =	shalt  }
0x46: {  	_ =	shalt  }
0x47: {  	_ =	shalt  }
0x48: {  	_ =	shalt  }
0x49: {  	_ =	shalt  }
0x4a: {  	_ =	shalt  }
0x4b: {  	_ =	shalt  }
0x4c: {  	_ =	shalt  }
0x4d: {  	_ =	shalt  }
0x4e: {  	_ =	shalt  }
0x4f: {  	_ =	shalt  }
0x50: {  	_ =	shalt  }
0x51: {  	_ =	shalt  }
0x52: {  	_ =	shalt  }
0x53: {  	_ =	shalt  }
0x54: {  	_ =	shalt  }
0x55: {  	_ =	shalt  }
0x56: {  	_ =	shalt  }
0x57: {  	_ =	shalt  }
0x58: {  	_ =	shalt  }
0x59: {  	_ =	shalt  }
0x5a: {  	_ =	shalt  }
0x5b: {  	_ =	shalt  }
0x5c: {  	_ =	shalt  }
0x5d: {  	_ =	shalt  }
0x5e: {  	_ =	shalt  }
0x5f: {  	_ =	shalt  }
0x60: {  	_ =	shalt  }
0x61: {  	_ =	shalt  }
0x62: {  	_ =	shalt  }
0x63: {  	_ =	shalt  }
0x64: {  	_ =	shalt  }
0x65: {  	_ =	shalt  }
0x66: {  	_ =	shalt  }
0x67: {  	_ =	shalt  }
0x68: {  	_ =	shalt  }
0x69: {  	_ =	shalt  }
0x6a: {  	_ =	shalt  }
0x6b: {  	_ =	shalt  }
0x6c: {  	_ =	shalt  }
0x6d: {  	_ =	shalt  }
0x6e: {  	_ =	shalt  }
0x6f: {  	_ =	shalt  }
0x70: {  	_ =	shalt  }
0x71: {  	_ =	shalt  }
0x72: {  	_ =	shalt  }
0x73: {  	_ =	shalt  }
0x74: {  	_ =	shalt  }
0x75: {  	_ =	shalt  }
0x76: {  	_ =	shalt  }
0x77: {  	_ =	shalt  }
0x78: {  	_ =	shalt  }
0x79: {  	_ =	shalt  }
0x7a: {  	_ =	shalt  }
0x7b: {  	_ =	shalt  }
0x7c: {  	_ =	shalt  }
0x7d: {  	_ =	shalt  }
0x7e: {  	_ =	shalt  }
0x7f: {  	_ =	shalt  }
0x80: {  	_ =	shalt  }
0x81: {  	_ =	shalt  }
0x82: {  	_ =	shalt  }
0x83: {  	_ =	shalt  }
0x84: {  	_ =	shalt  }
0x85: {  	_ =	shalt  }
0x86: {  	_ =	shalt  }
0x87: {  	_ =	shalt  }
.Lfunc_end0:
.L_simem_size_0:
called_computation.1_lowered:
.L_overlay_start_0:
0x88: {  	s2 =	sld [smem:$0x3FD9]  }
0x89: {  	s3 =	sld [smem:$0x3FFE];
	_ =	sdelay $0x1  }
0x8a: {  	s1 =	srdreg.scid  }
0x8b: {  	s0 =	sand.u32 $0x1, s1  }
0x8c: {  	s16 =	sshll.u32 s0, $0xA;
	s2 =	sadd.s32 s3, s2  }
0x8d: {  	s2 =	sadd.s32 s2, s16  }
0x8e: {  	[smem:$0x3FB9] =	sst s2  }
0x8f: {  	_ = 	snop  }
0x90: {  	(tm) =	ssettm $0x1  }
0x91: {  	s17 =	sld [smem:$0x3FFB];
	_ =	sdelay $0x3  }
0x92: {  	_ =	strace s17  }
0x93: {  	s2 =	sld [smem:$0x3FFC];
	_ =	sdelay $0x3  }
0x94: {  	_ =	strace s2  }
0x95: {  	s2 =	sld [smem:$0x3FFD];
	_ =	sdelay $0x3  }
0x96: {  	_ =	strace s2  }
0x97: {  	_ =	strace $0x8FFFFFFF  }
0x98: {  	s18 =	sld [smem:$0x3FDB];
	_ =	sdelay $0x1  }
0x99: {  	s19 =	simm.s32 $_scs_section_size  }
0x9a: {  	s4 =	simm.s32 $_size__tile_overlayer_lowered;
	s5 =	simm.s32 $_tile_overlayer_lowered  }
0x9b: {  	s22 =	simm.s32 $0x1BFF;
	s21 =	sshll.u32 s5, $0x1;
	s2 =	sadd.s32 s19, s18  }
0x9c: {  	s6 =	simm.s32 $0x0;
	s20 =	sshll.u32 s4, $0x1;
	s4 =	sadd.s32 s21, s2  }
0x9d: {  	[timem:s6], [sflag:s22] =	dma.local [hbm:s4], s20  }
0x9e: {  	_ =	swait.ge [sflag:s22], s20  }
0x9f: {  	s3 =	ssub.s32 $0x0, s20;
	[sflag:s22] =	ssyncset.done $0x0  }
0xa0: {  	[sflag:s22] =	ssyncadd.s32 s3;
	_ =	sdelay $0x1  }
0xa1: {  	s23 =	simm.s32 $0x1B8B  }
0xa2: {  	_ =	swait.ge [sflag:s23], $0x1  }
0xa3: {  	[sflag:s23] =	ssyncset.done $0x0  }
0xa4: {  	s25 =	simm.s32 $0x1B8E;
	s24 =	sld [smem:$0x3FFE];
	[sflag:s23] =	ssyncadd.s32 $0xFFFFFFFF  }
0xa5: {  	s26 =	simm.s32 $execute0_lowered;
	[smem:$0x3FD2] =	sst s25  }
0xa6: {  	s4 =	sshll.u32 s26, $0x1;
	_ =	strace $0x80000046;
	[dreg:$0x1] =	wrdreg $0xFFFFFFFF  }
0xa7: {  	s28 =	simm.s32 $_size_execute0_lowered;
	s2 =	sadd.s32 s2, s4;
	[dreg:$0x0] =	wrdreg $0x0  }
0xa8: {  	s4 =	sshll.u32 s28, $0x1;
	[dreg:$0x2] =	wrdreg s2  }
0xa9: {  	[dreg:$0x3] =	wrdreg s4  }
0xaa: {  	[dreg:$0x4] =	wrdreg $0xC0  }
0xab: {  	_ =	task [dreg:s6], $0x5FFFF  }
0xac: {  	[dreg:$0x1] =	wrdreg $0xFFFFFFFF  }
0xad: {  	[dreg:$0x0] =	wrdreg $0x60  }
0xae: {  	[dreg:$0x2] =	wrdreg s24  }
0xaf: {  	[dreg:$0x3] =	wrdreg $0x0  }
0xb0: {  	[dreg:$0x4] =	wrdreg $0xA  }
0xb1: {  	_ =	task.clear_ibuf [dreg:s6], $0x5FFFF;
	_ =	strace $0x90000046  }
0xb2: {  	s29 =	simm.s32 $0xA;
	_ =	strace $0x80000048  }
0xb3: {  	_ =	swait.ge [sflag:s29], $0x1  }
0xb4: {  	[sflag:s29] =	ssyncadd.s32 $0xFFFFFFFF  }
0xb5: {  	_ =	strace $0x90000048  }
0xb6: {  	_ =	sfence  }
0xb7: {  	s30 =	sld [smem:$0x0];
	_ =	sdelay $0x2  }
0xb8: {  	s31 =	sshll.u32 s1, $0xD;
	s1 =	sshrl.u32 s1, $0x2  }
0xb9: {  	s3 =	sand.u32 $0x4000, s31;
	s1 =	sadd.s32 s1, s30  }
0xba: {  	s0 =	sor.u32 s3, s0;
	s1 =	sshll.u32 s1, $0x11  }
0xbb: {  	s0 =	sor.u32 s1, s0  }
0xbc: {  	s0 =	sadd.s32 $0x8F2B, s0  }
0xbd: {  	[sflag:s0] =	ssyncadd.remote.s32 $0x1  }
0xbe: {  	_ =	sfence.sel $0xFFFF  }
0xbf: {  	[dreg:$0x0] =	wrdreg $0xFFFFFFFF;
	(pc) =	sbr.abs _section_cstart, $3  }
0xc0: {  	[dreg:$0x1] =	wrdreg $0xFFFFFFFF  }
0xc1: {  	_ =	task.clear_ibuf [dreg:s6], $0x2FFFF;
	_ =	strace $0x9FFFFFFF  }
0xc2: {  	(tm) =	ssettm $0x7FFFFFFF  }
0xc3: {  	_ =	shalt  }
tec
execute0_lowered:
.L_overlay_start_1:
0x0: {  	(tag) =	ssettag $0x1  }
0x1: {  	s12 =	rddreg [dreg:$0x0]  }
0x2: {  	s1 =	rddreg [dreg:$0x1]  }
0x3: {  	s2 =	srdreg.scid;
	s0 =	stileid.u32;
	s9 =	sadd.s32 $0x4F7C00, s12  }
0x4: {  	s8 =	sand.u32 $0x1, s2;
	s16 =	smul.u32 $0x50, s0;
	s10 =	sadd.s32 $0x15C00, s12  }
0x5: {  	s30 =	smul.u32 $0x2710, s0;
	p0 =	sgt.u32 s0, $0xC;
	s2 =	ssub.s32 $0x2, s8  }
0x6: {  	s3 =	sshll.u32 s8, $0x4;
	s11 =	smul.u32 $0x2710, s8;
	s4 =	sshrl.u32 s2, $0x1  }
0x7: {  	s3 =	sor.u32 s0, s3;
	s25 =	sadd.s32 $0x500, s16;
	s24 =	sadd.s32 $0xA00, s16  }
0x8: {  	s22 =	sadd.s32 $0xF00, s16;
	s21 =	sadd.s32 $0x1400, s16;
	s19 =	sadd.s32 $0x1900, s16  }
0x9: {  	s18 =	sadd.s32 $0x1E00, s16;
	s20 =	sadd.s32 $0x2300, s16;
	s17 =	ssub.s32 s2, s4  }
0xa: {  	s23 =	smul.u32 $0x2710, s3;
	s26 =	sadd.s32 s16, s11;
	s28 =	sadd.s32 s11, s25  }
0xb: {  	s29 =	sadd.s32 s11, s24;
	s5 =	sadd.s32 s11, s22;
	s6 =	sadd.s32 s11, s21  }
0xc: {  	v39 =	vlaneseq.u32;
	s7 =	sadd.s32 s11, s19;
	s15 =	sadd.s32 s11, s18;
	s11 =	sadd.s32 s11, s20  }
0xd: {  	v4 =	vor.u32 s25, v39;
	v9 =	vor.u32 s24, v39;
	s25 =	sadd.s32 $0xF30, s16;
	v19 =	vor.u32 s21, v39;
	s21 =	sadd.s32 $0x1E20, s16;
	s24 =	sadd.s32 $0x2310, s16  }
0xe: {  	v24 =	vor.u32 s19, v39;
	v29 =	vor.u32 s18, v39;
	s18 =	simm.s32 $0x50;
	s19 =	simm.s32 $0x13880;
	v35 =	vor.u32 s20, v39;
	s20 =	simm.s32 $0x13A00  }
0xf: {  	v14 =	vor.u32 s22, v39;
	s22 =	simm.s32 $0x13900;
	s2 =	sshll.u32 s26, $0x4;
	s3 =	sshll.u32 s28, $0x4  }
0x10: {  	s4 =	sshll.u32 s29, $0x4;
	s5 =	sshll.u32 s5, $0x4;
	s6 =	sshll.u32 s6, $0x4  }
0x11: {  	s7 =	sshll.u32 s7, $0x4;
	s15 =	sshll.u32 s15, $0x4;
	s11 =	sshll.u32 s11, $0x4  }
0x12: {  	s26 =	smul.u32 $0x27100, s8;
	s28 =	sadd.s32 $0x2000, s12;
	v17 =	vor.u32 s25, v39;
	s25 =	sadd.s32 $0x1440, s16  }
0x13: {  	v32 =	vor.u32 s21, v39;
	v36 =	vor.u32 s24, v39;
	s21 =	simm.s32 $0x1;
	s24 =	simm.s32 $0x16200;
	s13 =	sadd.s32 $0x26C0, s23  }
0x14: {  	s2 =	sadd.s32 s10, s2;
	s3 =	sadd.s32 s10, s3;
	s4 =	sadd.s32 s10, s4  }
0x15: {  	s5 =	sadd.s32 s10, s5;
	s6 =	sadd.s32 s10, s6;
	s7 =	sadd.s32 s10, s7  }
0x16: {  	s23 =	smul.u32 $0x271000, s8;
	s8 =	sadd.s32 s10, s15;
	s10 =	sadd.s32 s10, s11  }
0x17: {  	v23 =	vor.u32 s25, v39;
	s25 =	sadd.s32 $0x1E30, s16;
	s14 =	sshll.u32 s13, $0x4;
	s15 =	sadd.s32 s30, s26  }
0x18: {  	s29 =	sshrl.u32 s13, $0x3;
	s26 =	sadd.s32 $0xA30, s16;
	v33 =	vor.u32 s25, v39;
	s25 =	simm.s32 $0x0  }
0x19: {  	s11 =	sadd.s32 s9, s14;
	s31 =	sadd.s32 s23, s9;
	s9 =	smul.u32 $0x27100, s0  }
0x1a: {  	s30 =	sadd.s32 $0x50, s15;
	s12 =	sadd.s32 s28, s29;
	s29 =	sadd.s32 $0x30, s16  }
0x1b: {  	s13 =	sshrl.u32 s30, $0x3;
	s30 =	sadd.s32 $0x40, s16;
	v2 =	vor.u32 s29, v39;
	s29 =	sadd.s32 $0x530, s16  }
0x1c: {  	s23 =	sadd.s32 s9, s31;
	s31 =	sshrl.u32 s15, $0x3;
	s13 =	sadd.s32 s13, s28  }
0x1d: {  	s15 =	simm.s32 $0x0;
	s9 =	sadd.s32 $0x10, s16;
	v3 =	vor.u32 s30, v39;
	s30 =	sadd.s32 $0x540, s16  }
0x1e: {  	v40 =	vimm.f32 $0.0e+00;
	v31 =	vor.u32 s16, v39;
	v7 =	vor.u32 s29, v39;
	s29 =	sadd.s32 $0xA40, s16;
	s14 =	sadd.s32 s31, s28;
	[smem:$0x7FF] =	sst s15  }
0x1f: {  	v12 =	vor.u32 s26, v39;
	s28 =	sadd.s32 $0x20, s16;
	v0 =	vor.u32 s9, v39;
	s31 =	sadd.s32 $0x510, s16;
	s9 =	sadd.s32 $0x520, s16;
	v8 =	vor.u32 s30, v39  }
0x20: {  	s30 =	sadd.s32 $0xF10, s16;
	v13 =	vor.u32 s29, v39;
	s29 =	sadd.s32 $0x1410, s16;
	v1 =	vor.u32 s28, v39;
	_ =	strace $0x80000047;
	v5 =	vor.u32 s31, v39  }
0x21: {  	v6 =	vor.u32 s9, v39;
	s31 =	sadd.s32 $0xA10, s16;
	s9 =	sadd.s32 $0xA20, s16;
	v15 =	vor.u32 s30, v39;
	s30 =	sadd.s32 $0x1420, s16;
	v20 =	vor.u32 s29, v39  }
0x22: {  	s28 =	sadd.s32 $0x1920, s16;
	s29 =	sadd.s32 $0x1930, s16;
	v10 =	vor.u32 s31, v39;
	v11 =	vor.u32 s9, v39;
	s31 =	sadd.s32 $0xF20, s16;
	v21 =	vor.u32 s30, v39  }
0x23: {  	s9 =	sadd.s32 $0xF40, s16;
	s30 =	sadd.s32 $0x1940, s16;
	v26 =	vor.u32 s28, v39;
	v27 =	vor.u32 s29, v39;
	v16 =	vor.u32 s31, v39;
	s31 =	sadd.s32 $0x1430, s16  }
0x24: {  	s29 =	sadd.s32 $0x2320, s16;
	v18 =	vor.u32 s9, v39;
	s9 =	sadd.s32 $0x1910, s16;
	v28 =	vor.u32 s30, v39;
	v22 =	vor.u32 s31, v39;
	s31 =	sadd.s32 $0x1E10, s16  }
0x25: {  	s30 =	sadd.s32 $0x2330, s16;
	v37 =	vor.u32 s29, v39;
	v25 =	vor.u32 s9, v39;
	s9 =	sadd.s32 $0x1E40, s16;
	v30 =	vor.u32 s31, v39;
	s31 =	sadd.s32 $0x2340, s16  }
0x26: {  	v38 =	vor.u32 s30, v39;
	s16 =	smax.u32 s17, $0x1;
	s17 =	sadd.s32 $0x500, s23;
	v34 =	vor.u32 s9, v39;
	s23 =	simm.s32 $0x13980;
	v39 =	vor.u32 s31, v39  }
.LBB2_1:
0x27: {  	s26 =	simm.s32 $0x0;
	s28 =	simm.s32 $0x200  }
.LBB2_2:
0x28: {  	p1 =	sne.s32 s28, $0x9E00;
	[tilespmem:s26+$0x13A70] =	vst v40  }
0x29: {  	[tilespmem:s26+$0x13A00] =	vst v40  }
0x2a: {  	[tilespmem:s26+$0x13A10] =	vst v40  }
.Ltmp0:
0x2b: {  	[tilespmem:s26+$0x13A20] =	vst v40;
	(pc) =	sbr.rel @p1 .LBB2_2-.Ltmp0, $4  }
0x2c: {  	[tilespmem:s26+$0x13A30] =	vst v40  }
0x2d: {  	[tilespmem:s26+$0x13A40] =	vst v40  }
0x2e: {  	[tilespmem:s26+$0x13A50] =	vst v40  }
0x2f: {  	[tilespmem:s26+$0x13A60] =	vst v40;
	s26 =	sshra.s32 s28, $0x2;
	s28 =	sadd.s32 $0x200, s28  }
0x30: {  	[tilespmem:s26+$0x13A70] =	vst v40  }
0x31: {  	[tilespmem:s26+$0x13A00] =	vst v40  }
0x32: {  	[tilespmem:s26+$0x13A10] =	vst v40  }
0x33: {  	[tilespmem:s26+$0x13A20] =	vst v40  }
0x34: {  	[tilespmem:s26+$0x13A30] =	vst v40  }
0x35: {  	[tilespmem:s26+$0x13A40] =	vst v40  }
0x36: {  	[tilespmem:s26+$0x13A50] =	vst v40  }
0x37: {  	[tilespmem:s26+$0x13A60] =	vst v40  }
0x38: {  	[tilespmem:$0x13880] =	vst v31  }
0x39: {  	[tilespmem:$0x13890] =	vst v0  }
0x3a: {  	[tilespmem:$0x138A0] =	vst v1  }
0x3b: {  	[tilespmem:$0x138B0] =	vst v2  }
0x3c: {  	[tilespmem:$0x138C0] =	vst v3  }
0x3d: {  	[spmem:s1] =	stream.indirect.scatter [tilespmem:s20], [sflag:$0x1], $0x80, s19, s18, $0xb8;
	[tilespmem:$0x18A00] =	vst v63  }
0x3e: {  	_ =	swait.ge [sflag:s21], $0x2800  }
0x3f: {  	[sflag:s21] =	ssyncset.done $0x0  }
0x40: {  	[sflag:s21] =	ssyncadd.s32 $0xFFFFD800  }
0x41: {  	[tilespmem:$0x13880] =	vst v4  }
0x42: {  	[tilespmem:$0x13890] =	vst v5  }
0x43: {  	[tilespmem:$0x138A0] =	vst v6  }
0x44: {  	[tilespmem:$0x138B0] =	vst v7  }
0x45: {  	[tilespmem:$0x138C0] =	vst v8  }
0x46: {  	[spmem:s1] =	stream.indirect.scatter [tilespmem:s20], [sflag:$0x1], $0x80, s19, s18, $0xb8;
	[tilespmem:$0x18A00] =	vst v63  }
0x47: {  	_ =	swait.ge [sflag:s21], $0x2800  }
0x48: {  	[sflag:s21] =	ssyncset.done $0x0  }
0x49: {  	[sflag:s21] =	ssyncadd.s32 $0xFFFFD800  }
0x4a: {  	[tilespmem:$0x13880] =	vst v9  }
0x4b: {  	[tilespmem:$0x13890] =	vst v10  }
0x4c: {  	[tilespmem:$0x138A0] =	vst v11  }
0x4d: {  	[tilespmem:$0x138B0] =	vst v12  }
0x4e: {  	[tilespmem:$0x138C0] =	vst v13  }
0x4f: {  	[spmem:s1] =	stream.indirect.scatter [tilespmem:s20], [sflag:$0x1], $0x80, s19, s18, $0xb8;
	[tilespmem:$0x18A00] =	vst v63  }
0x50: {  	_ =	swait.ge [sflag:s21], $0x2800  }
0x51: {  	[sflag:s21] =	ssyncset.done $0x0  }
0x52: {  	[sflag:s21] =	ssyncadd.s32 $0xFFFFD800  }
0x53: {  	[tilespmem:$0x13880] =	vst v14  }
0x54: {  	[tilespmem:$0x13890] =	vst v15  }
0x55: {  	[tilespmem:$0x138A0] =	vst v16  }
0x56: {  	[tilespmem:$0x138B0] =	vst v17  }
0x57: {  	[tilespmem:$0x138C0] =	vst v18  }
0x58: {  	[spmem:s1] =	stream.indirect.scatter [tilespmem:s20], [sflag:$0x1], $0x80, s19, s18, $0xb8;
	[tilespmem:$0x18A00] =	vst v63  }
0x59: {  	_ =	swait.ge [sflag:s21], $0x2800  }
0x5a: {  	[sflag:s21] =	ssyncset.done $0x0  }
0x5b: {  	[sflag:s21] =	ssyncadd.s32 $0xFFFFD800  }
0x5c: {  	[tilespmem:$0x13880] =	vst v19  }
0x5d: {  	[tilespmem:$0x13890] =	vst v20  }
0x5e: {  	[tilespmem:$0x138A0] =	vst v21  }
0x5f: {  	[tilespmem:$0x138B0] =	vst v22  }
0x60: {  	[tilespmem:$0x138C0] =	vst v23  }
0x61: {  	[spmem:s1] =	stream.indirect.scatter [tilespmem:s20], [sflag:$0x1], $0x80, s19, s18, $0xb8;
	[tilespmem:$0x18A00] =	vst v63  }
0x62: {  	_ =	swait.ge [sflag:s21], $0x2800  }
0x63: {  	[sflag:s21] =	ssyncset.done $0x0  }
0x64: {  	[sflag:s21] =	ssyncadd.s32 $0xFFFFD800  }
0x65: {  	[tilespmem:$0x13880] =	vst v24  }
0x66: {  	[tilespmem:$0x13890] =	vst v25  }
0x67: {  	[tilespmem:$0x138A0] =	vst v26  }
0x68: {  	[tilespmem:$0x138B0] =	vst v27  }
0x69: {  	[tilespmem:$0x138C0] =	vst v28  }
0x6a: {  	[spmem:s1] =	stream.indirect.scatter [tilespmem:s20], [sflag:$0x1], $0x80, s19, s18, $0xb8;
	[tilespmem:$0x18A00] =	vst v63  }
0x6b: {  	_ =	swait.ge [sflag:s21], $0x2800  }
0x6c: {  	[sflag:s21] =	ssyncset.done $0x0  }
0x6d: {  	[sflag:s21] =	ssyncadd.s32 $0xFFFFD800  }
0x6e: {  	[tilespmem:$0x13880] =	vst v29  }
0x6f: {  	[tilespmem:$0x13890] =	vst v30  }
0x70: {  	[tilespmem:$0x138A0] =	vst v32  }
0x71: {  	[tilespmem:$0x138B0] =	vst v33  }
0x72: {  	[tilespmem:$0x138C0] =	vst v34  }
0x73: {  	[spmem:s1] =	stream.indirect.scatter [tilespmem:s20], [sflag:$0x1], $0x80, s19, s18, $0xb8;
	[tilespmem:$0x18A00] =	vst v63  }
0x74: {  	_ =	swait.ge [sflag:s21], $0x2800  }
0x75: {  	[sflag:s21] =	ssyncset.done $0x0  }
0x76: {  	[sflag:s21] =	ssyncadd.s32 $0xFFFFD800  }
0x77: {  	[tilespmem:$0x13880] =	vst @!p0 v35  }
0x78: {  	[tilespmem:$0x13890] =	vst @!p0 v36  }
0x79: {  	[tilespmem:$0x138A0] =	vst @!p0 v37  }
0x7a: {  	[tilespmem:$0x138B0] =	vst @!p0 v38  }
0x7b: {  	s26 =	simm.s32 @!p0 $0x50;
	s28 =	simm.s32 @!p0 $0x13880;
	s29 =	simm.s32 @!p0 $0x13A00;
	[tilespmem:$0x138C0] =	vst @!p0 v39  }
0x7c: {  	[spmem:s1] =	stream.indirect.scatter @!p0 [tilespmem:s29], [sflag:$0x1], $0x80, s28, s26, $0xb8;
	[tilespmem:$0x18A00] =	vst v63  }
0x7d: {  	s26 =	simm.s32 @!p0 $0x1  }
0x7e: {  	_ =	swait.ge @!p0 [sflag:s26], $0x2800  }
0x7f: {  	[sflag:s26] =	ssyncset.done @!p0 $0x0  }
0x80: {  	[sflag:s26] =	ssyncadd.s32 @!p0 $0xFFFFD800  }
0x81: {  	s9 =	sadd.s32 $0x0, s14;
	[bflag:$0x0] =	sbarrier.arrive $0xFFFF  }
0x82: {  	[tilespmem:s22], [sflag:$0x1] =	stream.linear.gather [hbm4b:s9+s15], $0x50, $0x38;
	[tilespmem:$0x18A00] =	vst v63  }
0x83: {  	_ =	swait.ge [sflag:s21], $0x50  }
0x84: {  	[sflag:s21] =	ssyncset.done $0x0  }
0x85: {  	s30 =	sadd.s32 $0xFFFFFB00, s17;
	[sflag:s21] =	ssyncadd.s32 $0xFFFFFFB0  }
0x86: {  	[tilespmem:s20], [sflag:$0x1] =	stream.linear.gather [hbm4b:s30+s15], $0x2800, $0x38;
	[tilespmem:$0x18A00] =	vst v63  }
0x87: {  	_ =	swait.ge [sflag:s21], $0x2800  }
0x88: {  	[sflag:s21] =	ssyncset.done $0x0  }
0x89: {  	[sflag:s21] =	ssyncadd.s32 $0xFFFFD800  }
0x8a: {  	[spmem:s1] =	stream.indirect.scatter.add.f32 [tilespmem:s20], [sflag:$0x1], $0x80, s22, s18, $0xb8;
	[tilespmem:$0x18A00] =	vst v63  }
0x8b: {  	_ =	swait.ge [sflag:s21], $0x2800  }
0x8c: {  	[sflag:s21] =	ssyncset.done $0x0  }
0x8d: {  	s31 =	sadd.s32 $0x0, s13;
	[sflag:s21] =	ssyncadd.s32 $0xFFFFD800  }
0x8e: {  	[tilespmem:s23], [sflag:$0x1] =	stream.linear.gather [hbm4b:s31+s15], $0x50, $0x38;
	[tilespmem:$0x18A00] =	vst v63  }
0x8f: {  	_ =	swait.ge [sflag:s21], $0x50  }
0x90: {  	[sflag:s21] =	ssyncset.done $0x0  }
0x91: {  	[sflag:s21] =	ssyncadd.s32 $0xFFFFFFB0  }
0x92: {  	[tilespmem:s24], [sflag:$0x1] =	stream.linear.gather [hbm4b:s17+s15], $0x2800, $0x38;
	[tilespmem:$0x18A00] =	vst v63  }
0x93: {  	_ =	swait.ge [sflag:s21], $0x2800  }
0x94: {  	[sflag:s21] =	ssyncset.done $0x0  }
0x95: {  	[sflag:s21] =	ssyncadd.s32 $0xFFFFD800  }
0x96: {  	[spmem:s1] =	stream.indirect.scatter.add.f32 [tilespmem:s24], [sflag:$0x1], $0x80, s23, s18, $0xb8;
	[tilespmem:$0x18A00] =	vst v63  }
0x97: {  	s28 =	simm.s32 $0x14;
	_ =	swait.ge [sflag:s21], $0x2800  }
0x98: {  	s29 =	simm.s32 $0x28;
	s26 =	sadd.s32 $0xA00, s17;
	[sflag:s21] =	ssyncset.done $0x0  }
.LBB2_4:
0x99: {  	s30 =	sadd.s32 s28, s14  }
0x9a: {  	[sflag:s21] =	ssyncadd.s32 $0xFFFFD800;
	s31 =	smov.u32 s29;
	s9 =	sadd.s32 $0x14, s29  }
0x9b: {  	[tilespmem:s22], [sflag:$0x1] =	stream.linear.gather [hbm4b:s30+s15], $0x50, $0x38;
	[tilespmem:$0x18A00] =	vst v63  }
0x9c: {  	p1 =	sne.s32 s29, $0x4C4;
	_ =	swait.ge [sflag:s21], $0x50  }
0x9d: {  	[sflag:s21] =	ssyncset.done $0x0  }
0x9e: {  	s29 =	sadd.s32 $0xFFFFFB00, s26;
	[sflag:s21] =	ssyncadd.s32 $0xFFFFFFB0  }
0x9f: {  	[tilespmem:s20], [sflag:$0x1] =	stream.linear.gather [hbm4b:s29+s15], $0x2800, $0x38;
	[tilespmem:$0x18A00] =	vst v63  }
0xa0: {  	_ =	swait.ge [sflag:s21], $0x2800  }
0xa1: {  	[sflag:s21] =	ssyncset.done $0x0  }
0xa2: {  	[sflag:s21] =	ssyncadd.s32 $0xFFFFD800  }
0xa3: {  	[spmem:s1] =	stream.indirect.scatter.add.f32 [tilespmem:s20], [sflag:$0x1], $0x80, s22, s18, $0xb8;
	[tilespmem:$0x18A00] =	vst v63  }
0xa4: {  	_ =	swait.ge [sflag:s21], $0x2800  }
0xa5: {  	[sflag:s21] =	ssyncset.done $0x0  }
0xa6: {  	s29 =	sadd.s32 s28, s13;
	s28 =	smov.u32 s31;
	[sflag:s21] =	ssyncadd.s32 $0xFFFFD800  }
0xa7: {  	[tilespmem:s23], [sflag:$0x1] =	stream.linear.gather [hbm4b:s29+s15], $0x50, $0x38;
	[tilespmem:$0x18A00] =	vst v63  }
0xa8: {  	_ =	swait.ge [sflag:s21], $0x50  }
0xa9: {  	[sflag:s21] =	ssyncset.done $0x0  }
0xaa: {  	[sflag:s21] =	ssyncadd.s32 $0xFFFFFFB0  }
0xab: {  	[tilespmem:s24], [sflag:$0x1] =	stream.linear.gather [hbm4b:s26+s15], $0x2800, $0x38;
	[tilespmem:$0x18A00] =	vst v63  }
0xac: {  	_ =	swait.ge [sflag:s21], $0x2800  }
.Ltmp1:
0xad: {  	[sflag:s21] =	ssyncset.done $0x0;
	(pc) =	sbr.rel @p1 .LBB2_4-.Ltmp1, $4  }
0xae: {  	[sflag:s21] =	ssyncadd.s32 $0xFFFFD800  }
0xaf: {  	[spmem:s1] =	stream.indirect.scatter.add.f32 [tilespmem:s24], [sflag:$0x1], $0x80, s23, s18, $0xb8;
	[tilespmem:$0x18A00] =	vst v63  }
0xb0: {  	_ =	swait.ge [sflag:s21], $0x2800  }
0xb1: {  	s29 =	smov.u32 s9;
	s26 =	sadd.s32 $0xA00, s26;
	[sflag:s21] =	ssyncset.done $0x0  }
0xb2: {  	s9 =	sadd.s32 s28, s14;
	[sflag:s21] =	ssyncadd.s32 $0xFFFFD800  }
0xb3: {  	[tilespmem:s22], [sflag:$0x1] =	stream.linear.gather [hbm4b:s9+s15], $0x50, $0x38;
	[tilespmem:$0x18A00] =	vst v63  }
0xb4: {  	_ =	swait.ge [sflag:s21], $0x50  }
0xb5: {  	[sflag:s21] =	ssyncset.done $0x0  }
0xb6: {  	s30 =	sadd.s32 $0xFFFFFB00, s26;
	[sflag:s21] =	ssyncadd.s32 $0xFFFFFFB0  }
0xb7: {  	[tilespmem:s20], [sflag:$0x1] =	stream.linear.gather [hbm4b:s30+s15], $0x2800, $0x38;
	[tilespmem:$0x18A00] =	vst v63  }
0xb8: {  	_ =	swait.ge [sflag:s21], $0x2800  }
0xb9: {  	[sflag:s21] =	ssyncset.done $0x0  }
0xba: {  	[sflag:s21] =	ssyncadd.s32 $0xFFFFD800  }
0xbb: {  	[spmem:s1] =	stream.indirect.scatter.add.f32 [tilespmem:s20], [sflag:$0x1], $0x80, s22, s18, $0xb8;
	[tilespmem:$0x18A00] =	vst v63  }
0xbc: {  	_ =	swait.ge [sflag:s21], $0x2800  }
0xbd: {  	[sflag:s21] =	ssyncset.done $0x0  }
0xbe: {  	s31 =	sadd.s32 s28, s13;
	[sflag:s21] =	ssyncadd.s32 $0xFFFFD800  }
0xbf: {  	[tilespmem:s23], [sflag:$0x1] =	stream.linear.gather [hbm4b:s31+s15], $0x50, $0x38;
	[tilespmem:$0x18A00] =	vst v63  }
0xc0: {  	_ =	swait.ge [sflag:s21], $0x50  }
0xc1: {  	[sflag:s21] =	ssyncset.done $0x0  }
0xc2: {  	[sflag:s21] =	ssyncadd.s32 $0xFFFFFFB0  }
0xc3: {  	[tilespmem:s24], [sflag:$0x1] =	stream.linear.gather [hbm4b:s26+s15], $0x2800, $0x38;
	[tilespmem:$0x18A00] =	vst v63  }
0xc4: {  	_ =	swait.ge [sflag:s21], $0x2800  }
0xc5: {  	[sflag:s21] =	ssyncset.done $0x0  }
0xc6: {  	[sflag:s21] =	ssyncadd.s32 $0xFFFFD800  }
0xc7: {  	[spmem:s1] =	stream.indirect.scatter.add.f32 [tilespmem:s24], [sflag:$0x1], $0x80, s23, s18, $0xb8;
	[tilespmem:$0x18A00] =	vst v63  }
0xc8: {  	_ =	swait.ge [sflag:s21], $0x2800  }
0xc9: {  	[sflag:s21] =	ssyncset.done $0x0  }
0xca: {  	[sflag:s21] =	ssyncadd.s32 $0xFFFFD800  }
0xcb: {  	[tilespmem:s23], [sflag:$0x1] =	stream.linear.gather [hbm4b:s12+s15], $0x50, $0x38;
	[tilespmem:$0x18A00] =	vst v63  }
0xcc: {  	_ =	swait.ge [sflag:s21], $0x50  }
0xcd: {  	[sflag:s21] =	ssyncset.done $0x0  }
0xce: {  	[sflag:s21] =	ssyncadd.s32 $0xFFFFFFB0  }
0xcf: {  	[tilespmem:s24], [sflag:$0x1] =	stream.linear.gather [hbm4b:s11+s15], $0x2800, $0x38;
	[tilespmem:$0x18A00] =	vst v63  }
0xd0: {  	_ =	swait.ge [sflag:s21], $0x2800  }
0xd1: {  	[sflag:s21] =	ssyncset.done $0x0  }
0xd2: {  	[sflag:s21] =	ssyncadd.s32 $0xFFFFD800  }
0xd3: {  	[spmem:s1] =	stream.indirect.scatter.add.f32 [tilespmem:s24], [sflag:$0x1], $0x80, s23, s18, $0xb8;
	[tilespmem:$0x18A00] =	vst v63  }
0xd4: {  	_ =	swait.ge [sflag:s21], $0x2800  }
0xd5: {  	[sflag:s21] =	ssyncset.done $0x0  }
0xd6: {  	[sflag:s21] =	ssyncadd.s32 $0xFFFFD800  }
0xd7: {  	[bflag:$0x0] =	sbarrier.arrive $0xFFFF  }
0xd8: {  	[tilespmem:$0x13880] =	vst v31  }
0xd9: {  	[tilespmem:$0x13890] =	vst v0  }
0xda: {  	[tilespmem:$0x138A0] =	vst v1  }
0xdb: {  	[tilespmem:$0x138B0] =	vst v2  }
0xdc: {  	[tilespmem:$0x138C0] =	vst v3  }
0xdd: {  	[tilespmem:s20], [sflag:$0x1] =	stream.indirect.gather [spmem:s1], $0x80, s19, s18, $0xb8;
	[tilespmem:$0x18A00] =	vst v63  }
0xde: {  	_ =	swait.ge [sflag:s21], $0x2800  }
0xdf: {  	[sflag:s21] =	ssyncset.done $0x0  }
0xe0: {  	[sflag:s21] =	ssyncadd.s32 $0xFFFFD800  }
0xe1: {  	[hbm4b:s2+s15] =	stream.linear.scatter [tilespmem:s20], [sflag:$0x1], $0x2800, $0x38;
	[tilespmem:$0x18A00] =	vst v63  }
0xe2: {  	_ =	swait.ge [sflag:s21], $0x2800  }
0xe3: {  	[sflag:s21] =	ssyncset.done $0x0  }
0xe4: {  	[sflag:s21] =	ssyncadd.s32 $0xFFFFD800  }
0xe5: {  	[tilespmem:$0x13880] =	vst v4  }
0xe6: {  	[tilespmem:$0x13890] =	vst v5  }
0xe7: {  	[tilespmem:$0x138A0] =	vst v6  }
0xe8: {  	[tilespmem:$0x138B0] =	vst v7  }
0xe9: {  	[tilespmem:$0x138C0] =	vst v8  }
0xea: {  	[tilespmem:s20], [sflag:$0x1] =	stream.indirect.gather [spmem:s1], $0x80, s19, s18, $0xb8;
	[tilespmem:$0x18A00] =	vst v63  }
0xeb: {  	_ =	swait.ge [sflag:s21], $0x2800  }
0xec: {  	[sflag:s21] =	ssyncset.done $0x0  }
0xed: {  	[sflag:s21] =	ssyncadd.s32 $0xFFFFD800  }
0xee: {  	[hbm4b:s3+s15] =	stream.linear.scatter [tilespmem:s20], [sflag:$0x1], $0x2800, $0x38;
	[tilespmem:$0x18A00] =	vst v63  }
0xef: {  	_ =	swait.ge [sflag:s21], $0x2800  }
0xf0: {  	[sflag:s21] =	ssyncset.done $0x0  }
0xf1: {  	[sflag:s21] =	ssyncadd.s32 $0xFFFFD800  }
0xf2: {  	[tilespmem:$0x13880] =	vst v9  }
0xf3: {  	[tilespmem:$0x13890] =	vst v10  }
0xf4: {  	[tilespmem:$0x138A0] =	vst v11  }
0xf5: {  	[tilespmem:$0x138B0] =	vst v12  }
0xf6: {  	[tilespmem:$0x138C0] =	vst v13  }
0xf7: {  	[tilespmem:s20], [sflag:$0x1] =	stream.indirect.gather [spmem:s1], $0x80, s19, s18, $0xb8;
	[tilespmem:$0x18A00] =	vst v63  }
0xf8: {  	_ =	swait.ge [sflag:s21], $0x2800  }
0xf9: {  	[sflag:s21] =	ssyncset.done $0x0  }
0xfa: {  	[sflag:s21] =	ssyncadd.s32 $0xFFFFD800  }
0xfb: {  	[hbm4b:s4+s15] =	stream.linear.scatter [tilespmem:s20], [sflag:$0x1], $0x2800, $0x38;
	[tilespmem:$0x18A00] =	vst v63  }
0xfc: {  	_ =	swait.ge [sflag:s21], $0x2800  }
0xfd: {  	[sflag:s21] =	ssyncset.done $0x0  }
0xfe: {  	[sflag:s21] =	ssyncadd.s32 $0xFFFFD800  }
0xff: {  	[tilespmem:$0x13880] =	vst v14  }
0x100: {  	[tilespmem:$0x13890] =	vst v15  }
0x101: {  	[tilespmem:$0x138A0] =	vst v16  }
0x102: {  	[tilespmem:$0x138B0] =	vst v17  }
0x103: {  	[tilespmem:$0x138C0] =	vst v18  }
0x104: {  	[tilespmem:s20], [sflag:$0x1] =	stream.indirect.gather [spmem:s1], $0x80, s19, s18, $0xb8;
	[tilespmem:$0x18A00] =	vst v63  }
0x105: {  	_ =	swait.ge [sflag:s21], $0x2800  }
0x106: {  	[sflag:s21] =	ssyncset.done $0x0  }
0x107: {  	[sflag:s21] =	ssyncadd.s32 $0xFFFFD800  }
0x108: {  	[hbm4b:s5+s15] =	stream.linear.scatter [tilespmem:s20], [sflag:$0x1], $0x2800, $0x38;
	[tilespmem:$0x18A00] =	vst v63  }
0x109: {  	_ =	swait.ge [sflag:s21], $0x2800  }
0x10a: {  	[sflag:s21] =	ssyncset.done $0x0  }
0x10b: {  	[sflag:s21] =	ssyncadd.s32 $0xFFFFD800  }
0x10c: {  	[tilespmem:$0x13880] =	vst v19  }
0x10d: {  	[tilespmem:$0x13890] =	vst v20  }
0x10e: {  	[tilespmem:$0x138A0] =	vst v21  }
0x10f: {  	[tilespmem:$0x138B0] =	vst v22  }
0x110: {  	[tilespmem:$0x138C0] =	vst v23  }
0x111: {  	[tilespmem:s20], [sflag:$0x1] =	stream.indirect.gather [spmem:s1], $0x80, s19, s18, $0xb8;
	[tilespmem:$0x18A00] =	vst v63  }
0x112: {  	_ =	swait.ge [sflag:s21], $0x2800  }
0x113: {  	[sflag:s21] =	ssyncset.done $0x0  }
0x114: {  	[sflag:s21] =	ssyncadd.s32 $0xFFFFD800  }
0x115: {  	[hbm4b:s6+s15] =	stream.linear.scatter [tilespmem:s20], [sflag:$0x1], $0x2800, $0x38;
	[tilespmem:$0x18A00] =	vst v63  }
0x116: {  	_ =	swait.ge [sflag:s21], $0x2800  }
0x117: {  	[sflag:s21] =	ssyncset.done $0x0  }
0x118: {  	[sflag:s21] =	ssyncadd.s32 $0xFFFFD800  }
0x119: {  	[tilespmem:$0x13880] =	vst v24  }
0x11a: {  	[tilespmem:$0x13890] =	vst v25  }
0x11b: {  	[tilespmem:$0x138A0] =	vst v26  }
0x11c: {  	[tilespmem:$0x138B0] =	vst v27  }
0x11d: {  	[tilespmem:$0x138C0] =	vst v28  }
0x11e: {  	[tilespmem:s20], [sflag:$0x1] =	stream.indirect.gather [spmem:s1], $0x80, s19, s18, $0xb8;
	[tilespmem:$0x18A00] =	vst v63  }
0x11f: {  	_ =	swait.ge [sflag:s21], $0x2800  }
0x120: {  	[sflag:s21] =	ssyncset.done $0x0  }
0x121: {  	[sflag:s21] =	ssyncadd.s32 $0xFFFFD800  }
0x122: {  	[hbm4b:s7+s15] =	stream.linear.scatter [tilespmem:s20], [sflag:$0x1], $0x2800, $0x38;
	[tilespmem:$0x18A00] =	vst v63  }
0x123: {  	_ =	swait.ge [sflag:s21], $0x2800  }
0x124: {  	[sflag:s21] =	ssyncset.done $0x0  }
0x125: {  	[sflag:s21] =	ssyncadd.s32 $0xFFFFD800  }
0x126: {  	[tilespmem:$0x13880] =	vst v29  }
0x127: {  	[tilespmem:$0x13890] =	vst v30  }
0x128: {  	[tilespmem:$0x138A0] =	vst v32  }
0x129: {  	[tilespmem:$0x138B0] =	vst v33  }
0x12a: {  	[tilespmem:$0x138C0] =	vst v34  }
0x12b: {  	[tilespmem:s20], [sflag:$0x1] =	stream.indirect.gather [spmem:s1], $0x80, s19, s18, $0xb8;
	[tilespmem:$0x18A00] =	vst v63  }
0x12c: {  	_ =	swait.ge [sflag:s21], $0x2800  }
0x12d: {  	[sflag:s21] =	ssyncset.done $0x0  }
0x12e: {  	[sflag:s21] =	ssyncadd.s32 $0xFFFFD800  }
0x12f: {  	[hbm4b:s8+s15] =	stream.linear.scatter [tilespmem:s20], [sflag:$0x1], $0x2800, $0x38;
	[tilespmem:$0x18A00] =	vst v63  }
0x130: {  	_ =	swait.ge [sflag:s21], $0x2800  }
0x131: {  	[sflag:s21] =	ssyncset.done $0x0  }
0x132: {  	[sflag:s21] =	ssyncadd.s32 $0xFFFFD800  }
0x133: {  	[tilespmem:$0x13880] =	vst @!p0 v35  }
0x134: {  	[tilespmem:$0x13890] =	vst @!p0 v36  }
0x135: {  	[tilespmem:$0x138A0] =	vst @!p0 v37  }
0x136: {  	[tilespmem:$0x138B0] =	vst @!p0 v38  }
0x137: {  	s28 =	simm.s32 @!p0 $0x13A00;
	s9 =	simm.s32 @!p0 $0x50;
	s26 =	simm.s32 @!p0 $0x13880;
	[tilespmem:$0x138C0] =	vst @!p0 v39  }
0x138: {  	[tilespmem:s28], [sflag:$0x1] =	stream.indirect.gather @!p0 [spmem:s1], $0x80, s26, s9, $0xb8;
	[tilespmem:$0x18A00] =	vst v63  }
0x139: {  	s9 =	simm.s32 @!p0 $0x1  }
0x13a: {  	s25 =	sadd.s32 $0x1, s25;
	_ =	swait.ge @!p0 [sflag:s9], $0x2800  }
0x13b: {  	p1 =	sne.s32 s25, s16;
	[sflag:s9] =	ssyncset.done @!p0 $0x0  }
.Ltmp2:
0x13c: {  	s26 =	simm.s32 @!p0 $0x0;
	[sflag:s9] =	ssyncadd.s32 @!p0 $0xFFFFD800;
	(pc) =	sbr.rel @p1 .LBB2_1-.Ltmp2, $4  }
0x13d: {  	[hbm4b:s10+s26] =	stream.linear.scatter @!p0 [tilespmem:s28], [sflag:$0x1], $0x2800, $0x38;
	[tilespmem:$0x18A00] =	vst v63  }
0x13e: {  	_ =	swait.ge @!p0 [sflag:s9], $0x2800  }
0x13f: {  	[sflag:s9] =	ssyncset.done @!p0 $0x0  }
0x140: {  	[sflag:s9] =	ssyncadd.s32 @!p0 $0xFFFFD800  }
0x141: {  	_ =	sfence.sel $0x180000  }
0x142: {  	[bflag:$0x0] =	sbarrier.arrive $0xFFFF  }
0x143: {  	_ =	strace $0x90000047  }
0x144: {  	[bflag:$0x2] =	sbarrier.arrive $0xFFFF  }
0x145: {  	p0 =	sne.s32 s0, $0x0;
	s0 =	rddreg [dreg:$0x2]  }
0x146: {  	s0 =	sadd.s32 @!p0 $0x100000, s0  }
0x147: {  	[sflag:s0] =	ssyncadd.tile.s32 @!p0 $0x1;
	_ =	shalt  }
.Lfunc_end2:
_tile_overlayer_lowered:
.L_overlay_start_2:
0x148: {  	(tag) =	ssettag $0x2  }
0x149: {  	s0 =	rddreg [dreg:$0x0];
	s2 =	stileid.u32  }
0x14a: {  	s1 =	rddreg [dreg:$0x1];
	p0 =	sne.s32 s2, $0x0  }
0x14b: {  	s3 =	rddreg [dreg:$0x2];
	[bflag:$0x3] =	sbarrier.arrive $0xFFFF;
	s2 =	simm.s32 @!p0 $0x1C01  }
0x14c: {  	[timem:s3], [sflag:s2] =	dma.local @!p0 [hbm:s0], s1  }
0x14d: {  	s0 =	simm.s32 @!p0 $0x1  }
0x14e: {  	_ =	swait.ge @!p0 [sflag:s0], s1  }
0x14f: {  	s1 =	ssub.s32 @!p0 $0x0, s1;
	[sflag:s0] =	ssyncset.done @!p0 $0x0  }
0x150: {  	[sflag:s0] =	ssyncadd.s32 @!p0 s1  }
0x151: {  	[bflag:$0x3] =	sbarrier.arrive $0xFFFF  }
0x152: {  	_ =	shalt  }

// kernel: kernel.7.cloned.1.call-start
scs
__scs_entry_jumppad:
0x0: {  	(pc) =	sbr.rel $0x88, $3  }
0x1: {  	(tag) =	ssettag $0x0;
	lr =	simm.s32 $0x1  }
0x2: {  	[smem:$0x3F92] =	sst lr;
	_ =	strace $0xD0000000  }
0x3: {  	_ = 	snop  }
0x4: {  	_ = 	snop  }
0x5: {  	_ = 	snop  }
0x6: {  	_ = 	snop  }
0x7: {  	_ = 	snop  }
__scs_overlays_trampoline_lowered:
0x8: {  	[smem:$0x3FA1] =	sst s0  }
0x9: {  	[smem:$0x3FA2] =	sst s1  }
0xa: {  	[smem:$0x3FA3] =	sst s2  }
0xb: {  	[smem:$0x3FA4] =	sst s3  }
0xc: {  	[smem:$0x3FA5] =	sst s4  }
0xd: {  	[smem:$0x3FA6] =	sst s5  }
0xe: {  	[smem:$0x3FA7] =	sst s6  }
0xf: {  	[smem:$0x3FA8] =	sst s7  }
0x10: {  	[smem:$0x3FA9] =	sst s8  }
0x11: {  	[smem:$0x3FAA] =	sst s9;
	s0 =	simm.s32 @!p0 $0x0  }
0x12: {  	s1 =	sld [smem:$0x3F90];
	s0 =	simm.s32 @p0 $0x1  }
0x13: {  	[smem:$0x3FAB] =	sst s0;
	s0 =	simm.s32 @!p1 $0x0  }
0x14: {  	s2 =	sld [smem:$0x3F8F];
	s0 =	simm.s32 @p1 $0x1  }
0x15: {  	[smem:$0x3FAC] =	sst s0;
	s0 =	simm.s32 @!p2 $0x0  }
0x16: {  	s3 =	sld [smem:$0x3FDB];
	s0 =	simm.s32 @p2 $0x1  }
0x17: {  	s4 =	simm.s32 $0x1BF5;
	[smem:$0x3FAE] =	sst s0  }
0x18: {  	s0 =	sld [smem:$0x3F91];
	_ =	swait.ge [sflag:s4], $0x0  }
0x19: {  	s7 =	sld [smem:$0x3F92]  }
0x1a: {  	s8 =	sadd.s32 $0xFFFFE003, lr  }
0x1b: {  	s9 =	sadd.s32 $0xFFFFFEF7, lr;
	s5 =	simm.s32 $0xFFFFFFFF;
	p2 =	slt.u32 s8, $0xFFFFF086  }
0x1c: {  	p1 =	slt.u32 s9, $0xF7A;
	s5 =	simm.s32 @!p2 $0x0  }
0x1d: {  	s5 =	simm.s32 @p1 $0x1;
	p0 =	seq.s32 s7, s2  }
0x1e: {  	s7 =	smul.u32 @!p0 $0xF7A, s2;
	p2 =	seq.s32 @!p0 s5, $0x0  }
0x1f: {  	s9 =	smul.u32 $0xF7A, s1;
	s8 =	simm.s32 @!p0 $0x1BF5;
	p2 =	por !p2, p0  }
0x20: {  	[sflag:s8] =	ssyncset.s32 @!p0 $0xFFFFF086;
	s6 =	sadd.s32 @!p0 s3, s7;
	s7 =	simm.s32 @!p0 $0x108  }
0x21: {  	s3 =	sadd.s32 s3, s9;
	s6 =	sadd.s32 @!p0 $0x88, s6;
	s7 =	simm.s32 @p2 $0x1082  }
0x22: {  	[simem:s7], [sflag:s8] =	dma.local @!p0 [hbm:s6], $0xF7A  }
0x23: {  	s9 =	sor.u32 $0xD0000000, s2;
	s6 =	simm.s32 $0x108;
	_ =	swait.ge @!p0 [sflag:s8], $0x0  }
0x24: {  	s3 =	sadd.s32 $0x88, s3;
	s6 =	simm.s32 @!p1 $0x1082;
	[sflag:s4] =	ssyncset.s32 $0xFFFFF086  }
0x25: {  	[simem:s6], [sflag:s4] =	dma.local [hbm:s3], $0xF7A  }
0x26: {  	[smem:$0x3F92] =	sst s1;
	(tag) =	ssettag s2;
	_ =	strace s9  }
0x27: {  	s1 =	sld [smem:$0x3FA2]  }
0x28: {  	s2 =	sld [smem:$0x3FA3]  }
0x29: {  	s4 =	sld [smem:$0x3FA5]  }
0x2a: {  	p0 =	seq.s32 s5, $0x0;
	s5 =	sld [smem:$0x3FA6]  }
0x2b: {  	s6 =	sld [smem:$0x3FA7]  }
0x2c: {  	s7 =	sld [smem:$0x3FA8]  }
0x2d: {  	s3 =	simm.s32 $0x108;
	s8 =	sld [smem:$0x3FA9]  }
0x2e: {  	s3 =	simm.s32 @!p0 $0x1082;
	s9 =	sld [smem:$0x3FAA]  }
0x2f: {  	lr =	sadd.s32 s0, s3;
	s0 =	sld [smem:$0x3FA1]  }
0x30: {  	s3 =	sld [smem:$0x3FA4]  }
0x31: {  	[smem:$0x3FAD] =	sst s10  }
0x32: {  	s10 =	sld [smem:$0x3FAB];
	_ =	sdelay $0x3  }
0x33: {  	p0 =	seq.s32 s10, $0x1;
	s10 =	sld [smem:$0x3FAD];
	_ =	sdelay $0x3  }
0x34: {  	[smem:$0x3FAD] =	sst s10  }
0x35: {  	s10 =	sld [smem:$0x3FAC];
	_ =	sdelay $0x3  }
0x36: {  	p1 =	seq.s32 s10, $0x1;
	s10 =	sld [smem:$0x3FAD];
	_ =	sdelay $0x3  }
0x37: {  	[smem:$0x3FAD] =	sst s10  }
0x38: {  	s10 =	sld [smem:$0x3FAE]  }
0x39: {  	_ = 	snop;
	(pc) =	sbr.ind lr, $3  }
0x3a: {  	_ = 	snop  }
0x3b: {  	_ = 	snop  }
0x3c: {  	p2 =	seq.s32 s10, $0x1;
	s10 =	sld [smem:$0x3FAD]  }
0x3d: {  	_ =	shalt  }
0x3e: {  	_ =	shalt  }
0x3f: {  	_ =	shalt  }
0x40: {  	_ =	shalt  }
0x41: {  	_ =	shalt  }
0x42: {  	_ =	shalt  }
0x43: {  	_ =	shalt  }
0x44: {  	_ =	shalt  }
0x45: {  	_ =	shalt  }
0x46: {  	_ =	shalt  }
0x47: {  	_ =	shalt  }
0x48: {  	_ =	shalt  }
0x49: {  	_ =	shalt  }
0x4a: {  	_ =	shalt  }
0x4b: {  	_ =	shalt  }
0x4c: {  	_ =	shalt  }
0x4d: {  	_ =	shalt  }
0x4e: {  	_ =	shalt  }
0x4f: {  	_ =	shalt  }
0x50: {  	_ =	shalt  }
0x51: {  	_ =	shalt  }
0x52: {  	_ =	shalt  }
0x53: {  	_ =	shalt  }
0x54: {  	_ =	shalt  }
0x55: {  	_ =	shalt  }
0x56: {  	_ =	shalt  }
0x57: {  	_ =	shalt  }
0x58: {  	_ =	shalt  }
0x59: {  	_ =	shalt  }
0x5a: {  	_ =	shalt  }
0x5b: {  	_ =	shalt  }
0x5c: {  	_ =	shalt  }
0x5d: {  	_ =	shalt  }
0x5e: {  	_ =	shalt  }
0x5f: {  	_ =	shalt  }
0x60: {  	_ =	shalt  }
0x61: {  	_ =	shalt  }
0x62: {  	_ =	shalt  }
0x63: {  	_ =	shalt  }
0x64: {  	_ =	shalt  }
0x65: {  	_ =	shalt  }
0x66: {  	_ =	shalt  }
0x67: {  	_ =	shalt  }
0x68: {  	_ =	shalt  }
0x69: {  	_ =	shalt  }
0x6a: {  	_ =	shalt  }
0x6b: {  	_ =	shalt  }
0x6c: {  	_ =	shalt  }
0x6d: {  	_ =	shalt  }
0x6e: {  	_ =	shalt  }
0x6f: {  	_ =	shalt  }
0x70: {  	_ =	shalt  }
0x71: {  	_ =	shalt  }
0x72: {  	_ =	shalt  }
0x73: {  	_ =	shalt  }
0x74: {  	_ =	shalt  }
0x75: {  	_ =	shalt  }
0x76: {  	_ =	shalt  }
0x77: {  	_ =	shalt  }
0x78: {  	_ =	shalt  }
0x79: {  	_ =	shalt  }
0x7a: {  	_ =	shalt  }
0x7b: {  	_ =	shalt  }
0x7c: {  	_ =	shalt  }
0x7d: {  	_ =	shalt  }
0x7e: {  	_ =	shalt  }
0x7f: {  	_ =	shalt  }
0x80: {  	_ =	shalt  }
0x81: {  	_ =	shalt  }
0x82: {  	_ =	shalt  }
0x83: {  	_ =	shalt  }
0x84: {  	_ =	shalt  }
0x85: {  	_ =	shalt  }
0x86: {  	_ =	shalt  }
0x87: {  	_ =	shalt  }
.Lfunc_end0:
.L_simem_size_0:
called_computation_lowered:
.L_overlay_start_0:
0x88: {  	s2 =	sld [smem:$0x3FD9]  }
0x89: {  	s3 =	sld [smem:$0x3FFE];
	_ =	sdelay $0x1  }
0x8a: {  	s1 =	srdreg.scid  }
0x8b: {  	s0 =	sand.u32 $0x1, s1  }
0x8c: {  	s17 =	sshll.u32 s0, $0xA;
	s2 =	sadd.s32 s3, s2  }
0x8d: {  	s2 =	sadd.s32 s2, s17  }
0x8e: {  	[smem:$0x3FB9] =	sst s2  }
0x8f: {  	_ = 	snop  }
0x90: {  	s18 =	sld [smem:$0x3FD0];
	(tm) =	ssettm $0x1  }
0x91: {  	s19 =	sld [smem:$0x3FFB];
	_ =	sdelay $0x3  }
0x92: {  	_ =	strace s19  }
0x93: {  	s2 =	sld [smem:$0x3FFC];
	_ =	sdelay $0x3  }
0x94: {  	_ =	strace s2  }
0x95: {  	s2 =	sld [smem:$0x3FFD];
	_ =	sdelay $0x3  }
0x96: {  	_ =	strace s2  }
0x97: {  	_ =	strace $0x8FFFFFFF  }
0x98: {  	s20 =	sld [smem:$0x3FDB];
	_ =	sdelay $0x1  }
0x99: {  	s4 =	simm.s32 $_scs_section_size  }
0x9a: {  	s5 =	simm.s32 $_size__tile_overlayer_lowered;
	s6 =	simm.s32 $_tile_overlayer_lowered  }
0x9b: {  	s7 =	simm.s32 $0x1BFF;
	s21 =	sshll.u32 s6, $0x1;
	s4 =	sadd.s32 s4, s20  }
0x9c: {  	s22 =	simm.s32 $0x0;
	s5 =	sshll.u32 s5, $0x1;
	s6 =	sadd.s32 s21, s4  }
0x9d: {  	[timem:s22], [sflag:s7] =	dma.local [hbm:s6], s5  }
0x9e: {  	_ =	swait.ge [sflag:s7], s5  }
0x9f: {  	s5 =	ssub.s32 $0x0, s5;
	[sflag:s7] =	ssyncset.done $0x0  }
0xa0: {  	[sflag:s7] =	ssyncadd.s32 s5;
	_ =	sdelay $0x1  }
0xa1: {  	s23 =	simm.s32 $0x1B8B  }
0xa2: {  	_ =	swait.ge [sflag:s23], $0x1  }
0xa3: {  	[sflag:s23] =	ssyncset.done $0x0  }
0xa4: {  	[sflag:s23] =	ssyncadd.s32 $0xFFFFFFFF  }
0xa5: {  	s5 =	sld [smem:$0x0]  }
0xa6: {  	s6 =	sand.u32 $0xFFFFFFFE, s1  }
0xa7: {  	p0 =	sne.s32 s1, s6  }
0xa8: {  	s6 =	sshll.u32 @p0 s6, $0xE  }
0xa9: {  	s6 =	sadd.s32 @p0 $0x11B8D, s6;
	s7 =	sshll.u32 @p0 s5, $0x11  }
0xaa: {  	s6 =	sor.u32 @p0 s7, s6  }
0xab: {  	[sflag:s6] =	ssyncadd.remote.s32 @p0 $0x1;
	_ =	sdelay $0x1  }
0xac: {  	s6 =	simm.s32 @p0 $0x1B8D  }
0xad: {  	_ =	swait.eq @p0 [sflag:s6], $0x1  }
0xae: {  	[sflag:s6] =	ssyncadd.s32 @p0 $0xFFFFFFFF  }
0xaf: {  	s7 =	sshll.u32 @!p0 s1, $0xE  }
0xb0: {  	s7 =	sor.u32 @!p0 $0x4000, s7;
	s6 =	simm.s32 @!p0 $0x1B8D  }
0xb1: {  	s5 =	sshll.u32 @!p0 s5, $0x11;
	s7 =	sadd.s32 @!p0 $0x11B8D, s7;
	_ =	swait.eq @!p0 [sflag:s6], $0x1  }
0xb2: {  	s5 =	sor.u32 @!p0 s5, s7;
	[sflag:s6] =	ssyncadd.s32 @!p0 $0xFFFFFFFF  }
0xb3: {  	s25 =	simm.s32 $0x1B8E;
	s24 =	sld [smem:$0x3FFE];
	[sflag:s5] =	ssyncadd.remote.s32 @!p0 $0x1  }
0xb4: {  	s26 =	simm.s32 $execute0_lowered;
	[smem:$0x3FD2] =	sst s25  }
0xb5: {  	s6 =	sshll.u32 s26, $0x1;
	_ =	strace $0x80000049;
	[dreg:$0x1] =	wrdreg $0xFFFFFFFF  }
0xb6: {  	s28 =	simm.s32 $_size_execute0_lowered;
	s4 =	sadd.s32 s4, s6;
	[dreg:$0x0] =	wrdreg $0x0  }
0xb7: {  	s6 =	sshll.u32 s28, $0x1;
	[dreg:$0x2] =	wrdreg s4  }
0xb8: {  	[dreg:$0x3] =	wrdreg s6  }
0xb9: {  	[dreg:$0x4] =	wrdreg $0xC0  }
0xba: {  	_ =	task [dreg:s22], $0x5FFFF  }
0xbb: {  	[dreg:$0x1] =	wrdreg $0xFFFFFFFF  }
0xbc: {  	[dreg:$0x0] =	wrdreg $0x60  }
0xbd: {  	[dreg:$0x2] =	wrdreg s18  }
0xbe: {  	[dreg:$0x3] =	wrdreg s24  }
0xbf: {  	[dreg:$0x4] =	wrdreg $0x0  }
0xc0: {  	[dreg:$0x5] =	wrdreg $0x9  }
0xc1: {  	_ =	task.clear_ibuf [dreg:s22], $0x6FFFF;
	_ =	strace $0x90000049  }
0xc2: {  	s29 =	simm.s32 $0x9;
	_ =	strace $0x8000004B  }
0xc3: {  	_ =	swait.ge [sflag:s29], $0x1  }
0xc4: {  	[sflag:s29] =	ssyncadd.s32 $0xFFFFFFFF  }
0xc5: {  	_ =	strace $0x9000004B  }
0xc6: {  	_ =	sfence  }
0xc7: {  	s30 =	sld [smem:$0x0];
	_ =	sdelay $0x2  }
0xc8: {  	s31 =	sshll.u32 s1, $0xD;
	s1 =	sshrl.u32 s1, $0x2  }
0xc9: {  	s4 =	sand.u32 $0x4000, s31;
	s1 =	sadd.s32 s1, s30  }
0xca: {  	s0 =	sor.u32 s4, s0;
	s1 =	sshll.u32 s1, $0x11  }
0xcb: {  	s0 =	sor.u32 s1, s0  }
0xcc: {  	s0 =	sadd.s32 $0x8F2B, s0  }
0xcd: {  	[sflag:s0] =	ssyncadd.remote.s32 $0x1  }
0xce: {  	_ =	sfence.sel $0xFFFF  }
0xcf: {  	[dreg:$0x0] =	wrdreg $0xFFFFFFFF;
	(pc) =	sbr.abs _section_cstart, $3  }
0xd0: {  	[dreg:$0x1] =	wrdreg $0xFFFFFFFF  }
0xd1: {  	_ =	task.clear_ibuf [dreg:s22], $0x2FFFF;
	_ =	strace $0x9FFFFFFF  }
0xd2: {  	(tm) =	ssettm $0x7FFFFFFF  }
0xd3: {  	_ =	shalt  }
tec
execute0_lowered:
.L_overlay_start_1:
0x0: {  	(tag) =	ssettag $0x1  }
0x1: {  	s0 =	rddreg [dreg:$0x0]  }
0x2: {  	s2 =	rddreg [dreg:$0x1]  }
0x3: {  	s1 =	simm.s32 $0x0;
	s3 =	srdreg.scid;
	s7 =	stileid.u32  }
0x4: {  	s14 =	stileid.u32;
	[smem:$0x7FF] =	sst s1;
	s13 =	sadd.s32 $0xBE00, s2  }
0x5: {  	s17 =	sadd.s32 $0x2000, s2;
	s6 =	sand.u32 $0x1, s3;
	s20 =	smul.u32 $0x50, s7  }
0x6: {  	s2 =	sadd.s32 $0x63E00, s2;
	s14 =	smul.u32 $0x2710, s14;
	s3 =	ssub.s32 $0x2, s6  }
0x7: {  	s4 =	sshll.u32 s6, $0x4;
	s9 =	smul.u32 $0x2710, s6;
	s5 =	sshrl.u32 s3, $0x1  }
0x8: {  	s4 =	sor.u32 s7, s4;
	s28 =	sadd.s32 $0x500, s20;
	s26 =	sadd.s32 $0xA00, s20  }
0x9: {  	s25 =	sadd.s32 $0xF00, s20;
	s23 =	sadd.s32 $0x1400, s20;
	s22 =	sadd.s32 $0x1900, s20  }
0xa: {  	s21 =	sadd.s32 $0x1E00, s20;
	s24 =	sadd.s32 $0x2300, s20;
	s29 =	sadd.s32 $0x510, s20  }
0xb: {  	s30 =	sadd.s32 $0x2330, s20;
	s19 =	ssub.s32 s3, s5;
	s7 =	smul.u32 $0x2710, s4  }
0xc: {  	v39 =	vlaneseq.u32;
	s8 =	sadd.s32 s20, s9;
	s11 =	sadd.s32 s9, s28;
	s15 =	sadd.s32 s9, s26  }
0xd: {  	s16 =	sadd.s32 s9, s25;
	s31 =	sadd.s32 s9, s21;
	v4 =	vor.u32 s28, v39;
	s28 =	sadd.s32 $0x540, s20  }
0xe: {  	v5 =	vor.u32 s29, v39;
	s29 =	sadd.s32 $0xA30, s20;
	v9 =	vor.u32 s26, v39;
	v14 =	vor.u32 s25, v39;
	s26 =	sadd.s32 $0x1420, s20;
	s25 =	sadd.s32 $0x1940, s20  }
0xf: {  	v30 =	vor.u32 s21, v39;
	s21 =	simm.s32 $0x13880;
	v38 =	vor.u32 s30, v39;
	s30 =	simm.s32 $0x0;
	s10 =	sshll.u32 s8, $0x4  }
0x10: {  	s4 =	sshll.u32 s11, $0x4;
	s5 =	sshll.u32 s15, $0x4;
	s8 =	sadd.s32 s9, s23  }
0x11: {  	s11 =	smul.u32 $0x27100, s6;
	v8 =	vor.u32 s28, v39;
	s28 =	sadd.s32 $0xF20, s20;
	v12 =	vor.u32 s29, v39;
	s29 =	sadd.s32 $0x1410, s20  }
0x12: {  	v19 =	vor.u32 s23, v39;
	s23 =	sadd.s32 $0x1920, s20;
	v21 =	vor.u32 s26, v39;
	s26 =	sadd.s32 $0x1E10, s20;
	s19 =	smax.u32 s19, $0x1  }
0x13: {  	v29 =	vor.u32 s25, v39;
	s25 =	simm.s32 $0x1;
	s3 =	sshrl.u32 s7, $0x3;
	s18 =	sadd.s32 s2, s4  }
0x14: {  	s5 =	sadd.s32 s2, s5;
	s7 =	sshll.u32 s16, $0x4;
	s8 =	sshll.u32 s8, $0x4  }
0x15: {  	v16 =	vor.u32 s28, v39;
	s28 =	sadd.s32 $0x1440, s20;
	v20 =	vor.u32 s29, v39;
	s29 =	sadd.s32 $0x1E20, s20;
	v26 =	vor.u32 s23, v39;
	s23 =	simm.s32 $0x2  }
0x16: {  	v31 =	vor.u32 s26, v39;
	s26 =	simm.s32 $0x13900;
	s12 =	sadd.s32 $0x4D8, s3;
	s3 =	sadd.s32 s2, s10  }
0x17: {  	[dreg:$0x5] =	wrdreg s18;
	s10 =	sadd.s32 s9, s22;
	s6 =	sadd.s32 s2, s7  }
0x18: {  	s7 =	sadd.s32 s2, s8;
	s9 =	sadd.s32 s9, s24;
	s16 =	sadd.s32 s14, s11  }
0x19: {  	v24 =	vor.u32 s22, v39;
	v35 =	vor.u32 s24, v39;
	v23 =	vor.u32 s28, v39;
	s22 =	sadd.s32 $0x1E40, s20;
	s28 =	sadd.s32 $0x2310, s20;
	s24 =	simm.s32 $0x13980  }
0x1a: {  	v32 =	vor.u32 s29, v39;
	s29 =	simm.s32 $0x16280;
	[dreg:$0x4] =	wrdreg s3;
	s10 =	sshll.u32 s10, $0x4  }
0x1b: {  	s3 =	stileid.u32;
	s4 =	sshll.u32 s9, $0x4;
	s14 =	sadd.s32 $0x50, s16  }
0x1c: {  	s11 =	sadd.s32 s13, s12;
	s12 =	sadd.s32 s17, s12;
	s18 =	sshrl.u32 s16, $0x3  }
0x1d: {  	s16 =	rddreg [dreg:$0x2];
	v34 =	vor.u32 s22, v39;
	s22 =	simm.s32 $0x13A80;
	v36 =	vor.u32 s28, v39;
	s28 =	simm.s32 $0x13A00  }
0x1e: {  	s8 =	sadd.s32 s2, s10;
	s10 =	sshll.u32 s31, $0x4;
	s15 =	sshrl.u32 s14, $0x3  }
0x1f: {  	s31 =	sadd.s32 $0x10, s20;
	s9 =	sadd.s32 s2, s10;
	s10 =	sadd.s32 s2, s4  }
0x20: {  	s14 =	sadd.s32 s15, s17;
	s15 =	sadd.s32 s15, s13;
	s17 =	sadd.s32 s18, s17  }
0x21: {  	v40 =	vimm.f32 $0.0e+00;
	s18 =	sadd.s32 s18, s13;
	s4 =	sadd.s32 $0x20, s20;
	v0 =	vor.u32 s31, v39;
	s31 =	sadd.s32 $0x30, s20  }
0x22: {  	v28 =	vor.u32 s20, v39;
	s13 =	sadd.s32 $0x520, s20;
	v1 =	vor.u32 s4, v39;
	s4 =	sadd.s32 $0x40, s20;
	v2 =	vor.u32 s31, v39;
	s31 =	sadd.s32 $0x530, s20  }
0x23: {  	s2 =	sadd.s32 $0x1E30, s20;
	v6 =	vor.u32 s13, v39;
	v3 =	vor.u32 s4, v39;
	v7 =	vor.u32 s31, v39;
	s4 =	sadd.s32 $0xA10, s20;
	s31 =	sadd.s32 $0xA40, s20  }
0x24: {  	s13 =	sadd.s32 $0xA20, s20;
	v33 =	vor.u32 s2, v39;
	v10 =	vor.u32 s4, v39;
	s4 =	sadd.s32 $0xF10, s20;
	v13 =	vor.u32 s31, v39;
	s31 =	sadd.s32 $0xF40, s20  }
0x25: {  	v11 =	vor.u32 s13, v39;
	s13 =	sadd.s32 $0xF30, s20;
	v15 =	vor.u32 s4, v39;
	s4 =	sadd.s32 $0x1430, s20;
	v18 =	vor.u32 s31, v39;
	s31 =	sadd.s32 $0x1930, s20  }
0x26: {  	v17 =	vor.u32 s13, v39;
	s13 =	sadd.s32 $0x1910, s20;
	v22 =	vor.u32 s4, v39;
	v27 =	vor.u32 s31, v39;
	s4 =	sadd.s32 $0x2320, s20;
	s31 =	sadd.s32 $0x2340, s20  }
0x27: {  	_ =	strace $0x8000004A;
	p0 =	sgt.u32 s3, $0xC;
	v25 =	vor.u32 s13, v39;
	s20 =	simm.s32 $0x50;
	v37 =	vor.u32 s4, v39;
	v39 =	vor.u32 s31, v39  }
.LBB2_1:
0x28: {  	s13 =	simm.s32 $0x0;
	s31 =	simm.s32 $0x200  }
.LBB2_2:
0x29: {  	p1 =	sne.s32 s31, $0x9E00;
	[tilespmem:s13+$0x13AF0] =	vst v40  }
0x2a: {  	[tilespmem:s13+$0x13A80] =	vst v40  }
0x2b: {  	[tilespmem:s13+$0x13A90] =	vst v40  }
.Ltmp0:
0x2c: {  	[tilespmem:s13+$0x13AA0] =	vst v40;
	(pc) =	sbr.rel @p1 .LBB2_2-.Ltmp0, $4  }
0x2d: {  	[tilespmem:s13+$0x13AB0] =	vst v40  }
0x2e: {  	[tilespmem:s13+$0x13AC0] =	vst v40  }
0x2f: {  	[tilespmem:s13+$0x13AD0] =	vst v40  }
0x30: {  	[tilespmem:s13+$0x13AE0] =	vst v40;
	s13 =	sshra.s32 s31, $0x2;
	s31 =	sadd.s32 $0x200, s31  }
0x31: {  	[tilespmem:s13+$0x13AF0] =	vst v40  }
0x32: {  	[tilespmem:s13+$0x13A80] =	vst v40  }
0x33: {  	[tilespmem:s13+$0x13A90] =	vst v40  }
0x34: {  	[tilespmem:s13+$0x13AA0] =	vst v40  }
0x35: {  	[tilespmem:s13+$0x13AB0] =	vst v40  }
0x36: {  	[tilespmem:s13+$0x13AC0] =	vst v40  }
0x37: {  	[tilespmem:s13+$0x13AD0] =	vst v40  }
0x38: {  	[tilespmem:s13+$0x13AE0] =	vst v40  }
0x39: {  	[tilespmem:$0x13880] =	vst v28  }
0x3a: {  	[tilespmem:$0x13890] =	vst v0  }
0x3b: {  	[tilespmem:$0x138A0] =	vst v1  }
0x3c: {  	[tilespmem:$0x138B0] =	vst v2  }
0x3d: {  	[tilespmem:$0x138C0] =	vst v3  }
0x3e: {  	[spmem:s16] =	stream.indirect.scatter [tilespmem:s22], [sflag:$0x2], $0x80, s21, s20, $0xb8;
	[tilespmem:$0x18A80] =	vst v63  }
0x3f: {  	_ =	swait.ge [sflag:s23], $0x2800  }
0x40: {  	[sflag:s23] =	ssyncset.done $0x0  }
0x41: {  	[sflag:s23] =	ssyncadd.s32 $0xFFFFD800  }
0x42: {  	[tilespmem:$0x13880] =	vst v4  }
0x43: {  	[tilespmem:$0x13890] =	vst v5  }
0x44: {  	[tilespmem:$0x138A0] =	vst v6  }
0x45: {  	[tilespmem:$0x138B0] =	vst v7  }
0x46: {  	[tilespmem:$0x138C0] =	vst v8  }
0x47: {  	[spmem:s16] =	stream.indirect.scatter [tilespmem:s22], [sflag:$0x2], $0x80, s21, s20, $0xb8;
	[tilespmem:$0x18A80] =	vst v63  }
0x48: {  	_ =	swait.ge [sflag:s23], $0x2800  }
0x49: {  	[sflag:s23] =	ssyncset.done $0x0  }
0x4a: {  	[sflag:s23] =	ssyncadd.s32 $0xFFFFD800  }
0x4b: {  	[tilespmem:$0x13880] =	vst v9  }
0x4c: {  	[tilespmem:$0x13890] =	vst v10  }
0x4d: {  	[tilespmem:$0x138A0] =	vst v11  }
0x4e: {  	[tilespmem:$0x138B0] =	vst v12  }
0x4f: {  	[tilespmem:$0x138C0] =	vst v13  }
0x50: {  	[spmem:s16] =	stream.indirect.scatter [tilespmem:s22], [sflag:$0x2], $0x80, s21, s20, $0xb8;
	[tilespmem:$0x18A80] =	vst v63  }
0x51: {  	_ =	swait.ge [sflag:s23], $0x2800  }
0x52: {  	[sflag:s23] =	ssyncset.done $0x0  }
0x53: {  	[sflag:s23] =	ssyncadd.s32 $0xFFFFD800  }
0x54: {  	[tilespmem:$0x13880] =	vst v14  }
0x55: {  	[tilespmem:$0x13890] =	vst v15  }
0x56: {  	[tilespmem:$0x138A0] =	vst v16  }
0x57: {  	[tilespmem:$0x138B0] =	vst v17  }
0x58: {  	[tilespmem:$0x138C0] =	vst v18  }
0x59: {  	[spmem:s16] =	stream.indirect.scatter [tilespmem:s22], [sflag:$0x2], $0x80, s21, s20, $0xb8;
	[tilespmem:$0x18A80] =	vst v63  }
0x5a: {  	_ =	swait.ge [sflag:s23], $0x2800  }
0x5b: {  	[sflag:s23] =	ssyncset.done $0x0  }
0x5c: {  	[sflag:s23] =	ssyncadd.s32 $0xFFFFD800  }
0x5d: {  	[tilespmem:$0x13880] =	vst v19  }
0x5e: {  	[tilespmem:$0x13890] =	vst v20  }
0x5f: {  	[tilespmem:$0x138A0] =	vst v21  }
0x60: {  	[tilespmem:$0x138B0] =	vst v22  }
0x61: {  	[tilespmem:$0x138C0] =	vst v23  }
0x62: {  	[spmem:s16] =	stream.indirect.scatter [tilespmem:s22], [sflag:$0x2], $0x80, s21, s20, $0xb8;
	[tilespmem:$0x18A80] =	vst v63  }
0x63: {  	_ =	swait.ge [sflag:s23], $0x2800  }
0x64: {  	[sflag:s23] =	ssyncset.done $0x0  }
0x65: {  	[sflag:s23] =	ssyncadd.s32 $0xFFFFD800  }
0x66: {  	[tilespmem:$0x13880] =	vst v24  }
0x67: {  	[tilespmem:$0x13890] =	vst v25  }
0x68: {  	[tilespmem:$0x138A0] =	vst v26  }
0x69: {  	[tilespmem:$0x138B0] =	vst v27  }
0x6a: {  	[tilespmem:$0x138C0] =	vst v29  }
0x6b: {  	[spmem:s16] =	stream.indirect.scatter [tilespmem:s22], [sflag:$0x2], $0x80, s21, s20, $0xb8;
	[tilespmem:$0x18A80] =	vst v63  }
0x6c: {  	_ =	swait.ge [sflag:s23], $0x2800  }
0x6d: {  	[sflag:s23] =	ssyncset.done $0x0  }
0x6e: {  	[sflag:s23] =	ssyncadd.s32 $0xFFFFD800  }
0x6f: {  	[tilespmem:$0x13880] =	vst v30  }
0x70: {  	[tilespmem:$0x13890] =	vst v31  }
0x71: {  	[tilespmem:$0x138A0] =	vst v32  }
0x72: {  	[tilespmem:$0x138B0] =	vst v33  }
0x73: {  	[tilespmem:$0x138C0] =	vst v34  }
0x74: {  	[spmem:s16] =	stream.indirect.scatter [tilespmem:s22], [sflag:$0x2], $0x80, s21, s20, $0xb8;
	[tilespmem:$0x18A80] =	vst v63  }
0x75: {  	_ =	swait.ge [sflag:s23], $0x2800  }
0x76: {  	[sflag:s23] =	ssyncset.done $0x0  }
0x77: {  	[sflag:s23] =	ssyncadd.s32 $0xFFFFD800  }
0x78: {  	[tilespmem:$0x13880] =	vst @!p0 v35  }
0x79: {  	[tilespmem:$0x13890] =	vst @!p0 v36  }
0x7a: {  	[tilespmem:$0x138A0] =	vst @!p0 v37  }
0x7b: {  	[tilespmem:$0x138B0] =	vst @!p0 v38  }
0x7c: {  	s2 =	simm.s32 @!p0 $0x50;
	s13 =	simm.s32 @!p0 $0x13880;
	s31 =	simm.s32 @!p0 $0x13A80;
	[tilespmem:$0x138C0] =	vst @!p0 v39  }
0x7d: {  	[spmem:s16] =	stream.indirect.scatter @!p0 [tilespmem:s31], [sflag:$0x2], $0x80, s13, s2, $0xb8;
	[tilespmem:$0x18A80] =	vst v63  }
0x7e: {  	s2 =	simm.s32 @!p0 $0x2  }
0x7f: {  	_ =	swait.ge @!p0 [sflag:s2], $0x2800  }
0x80: {  	[sflag:s2] =	ssyncset.done @!p0 $0x0  }
0x81: {  	[sflag:s2] =	ssyncadd.s32 @!p0 $0xFFFFD800  }
0x82: {  	s13 =	sadd.s32 $0x0, s18;
	[bflag:$0x0] =	sbarrier.arrive $0xFFFF  }
0x83: {  	[tilespmem:s21], [sflag:$0x2] =	stream.linear.gather [hbm4b:s13+s1], $0x50, $0x38;
	[tilespmem:$0x18A80] =	vst v63  }
0x84: {  	_ =	swait.ge [sflag:s23], $0x50  }
0x85: {  	[sflag:s23] =	ssyncset.done $0x0  }
0x86: {  	s3 =	sadd.s32 $0x0, s17;
	[sflag:s23] =	ssyncadd.s32 $0xFFFFFFB0  }
0x87: {  	[tilespmem:s24], [sflag:$0x2] =	stream.linear.gather [hbm4b:s3+s1], $0x50, $0x38;
	[tilespmem:$0x18A80] =	vst v63  }
0x88: {  	_ =	swait.ge [sflag:s23], $0x50  }
0x89: {  	[sflag:s23] =	ssyncset.done $0x0  }
0x8a: {  	[sflag:s23] =	ssyncadd.s32 $0xFFFFFFB0  }
0x8b: {  	[tilespmem:s22], [sflag:$0x1] =	stream.indirect.gather [hbm4b:s0+s20], $0x80, s21, s20, $0xb8;
	[tilespmem:$0x18A80] =	vst v63  }
0x8c: {  	_ =	swait.ge [sflag:s25], $0x2800  }
0x8d: {  	[sflag:s25] =	ssyncset.done $0x0  }
0x8e: {  	[sflag:s25] =	ssyncadd.s32 $0xFFFFD800  }
0x8f: {  	[spmem:s16] =	stream.indirect.scatter.add.f32 [tilespmem:s22], [sflag:$0x2], $0x80, s24, s20, $0xb8;
	[tilespmem:$0x18A80] =	vst v63  }
0x90: {  	_ =	swait.ge [sflag:s23], $0x2800  }
0x91: {  	[sflag:s23] =	ssyncset.done $0x0  }
0x92: {  	s4 =	sadd.s32 $0x0, s15;
	[sflag:s23] =	ssyncadd.s32 $0xFFFFD800  }
0x93: {  	[tilespmem:s26], [sflag:$0x2] =	stream.linear.gather [hbm4b:s4+s1], $0x50, $0x38;
	[tilespmem:$0x18A80] =	vst v63  }
0x94: {  	_ =	swait.ge [sflag:s23], $0x50  }
0x95: {  	[sflag:s23] =	ssyncset.done $0x0  }
0x96: {  	s13 =	sadd.s32 $0x0, s14;
	[sflag:s23] =	ssyncadd.s32 $0xFFFFFFB0  }
0x97: {  	[tilespmem:s28], [sflag:$0x2] =	stream.linear.gather [hbm4b:s13+s1], $0x50, $0x38;
	[tilespmem:$0x18A80] =	vst v63  }
0x98: {  	_ =	swait.ge [sflag:s23], $0x50  }
0x99: {  	[sflag:s23] =	ssyncset.done $0x0  }
0x9a: {  	[sflag:s23] =	ssyncadd.s32 $0xFFFFFFB0  }
0x9b: {  	[tilespmem:s29], [sflag:$0x1] =	stream.indirect.gather [hbm4b:s0+s20], $0x80, s26, s20, $0xb8;
	[tilespmem:$0x18A80] =	vst v63  }
0x9c: {  	_ =	swait.ge [sflag:s25], $0x2800  }
0x9d: {  	[sflag:s25] =	ssyncset.done $0x0  }
0x9e: {  	[sflag:s25] =	ssyncadd.s32 $0xFFFFD800  }
0x9f: {  	[spmem:s16] =	stream.indirect.scatter.add.f32 [tilespmem:s29], [sflag:$0x2], $0x80, s28, s20, $0xb8;
	[tilespmem:$0x18A80] =	vst v63  }
0xa0: {  	_ =	swait.ge [sflag:s23], $0x2800  }
0xa1: {  	s31 =	simm.s32 $0x14;
	s13 =	simm.s32 $0x28;
	[sflag:s23] =	ssyncset.done $0x0  }
.LBB2_4:
0xa2: {  	s3 =	sadd.s32 s31, s18  }
0xa3: {  	[sflag:s23] =	ssyncadd.s32 $0xFFFFD800;
	s4 =	smov.u32 s13;
	s2 =	sadd.s32 $0x14, s13  }
0xa4: {  	[tilespmem:s21], [sflag:$0x2] =	stream.linear.gather [hbm4b:s3+s1], $0x50, $0x38;
	[tilespmem:$0x18A80] =	vst v63  }
0xa5: {  	p1 =	sne.s32 s13, $0x4C4;
	_ =	swait.ge [sflag:s23], $0x50  }
0xa6: {  	[sflag:s23] =	ssyncset.done $0x0  }
0xa7: {  	s3 =	sadd.s32 s31, s17;
	[sflag:s23] =	ssyncadd.s32 $0xFFFFFFB0  }
0xa8: {  	[tilespmem:s24], [sflag:$0x2] =	stream.linear.gather [hbm4b:s3+s1], $0x50, $0x38;
	[tilespmem:$0x18A80] =	vst v63  }
0xa9: {  	_ =	swait.ge [sflag:s23], $0x50  }
0xaa: {  	[sflag:s23] =	ssyncset.done $0x0  }
0xab: {  	[sflag:s23] =	ssyncadd.s32 $0xFFFFFFB0  }
0xac: {  	[tilespmem:s22], [sflag:$0x1] =	stream.indirect.gather [hbm4b:s0+s20], $0x80, s21, s20, $0xb8;
	[tilespmem:$0x18A80] =	vst v63  }
0xad: {  	_ =	swait.ge [sflag:s25], $0x2800  }
0xae: {  	[sflag:s25] =	ssyncset.done $0x0  }
0xaf: {  	[sflag:s25] =	ssyncadd.s32 $0xFFFFD800  }
0xb0: {  	[spmem:s16] =	stream.indirect.scatter.add.f32 [tilespmem:s22], [sflag:$0x2], $0x80, s24, s20, $0xb8;
	[tilespmem:$0x18A80] =	vst v63  }
0xb1: {  	_ =	swait.ge [sflag:s23], $0x2800  }
0xb2: {  	[sflag:s23] =	ssyncset.done $0x0  }
0xb3: {  	s3 =	sadd.s32 s31, s15;
	[sflag:s23] =	ssyncadd.s32 $0xFFFFD800  }
0xb4: {  	[tilespmem:s26], [sflag:$0x2] =	stream.linear.gather [hbm4b:s3+s1], $0x50, $0x38;
	[tilespmem:$0x18A80] =	vst v63  }
0xb5: {  	_ =	swait.ge [sflag:s23], $0x50  }
0xb6: {  	[sflag:s23] =	ssyncset.done $0x0  }
0xb7: {  	s3 =	sadd.s32 s31, s14;
	s31 =	smov.u32 s4;
	[sflag:s23] =	ssyncadd.s32 $0xFFFFFFB0  }
0xb8: {  	[tilespmem:s28], [sflag:$0x2] =	stream.linear.gather [hbm4b:s3+s1], $0x50, $0x38;
	[tilespmem:$0x18A80] =	vst v63  }
0xb9: {  	_ =	swait.ge [sflag:s23], $0x50  }
0xba: {  	[sflag:s23] =	ssyncset.done $0x0  }
0xbb: {  	[sflag:s23] =	ssyncadd.s32 $0xFFFFFFB0  }
0xbc: {  	[tilespmem:s29], [sflag:$0x1] =	stream.indirect.gather [hbm4b:s0+s20], $0x80, s26, s20, $0xb8;
	[tilespmem:$0x18A80] =	vst v63  }
0xbd: {  	_ =	swait.ge [sflag:s25], $0x2800  }
.Ltmp1:
0xbe: {  	[sflag:s25] =	ssyncset.done $0x0;
	(pc) =	sbr.rel @p1 .LBB2_4-.Ltmp1, $4  }
0xbf: {  	[sflag:s25] =	ssyncadd.s32 $0xFFFFD800  }
0xc0: {  	[spmem:s16] =	stream.indirect.scatter.add.f32 [tilespmem:s29], [sflag:$0x2], $0x80, s28, s20, $0xb8;
	[tilespmem:$0x18A80] =	vst v63  }
0xc1: {  	_ =	swait.ge [sflag:s23], $0x2800  }
0xc2: {  	s13 =	smov.u32 s2;
	[sflag:s23] =	ssyncset.done $0x0  }
0xc3: {  	s2 =	sadd.s32 s31, s18;
	[sflag:s23] =	ssyncadd.s32 $0xFFFFD800  }
0xc4: {  	[tilespmem:s21], [sflag:$0x2] =	stream.linear.gather [hbm4b:s2+s1], $0x50, $0x38;
	[tilespmem:$0x18A80] =	vst v63  }
0xc5: {  	_ =	swait.ge [sflag:s23], $0x50  }
0xc6: {  	[sflag:s23] =	ssyncset.done $0x0  }
0xc7: {  	s13 =	sadd.s32 s31, s17;
	[sflag:s23] =	ssyncadd.s32 $0xFFFFFFB0  }
0xc8: {  	[tilespmem:s24], [sflag:$0x2] =	stream.linear.gather [hbm4b:s13+s1], $0x50, $0x38;
	[tilespmem:$0x18A80] =	vst v63  }
0xc9: {  	_ =	swait.ge [sflag:s23], $0x50  }
0xca: {  	[sflag:s23] =	ssyncset.done $0x0  }
0xcb: {  	[sflag:s23] =	ssyncadd.s32 $0xFFFFFFB0  }
0xcc: {  	[tilespmem:s22], [sflag:$0x1] =	stream.indirect.gather [hbm4b:s0+s20], $0x80, s21, s20, $0xb8;
	[tilespmem:$0x18A80] =	vst v63  }
0xcd: {  	_ =	swait.ge [sflag:s25], $0x2800  }
0xce: {  	[sflag:s25] =	ssyncset.done $0x0  }
0xcf: {  	[sflag:s25] =	ssyncadd.s32 $0xFFFFD800  }
0xd0: {  	[spmem:s16] =	stream.indirect.scatter.add.f32 [tilespmem:s22], [sflag:$0x2], $0x80, s24, s20, $0xb8;
	[tilespmem:$0x18A80] =	vst v63  }
0xd1: {  	_ =	swait.ge [sflag:s23], $0x2800  }
0xd2: {  	[sflag:s23] =	ssyncset.done $0x0  }
0xd3: {  	s3 =	sadd.s32 s31, s15;
	[sflag:s23] =	ssyncadd.s32 $0xFFFFD800  }
0xd4: {  	[tilespmem:s26], [sflag:$0x2] =	stream.linear.gather [hbm4b:s3+s1], $0x50, $0x38;
	[tilespmem:$0x18A80] =	vst v63  }
0xd5: {  	_ =	swait.ge [sflag:s23], $0x50  }
0xd6: {  	[sflag:s23] =	ssyncset.done $0x0  }
0xd7: {  	s4 =	sadd.s32 s31, s14;
	[sflag:s23] =	ssyncadd.s32 $0xFFFFFFB0  }
0xd8: {  	[tilespmem:s28], [sflag:$0x2] =	stream.linear.gather [hbm4b:s4+s1], $0x50, $0x38;
	[tilespmem:$0x18A80] =	vst v63  }
0xd9: {  	_ =	swait.ge [sflag:s23], $0x50  }
0xda: {  	[sflag:s23] =	ssyncset.done $0x0  }
0xdb: {  	[sflag:s23] =	ssyncadd.s32 $0xFFFFFFB0  }
0xdc: {  	[tilespmem:s29], [sflag:$0x1] =	stream.indirect.gather [hbm4b:s0+s20], $0x80, s26, s20, $0xb8;
	[tilespmem:$0x18A80] =	vst v63  }
0xdd: {  	_ =	swait.ge [sflag:s25], $0x2800  }
0xde: {  	[sflag:s25] =	ssyncset.done $0x0  }
0xdf: {  	[sflag:s25] =	ssyncadd.s32 $0xFFFFD800  }
0xe0: {  	[spmem:s16] =	stream.indirect.scatter.add.f32 [tilespmem:s29], [sflag:$0x2], $0x80, s28, s20, $0xb8;
	[tilespmem:$0x18A80] =	vst v63  }
0xe1: {  	_ =	swait.ge [sflag:s23], $0x2800  }
0xe2: {  	[sflag:s23] =	ssyncset.done $0x0  }
0xe3: {  	[sflag:s23] =	ssyncadd.s32 $0xFFFFD800  }
0xe4: {  	[tilespmem:s26], [sflag:$0x2] =	stream.linear.gather [hbm4b:s11+s1], $0x50, $0x38;
	[tilespmem:$0x18A80] =	vst v63  }
0xe5: {  	_ =	swait.ge [sflag:s23], $0x50  }
0xe6: {  	[sflag:s23] =	ssyncset.done $0x0  }
0xe7: {  	[sflag:s23] =	ssyncadd.s32 $0xFFFFFFB0  }
0xe8: {  	[tilespmem:s28], [sflag:$0x2] =	stream.linear.gather [hbm4b:s12+s1], $0x50, $0x38;
	[tilespmem:$0x18A80] =	vst v63  }
0xe9: {  	_ =	swait.ge [sflag:s23], $0x50  }
0xea: {  	[sflag:s23] =	ssyncset.done $0x0  }
0xeb: {  	[sflag:s23] =	ssyncadd.s32 $0xFFFFFFB0  }
0xec: {  	[tilespmem:s29], [sflag:$0x1] =	stream.indirect.gather [hbm4b:s0+s20], $0x80, s26, s20, $0xb8;
	[tilespmem:$0x18A80] =	vst v63  }
0xed: {  	_ =	swait.ge [sflag:s25], $0x2800  }
0xee: {  	[sflag:s25] =	ssyncset.done $0x0  }
0xef: {  	[sflag:s25] =	ssyncadd.s32 $0xFFFFD800  }
0xf0: {  	[spmem:s16] =	stream.indirect.scatter.add.f32 [tilespmem:s29], [sflag:$0x2], $0x80, s28, s20, $0xb8;
	[tilespmem:$0x18A80] =	vst v63  }
0xf1: {  	_ =	swait.ge [sflag:s23], $0x2800  }
0xf2: {  	[sflag:s23] =	ssyncset.done $0x0  }
0xf3: {  	[sflag:s23] =	ssyncadd.s32 $0xFFFFD800  }
0xf4: {  	[bflag:$0x0] =	sbarrier.arrive $0xFFFF  }
0xf5: {  	[tilespmem:$0x13880] =	vst v28  }
0xf6: {  	[tilespmem:$0x13890] =	vst v0  }
0xf7: {  	[tilespmem:$0x138A0] =	vst v1  }
0xf8: {  	[tilespmem:$0x138B0] =	vst v2  }
0xf9: {  	[tilespmem:$0x138C0] =	vst v3  }
0xfa: {  	[tilespmem:s22], [sflag:$0x2] =	stream.indirect.gather [spmem:s16], $0x80, s21, s20, $0xb8;
	[tilespmem:$0x18A80] =	vst v63  }
0xfb: {  	_ =	swait.ge [sflag:s23], $0x2800  }
0xfc: {  	[sflag:s23] =	ssyncset.done $0x0  }
0xfd: {  	s13 =	rddreg [dreg:$0x4];
	[sflag:s23] =	ssyncadd.s32 $0xFFFFD800  }
0xfe: {  	[hbm4b:s13+s1] =	stream.linear.scatter [tilespmem:s22], [sflag:$0x2], $0x2800, $0x38;
	[tilespmem:$0x18A80] =	vst v63  }
0xff: {  	_ =	swait.ge [sflag:s23], $0x2800  }
0x100: {  	[sflag:s23] =	ssyncset.done $0x0  }
0x101: {  	[sflag:s23] =	ssyncadd.s32 $0xFFFFD800  }
0x102: {  	[tilespmem:$0x13880] =	vst v4  }
0x103: {  	[tilespmem:$0x13890] =	vst v5  }
0x104: {  	[tilespmem:$0x138A0] =	vst v6  }
0x105: {  	[tilespmem:$0x138B0] =	vst v7  }
0x106: {  	[tilespmem:$0x138C0] =	vst v8  }
0x107: {  	[tilespmem:s22], [sflag:$0x2] =	stream.indirect.gather [spmem:s16], $0x80, s21, s20, $0xb8;
	[tilespmem:$0x18A80] =	vst v63  }
0x108: {  	_ =	swait.ge [sflag:s23], $0x2800  }
0x109: {  	[sflag:s23] =	ssyncset.done $0x0  }
0x10a: {  	s31 =	rddreg [dreg:$0x5];
	[sflag:s23] =	ssyncadd.s32 $0xFFFFD800  }
0x10b: {  	[hbm4b:s31+s1] =	stream.linear.scatter [tilespmem:s22], [sflag:$0x2], $0x2800, $0x38;
	[tilespmem:$0x18A80] =	vst v63  }
0x10c: {  	_ =	swait.ge [sflag:s23], $0x2800  }
0x10d: {  	[sflag:s23] =	ssyncset.done $0x0  }
0x10e: {  	[sflag:s23] =	ssyncadd.s32 $0xFFFFD800  }
0x10f: {  	[tilespmem:$0x13880] =	vst v9  }
0x110: {  	[tilespmem:$0x13890] =	vst v10  }
0x111: {  	[tilespmem:$0x138A0] =	vst v11  }
0x112: {  	[tilespmem:$0x138B0] =	vst v12  }
0x113: {  	[tilespmem:$0x138C0] =	vst v13  }
0x114: {  	[tilespmem:s22], [sflag:$0x2] =	stream.indirect.gather [spmem:s16], $0x80, s21, s20, $0xb8;
	[tilespmem:$0x18A80] =	vst v63  }
0x115: {  	_ =	swait.ge [sflag:s23], $0x2800  }
0x116: {  	[sflag:s23] =	ssyncset.done $0x0  }
0x117: {  	[sflag:s23] =	ssyncadd.s32 $0xFFFFD800  }
0x118: {  	[hbm4b:s5+s1] =	stream.linear.scatter [tilespmem:s22], [sflag:$0x2], $0x2800, $0x38;
	[tilespmem:$0x18A80] =	vst v63  }
0x119: {  	_ =	swait.ge [sflag:s23], $0x2800  }
0x11a: {  	[sflag:s23] =	ssyncset.done $0x0  }
0x11b: {  	[sflag:s23] =	ssyncadd.s32 $0xFFFFD800  }
0x11c: {  	[tilespmem:$0x13880] =	vst v14  }
0x11d: {  	[tilespmem:$0x13890] =	vst v15  }
0x11e: {  	[tilespmem:$0x138A0] =	vst v16  }
0x11f: {  	[tilespmem:$0x138B0] =	vst v17  }
0x120: {  	[tilespmem:$0x138C0] =	vst v18  }
0x121: {  	[tilespmem:s22], [sflag:$0x2] =	stream.indirect.gather [spmem:s16], $0x80, s21, s20, $0xb8;
	[tilespmem:$0x18A80] =	vst v63  }
0x122: {  	_ =	swait.ge [sflag:s23], $0x2800  }
0x123: {  	[sflag:s23] =	ssyncset.done $0x0  }
0x124: {  	[sflag:s23] =	ssyncadd.s32 $0xFFFFD800  }
0x125: {  	[hbm4b:s6+s1] =	stream.linear.scatter [tilespmem:s22], [sflag:$0x2], $0x2800, $0x38;
	[tilespmem:$0x18A80] =	vst v63  }
0x126: {  	_ =	swait.ge [sflag:s23], $0x2800  }
0x127: {  	[sflag:s23] =	ssyncset.done $0x0  }
0x128: {  	[sflag:s23] =	ssyncadd.s32 $0xFFFFD800  }
0x129: {  	[tilespmem:$0x13880] =	vst v19  }
0x12a: {  	[tilespmem:$0x13890] =	vst v20  }
0x12b: {  	[tilespmem:$0x138A0] =	vst v21  }
0x12c: {  	[tilespmem:$0x138B0] =	vst v22  }
0x12d: {  	[tilespmem:$0x138C0] =	vst v23  }
0x12e: {  	[tilespmem:s22], [sflag:$0x2] =	stream.indirect.gather [spmem:s16], $0x80, s21, s20, $0xb8;
	[tilespmem:$0x18A80] =	vst v63  }
0x12f: {  	_ =	swait.ge [sflag:s23], $0x2800  }
0x130: {  	[sflag:s23] =	ssyncset.done $0x0  }
0x131: {  	[sflag:s23] =	ssyncadd.s32 $0xFFFFD800  }
0x132: {  	[hbm4b:s7+s1] =	stream.linear.scatter [tilespmem:s22], [sflag:$0x2], $0x2800, $0x38;
	[tilespmem:$0x18A80] =	vst v63  }
0x133: {  	_ =	swait.ge [sflag:s23], $0x2800  }
0x134: {  	[sflag:s23] =	ssyncset.done $0x0  }
0x135: {  	[sflag:s23] =	ssyncadd.s32 $0xFFFFD800  }
0x136: {  	[tilespmem:$0x13880] =	vst v24  }
0x137: {  	[tilespmem:$0x13890] =	vst v25  }
0x138: {  	[tilespmem:$0x138A0] =	vst v26  }
0x139: {  	[tilespmem:$0x138B0] =	vst v27  }
0x13a: {  	[tilespmem:$0x138C0] =	vst v29  }
0x13b: {  	[tilespmem:s22], [sflag:$0x2] =	stream.indirect.gather [spmem:s16], $0x80, s21, s20, $0xb8;
	[tilespmem:$0x18A80] =	vst v63  }
0x13c: {  	_ =	swait.ge [sflag:s23], $0x2800  }
0x13d: {  	[sflag:s23] =	ssyncset.done $0x0  }
0x13e: {  	[sflag:s23] =	ssyncadd.s32 $0xFFFFD800  }
0x13f: {  	[hbm4b:s8+s1] =	stream.linear.scatter [tilespmem:s22], [sflag:$0x2], $0x2800, $0x38;
	[tilespmem:$0x18A80] =	vst v63  }
0x140: {  	_ =	swait.ge [sflag:s23], $0x2800  }
0x141: {  	[sflag:s23] =	ssyncset.done $0x0  }
0x142: {  	[sflag:s23] =	ssyncadd.s32 $0xFFFFD800  }
0x143: {  	[tilespmem:$0x13880] =	vst v30  }
0x144: {  	[tilespmem:$0x13890] =	vst v31  }
0x145: {  	[tilespmem:$0x138A0] =	vst v32  }
0x146: {  	[tilespmem:$0x138B0] =	vst v33  }
0x147: {  	[tilespmem:$0x138C0] =	vst v34  }
0x148: {  	[tilespmem:s22], [sflag:$0x2] =	stream.indirect.gather [spmem:s16], $0x80, s21, s20, $0xb8;
	[tilespmem:$0x18A80] =	vst v63  }
0x149: {  	_ =	swait.ge [sflag:s23], $0x2800  }
0x14a: {  	[sflag:s23] =	ssyncset.done $0x0  }
0x14b: {  	[sflag:s23] =	ssyncadd.s32 $0xFFFFD800  }
0x14c: {  	[hbm4b:s9+s1] =	stream.linear.scatter [tilespmem:s22], [sflag:$0x2], $0x2800, $0x38;
	[tilespmem:$0x18A80] =	vst v63  }
0x14d: {  	_ =	swait.ge [sflag:s23], $0x2800  }
0x14e: {  	[sflag:s23] =	ssyncset.done $0x0  }
0x14f: {  	[sflag:s23] =	ssyncadd.s32 $0xFFFFD800  }
0x150: {  	[tilespmem:$0x13880] =	vst @!p0 v35  }
0x151: {  	[tilespmem:$0x13890] =	vst @!p0 v36  }
0x152: {  	[tilespmem:$0x138A0] =	vst @!p0 v37  }
0x153: {  	[tilespmem:$0x138B0] =	vst @!p0 v38  }
0x154: {  	s2 =	simm.s32 @!p0 $0x50;
	s3 =	simm.s32 @!p0 $0x13880;
	s4 =	simm.s32 @!p0 $0x13A80;
	[tilespmem:$0x138C0] =	vst @!p0 v39  }
0x155: {  	[tilespmem:s4], [sflag:$0x2] =	stream.indirect.gather @!p0 [spmem:s16], $0x80, s3, s2, $0xb8;
	[tilespmem:$0x18A80] =	vst v63  }
0x156: {  	s2 =	simm.s32 @!p0 $0x2  }
0x157: {  	s30 =	sadd.s32 $0x1, s30;
	_ =	swait.ge @!p0 [sflag:s2], $0x2800  }
0x158: {  	p1 =	sne.s32 s30, s19;
	[sflag:s2] =	ssyncset.done @!p0 $0x0  }
.Ltmp2:
0x159: {  	s3 =	simm.s32 @!p0 $0x0;
	[sflag:s2] =	ssyncadd.s32 @!p0 $0xFFFFD800;
	(pc) =	sbr.rel @p1 .LBB2_1-.Ltmp2, $4  }
0x15a: {  	[hbm4b:s10+s3] =	stream.linear.scatter @!p0 [tilespmem:s4], [sflag:$0x2], $0x2800, $0x38;
	[tilespmem:$0x18A80] =	vst v63  }
0x15b: {  	_ =	swait.ge @!p0 [sflag:s2], $0x2800  }
0x15c: {  	[sflag:s2] =	ssyncset.done @!p0 $0x0  }
0x15d: {  	[sflag:s2] =	ssyncadd.s32 @!p0 $0xFFFFD800  }
0x15e: {  	_ =	sfence.sel $0x180000  }
0x15f: {  	[bflag:$0x0] =	sbarrier.arrive $0xFFFF  }
0x160: {  	_ =	strace $0x9000004A  }
0x161: {  	s0 =	stileid.u32;
	[bflag:$0x2] =	sbarrier.arrive $0xFFFF  }
0x162: {  	p0 =	sne.s32 s0, $0x0;
	s0 =	rddreg [dreg:$0x3]  }
0x163: {  	s0 =	sadd.s32 @!p0 $0x100000, s0  }
0x164: {  	[sflag:s0] =	ssyncadd.tile.s32 @!p0 $0x1;
	_ =	shalt  }
.Lfunc_end2:
_tile_overlayer_lowered:
.L_overlay_start_2:
0x165: {  	(tag) =	ssettag $0x2  }
0x166: {  	s0 =	rddreg [dreg:$0x0];
	s2 =	stileid.u32  }
0x167: {  	s1 =	rddreg [dreg:$0x1];
	p0 =	sne.s32 s2, $0x0  }
0x168: {  	s3 =	rddreg [dreg:$0x2];
	[bflag:$0x3] =	sbarrier.arrive $0xFFFF;
	s2 =	simm.s32 @!p0 $0x1C02  }
0x169: {  	[timem:s3], [sflag:s2] =	dma.local @!p0 [hbm:s0], s1  }
0x16a: {  	s0 =	simm.s32 @!p0 $0x2  }
0x16b: {  	_ =	swait.ge @!p0 [sflag:s0], s1  }
0x16c: {  	s1 =	ssub.s32 @!p0 $0x0, s1;
	[sflag:s0] =	ssyncset.done @!p0 $0x0  }
0x16d: {  	[sflag:s0] =	ssyncadd.s32 @!p0 s1  }
0x16e: {  	[bflag:$0x3] =	sbarrier.arrive $0xFFFF  }
0x16f: {  	_ =	shalt  }

</sc_bundles>
